<compile_context>
chip_gen: v7x
topology: tpu7x:2x2x1
jax: 0.10.2.dev20260603
libtpu: 0.0.44.dev20260713+nightly
codegen_flags: <defaults>
</compile_context>

<pallas_src>
import functools

import jax
import jax.numpy as jnp
from jax import lax
from jax.experimental import pallas as pl
from jax.experimental.pallas import tpu as pltpu
from jax.experimental.pallas import tpu_sc as plsc

_CHUNK = 128
_NBUF = 5
_LOOKAHEAD = 2


def _f16_bits_u32(table):
  u = lax.bitcast_convert_type(table, jnp.uint32)
  m = u & jnp.uint32(0x7FFFFFFF)
  odd = (m >> 13) & jnp.uint32(1)
  bits = ((m + jnp.uint32(0xFFF) + odd) >> 13) - jnp.uint32(112 << 10)
  sign = (u >> 16) & jnp.uint32(0x8000)
  return jnp.where(m < jnp.uint32(0x38800000), jnp.uint32(0), bits) | sign


def _shl16_sc(h):
  v, w = h.shape
  info = plsc.get_sparse_core_info()
  nc, ns = info.num_cores, info.num_subcores
  nw = nc * ns
  span = -(-(v // nw) // 8) * 8
  rows_c = 136
  nchk = span // rows_c
  assert rows_c * nchk == span and span % 8 == 0 and (v - span) % 8 == 0
  assert (nw - 1) * span + span >= v

  mesh = plsc.VectorSubcoreMesh(core_axis_name="c", subcore_axis_name="s")
  scratch = (
      [pltpu.VMEM((rows_c, w), jnp.uint32) for _ in range(3)]
      + [pltpu.SemaphoreType.DMA for _ in range(6)]
  )

  @functools.partial(
      pl.kernel,
      out_type=jax.ShapeDtypeStruct((v, w), jnp.uint32),
      mesh=mesh,
      scratch_types=scratch,
  )
  def k(h_hbm, out_hbm, *rest):
    bufs = rest[:3]
    isem = rest[3:6]
    ssem = rest[6:]
    wid = lax.axis_index("s") * nc + lax.axis_index("c")
    base = jnp.minimum(wid * span, v - span)

    def src(ci):
      return h_hbm.at[pl.ds(pl.multiple_of(base + ci * rows_c, 8), rows_c)]

    def dst(ci):
      return out_hbm.at[pl.ds(pl.multiple_of(base + ci * rows_c, 8), rows_c)]

    pltpu.async_copy(src(0), bufs[0], isem[0])
    pltpu.async_copy(src(1), bufs[1], isem[1])
    for ci in range(nchk):
      b = ci % 3
      if ci + 2 < nchk:
        b2 = (ci + 2) % 3
        if ci >= 1:
          pltpu.make_async_copy(bufs[b2], dst(ci - 1), ssem[b2]).wait()
        pltpu.async_copy(src(ci + 2), bufs[b2], isem[b2])
      pltpu.make_async_copy(src(ci), bufs[b], isem[b]).wait()

      def row(r, carry, _b=b):
        for g in range(8):
          sl = pl.ds(g * 16, 16)
          bufs[_b][r, sl] = bufs[_b][r, sl] << 16
        return carry

      lax.fori_loop(0, rows_c, row, 0)
      pltpu.async_copy(bufs[b], dst(ci), ssem[b])
    for s in range(nchk - 3, nchk):
      pltpu.make_async_copy(bufs[s % 3], dst(s), ssem[s % 3]).wait()

  return k(h)


def _gather_pairs_sc(t_lo, t_hi, idx_e, idx_o, nch):
  v, w = t_lo.shape
  nw_in, nch_pad, chunk = idx_e.shape
  assert chunk == _CHUNK and idx_o.shape == idx_e.shape
  info = plsc.get_sparse_core_info()
  nc, ns = info.num_cores, info.num_subcores
  nw = nc * ns
  assert nw_in == nw
  assert nch % _NBUF == 0 and nch <= nch_pad

  mesh = plsc.VectorSubcoreMesh(core_axis_name="c", subcore_axis_name="s")
  scratch = (
      [pltpu.VMEM((nch_pad, chunk), jnp.int32) for _ in range(2)]
      + [pltpu.VMEM((chunk, w), jnp.uint32) for _ in range(_NBUF)]
      + [pltpu.SemaphoreType.DMA for _ in range(3 * _NBUF)]
  )

  @functools.partial(
      pl.kernel,
      out_type=jax.ShapeDtypeStruct((2 * nw * nch * chunk, w), jnp.float16),
      mesh=mesh,
      scratch_types=scratch,
  )
  def k(lo_hbm, hi_hbm, ie_hbm, io_hbm, out_hbm, ie_v, io_v, *rest):
    bufs = rest[:_NBUF]
    esem = rest[_NBUF:2 * _NBUF]
    osem = rest[2 * _NBUF:3 * _NBUF]
    ssem = rest[3 * _NBUF:]
    ob = out_hbm.bitcast(jnp.int32)
    wid = lax.axis_index("s") * nc + lax.axis_index("c")
    pbase = wid * nch * chunk

    pltpu.sync_copy(ie_hbm.at[wid], ie_v)
    pltpu.sync_copy(io_hbm.at[wid], io_v)

    for j in range(_LOOKAHEAD):
      pltpu.async_copy(lo_hbm.at[ie_v.at[j]], bufs[j], esem[j])

    def outer(g, carry):
      for b in range(_NBUF):
        j = g * _NBUF + b
        pltpu.make_async_copy(lo_hbm.at[ie_v.at[j]], bufs[b], esem[b]).wait()
        pltpu.async_copy(hi_hbm.at[io_v.at[j]], bufs[b], osem[b], add=True)
        b1 = (b - 1) % _NBUF

        @pl.when(j >= 1)
        def _():
          pltpu.make_async_copy(
              hi_hbm.at[io_v.at[j - 1]], bufs[b1], osem[b1]).wait()
          pltpu.async_copy(
              bufs[b1],
              ob.at[pl.ds(pl.multiple_of(pbase + (j - 1) * chunk, 8), chunk)],
              ssem[b1],
          )
        b2 = (b + _LOOKAHEAD) % _NBUF
        jj = j + _LOOKAHEAD

        @pl.when(jj >= _NBUF)
        def _():
          pltpu.make_async_copy(
              bufs[b2],
              ob.at[pl.ds(pl.multiple_of(pbase + (jj - _NBUF) * chunk, 8), chunk)],
              ssem[b2],
          ).wait()

        @pl.when(jj < nch)
        def _():
          pltpu.async_copy(lo_hbm.at[ie_v.at[jj]], bufs[b2], esem[b2])
      return carry

    lax.fori_loop(0, nch // _NBUF, outer, 0)

    jl = nch - 1
    bl = jl % _NBUF
    pltpu.make_async_copy(hi_hbm.at[io_v.at[jl]], bufs[bl], osem[bl]).wait()
    pltpu.async_copy(
        bufs[bl], ob.at[pl.ds(pl.multiple_of(pbase + jl * chunk, 8), chunk)], ssem[bl])
    for i in range(_NBUF - _LOOKAHEAD):
      s = nch - (_NBUF - _LOOKAHEAD) + i
      b = s % _NBUF
      pltpu.make_async_copy(
          bufs[b], ob.at[pl.ds(pl.multiple_of(pbase + s * chunk, 8), chunk)], ssem[b]).wait()

  return k(t_lo, t_hi, idx_e, idx_o)


def kernel(x, table):
  v, d = table.shape
  bsz, seq = x.shape
  n = bsz * seq

  h = _f16_bits_u32(table)
  t_lo = h
  t_hi = _shl16_sc(h)

  xf = x.astype(jnp.int32).reshape(n)
  npairs = n // 2
  nch = npairs // (32 * _CHUNK)
  nch_pad = -(-nch // 8) * 8
  pad = ((0, 0), (0, nch_pad - nch), (0, 0))
  idx_e = jnp.pad(xf[0::2].reshape(32, nch, _CHUNK), pad)
  idx_o = jnp.pad(xf[1::2].reshape(32, nch, _CHUNK), pad)

  out = _gather_pairs_sc(t_lo, t_hi, idx_e, idx_o, nch)
  return out.reshape(bsz, seq, d)

# --- scband reference (transcript-rebuilt; emitter-appended) ---
"""Pipeline reference for scband-token-embedding-35416300323098 (READ-ONLY COPY).

The authoritative reference and input builder live on the scoring server;
editing this copy changes nothing except your own understanding.
"""

import jax, jax.numpy as jnp
import numpy as np

VOCAB = 100000
EMBED_DIM = 128
B = 4096
L = 200

def setup_inputs(seed: int = 0) -> dict:
    key = jax.random.key(seed)
    k_idx, k_tab = jax.random.split(key)
    x = jax.random.randint(k_idx, (B, L), 0, VOCAB, dtype=jnp.int64) if jax.config.jax_enable_x64 else jax.random.randint(k_idx, (B, L), 0, VOCAB, dtype=jnp.int32)
    table = jax.random.normal(k_tab, (VOCAB, EMBED_DIM), dtype=jnp.float32) * 0.02
    return {"x": x, "table": table}

def reference(x, table):
    # nn.Embedding lookup followed by cast to float16
    out = jnp.take(table, x, axis=0)
    return out.astype(jnp.float16)

if __name__ == "__main__":
    import jax
    _d = setup_inputs()
    print(jax.jit(kernel)(*tuple(_d.values())))

</pallas_src>

<mosaic_0001>
#map = affine_map<(d0, d1) -> (0, 0)>
#map1 = affine_map<(d0, d1) -> (0, 0, 0)>
module attributes {stable_mosaic.version = 14 : i64} {
  func.func @k(%arg0: i32, %arg1: i32, %arg2: memref<100000x128xi32, #tpu.memory_space<hbm>>, %arg3: memref<100000x128xi32, #tpu.memory_space<hbm>>, %arg4: memref<32x104x128xi32, #tpu.memory_space<hbm>>, %arg5: memref<32x104x128xi32, #tpu.memory_space<hbm>>, %arg6: memref<819200x128xf16, #tpu.memory_space<hbm>>, %arg7: memref<104x128xi32, #tpu.memory_space<vmem>>, %arg8: memref<104x128xi32, #tpu.memory_space<vmem>>, %arg9: memref<128x128xi32, #tpu.memory_space<vmem>>, %arg10: memref<128x128xi32, #tpu.memory_space<vmem>>, %arg11: memref<128x128xi32, #tpu.memory_space<vmem>>, %arg12: memref<128x128xi32, #tpu.memory_space<vmem>>, %arg13: memref<128x128xi32, #tpu.memory_space<vmem>>, %arg14: memref<!tpu.dma_semaphore, #tpu.memory_space<semaphore_mem>>, %arg15: memref<!tpu.dma_semaphore, #tpu.memory_space<semaphore_mem>>, %arg16: memref<!tpu.dma_semaphore, #tpu.memory_space<semaphore_mem>>, %arg17: memref<!tpu.dma_semaphore, #tpu.memory_space<semaphore_mem>>, %arg18: memref<!tpu.dma_semaphore, #tpu.memory_space<semaphore_mem>>, %arg19: memref<!tpu.dma_semaphore, #tpu.memory_space<semaphore_mem>>, %arg20: memref<!tpu.dma_semaphore, #tpu.memory_space<semaphore_mem>>, %arg21: memref<!tpu.dma_semaphore, #tpu.memory_space<semaphore_mem>>, %arg22: memref<!tpu.dma_semaphore, #tpu.memory_space<semaphore_mem>>, %arg23: memref<!tpu.dma_semaphore, #tpu.memory_space<semaphore_mem>>, %arg24: memref<!tpu.dma_semaphore, #tpu.memory_space<semaphore_mem>>, %arg25: memref<!tpu.dma_semaphore, #tpu.memory_space<semaphore_mem>>, %arg26: memref<!tpu.dma_semaphore, #tpu.memory_space<semaphore_mem>>, %arg27: memref<!tpu.dma_semaphore, #tpu.memory_space<semaphore_mem>>, %arg28: memref<!tpu.dma_semaphore, #tpu.memory_space<semaphore_mem>>) attributes {dimension_semantics = [#tpu.dimension_semantics<core_parallel>, #tpu.dimension_semantics<subcore_parallel>], iteration_bounds = array<i64: 2, 16>, scalar_prefetch = 0 : i64, scratch_operands = 22 : i64, tpu.core_type = #tpu.core_type<sc_vector_subcore>, window_params = [{transform_indices = #map}, {transform_indices = #map}, {transform_indices = #map1}, {transform_indices = #map1}, {transform_indices = #map}]} {
    %mul3A = arith.constant 2 : i32
    %mul3A_0 = arith.muli %arg1, %mul3A : i32
    %add3A = arith.addi %mul3A_0, %arg0 : i32
    %mul3A_1 = arith.constant 100 : i32
    %mul3A_2 = arith.muli %add3A, %mul3A_1 : i32
    %mul3A_3 = arith.constant 128 : i32
    %mul3A_4 = arith.muli %mul3A_2, %mul3A_3 : i32
    "tpu.region"() ({
      %run_scoped3A = tpu.sem_alloc : memref<!tpu.dma_semaphore, #tpu.memory_space<semaphore_mem>>
      %dma_start3A_64 = arith.constant 0 : i32
      %dma_start3A_65 = arith.constant 0 : i32
      %dma_start3A_66 = tpu.memref_slice %arg4[%add3A, %dma_start3A_64, %dma_start3A_65] : memref<32x104x128xi32, #tpu.memory_space<hbm>> -> memref<1x104x128xi32, #tpu.memory_space<hbm>>
      %dma_start3A_67 = tpu.memref_squeeze %dma_start3A_66 : memref<1x104x128xi32, #tpu.memory_space<hbm>> -> memref<104x128xi32, #tpu.memory_space<hbm>>
      %dma_start3A_68 = arith.constant 0 : i32
      %dma_start3A_69 = arith.constant 0 : i32
      %dma_start3A_70 = tpu.memref_slice %arg4[%add3A, %dma_start3A_68, %dma_start3A_69] : memref<32x104x128xi32, #tpu.memory_space<hbm>> -> memref<1x104x128xi32, #tpu.memory_space<hbm>>
      %dma_start3A_71 = tpu.memref_squeeze %dma_start3A_70 : memref<1x104x128xi32, #tpu.memory_space<hbm>> -> memref<104x128xi32, #tpu.memory_space<hbm>>
      tpu.enqueue_dma source(%dma_start3A_71 : memref<104x128xi32, #tpu.memory_space<hbm>>) target(%arg7 : memref<104x128xi32, #tpu.memory_space<vmem>>) target_semaphore(%run_scoped3A : memref<!tpu.dma_semaphore, #tpu.memory_space<semaphore_mem>>)
      %dma_wait3A_72 = arith.constant 0 : i32
      %dma_wait3A_73 = arith.constant 0 : i32
      %dma_wait3A_74 = tpu.memref_slice %arg4[%add3A, %dma_wait3A_72, %dma_wait3A_73] : memref<32x104x128xi32, #tpu.memory_space<hbm>> -> memref<1x104x128xi32, #tpu.memory_space<hbm>>
      %dma_wait3A_75 = tpu.memref_squeeze %dma_wait3A_74 : memref<1x104x128xi32, #tpu.memory_space<hbm>> -> memref<104x128xi32, #tpu.memory_space<hbm>>
      %dma_wait3A_76 = arith.constant 0 : i32
      %dma_wait3A_77 = arith.constant 0 : i32
      %dma_wait3A_78 = tpu.memref_slice %arg4[%add3A, %dma_wait3A_76, %dma_wait3A_77] : memref<32x104x128xi32, #tpu.memory_space<hbm>> -> memref<1x104x128xi32, #tpu.memory_space<hbm>>
      %dma_wait3A_79 = tpu.memref_squeeze %dma_wait3A_78 : memref<1x104x128xi32, #tpu.memory_space<hbm>> -> memref<104x128xi32, #tpu.memory_space<hbm>>
      tpu.wait_dma2 semaphore(%run_scoped3A : memref<!tpu.dma_semaphore, #tpu.memory_space<semaphore_mem>>) src(%dma_wait3A_79 : memref<104x128xi32, #tpu.memory_space<hbm>>) dst(%arg7 : memref<104x128xi32, #tpu.memory_space<vmem>>)
      tpu.yield
    }) : () -> ()
    "tpu.region"() ({
      %run_scoped3A = tpu.sem_alloc : memref<!tpu.dma_semaphore, #tpu.memory_space<semaphore_mem>>
      %dma_start3A_64 = arith.constant 0 : i32
      %dma_start3A_65 = arith.constant 0 : i32
      %dma_start3A_66 = tpu.memref_slice %arg5[%add3A, %dma_start3A_64, %dma_start3A_65] : memref<32x104x128xi32, #tpu.memory_space<hbm>> -> memref<1x104x128xi32, #tpu.memory_space<hbm>>
      %dma_start3A_67 = tpu.memref_squeeze %dma_start3A_66 : memref<1x104x128xi32, #tpu.memory_space<hbm>> -> memref<104x128xi32, #tpu.memory_space<hbm>>
      %dma_start3A_68 = arith.constant 0 : i32
      %dma_start3A_69 = arith.constant 0 : i32
      %dma_start3A_70 = tpu.memref_slice %arg5[%add3A, %dma_start3A_68, %dma_start3A_69] : memref<32x104x128xi32, #tpu.memory_space<hbm>> -> memref<1x104x128xi32, #tpu.memory_space<hbm>>
      %dma_start3A_71 = tpu.memref_squeeze %dma_start3A_70 : memref<1x104x128xi32, #tpu.memory_space<hbm>> -> memref<104x128xi32, #tpu.memory_space<hbm>>
      tpu.enqueue_dma source(%dma_start3A_71 : memref<104x128xi32, #tpu.memory_space<hbm>>) target(%arg8 : memref<104x128xi32, #tpu.memory_space<vmem>>) target_semaphore(%run_scoped3A : memref<!tpu.dma_semaphore, #tpu.memory_space<semaphore_mem>>)
      %dma_wait3A_72 = arith.constant 0 : i32
      %dma_wait3A_73 = arith.constant 0 : i32
      %dma_wait3A_74 = tpu.memref_slice %arg5[%add3A, %dma_wait3A_72, %dma_wait3A_73] : memref<32x104x128xi32, #tpu.memory_space<hbm>> -> memref<1x104x128xi32, #tpu.memory_space<hbm>>
      %dma_wait3A_75 = tpu.memref_squeeze %dma_wait3A_74 : memref<1x104x128xi32, #tpu.memory_space<hbm>> -> memref<104x128xi32, #tpu.memory_space<hbm>>
      %dma_wait3A_76 = arith.constant 0 : i32
      %dma_wait3A_77 = arith.constant 0 : i32
      %dma_wait3A_78 = tpu.memref_slice %arg5[%add3A, %dma_wait3A_76, %dma_wait3A_77] : memref<32x104x128xi32, #tpu.memory_space<hbm>> -> memref<1x104x128xi32, #tpu.memory_space<hbm>>
      %dma_wait3A_79 = tpu.memref_squeeze %dma_wait3A_78 : memref<1x104x128xi32, #tpu.memory_space<hbm>> -> memref<104x128xi32, #tpu.memory_space<hbm>>
      tpu.wait_dma2 semaphore(%run_scoped3A : memref<!tpu.dma_semaphore, #tpu.memory_space<semaphore_mem>>) src(%dma_wait3A_79 : memref<104x128xi32, #tpu.memory_space<hbm>>) dst(%arg8 : memref<104x128xi32, #tpu.memory_space<vmem>>)
      tpu.yield
    }) : () -> ()
    %dma_start3A = arith.constant 0 : i32
    %dma_start3A_5 = arith.constant 0 : i32
    %dma_start3A_6 = tpu.memref_slice %arg7[%dma_start3A, %dma_start3A_5] : memref<104x128xi32, #tpu.memory_space<vmem>> -> memref<1x128xi32, #tpu.memory_space<vmem>>
    %dma_start3A_7 = tpu.memref_squeeze %dma_start3A_6 : memref<1x128xi32, #tpu.memory_space<vmem>> -> memref<128xi32, #tpu.memory_space<vmem>>
    %dma_start3A_8 = arith.constant 0 : i32
    %dma_start3A_9 = arith.constant 0 : i32
    %dma_start3A_10 = tpu.memref_slice %arg2[%dma_start3A_8, %dma_start3A_9] : memref<100000x128xi32, #tpu.memory_space<hbm>> -> memref<100000x128xi32, #tpu.memory_space<hbm>>
    tpu.enqueue_indirect_dma source(%dma_start3A_10 : memref<100000x128xi32, #tpu.memory_space<hbm>>) target(%arg9 : memref<128x128xi32, #tpu.memory_space<vmem>>) offsets(%dma_start3A_7 : memref<128xi32, #tpu.memory_space<vmem>>) semaphore(%arg14 : memref<!tpu.dma_semaphore, #tpu.memory_space<semaphore_mem>>)
    %dma_start3A_11 = arith.constant 1 : i32
    %dma_start3A_12 = arith.constant 0 : i32
    %dma_start3A_13 = tpu.memref_slice %arg7[%dma_start3A_11, %dma_start3A_12] : memref<104x128xi32, #tpu.memory_space<vmem>> -> memref<1x128xi32, #tpu.memory_space<vmem>>
    %dma_start3A_14 = tpu.memref_squeeze %dma_start3A_13 : memref<1x128xi32, #tpu.memory_space<vmem>> -> memref<128xi32, #tpu.memory_space<vmem>>
    %dma_start3A_15 = arith.constant 0 : i32
    %dma_start3A_16 = arith.constant 0 : i32
    %dma_start3A_17 = tpu.memref_slice %arg2[%dma_start3A_15, %dma_start3A_16] : memref<100000x128xi32, #tpu.memory_space<hbm>> -> memref<100000x128xi32, #tpu.memory_space<hbm>>
    tpu.enqueue_indirect_dma source(%dma_start3A_17 : memref<100000x128xi32, #tpu.memory_space<hbm>>) target(%arg10 : memref<128x128xi32, #tpu.memory_space<vmem>>) offsets(%dma_start3A_14 : memref<128xi32, #tpu.memory_space<vmem>>) semaphore(%arg15 : memref<!tpu.dma_semaphore, #tpu.memory_space<semaphore_mem>>)
    %scan3A = arith.constant 0 : i32
    %scan3A_18 = arith.constant 0 : i32
    %scan3A_19 = arith.constant 20 : i32
    %scan3A_20 = arith.addi %scan3A_18, %scan3A_19 : i32
    %scan3A_21 = arith.constant 1 : i32
    scf.for %scan3A_64 = %scan3A_18 to %scan3A_20 step %scan3A_21  : i32 {
      %mul3A_65 = arith.constant 5 : i32
      %mul3A_66 = arith.muli %scan3A_64, %mul3A_65 : i32
      %add3A_67 = arith.constant 0 : i32
      %add3A_68 = arith.addi %mul3A_66, %add3A_67 : i32
      %dma_wait3A_69 = arith.constant 0 : i32
      %dma_wait3A_70 = tpu.memref_slice %arg7[%add3A_68, %dma_wait3A_69] : memref<104x128xi32, #tpu.memory_space<vmem>> -> memref<1x128xi32, #tpu.memory_space<vmem>>
      %dma_wait3A_71 = tpu.memref_squeeze %dma_wait3A_70 : memref<1x128xi32, #tpu.memory_space<vmem>> -> memref<128xi32, #tpu.memory_space<vmem>>
      %dma_wait3A_72 = arith.constant 0 : i32
      %dma_wait3A_73 = arith.constant 0 : i32
      %dma_wait3A_74 = tpu.memref_slice %arg2[%dma_wait3A_72, %dma_wait3A_73] : memref<100000x128xi32, #tpu.memory_space<hbm>> -> memref<100000x128xi32, #tpu.memory_space<hbm>>
      tpu.wait_indirect_dma semaphore(%arg14 : memref<!tpu.dma_semaphore, #tpu.memory_space<semaphore_mem>>) src(%dma_wait3A_74 : memref<100000x128xi32, #tpu.memory_space<hbm>>) dst(%arg9 : memref<128x128xi32, #tpu.memory_space<vmem>>)
      %dma_start3A_75 = arith.constant 0 : i32
      %dma_start3A_76 = tpu.memref_slice %arg8[%add3A_68, %dma_start3A_75] : memref<104x128xi32, #tpu.memory_space<vmem>> -> memref<1x128xi32, #tpu.memory_space<vmem>>
      %dma_start3A_77 = tpu.memref_squeeze %dma_start3A_76 : memref<1x128xi32, #tpu.memory_space<vmem>> -> memref<128xi32, #tpu.memory_space<vmem>>
      %dma_start3A_78 = arith.constant 0 : i32
      %dma_start3A_79 = arith.constant 0 : i32
      %dma_start3A_80 = tpu.memref_slice %arg3[%dma_start3A_78, %dma_start3A_79] : memref<100000x128xi32, #tpu.memory_space<hbm>> -> memref<100000x128xi32, #tpu.memory_space<hbm>>
      tpu.enqueue_indirect_dma source(%dma_start3A_80 : memref<100000x128xi32, #tpu.memory_space<hbm>>) target(%arg9 : memref<128x128xi32, #tpu.memory_space<vmem>>) offsets(%dma_start3A_77 : memref<128xi32, #tpu.memory_space<vmem>>) semaphore(%arg19 : memref<!tpu.dma_semaphore, #tpu.memory_space<semaphore_mem>>) {add = true}
      %ge3A = arith.constant 1 : i32
      %ge3A_81 = arith.cmpi sge, %add3A_68, %ge3A : i32
      %convert_element_type3A = arith.extui %ge3A_81 : i1 to i32
      %cond3A = arith.constant 0 : i32
      %cond3A_82 = arith.cmpi ne, %convert_element_type3A, %cond3A : i32
      scf.if %cond3A_82 {
        %sub3A = arith.constant 1 : i32
        %sub3A_226 = arith.subi %add3A_68, %sub3A : i32
        %dma_wait3A_227 = arith.constant 0 : i32
        %dma_wait3A_228 = tpu.memref_slice %arg8[%sub3A_226, %dma_wait3A_227] : memref<104x128xi32, #tpu.memory_space<vmem>> -> memref<1x128xi32, #tpu.memory_space<vmem>>
        %dma_wait3A_229 = tpu.memref_squeeze %dma_wait3A_228 : memref<1x128xi32, #tpu.memory_space<vmem>> -> memref<128xi32, #tpu.memory_space<vmem>>
        %dma_wait3A_230 = arith.constant 0 : i32
        %dma_wait3A_231 = arith.constant 0 : i32
        %dma_wait3A_232 = tpu.memref_slice %arg3[%dma_wait3A_230, %dma_wait3A_231] : memref<100000x128xi32, #tpu.memory_space<hbm>> -> memref<100000x128xi32, #tpu.memory_space<hbm>>
        tpu.wait_indirect_dma semaphore(%arg23 : memref<!tpu.dma_semaphore, #tpu.memory_space<semaphore_mem>>) src(%dma_wait3A_232 : memref<100000x128xi32, #tpu.memory_space<hbm>>) dst(%arg13 : memref<128x128xi32, #tpu.memory_space<vmem>>)
        %sub3A_233 = arith.constant 1 : i32
        %sub3A_234 = arith.subi %add3A_68, %sub3A_233 : i32
        %mul3A_235 = arith.constant 128 : i32
        %mul3A_236 = arith.muli %sub3A_234, %mul3A_235 : i32
        %add3A_237 = arith.addi %mul3A_4, %mul3A_236 : i32
        %multiple_of3A_238 = tpu.assume_multiple %add3A_237, 8 : i32
        %dma_start3A_239 = tpu.memref_bitcast %arg6 : memref<819200x128xf16, #tpu.memory_space<hbm>> -> memref<409600x128xi32, #tpu.memory_space<hbm>>
        %dma_start3A_240 = arith.constant 0 : i32
        %dma_start3A_241 = tpu.memref_slice %dma_start3A_239[%multiple_of3A_238, %dma_start3A_240] : memref<409600x128xi32, #tpu.memory_space<hbm>> -> memref<128x128xi32, #tpu.memory_space<hbm>>
        %dma_start3A_242 = tpu.memref_bitcast %arg6 : memref<819200x128xf16, #tpu.memory_space<hbm>> -> memref<409600x128xi32, #tpu.memory_space<hbm>>
        %dma_start3A_243 = arith.constant 0 : i32
        %dma_start3A_244 = tpu.memref_slice %dma_start3A_242[%multiple_of3A_238, %dma_start3A_243] : memref<409600x128xi32, #tpu.memory_space<hbm>> -> memref<128x128xi32, #tpu.memory_space<hbm>>
        tpu.enqueue_dma source(%arg13 : memref<128x128xi32, #tpu.memory_space<vmem>>) target(%dma_start3A_244 : memref<128x128xi32, #tpu.memory_space<hbm>>) target_semaphore(%arg28 : memref<!tpu.dma_semaphore, #tpu.memory_space<semaphore_mem>>)
      } else {
      }
      %add3A_83 = arith.constant 2 : i32
      %add3A_84 = arith.addi %add3A_68, %add3A_83 : i32
      %ge3A_85 = arith.constant 5 : i32
      %ge3A_86 = arith.cmpi sge, %add3A_84, %ge3A_85 : i32
      %convert_element_type3A_87 = arith.extui %ge3A_86 : i1 to i32
      %cond3A_88 = arith.constant 0 : i32
      %cond3A_89 = arith.cmpi ne, %convert_element_type3A_87, %cond3A_88 : i32
      scf.if %cond3A_89 {
        %sub3A = arith.constant 5 : i32
        %sub3A_226 = arith.subi %add3A_84, %sub3A : i32
        %mul3A_227 = arith.constant 128 : i32
        %mul3A_228 = arith.muli %sub3A_226, %mul3A_227 : i32
        %add3A_229 = arith.addi %mul3A_4, %mul3A_228 : i32
        %multiple_of3A_230 = tpu.assume_multiple %add3A_229, 8 : i32
        %dma_wait3A_231 = tpu.memref_bitcast %arg6 : memref<819200x128xf16, #tpu.memory_space<hbm>> -> memref<409600x128xi32, #tpu.memory_space<hbm>>
        %dma_wait3A_232 = arith.constant 0 : i32
        %dma_wait3A_233 = tpu.memref_slice %dma_wait3A_231[%multiple_of3A_230, %dma_wait3A_232] : memref<409600x128xi32, #tpu.memory_space<hbm>> -> memref<128x128xi32, #tpu.memory_space<hbm>>
        %dma_wait3A_234 = tpu.memref_bitcast %arg6 : memref<819200x128xf16, #tpu.memory_space<hbm>> -> memref<409600x128xi32, #tpu.memory_space<hbm>>
        %dma_wait3A_235 = arith.constant 0 : i32
        %dma_wait3A_236 = tpu.memref_slice %dma_wait3A_234[%multiple_of3A_230, %dma_wait3A_235] : memref<409600x128xi32, #tpu.memory_space<hbm>> -> memref<128x128xi32, #tpu.memory_space<hbm>>
        tpu.wait_dma2 semaphore(%arg26 : memref<!tpu.dma_semaphore, #tpu.memory_space<semaphore_mem>>) src(%arg11 : memref<128x128xi32, #tpu.memory_space<vmem>>) dst(%dma_wait3A_236 : memref<128x128xi32, #tpu.memory_space<hbm>>)
      } else {
      }
      %lt3A = arith.constant 100 : i32
      %lt3A_90 = arith.cmpi slt, %add3A_84, %lt3A : i32
      %convert_element_type3A_91 = arith.extui %lt3A_90 : i1 to i32
      %cond3A_92 = arith.constant 0 : i32
      %cond3A_93 = arith.cmpi ne, %convert_element_type3A_91, %cond3A_92 : i32
      scf.if %cond3A_93 {
        %dma_start3A_226 = arith.constant 0 : i32
        %dma_start3A_227 = tpu.memref_slice %arg7[%add3A_84, %dma_start3A_226] : memref<104x128xi32, #tpu.memory_space<vmem>> -> memref<1x128xi32, #tpu.memory_space<vmem>>
        %dma_start3A_228 = tpu.memref_squeeze %dma_start3A_227 : memref<1x128xi32, #tpu.memory_space<vmem>> -> memref<128xi32, #tpu.memory_space<vmem>>
        %dma_start3A_229 = arith.constant 0 : i32
        %dma_start3A_230 = arith.constant 0 : i32
        %dma_start3A_231 = tpu.memref_slice %arg2[%dma_start3A_229, %dma_start3A_230] : memref<100000x128xi32, #tpu.memory_space<hbm>> -> memref<100000x128xi32, #tpu.memory_space<hbm>>
        tpu.enqueue_indirect_dma source(%dma_start3A_231 : memref<100000x128xi32, #tpu.memory_space<hbm>>) target(%arg11 : memref<128x128xi32, #tpu.memory_space<vmem>>) offsets(%dma_start3A_228 : memref<128xi32, #tpu.memory_space<vmem>>) semaphore(%arg16 : memref<!tpu.dma_semaphore, #tpu.memory_space<semaphore_mem>>)
      } else {
      }
      %mul3A_94 = arith.constant 5 : i32
      %mul3A_95 = arith.muli %scan3A_64, %mul3A_94 : i32
      %add3A_96 = arith.constant 1 : i32
      %add3A_97 = arith.addi %mul3A_95, %add3A_96 : i32
      %dma_wait3A_98 = arith.constant 0 : i32
      %dma_wait3A_99 = tpu.memref_slice %arg7[%add3A_97, %dma_wait3A_98] : memref<104x128xi32, #tpu.memory_space<vmem>> -> memref<1x128xi32, #tpu.memory_space<vmem>>
      %dma_wait3A_100 = tpu.memref_squeeze %dma_wait3A_99 : memref<1x128xi32, #tpu.memory_space<vmem>> -> memref<128xi32, #tpu.memory_space<vmem>>
      %dma_wait3A_101 = arith.constant 0 : i32
      %dma_wait3A_102 = arith.constant 0 : i32
      %dma_wait3A_103 = tpu.memref_slice %arg2[%dma_wait3A_101, %dma_wait3A_102] : memref<100000x128xi32, #tpu.memory_space<hbm>> -> memref<100000x128xi32, #tpu.memory_space<hbm>>
      tpu.wait_indirect_dma semaphore(%arg15 : memref<!tpu.dma_semaphore, #tpu.memory_space<semaphore_mem>>) src(%dma_wait3A_103 : memref<100000x128xi32, #tpu.memory_space<hbm>>) dst(%arg10 : memref<128x128xi32, #tpu.memory_space<vmem>>)
      %dma_start3A_104 = arith.constant 0 : i32
      %dma_start3A_105 = tpu.memref_slice %arg8[%add3A_97, %dma_start3A_104] : memref<104x128xi32, #tpu.memory_space<vmem>> -> memref<1x128xi32, #tpu.memory_space<vmem>>
      %dma_start3A_106 = tpu.memref_squeeze %dma_start3A_105 : memref<1x128xi32, #tpu.memory_space<vmem>> -> memref<128xi32, #tpu.memory_space<vmem>>
      %dma_start3A_107 = arith.constant 0 : i32
      %dma_start3A_108 = arith.constant 0 : i32
      %dma_start3A_109 = tpu.memref_slice %arg3[%dma_start3A_107, %dma_start3A_108] : memref<100000x128xi32, #tpu.memory_space<hbm>> -> memref<100000x128xi32, #tpu.memory_space<hbm>>
      tpu.enqueue_indirect_dma source(%dma_start3A_109 : memref<100000x128xi32, #tpu.memory_space<hbm>>) target(%arg10 : memref<128x128xi32, #tpu.memory_space<vmem>>) offsets(%dma_start3A_106 : memref<128xi32, #tpu.memory_space<vmem>>) semaphore(%arg20 : memref<!tpu.dma_semaphore, #tpu.memory_space<semaphore_mem>>) {add = true}
      %ge3A_110 = arith.constant 1 : i32
      %ge3A_111 = arith.cmpi sge, %add3A_97, %ge3A_110 : i32
      %convert_element_type3A_112 = arith.extui %ge3A_111 : i1 to i32
      %cond3A_113 = arith.constant 0 : i32
      %cond3A_114 = arith.cmpi ne, %convert_element_type3A_112, %cond3A_113 : i32
      scf.if %cond3A_114 {
        %sub3A = arith.constant 1 : i32
        %sub3A_226 = arith.subi %add3A_97, %sub3A : i32
        %dma_wait3A_227 = arith.constant 0 : i32
        %dma_wait3A_228 = tpu.memref_slice %arg8[%sub3A_226, %dma_wait3A_227] : memref<104x128xi32, #tpu.memory_space<vmem>> -> memref<1x128xi32, #tpu.memory_space<vmem>>
        %dma_wait3A_229 = tpu.memref_squeeze %dma_wait3A_228 : memref<1x128xi32, #tpu.memory_space<vmem>> -> memref<128xi32, #tpu.memory_space<vmem>>
        %dma_wait3A_230 = arith.constant 0 : i32
        %dma_wait3A_231 = arith.constant 0 : i32
        %dma_wait3A_232 = tpu.memref_slice %arg3[%dma_wait3A_230, %dma_wait3A_231] : memref<100000x128xi32, #tpu.memory_space<hbm>> -> memref<100000x128xi32, #tpu.memory_space<hbm>>
        tpu.wait_indirect_dma semaphore(%arg19 : memref<!tpu.dma_semaphore, #tpu.memory_space<semaphore_mem>>) src(%dma_wait3A_232 : memref<100000x128xi32, #tpu.memory_space<hbm>>) dst(%arg9 : memref<128x128xi32, #tpu.memory_space<vmem>>)
        %sub3A_233 = arith.constant 1 : i32
        %sub3A_234 = arith.subi %add3A_97, %sub3A_233 : i32
        %mul3A_235 = arith.constant 128 : i32
        %mul3A_236 = arith.muli %sub3A_234, %mul3A_235 : i32
        %add3A_237 = arith.addi %mul3A_4, %mul3A_236 : i32
        %multiple_of3A_238 = tpu.assume_multiple %add3A_237, 8 : i32
        %dma_start3A_239 = tpu.memref_bitcast %arg6 : memref<819200x128xf16, #tpu.memory_space<hbm>> -> memref<409600x128xi32, #tpu.memory_space<hbm>>
        %dma_start3A_240 = arith.constant 0 : i32
        %dma_start3A_241 = tpu.memref_slice %dma_start3A_239[%multiple_of3A_238, %dma_start3A_240] : memref<409600x128xi32, #tpu.memory_space<hbm>> -> memref<128x128xi32, #tpu.memory_space<hbm>>
        %dma_start3A_242 = tpu.memref_bitcast %arg6 : memref<819200x128xf16, #tpu.memory_space<hbm>> -> memref<409600x128xi32, #tpu.memory_space<hbm>>
        %dma_start3A_243 = arith.constant 0 : i32
        %dma_start3A_244 = tpu.memref_slice %dma_start3A_242[%multiple_of3A_238, %dma_start3A_243] : memref<409600x128xi32, #tpu.memory_space<hbm>> -> memref<128x128xi32, #tpu.memory_space<hbm>>
        tpu.enqueue_dma source(%arg9 : memref<128x128xi32, #tpu.memory_space<vmem>>) target(%dma_start3A_244 : memref<128x128xi32, #tpu.memory_space<hbm>>) target_semaphore(%arg24 : memref<!tpu.dma_semaphore, #tpu.memory_space<semaphore_mem>>)
      } else {
      }
      %add3A_115 = arith.constant 2 : i32
      %add3A_116 = arith.addi %add3A_97, %add3A_115 : i32
      %ge3A_117 = arith.constant 5 : i32
      %ge3A_118 = arith.cmpi sge, %add3A_116, %ge3A_117 : i32
      %convert_element_type3A_119 = arith.extui %ge3A_118 : i1 to i32
      %cond3A_120 = arith.constant 0 : i32
      %cond3A_121 = arith.cmpi ne, %convert_element_type3A_119, %cond3A_120 : i32
      scf.if %cond3A_121 {
        %sub3A = arith.constant 5 : i32
        %sub3A_226 = arith.subi %add3A_116, %sub3A : i32
        %mul3A_227 = arith.constant 128 : i32
        %mul3A_228 = arith.muli %sub3A_226, %mul3A_227 : i32
        %add3A_229 = arith.addi %mul3A_4, %mul3A_228 : i32
        %multiple_of3A_230 = tpu.assume_multiple %add3A_229, 8 : i32
        %dma_wait3A_231 = tpu.memref_bitcast %arg6 : memref<819200x128xf16, #tpu.memory_space<hbm>> -> memref<409600x128xi32, #tpu.memory_space<hbm>>
        %dma_wait3A_232 = arith.constant 0 : i32
        %dma_wait3A_233 = tpu.memref_slice %dma_wait3A_231[%multiple_of3A_230, %dma_wait3A_232] : memref<409600x128xi32, #tpu.memory_space<hbm>> -> memref<128x128xi32, #tpu.memory_space<hbm>>
        %dma_wait3A_234 = tpu.memref_bitcast %arg6 : memref<819200x128xf16, #tpu.memory_space<hbm>> -> memref<409600x128xi32, #tpu.memory_space<hbm>>
        %dma_wait3A_235 = arith.constant 0 : i32
        %dma_wait3A_236 = tpu.memref_slice %dma_wait3A_234[%multiple_of3A_230, %dma_wait3A_235] : memref<409600x128xi32, #tpu.memory_space<hbm>> -> memref<128x128xi32, #tpu.memory_space<hbm>>
        tpu.wait_dma2 semaphore(%arg27 : memref<!tpu.dma_semaphore, #tpu.memory_space<semaphore_mem>>) src(%arg12 : memref<128x128xi32, #tpu.memory_space<vmem>>) dst(%dma_wait3A_236 : memref<128x128xi32, #tpu.memory_space<hbm>>)
      } else {
      }
      %lt3A_122 = arith.constant 100 : i32
      %lt3A_123 = arith.cmpi slt, %add3A_116, %lt3A_122 : i32
      %convert_element_type3A_124 = arith.extui %lt3A_123 : i1 to i32
      %cond3A_125 = arith.constant 0 : i32
      %cond3A_126 = arith.cmpi ne, %convert_element_type3A_124, %cond3A_125 : i32
      scf.if %cond3A_126 {
        %dma_start3A_226 = arith.constant 0 : i32
        %dma_start3A_227 = tpu.memref_slice %arg7[%add3A_116, %dma_start3A_226] : memref<104x128xi32, #tpu.memory_space<vmem>> -> memref<1x128xi32, #tpu.memory_space<vmem>>
        %dma_start3A_228 = tpu.memref_squeeze %dma_start3A_227 : memref<1x128xi32, #tpu.memory_space<vmem>> -> memref<128xi32, #tpu.memory_space<vmem>>
        %dma_start3A_229 = arith.constant 0 : i32
        %dma_start3A_230 = arith.constant 0 : i32
        %dma_start3A_231 = tpu.memref_slice %arg2[%dma_start3A_229, %dma_start3A_230] : memref<100000x128xi32, #tpu.memory_space<hbm>> -> memref<100000x128xi32, #tpu.memory_space<hbm>>
        tpu.enqueue_indirect_dma source(%dma_start3A_231 : memref<100000x128xi32, #tpu.memory_space<hbm>>) target(%arg12 : memref<128x128xi32, #tpu.memory_space<vmem>>) offsets(%dma_start3A_228 : memref<128xi32, #tpu.memory_space<vmem>>) semaphore(%arg17 : memref<!tpu.dma_semaphore, #tpu.memory_space<semaphore_mem>>)
      } else {
      }
      %mul3A_127 = arith.constant 5 : i32
      %mul3A_128 = arith.muli %scan3A_64, %mul3A_127 : i32
      %add3A_129 = arith.constant 2 : i32
      %add3A_130 = arith.addi %mul3A_128, %add3A_129 : i32
      %dma_wait3A_131 = arith.constant 0 : i32
      %dma_wait3A_132 = tpu.memref_slice %arg7[%add3A_130, %dma_wait3A_131] : memref<104x128xi32, #tpu.memory_space<vmem>> -> memref<1x128xi32, #tpu.memory_space<vmem>>
      %dma_wait3A_133 = tpu.memref_squeeze %dma_wait3A_132 : memref<1x128xi32, #tpu.memory_space<vmem>> -> memref<128xi32, #tpu.memory_space<vmem>>
      %dma_wait3A_134 = arith.constant 0 : i32
      %dma_wait3A_135 = arith.constant 0 : i32
      %dma_wait3A_136 = tpu.memref_slice %arg2[%dma_wait3A_134, %dma_wait3A_135] : memref<100000x128xi32, #tpu.memory_space<hbm>> -> memref<100000x128xi32, #tpu.memory_space<hbm>>
      tpu.wait_indirect_dma semaphore(%arg16 : memref<!tpu.dma_semaphore, #tpu.memory_space<semaphore_mem>>) src(%dma_wait3A_136 : memref<100000x128xi32, #tpu.memory_space<hbm>>) dst(%arg11 : memref<128x128xi32, #tpu.memory_space<vmem>>)
      %dma_start3A_137 = arith.constant 0 : i32
      %dma_start3A_138 = tpu.memref_slice %arg8[%add3A_130, %dma_start3A_137] : memref<104x128xi32, #tpu.memory_space<vmem>> -> memref<1x128xi32, #tpu.memory_space<vmem>>
      %dma_start3A_139 = tpu.memref_squeeze %dma_start3A_138 : memref<1x128xi32, #tpu.memory_space<vmem>> -> memref<128xi32, #tpu.memory_space<vmem>>
      %dma_start3A_140 = arith.constant 0 : i32
      %dma_start3A_141 = arith.constant 0 : i32
      %dma_start3A_142 = tpu.memref_slice %arg3[%dma_start3A_140, %dma_start3A_141] : memref<100000x128xi32, #tpu.memory_space<hbm>> -> memref<100000x128xi32, #tpu.memory_space<hbm>>
      tpu.enqueue_indirect_dma source(%dma_start3A_142 : memref<100000x128xi32, #tpu.memory_space<hbm>>) target(%arg11 : memref<128x128xi32, #tpu.memory_space<vmem>>) offsets(%dma_start3A_139 : memref<128xi32, #tpu.memory_space<vmem>>) semaphore(%arg21 : memref<!tpu.dma_semaphore, #tpu.memory_space<semaphore_mem>>) {add = true}
      %ge3A_143 = arith.constant 1 : i32
      %ge3A_144 = arith.cmpi sge, %add3A_130, %ge3A_143 : i32
      %convert_element_type3A_145 = arith.extui %ge3A_144 : i1 to i32
      %cond3A_146 = arith.constant 0 : i32
      %cond3A_147 = arith.cmpi ne, %convert_element_type3A_145, %cond3A_146 : i32
      scf.if %cond3A_147 {
        %sub3A = arith.constant 1 : i32
        %sub3A_226 = arith.subi %add3A_130, %sub3A : i32
        %dma_wait3A_227 = arith.constant 0 : i32
        %dma_wait3A_228 = tpu.memref_slice %arg8[%sub3A_226, %dma_wait3A_227] : memref<104x128xi32, #tpu.memory_space<vmem>> -> memref<1x128xi32, #tpu.memory_space<vmem>>
        %dma_wait3A_229 = tpu.memref_squeeze %dma_wait3A_228 : memref<1x128xi32, #tpu.memory_space<vmem>> -> memref<128xi32, #tpu.memory_space<vmem>>
        %dma_wait3A_230 = arith.constant 0 : i32
        %dma_wait3A_231 = arith.constant 0 : i32
        %dma_wait3A_232 = tpu.memref_slice %arg3[%dma_wait3A_230, %dma_wait3A_231] : memref<100000x128xi32, #tpu.memory_space<hbm>> -> memref<100000x128xi32, #tpu.memory_space<hbm>>
        tpu.wait_indirect_dma semaphore(%arg20 : memref<!tpu.dma_semaphore, #tpu.memory_space<semaphore_mem>>) src(%dma_wait3A_232 : memref<100000x128xi32, #tpu.memory_space<hbm>>) dst(%arg10 : memref<128x128xi32, #tpu.memory_space<vmem>>)
        %sub3A_233 = arith.constant 1 : i32
        %sub3A_234 = arith.subi %add3A_130, %sub3A_233 : i32
        %mul3A_235 = arith.constant 128 : i32
        %mul3A_236 = arith.muli %sub3A_234, %mul3A_235 : i32
        %add3A_237 = arith.addi %mul3A_4, %mul3A_236 : i32
        %multiple_of3A_238 = tpu.assume_multiple %add3A_237, 8 : i32
        %dma_start3A_239 = tpu.memref_bitcast %arg6 : memref<819200x128xf16, #tpu.memory_space<hbm>> -> memref<409600x128xi32, #tpu.memory_space<hbm>>
        %dma_start3A_240 = arith.constant 0 : i32
        %dma_start3A_241 = tpu.memref_slice %dma_start3A_239[%multiple_of3A_238, %dma_start3A_240] : memref<409600x128xi32, #tpu.memory_space<hbm>> -> memref<128x128xi32, #tpu.memory_space<hbm>>
        %dma_start3A_242 = tpu.memref_bitcast %arg6 : memref<819200x128xf16, #tpu.memory_space<hbm>> -> memref<409600x128xi32, #tpu.memory_space<hbm>>
        %dma_start3A_243 = arith.constant 0 : i32
        %dma_start3A_244 = tpu.memref_slice %dma_start3A_242[%multiple_of3A_238, %dma_start3A_243] : memref<409600x128xi32, #tpu.memory_space<hbm>> -> memref<128x128xi32, #tpu.memory_space<hbm>>
        tpu.enqueue_dma source(%arg10 : memref<128x128xi32, #tpu.memory_space<vmem>>) target(%dma_start3A_244 : memref<128x128xi32, #tpu.memory_space<hbm>>) target_semaphore(%arg25 : memref<!tpu.dma_semaphore, #tpu.memory_space<semaphore_mem>>)
      } else {
      }
      %add3A_148 = arith.constant 2 : i32
      %add3A_149 = arith.addi %add3A_130, %add3A_148 : i32
      %ge3A_150 = arith.constant 5 : i32
      %ge3A_151 = arith.cmpi sge, %add3A_149, %ge3A_150 : i32
      %convert_element_type3A_152 = arith.extui %ge3A_151 : i1 to i32
      %cond3A_153 = arith.constant 0 : i32
      %cond3A_154 = arith.cmpi ne, %convert_element_type3A_152, %cond3A_153 : i32
      scf.if %cond3A_154 {
        %sub3A = arith.constant 5 : i32
        %sub3A_226 = arith.subi %add3A_149, %sub3A : i32
        %mul3A_227 = arith.constant 128 : i32
        %mul3A_228 = arith.muli %sub3A_226, %mul3A_227 : i32
        %add3A_229 = arith.addi %mul3A_4, %mul3A_228 : i32
        %multiple_of3A_230 = tpu.assume_multiple %add3A_229, 8 : i32
        %dma_wait3A_231 = tpu.memref_bitcast %arg6 : memref<819200x128xf16, #tpu.memory_space<hbm>> -> memref<409600x128xi32, #tpu.memory_space<hbm>>
        %dma_wait3A_232 = arith.constant 0 : i32
        %dma_wait3A_233 = tpu.memref_slice %dma_wait3A_231[%multiple_of3A_230, %dma_wait3A_232] : memref<409600x128xi32, #tpu.memory_space<hbm>> -> memref<128x128xi32, #tpu.memory_space<hbm>>
        %dma_wait3A_234 = tpu.memref_bitcast %arg6 : memref<819200x128xf16, #tpu.memory_space<hbm>> -> memref<409600x128xi32, #tpu.memory_space<hbm>>
        %dma_wait3A_235 = arith.constant 0 : i32
        %dma_wait3A_236 = tpu.memref_slice %dma_wait3A_234[%multiple_of3A_230, %dma_wait3A_235] : memref<409600x128xi32, #tpu.memory_space<hbm>> -> memref<128x128xi32, #tpu.memory_space<hbm>>
        tpu.wait_dma2 semaphore(%arg28 : memref<!tpu.dma_semaphore, #tpu.memory_space<semaphore_mem>>) src(%arg13 : memref<128x128xi32, #tpu.memory_space<vmem>>) dst(%dma_wait3A_236 : memref<128x128xi32, #tpu.memory_space<hbm>>)
      } else {
      }
      %lt3A_155 = arith.constant 100 : i32
      %lt3A_156 = arith.cmpi slt, %add3A_149, %lt3A_155 : i32
      %convert_element_type3A_157 = arith.extui %lt3A_156 : i1 to i32
      %cond3A_158 = arith.constant 0 : i32
      %cond3A_159 = arith.cmpi ne, %convert_element_type3A_157, %cond3A_158 : i32
      scf.if %cond3A_159 {
        %dma_start3A_226 = arith.constant 0 : i32
        %dma_start3A_227 = tpu.memref_slice %arg7[%add3A_149, %dma_start3A_226] : memref<104x128xi32, #tpu.memory_space<vmem>> -> memref<1x128xi32, #tpu.memory_space<vmem>>
        %dma_start3A_228 = tpu.memref_squeeze %dma_start3A_227 : memref<1x128xi32, #tpu.memory_space<vmem>> -> memref<128xi32, #tpu.memory_space<vmem>>
        %dma_start3A_229 = arith.constant 0 : i32
        %dma_start3A_230 = arith.constant 0 : i32
        %dma_start3A_231 = tpu.memref_slice %arg2[%dma_start3A_229, %dma_start3A_230] : memref<100000x128xi32, #tpu.memory_space<hbm>> -> memref<100000x128xi32, #tpu.memory_space<hbm>>
        tpu.enqueue_indirect_dma source(%dma_start3A_231 : memref<100000x128xi32, #tpu.memory_space<hbm>>) target(%arg13 : memref<128x128xi32, #tpu.memory_space<vmem>>) offsets(%dma_start3A_228 : memref<128xi32, #tpu.memory_space<vmem>>) semaphore(%arg18 : memref<!tpu.dma_semaphore, #tpu.memory_space<semaphore_mem>>)
      } else {
      }
      %mul3A_160 = arith.constant 5 : i32
      %mul3A_161 = arith.muli %scan3A_64, %mul3A_160 : i32
      %add3A_162 = arith.constant 3 : i32
      %add3A_163 = arith.addi %mul3A_161, %add3A_162 : i32
      %dma_wait3A_164 = arith.constant 0 : i32
      %dma_wait3A_165 = tpu.memref_slice %arg7[%add3A_163, %dma_wait3A_164] : memref<104x128xi32, #tpu.memory_space<vmem>> -> memref<1x128xi32, #tpu.memory_space<vmem>>
      %dma_wait3A_166 = tpu.memref_squeeze %dma_wait3A_165 : memref<1x128xi32, #tpu.memory_space<vmem>> -> memref<128xi32, #tpu.memory_space<vmem>>
      %dma_wait3A_167 = arith.constant 0 : i32
      %dma_wait3A_168 = arith.constant 0 : i32
      %dma_wait3A_169 = tpu.memref_slice %arg2[%dma_wait3A_167, %dma_wait3A_168] : memref<100000x128xi32, #tpu.memory_space<hbm>> -> memref<100000x128xi32, #tpu.memory_space<hbm>>
      tpu.wait_indirect_dma semaphore(%arg17 : memref<!tpu.dma_semaphore, #tpu.memory_space<semaphore_mem>>) src(%dma_wait3A_169 : memref<100000x128xi32, #tpu.memory_space<hbm>>) dst(%arg12 : memref<128x128xi32, #tpu.memory_space<vmem>>)
      %dma_start3A_170 = arith.constant 0 : i32
      %dma_start3A_171 = tpu.memref_slice %arg8[%add3A_163, %dma_start3A_170] : memref<104x128xi32, #tpu.memory_space<vmem>> -> memref<1x128xi32, #tpu.memory_space<vmem>>
      %dma_start3A_172 = tpu.memref_squeeze %dma_start3A_171 : memref<1x128xi32, #tpu.memory_space<vmem>> -> memref<128xi32, #tpu.memory_space<vmem>>
      %dma_start3A_173 = arith.constant 0 : i32
      %dma_start3A_174 = arith.constant 0 : i32
      %dma_start3A_175 = tpu.memref_slice %arg3[%dma_start3A_173, %dma_start3A_174] : memref<100000x128xi32, #tpu.memory_space<hbm>> -> memref<100000x128xi32, #tpu.memory_space<hbm>>
      tpu.enqueue_indirect_dma source(%dma_start3A_175 : memref<100000x128xi32, #tpu.memory_space<hbm>>) target(%arg12 : memref<128x128xi32, #tpu.memory_space<vmem>>) offsets(%dma_start3A_172 : memref<128xi32, #tpu.memory_space<vmem>>) semaphore(%arg22 : memref<!tpu.dma_semaphore, #tpu.memory_space<semaphore_mem>>) {add = true}
      %ge3A_176 = arith.constant 1 : i32
      %ge3A_177 = arith.cmpi sge, %add3A_163, %ge3A_176 : i32
      %convert_element_type3A_178 = arith.extui %ge3A_177 : i1 to i32
      %cond3A_179 = arith.constant 0 : i32
      %cond3A_180 = arith.cmpi ne, %convert_element_type3A_178, %cond3A_179 : i32
      scf.if %cond3A_180 {
        %sub3A = arith.constant 1 : i32
        %sub3A_226 = arith.subi %add3A_163, %sub3A : i32
        %dma_wait3A_227 = arith.constant 0 : i32
        %dma_wait3A_228 = tpu.memref_slice %arg8[%sub3A_226, %dma_wait3A_227] : memref<104x128xi32, #tpu.memory_space<vmem>> -> memref<1x128xi32, #tpu.memory_space<vmem>>
        %dma_wait3A_229 = tpu.memref_squeeze %dma_wait3A_228 : memref<1x128xi32, #tpu.memory_space<vmem>> -> memref<128xi32, #tpu.memory_space<vmem>>
        %dma_wait3A_230 = arith.constant 0 : i32
        %dma_wait3A_231 = arith.constant 0 : i32
        %dma_wait3A_232 = tpu.memref_slice %arg3[%dma_wait3A_230, %dma_wait3A_231] : memref<100000x128xi32, #tpu.memory_space<hbm>> -> memref<100000x128xi32, #tpu.memory_space<hbm>>
        tpu.wait_indirect_dma semaphore(%arg21 : memref<!tpu.dma_semaphore, #tpu.memory_space<semaphore_mem>>) src(%dma_wait3A_232 : memref<100000x128xi32, #tpu.memory_space<hbm>>) dst(%arg11 : memref<128x128xi32, #tpu.memory_space<vmem>>)
        %sub3A_233 = arith.constant 1 : i32
        %sub3A_234 = arith.subi %add3A_163, %sub3A_233 : i32
        %mul3A_235 = arith.constant 128 : i32
        %mul3A_236 = arith.muli %sub3A_234, %mul3A_235 : i32
        %add3A_237 = arith.addi %mul3A_4, %mul3A_236 : i32
        %multiple_of3A_238 = tpu.assume_multiple %add3A_237, 8 : i32
        %dma_start3A_239 = tpu.memref_bitcast %arg6 : memref<819200x128xf16, #tpu.memory_space<hbm>> -> memref<409600x128xi32, #tpu.memory_space<hbm>>
        %dma_start3A_240 = arith.constant 0 : i32
        %dma_start3A_241 = tpu.memref_slice %dma_start3A_239[%multiple_of3A_238, %dma_start3A_240] : memref<409600x128xi32, #tpu.memory_space<hbm>> -> memref<128x128xi32, #tpu.memory_space<hbm>>
        %dma_start3A_242 = tpu.memref_bitcast %arg6 : memref<819200x128xf16, #tpu.memory_space<hbm>> -> memref<409600x128xi32, #tpu.memory_space<hbm>>
        %dma_start3A_243 = arith.constant 0 : i32
        %dma_start3A_244 = tpu.memref_slice %dma_start3A_242[%multiple_of3A_238, %dma_start3A_243] : memref<409600x128xi32, #tpu.memory_space<hbm>> -> memref<128x128xi32, #tpu.memory_space<hbm>>
        tpu.enqueue_dma source(%arg11 : memref<128x128xi32, #tpu.memory_space<vmem>>) target(%dma_start3A_244 : memref<128x128xi32, #tpu.memory_space<hbm>>) target_semaphore(%arg26 : memref<!tpu.dma_semaphore, #tpu.memory_space<semaphore_mem>>)
      } else {
      }
      %add3A_181 = arith.constant 2 : i32
      %add3A_182 = arith.addi %add3A_163, %add3A_181 : i32
      %ge3A_183 = arith.constant 5 : i32
      %ge3A_184 = arith.cmpi sge, %add3A_182, %ge3A_183 : i32
      %convert_element_type3A_185 = arith.extui %ge3A_184 : i1 to i32
      %cond3A_186 = arith.constant 0 : i32
      %cond3A_187 = arith.cmpi ne, %convert_element_type3A_185, %cond3A_186 : i32
      scf.if %cond3A_187 {
        %sub3A = arith.constant 5 : i32
        %sub3A_226 = arith.subi %add3A_182, %sub3A : i32
        %mul3A_227 = arith.constant 128 : i32
        %mul3A_228 = arith.muli %sub3A_226, %mul3A_227 : i32
        %add3A_229 = arith.addi %mul3A_4, %mul3A_228 : i32
        %multiple_of3A_230 = tpu.assume_multiple %add3A_229, 8 : i32
        %dma_wait3A_231 = tpu.memref_bitcast %arg6 : memref<819200x128xf16, #tpu.memory_space<hbm>> -> memref<409600x128xi32, #tpu.memory_space<hbm>>
        %dma_wait3A_232 = arith.constant 0 : i32
        %dma_wait3A_233 = tpu.memref_slice %dma_wait3A_231[%multiple_of3A_230, %dma_wait3A_232] : memref<409600x128xi32, #tpu.memory_space<hbm>> -> memref<128x128xi32, #tpu.memory_space<hbm>>
        %dma_wait3A_234 = tpu.memref_bitcast %arg6 : memref<819200x128xf16, #tpu.memory_space<hbm>> -> memref<409600x128xi32, #tpu.memory_space<hbm>>
        %dma_wait3A_235 = arith.constant 0 : i32
        %dma_wait3A_236 = tpu.memref_slice %dma_wait3A_234[%multiple_of3A_230, %dma_wait3A_235] : memref<409600x128xi32, #tpu.memory_space<hbm>> -> memref<128x128xi32, #tpu.memory_space<hbm>>
        tpu.wait_dma2 semaphore(%arg24 : memref<!tpu.dma_semaphore, #tpu.memory_space<semaphore_mem>>) src(%arg9 : memref<128x128xi32, #tpu.memory_space<vmem>>) dst(%dma_wait3A_236 : memref<128x128xi32, #tpu.memory_space<hbm>>)
      } else {
      }
      %lt3A_188 = arith.constant 100 : i32
      %lt3A_189 = arith.cmpi slt, %add3A_182, %lt3A_188 : i32
      %convert_element_type3A_190 = arith.extui %lt3A_189 : i1 to i32
      %cond3A_191 = arith.constant 0 : i32
      %cond3A_192 = arith.cmpi ne, %convert_element_type3A_190, %cond3A_191 : i32
      scf.if %cond3A_192 {
        %dma_start3A_226 = arith.constant 0 : i32
        %dma_start3A_227 = tpu.memref_slice %arg7[%add3A_182, %dma_start3A_226] : memref<104x128xi32, #tpu.memory_space<vmem>> -> memref<1x128xi32, #tpu.memory_space<vmem>>
        %dma_start3A_228 = tpu.memref_squeeze %dma_start3A_227 : memref<1x128xi32, #tpu.memory_space<vmem>> -> memref<128xi32, #tpu.memory_space<vmem>>
        %dma_start3A_229 = arith.constant 0 : i32
        %dma_start3A_230 = arith.constant 0 : i32
        %dma_start3A_231 = tpu.memref_slice %arg2[%dma_start3A_229, %dma_start3A_230] : memref<100000x128xi32, #tpu.memory_space<hbm>> -> memref<100000x128xi32, #tpu.memory_space<hbm>>
        tpu.enqueue_indirect_dma source(%dma_start3A_231 : memref<100000x128xi32, #tpu.memory_space<hbm>>) target(%arg9 : memref<128x128xi32, #tpu.memory_space<vmem>>) offsets(%dma_start3A_228 : memref<128xi32, #tpu.memory_space<vmem>>) semaphore(%arg14 : memref<!tpu.dma_semaphore, #tpu.memory_space<semaphore_mem>>)
      } else {
      }
      %mul3A_193 = arith.constant 5 : i32
      %mul3A_194 = arith.muli %scan3A_64, %mul3A_193 : i32
      %add3A_195 = arith.constant 4 : i32
      %add3A_196 = arith.addi %mul3A_194, %add3A_195 : i32
      %dma_wait3A_197 = arith.constant 0 : i32
      %dma_wait3A_198 = tpu.memref_slice %arg7[%add3A_196, %dma_wait3A_197] : memref<104x128xi32, #tpu.memory_space<vmem>> -> memref<1x128xi32, #tpu.memory_space<vmem>>
      %dma_wait3A_199 = tpu.memref_squeeze %dma_wait3A_198 : memref<1x128xi32, #tpu.memory_space<vmem>> -> memref<128xi32, #tpu.memory_space<vmem>>
      %dma_wait3A_200 = arith.constant 0 : i32
      %dma_wait3A_201 = arith.constant 0 : i32
      %dma_wait3A_202 = tpu.memref_slice %arg2[%dma_wait3A_200, %dma_wait3A_201] : memref<100000x128xi32, #tpu.memory_space<hbm>> -> memref<100000x128xi32, #tpu.memory_space<hbm>>
      tpu.wait_indirect_dma semaphore(%arg18 : memref<!tpu.dma_semaphore, #tpu.memory_space<semaphore_mem>>) src(%dma_wait3A_202 : memref<100000x128xi32, #tpu.memory_space<hbm>>) dst(%arg13 : memref<128x128xi32, #tpu.memory_space<vmem>>)
      %dma_start3A_203 = arith.constant 0 : i32
      %dma_start3A_204 = tpu.memref_slice %arg8[%add3A_196, %dma_start3A_203] : memref<104x128xi32, #tpu.memory_space<vmem>> -> memref<1x128xi32, #tpu.memory_space<vmem>>
      %dma_start3A_205 = tpu.memref_squeeze %dma_start3A_204 : memref<1x128xi32, #tpu.memory_space<vmem>> -> memref<128xi32, #tpu.memory_space<vmem>>
      %dma_start3A_206 = arith.constant 0 : i32
      %dma_start3A_207 = arith.constant 0 : i32
      %dma_start3A_208 = tpu.memref_slice %arg3[%dma_start3A_206, %dma_start3A_207] : memref<100000x128xi32, #tpu.memory_space<hbm>> -> memref<100000x128xi32, #tpu.memory_space<hbm>>
      tpu.enqueue_indirect_dma source(%dma_start3A_208 : memref<100000x128xi32, #tpu.memory_space<hbm>>) target(%arg13 : memref<128x128xi32, #tpu.memory_space<vmem>>) offsets(%dma_start3A_205 : memref<128xi32, #tpu.memory_space<vmem>>) semaphore(%arg23 : memref<!tpu.dma_semaphore, #tpu.memory_space<semaphore_mem>>) {add = true}
      %ge3A_209 = arith.constant 1 : i32
      %ge3A_210 = arith.cmpi sge, %add3A_196, %ge3A_209 : i32
      %convert_element_type3A_211 = arith.extui %ge3A_210 : i1 to i32
      %cond3A_212 = arith.constant 0 : i32
      %cond3A_213 = arith.cmpi ne, %convert_element_type3A_211, %cond3A_212 : i32
      scf.if %cond3A_213 {
        %sub3A = arith.constant 1 : i32
        %sub3A_226 = arith.subi %add3A_196, %sub3A : i32
        %dma_wait3A_227 = arith.constant 0 : i32
        %dma_wait3A_228 = tpu.memref_slice %arg8[%sub3A_226, %dma_wait3A_227] : memref<104x128xi32, #tpu.memory_space<vmem>> -> memref<1x128xi32, #tpu.memory_space<vmem>>
        %dma_wait3A_229 = tpu.memref_squeeze %dma_wait3A_228 : memref<1x128xi32, #tpu.memory_space<vmem>> -> memref<128xi32, #tpu.memory_space<vmem>>
        %dma_wait3A_230 = arith.constant 0 : i32
        %dma_wait3A_231 = arith.constant 0 : i32
        %dma_wait3A_232 = tpu.memref_slice %arg3[%dma_wait3A_230, %dma_wait3A_231] : memref<100000x128xi32, #tpu.memory_space<hbm>> -> memref<100000x128xi32, #tpu.memory_space<hbm>>
        tpu.wait_indirect_dma semaphore(%arg22 : memref<!tpu.dma_semaphore, #tpu.memory_space<semaphore_mem>>) src(%dma_wait3A_232 : memref<100000x128xi32, #tpu.memory_space<hbm>>) dst(%arg12 : memref<128x128xi32, #tpu.memory_space<vmem>>)
        %sub3A_233 = arith.constant 1 : i32
        %sub3A_234 = arith.subi %add3A_196, %sub3A_233 : i32
        %mul3A_235 = arith.constant 128 : i32
        %mul3A_236 = arith.muli %sub3A_234, %mul3A_235 : i32
        %add3A_237 = arith.addi %mul3A_4, %mul3A_236 : i32
        %multiple_of3A_238 = tpu.assume_multiple %add3A_237, 8 : i32
        %dma_start3A_239 = tpu.memref_bitcast %arg6 : memref<819200x128xf16, #tpu.memory_space<hbm>> -> memref<409600x128xi32, #tpu.memory_space<hbm>>
        %dma_start3A_240 = arith.constant 0 : i32
        %dma_start3A_241 = tpu.memref_slice %dma_start3A_239[%multiple_of3A_238, %dma_start3A_240] : memref<409600x128xi32, #tpu.memory_space<hbm>> -> memref<128x128xi32, #tpu.memory_space<hbm>>
        %dma_start3A_242 = tpu.memref_bitcast %arg6 : memref<819200x128xf16, #tpu.memory_space<hbm>> -> memref<409600x128xi32, #tpu.memory_space<hbm>>
        %dma_start3A_243 = arith.constant 0 : i32
        %dma_start3A_244 = tpu.memref_slice %dma_start3A_242[%multiple_of3A_238, %dma_start3A_243] : memref<409600x128xi32, #tpu.memory_space<hbm>> -> memref<128x128xi32, #tpu.memory_space<hbm>>
        tpu.enqueue_dma source(%arg12 : memref<128x128xi32, #tpu.memory_space<vmem>>) target(%dma_start3A_244 : memref<128x128xi32, #tpu.memory_space<hbm>>) target_semaphore(%arg27 : memref<!tpu.dma_semaphore, #tpu.memory_space<semaphore_mem>>)
      } else {
      }
      %add3A_214 = arith.constant 2 : i32
      %add3A_215 = arith.addi %add3A_196, %add3A_214 : i32
      %ge3A_216 = arith.constant 5 : i32
      %ge3A_217 = arith.cmpi sge, %add3A_215, %ge3A_216 : i32
      %convert_element_type3A_218 = arith.extui %ge3A_217 : i1 to i32
      %cond3A_219 = arith.constant 0 : i32
      %cond3A_220 = arith.cmpi ne, %convert_element_type3A_218, %cond3A_219 : i32
      scf.if %cond3A_220 {
        %sub3A = arith.constant 5 : i32
        %sub3A_226 = arith.subi %add3A_215, %sub3A : i32
        %mul3A_227 = arith.constant 128 : i32
        %mul3A_228 = arith.muli %sub3A_226, %mul3A_227 : i32
        %add3A_229 = arith.addi %mul3A_4, %mul3A_228 : i32
        %multiple_of3A_230 = tpu.assume_multiple %add3A_229, 8 : i32
        %dma_wait3A_231 = tpu.memref_bitcast %arg6 : memref<819200x128xf16, #tpu.memory_space<hbm>> -> memref<409600x128xi32, #tpu.memory_space<hbm>>
        %dma_wait3A_232 = arith.constant 0 : i32
        %dma_wait3A_233 = tpu.memref_slice %dma_wait3A_231[%multiple_of3A_230, %dma_wait3A_232] : memref<409600x128xi32, #tpu.memory_space<hbm>> -> memref<128x128xi32, #tpu.memory_space<hbm>>
        %dma_wait3A_234 = tpu.memref_bitcast %arg6 : memref<819200x128xf16, #tpu.memory_space<hbm>> -> memref<409600x128xi32, #tpu.memory_space<hbm>>
        %dma_wait3A_235 = arith.constant 0 : i32
        %dma_wait3A_236 = tpu.memref_slice %dma_wait3A_234[%multiple_of3A_230, %dma_wait3A_235] : memref<409600x128xi32, #tpu.memory_space<hbm>> -> memref<128x128xi32, #tpu.memory_space<hbm>>
        tpu.wait_dma2 semaphore(%arg25 : memref<!tpu.dma_semaphore, #tpu.memory_space<semaphore_mem>>) src(%arg10 : memref<128x128xi32, #tpu.memory_space<vmem>>) dst(%dma_wait3A_236 : memref<128x128xi32, #tpu.memory_space<hbm>>)
      } else {
      }
      %lt3A_221 = arith.constant 100 : i32
      %lt3A_222 = arith.cmpi slt, %add3A_215, %lt3A_221 : i32
      %convert_element_type3A_223 = arith.extui %lt3A_222 : i1 to i32
      %cond3A_224 = arith.constant 0 : i32
      %cond3A_225 = arith.cmpi ne, %convert_element_type3A_223, %cond3A_224 : i32
      scf.if %cond3A_225 {
        %dma_start3A_226 = arith.constant 0 : i32
        %dma_start3A_227 = tpu.memref_slice %arg7[%add3A_215, %dma_start3A_226] : memref<104x128xi32, #tpu.memory_space<vmem>> -> memref<1x128xi32, #tpu.memory_space<vmem>>
        %dma_start3A_228 = tpu.memref_squeeze %dma_start3A_227 : memref<1x128xi32, #tpu.memory_space<vmem>> -> memref<128xi32, #tpu.memory_space<vmem>>
        %dma_start3A_229 = arith.constant 0 : i32
        %dma_start3A_230 = arith.constant 0 : i32
        %dma_start3A_231 = tpu.memref_slice %arg2[%dma_start3A_229, %dma_start3A_230] : memref<100000x128xi32, #tpu.memory_space<hbm>> -> memref<100000x128xi32, #tpu.memory_space<hbm>>
        tpu.enqueue_indirect_dma source(%dma_start3A_231 : memref<100000x128xi32, #tpu.memory_space<hbm>>) target(%arg10 : memref<128x128xi32, #tpu.memory_space<vmem>>) offsets(%dma_start3A_228 : memref<128xi32, #tpu.memory_space<vmem>>) semaphore(%arg15 : memref<!tpu.dma_semaphore, #tpu.memory_space<semaphore_mem>>)
      } else {
      }
    }
    %scan3A_22 = arith.constant 20 : i32
    %dma_wait3A = arith.constant 99 : i32
    %dma_wait3A_23 = arith.constant 0 : i32
    %dma_wait3A_24 = tpu.memref_slice %arg8[%dma_wait3A, %dma_wait3A_23] : memref<104x128xi32, #tpu.memory_space<vmem>> -> memref<1x128xi32, #tpu.memory_space<vmem>>
    %dma_wait3A_25 = tpu.memref_squeeze %dma_wait3A_24 : memref<1x128xi32, #tpu.memory_space<vmem>> -> memref<128xi32, #tpu.memory_space<vmem>>
    %dma_wait3A_26 = arith.constant 0 : i32
    %dma_wait3A_27 = arith.constant 0 : i32
    %dma_wait3A_28 = tpu.memref_slice %arg3[%dma_wait3A_26, %dma_wait3A_27] : memref<100000x128xi32, #tpu.memory_space<hbm>> -> memref<100000x128xi32, #tpu.memory_space<hbm>>
    tpu.wait_indirect_dma semaphore(%arg23 : memref<!tpu.dma_semaphore, #tpu.memory_space<semaphore_mem>>) src(%dma_wait3A_28 : memref<100000x128xi32, #tpu.memory_space<hbm>>) dst(%arg13 : memref<128x128xi32, #tpu.memory_space<vmem>>)
    %add3A_29 = arith.constant 12672 : i32
    %add3A_30 = arith.addi %mul3A_4, %add3A_29 : i32
    %multiple_of3A = tpu.assume_multiple %add3A_30, 8 : i32
    %dma_start3A_31 = tpu.memref_bitcast %arg6 : memref<819200x128xf16, #tpu.memory_space<hbm>> -> memref<409600x128xi32, #tpu.memory_space<hbm>>
    %dma_start3A_32 = arith.constant 0 : i32
    %dma_start3A_33 = tpu.memref_slice %dma_start3A_31[%multiple_of3A, %dma_start3A_32] : memref<409600x128xi32, #tpu.memory_space<hbm>> -> memref<128x128xi32, #tpu.memory_space<hbm>>
    %dma_start3A_34 = tpu.memref_bitcast %arg6 : memref<819200x128xf16, #tpu.memory_space<hbm>> -> memref<409600x128xi32, #tpu.memory_space<hbm>>
    %dma_start3A_35 = arith.constant 0 : i32
    %dma_start3A_36 = tpu.memref_slice %dma_start3A_34[%multiple_of3A, %dma_start3A_35] : memref<409600x128xi32, #tpu.memory_space<hbm>> -> memref<128x128xi32, #tpu.memory_space<hbm>>
    tpu.enqueue_dma source(%arg13 : memref<128x128xi32, #tpu.memory_space<vmem>>) target(%dma_start3A_36 : memref<128x128xi32, #tpu.memory_space<hbm>>) target_semaphore(%arg28 : memref<!tpu.dma_semaphore, #tpu.memory_space<semaphore_mem>>)
    %add3A_37 = arith.constant 12416 : i32
    %add3A_38 = arith.addi %mul3A_4, %add3A_37 : i32
    %multiple_of3A_39 = tpu.assume_multiple %add3A_38, 8 : i32
    %dma_wait3A_40 = tpu.memref_bitcast %arg6 : memref<819200x128xf16, #tpu.memory_space<hbm>> -> memref<409600x128xi32, #tpu.memory_space<hbm>>
    %dma_wait3A_41 = arith.constant 0 : i32
    %dma_wait3A_42 = tpu.memref_slice %dma_wait3A_40[%multiple_of3A_39, %dma_wait3A_41] : memref<409600x128xi32, #tpu.memory_space<hbm>> -> memref<128x128xi32, #tpu.memory_space<hbm>>
    %dma_wait3A_43 = tpu.memref_bitcast %arg6 : memref<819200x128xf16, #tpu.memory_space<hbm>> -> memref<409600x128xi32, #tpu.memory_space<hbm>>
    %dma_wait3A_44 = arith.constant 0 : i32
    %dma_wait3A_45 = tpu.memref_slice %dma_wait3A_43[%multiple_of3A_39, %dma_wait3A_44] : memref<409600x128xi32, #tpu.memory_space<hbm>> -> memref<128x128xi32, #tpu.memory_space<hbm>>
    tpu.wait_dma2 semaphore(%arg26 : memref<!tpu.dma_semaphore, #tpu.memory_space<semaphore_mem>>) src(%arg11 : memref<128x128xi32, #tpu.memory_space<vmem>>) dst(%dma_wait3A_45 : memref<128x128xi32, #tpu.memory_space<hbm>>)
    %add3A_46 = arith.constant 12544 : i32
    %add3A_47 = arith.addi %mul3A_4, %add3A_46 : i32
    %multiple_of3A_48 = tpu.assume_multiple %add3A_47, 8 : i32
    %dma_wait3A_49 = tpu.memref_bitcast %arg6 : memref<819200x128xf16, #tpu.memory_space<hbm>> -> memref<409600x128xi32, #tpu.memory_space<hbm>>
    %dma_wait3A_50 = arith.constant 0 : i32
    %dma_wait3A_51 = tpu.memref_slice %dma_wait3A_49[%multiple_of3A_48, %dma_wait3A_50] : memref<409600x128xi32, #tpu.memory_space<hbm>> -> memref<128x128xi32, #tpu.memory_space<hbm>>
    %dma_wait3A_52 = tpu.memref_bitcast %arg6 : memref<819200x128xf16, #tpu.memory_space<hbm>> -> memref<409600x128xi32, #tpu.memory_space<hbm>>
    %dma_wait3A_53 = arith.constant 0 : i32
    %dma_wait3A_54 = tpu.memref_slice %dma_wait3A_52[%multiple_of3A_48, %dma_wait3A_53] : memref<409600x128xi32, #tpu.memory_space<hbm>> -> memref<128x128xi32, #tpu.memory_space<hbm>>
    tpu.wait_dma2 semaphore(%arg27 : memref<!tpu.dma_semaphore, #tpu.memory_space<semaphore_mem>>) src(%arg12 : memref<128x128xi32, #tpu.memory_space<vmem>>) dst(%dma_wait3A_54 : memref<128x128xi32, #tpu.memory_space<hbm>>)
    %add3A_55 = arith.constant 12672 : i32
    %add3A_56 = arith.addi %mul3A_4, %add3A_55 : i32
    %multiple_of3A_57 = tpu.assume_multiple %add3A_56, 8 : i32
    %dma_wait3A_58 = tpu.memref_bitcast %arg6 : memref<819200x128xf16, #tpu.memory_space<hbm>> -> memref<409600x128xi32, #tpu.memory_space<hbm>>
    %dma_wait3A_59 = arith.constant 0 : i32
    %dma_wait3A_60 = tpu.memref_slice %dma_wait3A_58[%multiple_of3A_57, %dma_wait3A_59] : memref<409600x128xi32, #tpu.memory_space<hbm>> -> memref<128x128xi32, #tpu.memory_space<hbm>>
    %dma_wait3A_61 = tpu.memref_bitcast %arg6 : memref<819200x128xf16, #tpu.memory_space<hbm>> -> memref<409600x128xi32, #tpu.memory_space<hbm>>
    %dma_wait3A_62 = arith.constant 0 : i32
    %dma_wait3A_63 = tpu.memref_slice %dma_wait3A_61[%multiple_of3A_57, %dma_wait3A_62] : memref<409600x128xi32, #tpu.memory_space<hbm>> -> memref<128x128xi32, #tpu.memory_space<hbm>>
    tpu.wait_dma2 semaphore(%arg28 : memref<!tpu.dma_semaphore, #tpu.memory_space<semaphore_mem>>) src(%arg13 : memref<128x128xi32, #tpu.memory_space<vmem>>) dst(%dma_wait3A_63 : memref<128x128xi32, #tpu.memory_space<hbm>>)
    return
  }
}

#map = affine_map<(d0, d1) -> (0, 0)>
module attributes {stable_mosaic.version = 14 : i64} {
  func.func @k(%arg0: i32, %arg1: i32, %arg2: memref<100000x128xi32, #tpu.memory_space<hbm>>, %arg3: memref<100000x128xi32, #tpu.memory_space<hbm>>, %arg4: memref<136x128xi32, #tpu.memory_space<vmem>>, %arg5: memref<136x128xi32, #tpu.memory_space<vmem>>, %arg6: memref<136x128xi32, #tpu.memory_space<vmem>>, %arg7: memref<!tpu.dma_semaphore, #tpu.memory_space<semaphore_mem>>, %arg8: memref<!tpu.dma_semaphore, #tpu.memory_space<semaphore_mem>>, %arg9: memref<!tpu.dma_semaphore, #tpu.memory_space<semaphore_mem>>, %arg10: memref<!tpu.dma_semaphore, #tpu.memory_space<semaphore_mem>>, %arg11: memref<!tpu.dma_semaphore, #tpu.memory_space<semaphore_mem>>, %arg12: memref<!tpu.dma_semaphore, #tpu.memory_space<semaphore_mem>>) attributes {dimension_semantics = [#tpu.dimension_semantics<core_parallel>, #tpu.dimension_semantics<subcore_parallel>], iteration_bounds = array<i64: 2, 16>, scalar_prefetch = 0 : i64, scratch_operands = 9 : i64, tpu.core_type = #tpu.core_type<sc_vector_subcore>, window_params = [{transform_indices = #map}, {transform_indices = #map}]} {
    %mul3A = arith.constant 2 : i32
    %mul3A_0 = arith.muli %arg1, %mul3A : i32
    %add3A = arith.addi %mul3A_0, %arg0 : i32
    %mul3A_1 = arith.constant 3128 : i32
    %mul3A_2 = arith.muli %add3A, %mul3A_1 : i32
    %min3A = arith.constant 96872 : i32
    %min3A_3 = arith.minsi %mul3A_2, %min3A : i32
    %add3A_4 = arith.constant 0 : i32
    %add3A_5 = arith.addi %min3A_3, %add3A_4 : i32
    %multiple_of3A = tpu.assume_multiple %add3A_5, 8 : i32
    %dma_start3A = arith.constant 0 : i32
    %dma_start3A_6 = tpu.memref_slice %arg2[%multiple_of3A, %dma_start3A] : memref<100000x128xi32, #tpu.memory_space<hbm>> -> memref<136x128xi32, #tpu.memory_space<hbm>>
    %dma_start3A_7 = arith.constant 0 : i32
    %dma_start3A_8 = tpu.memref_slice %arg2[%multiple_of3A, %dma_start3A_7] : memref<100000x128xi32, #tpu.memory_space<hbm>> -> memref<136x128xi32, #tpu.memory_space<hbm>>
    tpu.enqueue_dma source(%dma_start3A_8 : memref<136x128xi32, #tpu.memory_space<hbm>>) target(%arg4 : memref<136x128xi32, #tpu.memory_space<vmem>>) target_semaphore(%arg7 : memref<!tpu.dma_semaphore, #tpu.memory_space<semaphore_mem>>)
    %add3A_9 = arith.constant 136 : i32
    %add3A_10 = arith.addi %min3A_3, %add3A_9 : i32
    %multiple_of3A_11 = tpu.assume_multiple %add3A_10, 8 : i32
    %dma_start3A_12 = arith.constant 0 : i32
    %dma_start3A_13 = tpu.memref_slice %arg2[%multiple_of3A_11, %dma_start3A_12] : memref<100000x128xi32, #tpu.memory_space<hbm>> -> memref<136x128xi32, #tpu.memory_space<hbm>>
    %dma_start3A_14 = arith.constant 0 : i32
    %dma_start3A_15 = tpu.memref_slice %arg2[%multiple_of3A_11, %dma_start3A_14] : memref<100000x128xi32, #tpu.memory_space<hbm>> -> memref<136x128xi32, #tpu.memory_space<hbm>>
    tpu.enqueue_dma source(%dma_start3A_15 : memref<136x128xi32, #tpu.memory_space<hbm>>) target(%arg5 : memref<136x128xi32, #tpu.memory_space<vmem>>) target_semaphore(%arg8 : memref<!tpu.dma_semaphore, #tpu.memory_space<semaphore_mem>>)
    %add3A_16 = arith.constant 272 : i32
    %add3A_17 = arith.addi %min3A_3, %add3A_16 : i32
    %multiple_of3A_18 = tpu.assume_multiple %add3A_17, 8 : i32
    %dma_start3A_19 = arith.constant 0 : i32
    %dma_start3A_20 = tpu.memref_slice %arg2[%multiple_of3A_18, %dma_start3A_19] : memref<100000x128xi32, #tpu.memory_space<hbm>> -> memref<136x128xi32, #tpu.memory_space<hbm>>
    %dma_start3A_21 = arith.constant 0 : i32
    %dma_start3A_22 = tpu.memref_slice %arg2[%multiple_of3A_18, %dma_start3A_21] : memref<100000x128xi32, #tpu.memory_space<hbm>> -> memref<136x128xi32, #tpu.memory_space<hbm>>
    tpu.enqueue_dma source(%dma_start3A_22 : memref<136x128xi32, #tpu.memory_space<hbm>>) target(%arg6 : memref<136x128xi32, #tpu.memory_space<vmem>>) target_semaphore(%arg9 : memref<!tpu.dma_semaphore, #tpu.memory_space<semaphore_mem>>)
    %add3A_23 = arith.constant 0 : i32
    %add3A_24 = arith.addi %min3A_3, %add3A_23 : i32
    %multiple_of3A_25 = tpu.assume_multiple %add3A_24, 8 : i32
    %dma_wait3A = arith.constant 0 : i32
    %dma_wait3A_26 = tpu.memref_slice %arg2[%multiple_of3A_25, %dma_wait3A] : memref<100000x128xi32, #tpu.memory_space<hbm>> -> memref<136x128xi32, #tpu.memory_space<hbm>>
    %dma_wait3A_27 = arith.constant 0 : i32
    %dma_wait3A_28 = tpu.memref_slice %arg2[%multiple_of3A_25, %dma_wait3A_27] : memref<100000x128xi32, #tpu.memory_space<hbm>> -> memref<136x128xi32, #tpu.memory_space<hbm>>
    tpu.wait_dma2 semaphore(%arg7 : memref<!tpu.dma_semaphore, #tpu.memory_space<semaphore_mem>>) src(%dma_wait3A_28 : memref<136x128xi32, #tpu.memory_space<hbm>>) dst(%arg4 : memref<136x128xi32, #tpu.memory_space<vmem>>)
    %scan3A = arith.constant 0 : i32
    %scan3A_29 = arith.constant 0 : i32
    %scan3A_30 = arith.constant 136 : i32
    %scan3A_31 = arith.addi %scan3A_29, %scan3A_30 : i32
    %scan3A_32 = arith.constant 1 : i32
    scf.for %scan3A_782 = %scan3A_29 to %scan3A_31 step %scan3A_32  : i32 {
      %get3A = arith.index_cast %scan3A_782 : i32 to index
      %get3A_783 = arith.constant 0 : index
      %get3A_784 = tpu.vector_load %arg4[%get3A, %get3A_783] {strides = array<i32>} : memref<136x128xi32, #tpu.memory_space<vmem>>, vector<1x16xi32>,
      %get3A_785 = vector.shape_cast %get3A_784 : vector<1x16xi32> to vector<16xi32>
      %shift_left3A = arith.constant 16 : i32
      %shift_left3A_786 = vector.broadcast %shift_left3A : i32 to vector<16xi32>
      %shift_left3A_787 = arith.shli %get3A_785, %shift_left3A_786 : vector<16xi32>
      %swap3A = arith.index_cast %scan3A_782 : i32 to index
      %swap3A_788 = arith.constant 0 : index
      %swap3A_789 = tpu.vector_load %arg4[%swap3A, %swap3A_788] {strides = array<i32>} : memref<136x128xi32, #tpu.memory_space<vmem>>, vector<1x16xi32>,
      %swap3A_790 = vector.shape_cast %swap3A_789 : vector<1x16xi32> to vector<16xi32>
      %swap3A_791 = vector.shape_cast %shift_left3A_787 : vector<16xi32> to vector<1x16xi32>
      tpu.vector_store %arg4[%swap3A, %swap3A_788], %swap3A_791 {strides = array<i32>} : memref<136x128xi32, #tpu.memory_space<vmem>>, vector<1x16xi32>,
      %get3A_792 = arith.index_cast %scan3A_782 : i32 to index
      %get3A_793 = arith.constant 16 : index
      %get3A_794 = tpu.vector_load %arg4[%get3A_792, %get3A_793] {strides = array<i32>} : memref<136x128xi32, #tpu.memory_space<vmem>>, vector<1x16xi32>,
      %get3A_795 = vector.shape_cast %get3A_794 : vector<1x16xi32> to vector<16xi32>
      %shift_left3A_796 = arith.constant 16 : i32
      %shift_left3A_797 = vector.broadcast %shift_left3A_796 : i32 to vector<16xi32>
      %shift_left3A_798 = arith.shli %get3A_795, %shift_left3A_797 : vector<16xi32>
      %swap3A_799 = arith.index_cast %scan3A_782 : i32 to index
      %swap3A_800 = arith.constant 16 : index
      %swap3A_801 = tpu.vector_load %arg4[%swap3A_799, %swap3A_800] {strides = array<i32>} : memref<136x128xi32, #tpu.memory_space<vmem>>, vector<1x16xi32>,
      %swap3A_802 = vector.shape_cast %swap3A_801 : vector<1x16xi32> to vector<16xi32>
      %swap3A_803 = vector.shape_cast %shift_left3A_798 : vector<16xi32> to vector<1x16xi32>
      tpu.vector_store %arg4[%swap3A_799, %swap3A_800], %swap3A_803 {strides = array<i32>} : memref<136x128xi32, #tpu.memory_space<vmem>>, vector<1x16xi32>,
      %get3A_804 = arith.index_cast %scan3A_782 : i32 to index
      %get3A_805 = arith.constant 32 : index
      %get3A_806 = tpu.vector_load %arg4[%get3A_804, %get3A_805] {strides = array<i32>} : memref<136x128xi32, #tpu.memory_space<vmem>>, vector<1x16xi32>,
      %get3A_807 = vector.shape_cast %get3A_806 : vector<1x16xi32> to vector<16xi32>
      %shift_left3A_808 = arith.constant 16 : i32
      %shift_left3A_809 = vector.broadcast %shift_left3A_808 : i32 to vector<16xi32>
      %shift_left3A_810 = arith.shli %get3A_807, %shift_left3A_809 : vector<16xi32>
      %swap3A_811 = arith.index_cast %scan3A_782 : i32 to index
      %swap3A_812 = arith.constant 32 : index
      %swap3A_813 = tpu.vector_load %arg4[%swap3A_811, %swap3A_812] {strides = array<i32>} : memref<136x128xi32, #tpu.memory_space<vmem>>, vector<1x16xi32>,
      %swap3A_814 = vector.shape_cast %swap3A_813 : vector<1x16xi32> to vector<16xi32>
      %swap3A_815 = vector.shape_cast %shift_left3A_810 : vector<16xi32> to vector<1x16xi32>
      tpu.vector_store %arg4[%swap3A_811, %swap3A_812], %swap3A_815 {strides = array<i32>} : memref<136x128xi32, #tpu.memory_space<vmem>>, vector<1x16xi32>,
      %get3A_816 = arith.index_cast %scan3A_782 : i32 to index
      %get3A_817 = arith.constant 48 : index
      %get3A_818 = tpu.vector_load %arg4[%get3A_816, %get3A_817] {strides = array<i32>} : memref<136x128xi32, #tpu.memory_space<vmem>>, vector<1x16xi32>,
      %get3A_819 = vector.shape_cast %get3A_818 : vector<1x16xi32> to vector<16xi32>
      %shift_left3A_820 = arith.constant 16 : i32
      %shift_left3A_821 = vector.broadcast %shift_left3A_820 : i32 to vector<16xi32>
      %shift_left3A_822 = arith.shli %get3A_819, %shift_left3A_821 : vector<16xi32>
      %swap3A_823 = arith.index_cast %scan3A_782 : i32 to index
      %swap3A_824 = arith.constant 48 : index
      %swap3A_825 = tpu.vector_load %arg4[%swap3A_823, %swap3A_824] {strides = array<i32>} : memref<136x128xi32, #tpu.memory_space<vmem>>, vector<1x16xi32>,
      %swap3A_826 = vector.shape_cast %swap3A_825 : vector<1x16xi32> to vector<16xi32>
      %swap3A_827 = vector.shape_cast %shift_left3A_822 : vector<16xi32> to vector<1x16xi32>
      tpu.vector_store %arg4[%swap3A_823, %swap3A_824], %swap3A_827 {strides = array<i32>} : memref<136x128xi32, #tpu.memory_space<vmem>>, vector<1x16xi32>,
      %get3A_828 = arith.index_cast %scan3A_782 : i32 to index
      %get3A_829 = arith.constant 64 : index
      %get3A_830 = tpu.vector_load %arg4[%get3A_828, %get3A_829] {strides = array<i32>} : memref<136x128xi32, #tpu.memory_space<vmem>>, vector<1x16xi32>,
      %get3A_831 = vector.shape_cast %get3A_830 : vector<1x16xi32> to vector<16xi32>
      %shift_left3A_832 = arith.constant 16 : i32
      %shift_left3A_833 = vector.broadcast %shift_left3A_832 : i32 to vector<16xi32>
      %shift_left3A_834 = arith.shli %get3A_831, %shift_left3A_833 : vector<16xi32>
      %swap3A_835 = arith.index_cast %scan3A_782 : i32 to index
      %swap3A_836 = arith.constant 64 : index
      %swap3A_837 = tpu.vector_load %arg4[%swap3A_835, %swap3A_836] {strides = array<i32>} : memref<136x128xi32, #tpu.memory_space<vmem>>, vector<1x16xi32>,
      %swap3A_838 = vector.shape_cast %swap3A_837 : vector<1x16xi32> to vector<16xi32>
      %swap3A_839 = vector.shape_cast %shift_left3A_834 : vector<16xi32> to vector<1x16xi32>
      tpu.vector_store %arg4[%swap3A_835, %swap3A_836], %swap3A_839 {strides = array<i32>} : memref<136x128xi32, #tpu.memory_space<vmem>>, vector<1x16xi32>,
      %get3A_840 = arith.index_cast %scan3A_782 : i32 to index
      %get3A_841 = arith.constant 80 : index
      %get3A_842 = tpu.vector_load %arg4[%get3A_840, %get3A_841] {strides = array<i32>} : memref<136x128xi32, #tpu.memory_space<vmem>>, vector<1x16xi32>,
      %get3A_843 = vector.shape_cast %get3A_842 : vector<1x16xi32> to vector<16xi32>
      %shift_left3A_844 = arith.constant 16 : i32
      %shift_left3A_845 = vector.broadcast %shift_left3A_844 : i32 to vector<16xi32>
      %shift_left3A_846 = arith.shli %get3A_843, %shift_left3A_845 : vector<16xi32>
      %swap3A_847 = arith.index_cast %scan3A_782 : i32 to index
      %swap3A_848 = arith.constant 80 : index
      %swap3A_849 = tpu.vector_load %arg4[%swap3A_847, %swap3A_848] {strides = array<i32>} : memref<136x128xi32, #tpu.memory_space<vmem>>, vector<1x16xi32>,
      %swap3A_850 = vector.shape_cast %swap3A_849 : vector<1x16xi32> to vector<16xi32>
      %swap3A_851 = vector.shape_cast %shift_left3A_846 : vector<16xi32> to vector<1x16xi32>
      tpu.vector_store %arg4[%swap3A_847, %swap3A_848], %swap3A_851 {strides = array<i32>} : memref<136x128xi32, #tpu.memory_space<vmem>>, vector<1x16xi32>,
      %get3A_852 = arith.index_cast %scan3A_782 : i32 to index
      %get3A_853 = arith.constant 96 : index
      %get3A_854 = tpu.vector_load %arg4[%get3A_852, %get3A_853] {strides = array<i32>} : memref<136x128xi32, #tpu.memory_space<vmem>>, vector<1x16xi32>,
      %get3A_855 = vector.shape_cast %get3A_854 : vector<1x16xi32> to vector<16xi32>
      %shift_left3A_856 = arith.constant 16 : i32
      %shift_left3A_857 = vector.broadcast %shift_left3A_856 : i32 to vector<16xi32>
      %shift_left3A_858 = arith.shli %get3A_855, %shift_left3A_857 : vector<16xi32>
      %swap3A_859 = arith.index_cast %scan3A_782 : i32 to index
      %swap3A_860 = arith.constant 96 : index
      %swap3A_861 = tpu.vector_load %arg4[%swap3A_859, %swap3A_860] {strides = array<i32>} : memref<136x128xi32, #tpu.memory_space<vmem>>, vector<1x16xi32>,
      %swap3A_862 = vector.shape_cast %swap3A_861 : vector<1x16xi32> to vector<16xi32>
      %swap3A_863 = vector.shape_cast %shift_left3A_858 : vector<16xi32> to vector<1x16xi32>
      tpu.vector_store %arg4[%swap3A_859, %swap3A_860], %swap3A_863 {strides = array<i32>} : memref<136x128xi32, #tpu.memory_space<vmem>>, vector<1x16xi32>,
      %get3A_864 = arith.index_cast %scan3A_782 : i32 to index
      %get3A_865 = arith.constant 112 : index
      %get3A_866 = tpu.vector_load %arg4[%get3A_864, %get3A_865] {strides = array<i32>} : memref<136x128xi32, #tpu.memory_space<vmem>>, vector<1x16xi32>,
      %get3A_867 = vector.shape_cast %get3A_866 : vector<1x16xi32> to vector<16xi32>
      %shift_left3A_868 = arith.constant 16 : i32
      %shift_left3A_869 = vector.broadcast %shift_left3A_868 : i32 to vector<16xi32>
      %shift_left3A_870 = arith.shli %get3A_867, %shift_left3A_869 : vector<16xi32>
      %swap3A_871 = arith.index_cast %scan3A_782 : i32 to index
      %swap3A_872 = arith.constant 112 : index
      %swap3A_873 = tpu.vector_load %arg4[%swap3A_871, %swap3A_872] {strides = array<i32>} : memref<136x128xi32, #tpu.memory_space<vmem>>, vector<1x16xi32>,
      %swap3A_874 = vector.shape_cast %swap3A_873 : vector<1x16xi32> to vector<16xi32>
      %swap3A_875 = vector.shape_cast %shift_left3A_870 : vector<16xi32> to vector<1x16xi32>
      tpu.vector_store %arg4[%swap3A_871, %swap3A_872], %swap3A_875 {strides = array<i32>} : memref<136x128xi32, #tpu.memory_space<vmem>>, vector<1x16xi32>,
    }
    %scan3A_33 = arith.constant 136 : i32
    %add3A_34 = arith.constant 0 : i32
    %add3A_35 = arith.addi %min3A_3, %add3A_34 : i32
    %multiple_of3A_36 = tpu.assume_multiple %add3A_35, 8 : i32
    %dma_start3A_37 = arith.constant 0 : i32
    %dma_start3A_38 = tpu.memref_slice %arg3[%multiple_of3A_36, %dma_start3A_37] : memref<100000x128xi32, #tpu.memory_space<hbm>> -> memref<136x128xi32, #tpu.memory_space<hbm>>
    %dma_start3A_39 = arith.constant 0 : i32
    %dma_start3A_40 = tpu.memref_slice %arg3[%multiple_of3A_36, %dma_start3A_39] : memref<100000x128xi32, #tpu.memory_space<hbm>> -> memref<136x128xi32, #tpu.memory_space<hbm>>
    tpu.enqueue_dma source(%arg4 : memref<136x128xi32, #tpu.memory_space<vmem>>) target(%dma_start3A_40 : memref<136x128xi32, #tpu.memory_space<hbm>>) target_semaphore(%arg10 : memref<!tpu.dma_semaphore, #tpu.memory_space<semaphore_mem>>)
    %add3A_41 = arith.constant 0 : i32
    %add3A_42 = arith.addi %min3A_3, %add3A_41 : i32
    %multiple_of3A_43 = tpu.assume_multiple %add3A_42, 8 : i32
    %dma_wait3A_44 = arith.constant 0 : i32
    %dma_wait3A_45 = tpu.memref_slice %arg3[%multiple_of3A_43, %dma_wait3A_44] : memref<100000x128xi32, #tpu.memory_space<hbm>> -> memref<136x128xi32, #tpu.memory_space<hbm>>
    %dma_wait3A_46 = arith.constant 0 : i32
    %dma_wait3A_47 = tpu.memref_slice %arg3[%multiple_of3A_43, %dma_wait3A_46] : memref<100000x128xi32, #tpu.memory_space<hbm>> -> memref<136x128xi32, #tpu.memory_space<hbm>>
    tpu.wait_dma2 semaphore(%arg10 : memref<!tpu.dma_semaphore, #tpu.memory_space<semaphore_mem>>) src(%arg4 : memref<136x128xi32, #tpu.memory_space<vmem>>) dst(%dma_wait3A_47 : memref<136x128xi32, #tpu.memory_space<hbm>>)
    %add3A_48 = arith.constant 408 : i32
    %add3A_49 = arith.addi %min3A_3, %add3A_48 : i32
    %multiple_of3A_50 = tpu.assume_multiple %add3A_49, 8 : i32
    %dma_start3A_51 = arith.constant 0 : i32
    %dma_start3A_52 = tpu.memref_slice %arg2[%multiple_of3A_50, %dma_start3A_51] : memref<100000x128xi32, #tpu.memory_space<hbm>> -> memref<136x128xi32, #tpu.memory_space<hbm>>
    %dma_start3A_53 = arith.constant 0 : i32
    %dma_start3A_54 = tpu.memref_slice %arg2[%multiple_of3A_50, %dma_start3A_53] : memref<100000x128xi32, #tpu.memory_space<hbm>> -> memref<136x128xi32, #tpu.memory_space<hbm>>
    tpu.enqueue_dma source(%dma_start3A_54 : memref<136x128xi32, #tpu.memory_space<hbm>>) target(%arg4 : memref<136x128xi32, #tpu.memory_space<vmem>>) target_semaphore(%arg7 : memref<!tpu.dma_semaphore, #tpu.memory_space<semaphore_mem>>)
    %add3A_55 = arith.constant 136 : i32
    %add3A_56 = arith.addi %min3A_3, %add3A_55 : i32
    %multiple_of3A_57 = tpu.assume_multiple %add3A_56, 8 : i32
    %dma_wait3A_58 = arith.constant 0 : i32
    %dma_wait3A_59 = tpu.memref_slice %arg2[%multiple_of3A_57, %dma_wait3A_58] : memref<100000x128xi32, #tpu.memory_space<hbm>> -> memref<136x128xi32, #tpu.memory_space<hbm>>
    %dma_wait3A_60 = arith.constant 0 : i32
    %dma_wait3A_61 = tpu.memref_slice %arg2[%multiple_of3A_57, %dma_wait3A_60] : memref<100000x128xi32, #tpu.memory_space<hbm>> -> memref<136x128xi32, #tpu.memory_space<hbm>>
    tpu.wait_dma2 semaphore(%arg8 : memref<!tpu.dma_semaphore, #tpu.memory_space<semaphore_mem>>) src(%dma_wait3A_61 : memref<136x128xi32, #tpu.memory_space<hbm>>) dst(%arg5 : memref<136x128xi32, #tpu.memory_space<vmem>>)
    %scan3A_62 = arith.constant 0 : i32
    %scan3A_63 = arith.constant 0 : i32
    %scan3A_64 = arith.constant 136 : i32
    %scan3A_65 = arith.addi %scan3A_63, %scan3A_64 : i32
    %scan3A_66 = arith.constant 1 : i32
    scf.for %scan3A_782 = %scan3A_63 to %scan3A_65 step %scan3A_66  : i32 {
      %get3A = arith.index_cast %scan3A_782 : i32 to index
      %get3A_783 = arith.constant 0 : index
      %get3A_784 = tpu.vector_load %arg5[%get3A, %get3A_783] {strides = array<i32>} : memref<136x128xi32, #tpu.memory_space<vmem>>, vector<1x16xi32>,
      %get3A_785 = vector.shape_cast %get3A_784 : vector<1x16xi32> to vector<16xi32>
      %shift_left3A = arith.constant 16 : i32
      %shift_left3A_786 = vector.broadcast %shift_left3A : i32 to vector<16xi32>
      %shift_left3A_787 = arith.shli %get3A_785, %shift_left3A_786 : vector<16xi32>
      %swap3A = arith.index_cast %scan3A_782 : i32 to index
      %swap3A_788 = arith.constant 0 : index
      %swap3A_789 = tpu.vector_load %arg5[%swap3A, %swap3A_788] {strides = array<i32>} : memref<136x128xi32, #tpu.memory_space<vmem>>, vector<1x16xi32>,
      %swap3A_790 = vector.shape_cast %swap3A_789 : vector<1x16xi32> to vector<16xi32>
      %swap3A_791 = vector.shape_cast %shift_left3A_787 : vector<16xi32> to vector<1x16xi32>
      tpu.vector_store %arg5[%swap3A, %swap3A_788], %swap3A_791 {strides = array<i32>} : memref<136x128xi32, #tpu.memory_space<vmem>>, vector<1x16xi32>,
      %get3A_792 = arith.index_cast %scan3A_782 : i32 to index
      %get3A_793 = arith.constant 16 : index
      %get3A_794 = tpu.vector_load %arg5[%get3A_792, %get3A_793] {strides = array<i32>} : memref<136x128xi32, #tpu.memory_space<vmem>>, vector<1x16xi32>,
      %get3A_795 = vector.shape_cast %get3A_794 : vector<1x16xi32> to vector<16xi32>
      %shift_left3A_796 = arith.constant 16 : i32
      %shift_left3A_797 = vector.broadcast %shift_left3A_796 : i32 to vector<16xi32>
      %shift_left3A_798 = arith.shli %get3A_795, %shift_left3A_797 : vector<16xi32>
      %swap3A_799 = arith.index_cast %scan3A_782 : i32 to index
      %swap3A_800 = arith.constant 16 : index
      %swap3A_801 = tpu.vector_load %arg5[%swap3A_799, %swap3A_800] {strides = array<i32>} : memref<136x128xi32, #tpu.memory_space<vmem>>, vector<1x16xi32>,
      %swap3A_802 = vector.shape_cast %swap3A_801 : vector<1x16xi32> to vector<16xi32>
      %swap3A_803 = vector.shape_cast %shift_left3A_798 : vector<16xi32> to vector<1x16xi32>
      tpu.vector_store %arg5[%swap3A_799, %swap3A_800], %swap3A_803 {strides = array<i32>} : memref<136x128xi32, #tpu.memory_space<vmem>>, vector<1x16xi32>,
      %get3A_804 = arith.index_cast %scan3A_782 : i32 to index
      %get3A_805 = arith.constant 32 : index
      %get3A_806 = tpu.vector_load %arg5[%get3A_804, %get3A_805] {strides = array<i32>} : memref<136x128xi32, #tpu.memory_space<vmem>>, vector<1x16xi32>,
      %get3A_807 = vector.shape_cast %get3A_806 : vector<1x16xi32> to vector<16xi32>
      %shift_left3A_808 = arith.constant 16 : i32
      %shift_left3A_809 = vector.broadcast %shift_left3A_808 : i32 to vector<16xi32>
      %shift_left3A_810 = arith.shli %get3A_807, %shift_left3A_809 : vector<16xi32>
      %swap3A_811 = arith.index_cast %scan3A_782 : i32 to index
      %swap3A_812 = arith.constant 32 : index
      %swap3A_813 = tpu.vector_load %arg5[%swap3A_811, %swap3A_812] {strides = array<i32>} : memref<136x128xi32, #tpu.memory_space<vmem>>, vector<1x16xi32>,
      %swap3A_814 = vector.shape_cast %swap3A_813 : vector<1x16xi32> to vector<16xi32>
      %swap3A_815 = vector.shape_cast %shift_left3A_810 : vector<16xi32> to vector<1x16xi32>
      tpu.vector_store %arg5[%swap3A_811, %swap3A_812], %swap3A_815 {strides = array<i32>} : memref<136x128xi32, #tpu.memory_space<vmem>>, vector<1x16xi32>,
      %get3A_816 = arith.index_cast %scan3A_782 : i32 to index
      %get3A_817 = arith.constant 48 : index
      %get3A_818 = tpu.vector_load %arg5[%get3A_816, %get3A_817] {strides = array<i32>} : memref<136x128xi32, #tpu.memory_space<vmem>>, vector<1x16xi32>,
      %get3A_819 = vector.shape_cast %get3A_818 : vector<1x16xi32> to vector<16xi32>
      %shift_left3A_820 = arith.constant 16 : i32
      %shift_left3A_821 = vector.broadcast %shift_left3A_820 : i32 to vector<16xi32>
      %shift_left3A_822 = arith.shli %get3A_819, %shift_left3A_821 : vector<16xi32>
      %swap3A_823 = arith.index_cast %scan3A_782 : i32 to index
      %swap3A_824 = arith.constant 48 : index
      %swap3A_825 = tpu.vector_load %arg5[%swap3A_823, %swap3A_824] {strides = array<i32>} : memref<136x128xi32, #tpu.memory_space<vmem>>, vector<1x16xi32>,
      %swap3A_826 = vector.shape_cast %swap3A_825 : vector<1x16xi32> to vector<16xi32>
      %swap3A_827 = vector.shape_cast %shift_left3A_822 : vector<16xi32> to vector<1x16xi32>
      tpu.vector_store %arg5[%swap3A_823, %swap3A_824], %swap3A_827 {strides = array<i32>} : memref<136x128xi32, #tpu.memory_space<vmem>>, vector<1x16xi32>,
      %get3A_828 = arith.index_cast %scan3A_782 : i32 to index
      %get3A_829 = arith.constant 64 : index
      %get3A_830 = tpu.vector_load %arg5[%get3A_828, %get3A_829] {strides = array<i32>} : memref<136x128xi32, #tpu.memory_space<vmem>>, vector<1x16xi32>,
      %get3A_831 = vector.shape_cast %get3A_830 : vector<1x16xi32> to vector<16xi32>
      %shift_left3A_832 = arith.constant 16 : i32
      %shift_left3A_833 = vector.broadcast %shift_left3A_832 : i32 to vector<16xi32>
      %shift_left3A_834 = arith.shli %get3A_831, %shift_left3A_833 : vector<16xi32>
      %swap3A_835 = arith.index_cast %scan3A_782 : i32 to index
      %swap3A_836 = arith.constant 64 : index
      %swap3A_837 = tpu.vector_load %arg5[%swap3A_835, %swap3A_836] {strides = array<i32>} : memref<136x128xi32, #tpu.memory_space<vmem>>, vector<1x16xi32>,
      %swap3A_838 = vector.shape_cast %swap3A_837 : vector<1x16xi32> to vector<16xi32>
      %swap3A_839 = vector.shape_cast %shift_left3A_834 : vector<16xi32> to vector<1x16xi32>
      tpu.vector_store %arg5[%swap3A_835, %swap3A_836], %swap3A_839 {strides = array<i32>} : memref<136x128xi32, #tpu.memory_space<vmem>>, vector<1x16xi32>,
      %get3A_840 = arith.index_cast %scan3A_782 : i32 to index
      %get3A_841 = arith.constant 80 : index
      %get3A_842 = tpu.vector_load %arg5[%get3A_840, %get3A_841] {strides = array<i32>} : memref<136x128xi32, #tpu.memory_space<vmem>>, vector<1x16xi32>,
      %get3A_843 = vector.shape_cast %get3A_842 : vector<1x16xi32> to vector<16xi32>
      %shift_left3A_844 = arith.constant 16 : i32
      %shift_left3A_845 = vector.broadcast %shift_left3A_844 : i32 to vector<16xi32>
      %shift_left3A_846 = arith.shli %get3A_843, %shift_left3A_845 : vector<16xi32>
      %swap3A_847 = arith.index_cast %scan3A_782 : i32 to index
      %swap3A_848 = arith.constant 80 : index
      %swap3A_849 = tpu.vector_load %arg5[%swap3A_847, %swap3A_848] {strides = array<i32>} : memref<136x128xi32, #tpu.memory_space<vmem>>, vector<1x16xi32>,
      %swap3A_850 = vector.shape_cast %swap3A_849 : vector<1x16xi32> to vector<16xi32>
      %swap3A_851 = vector.shape_cast %shift_left3A_846 : vector<16xi32> to vector<1x16xi32>
      tpu.vector_store %arg5[%swap3A_847, %swap3A_848], %swap3A_851 {strides = array<i32>} : memref<136x128xi32, #tpu.memory_space<vmem>>, vector<1x16xi32>,
      %get3A_852 = arith.index_cast %scan3A_782 : i32 to index
      %get3A_853 = arith.constant 96 : index
      %get3A_854 = tpu.vector_load %arg5[%get3A_852, %get3A_853] {strides = array<i32>} : memref<136x128xi32, #tpu.memory_space<vmem>>, vector<1x16xi32>,
      %get3A_855 = vector.shape_cast %get3A_854 : vector<1x16xi32> to vector<16xi32>
      %shift_left3A_856 = arith.constant 16 : i32
      %shift_left3A_857 = vector.broadcast %shift_left3A_856 : i32 to vector<16xi32>
      %shift_left3A_858 = arith.shli %get3A_855, %shift_left3A_857 : vector<16xi32>
      %swap3A_859 = arith.index_cast %scan3A_782 : i32 to index
      %swap3A_860 = arith.constant 96 : index
      %swap3A_861 = tpu.vector_load %arg5[%swap3A_859, %swap3A_860] {strides = array<i32>} : memref<136x128xi32, #tpu.memory_space<vmem>>, vector<1x16xi32>,
      %swap3A_862 = vector.shape_cast %swap3A_861 : vector<1x16xi32> to vector<16xi32>
      %swap3A_863 = vector.shape_cast %shift_left3A_858 : vector<16xi32> to vector<1x16xi32>
      tpu.vector_store %arg5[%swap3A_859, %swap3A_860], %swap3A_863 {strides = array<i32>} : memref<136x128xi32, #tpu.memory_space<vmem>>, vector<1x16xi32>,
      %get3A_864 = arith.index_cast %scan3A_782 : i32 to index
      %get3A_865 = arith.constant 112 : index
      %get3A_866 = tpu.vector_load %arg5[%get3A_864, %get3A_865] {strides = array<i32>} : memref<136x128xi32, #tpu.memory_space<vmem>>, vector<1x16xi32>,
      %get3A_867 = vector.shape_cast %get3A_866 : vector<1x16xi32> to vector<16xi32>
      %shift_left3A_868 = arith.constant 16 : i32
      %shift_left3A_869 = vector.broadcast %shift_left3A_868 : i32 to vector<16xi32>
      %shift_left3A_870 = arith.shli %get3A_867, %shift_left3A_869 : vector<16xi32>
      %swap3A_871 = arith.index_cast %scan3A_782 : i32 to index
      %swap3A_872 = arith.constant 112 : index
      %swap3A_873 = tpu.vector_load %arg5[%swap3A_871, %swap3A_872] {strides = array<i32>} : memref<136x128xi32, #tpu.memory_space<vmem>>, vector<1x16xi32>,
      %swap3A_874 = vector.shape_cast %swap3A_873 : vector<1x16xi32> to vector<16xi32>
      %swap3A_875 = vector.shape_cast %shift_left3A_870 : vector<16xi32> to vector<1x16xi32>
      tpu.vector_store %arg5[%swap3A_871, %swap3A_872], %swap3A_875 {strides = array<i32>} : memref<136x128xi32, #tpu.memory_space<vmem>>, vector<1x16xi32>,
    }
    %scan3A_67 = arith.constant 136 : i32
    %add3A_68 = arith.constant 136 : i32
    %add3A_69 = arith.addi %min3A_3, %add3A_68 : i32
    %multiple_of3A_70 = tpu.assume_multiple %add3A_69, 8 : i32
    %dma_start3A_71 = arith.constant 0 : i32
    %dma_start3A_72 = tpu.memref_slice %arg3[%multiple_of3A_70, %dma_start3A_71] : memref<100000x128xi32, #tpu.memory_space<hbm>> -> memref<136x128xi32, #tpu.memory_space<hbm>>
    %dma_start3A_73 = arith.constant 0 : i32
    %dma_start3A_74 = tpu.memref_slice %arg3[%multiple_of3A_70, %dma_start3A_73] : memref<100000x128xi32, #tpu.memory_space<hbm>> -> memref<136x128xi32, #tpu.memory_space<hbm>>
    tpu.enqueue_dma source(%arg5 : memref<136x128xi32, #tpu.memory_space<vmem>>) target(%dma_start3A_74 : memref<136x128xi32, #tpu.memory_space<hbm>>) target_semaphore(%arg11 : memref<!tpu.dma_semaphore, #tpu.memory_space<semaphore_mem>>)
    %add3A_75 = arith.constant 136 : i32
    %add3A_76 = arith.addi %min3A_3, %add3A_75 : i32
    %multiple_of3A_77 = tpu.assume_multiple %add3A_76, 8 : i32
    %dma_wait3A_78 = arith.constant 0 : i32
    %dma_wait3A_79 = tpu.memref_slice %arg3[%multiple_of3A_77, %dma_wait3A_78] : memref<100000x128xi32, #tpu.memory_space<hbm>> -> memref<136x128xi32, #tpu.memory_space<hbm>>
    %dma_wait3A_80 = arith.constant 0 : i32
    %dma_wait3A_81 = tpu.memref_slice %arg3[%multiple_of3A_77, %dma_wait3A_80] : memref<100000x128xi32, #tpu.memory_space<hbm>> -> memref<136x128xi32, #tpu.memory_space<hbm>>
    tpu.wait_dma2 semaphore(%arg11 : memref<!tpu.dma_semaphore, #tpu.memory_space<semaphore_mem>>) src(%arg5 : memref<136x128xi32, #tpu.memory_space<vmem>>) dst(%dma_wait3A_81 : memref<136x128xi32, #tpu.memory_space<hbm>>)
    %add3A_82 = arith.constant 544 : i32
    %add3A_83 = arith.addi %min3A_3, %add3A_82 : i32
    %multiple_of3A_84 = tpu.assume_multiple %add3A_83, 8 : i32
    %dma_start3A_85 = arith.constant 0 : i32
    %dma_start3A_86 = tpu.memref_slice %arg2[%multiple_of3A_84, %dma_start3A_85] : memref<100000x128xi32, #tpu.memory_space<hbm>> -> memref<136x128xi32, #tpu.memory_space<hbm>>
    %dma_start3A_87 = arith.constant 0 : i32
    %dma_start3A_88 = tpu.memref_slice %arg2[%multiple_of3A_84, %dma_start3A_87] : memref<100000x128xi32, #tpu.memory_space<hbm>> -> memref<136x128xi32, #tpu.memory_space<hbm>>
    tpu.enqueue_dma source(%dma_start3A_88 : memref<136x128xi32, #tpu.memory_space<hbm>>) target(%arg5 : memref<136x128xi32, #tpu.memory_space<vmem>>) target_semaphore(%arg8 : memref<!tpu.dma_semaphore, #tpu.memory_space<semaphore_mem>>)
    %add3A_89 = arith.constant 272 : i32
    %add3A_90 = arith.addi %min3A_3, %add3A_89 : i32
    %multiple_of3A_91 = tpu.assume_multiple %add3A_90, 8 : i32
    %dma_wait3A_92 = arith.constant 0 : i32
    %dma_wait3A_93 = tpu.memref_slice %arg2[%multiple_of3A_91, %dma_wait3A_92] : memref<100000x128xi32, #tpu.memory_space<hbm>> -> memref<136x128xi32, #tpu.memory_space<hbm>>
    %dma_wait3A_94 = arith.constant 0 : i32
    %dma_wait3A_95 = tpu.memref_slice %arg2[%multiple_of3A_91, %dma_wait3A_94] : memref<100000x128xi32, #tpu.memory_space<hbm>> -> memref<136x128xi32, #tpu.memory_space<hbm>>
    tpu.wait_dma2 semaphore(%arg9 : memref<!tpu.dma_semaphore, #tpu.memory_space<semaphore_mem>>) src(%dma_wait3A_95 : memref<136x128xi32, #tpu.memory_space<hbm>>) dst(%arg6 : memref<136x128xi32, #tpu.memory_space<vmem>>)
    %scan3A_96 = arith.constant 0 : i32
    %scan3A_97 = arith.constant 0 : i32
    %scan3A_98 = arith.constant 136 : i32
    %scan3A_99 = arith.addi %scan3A_97, %scan3A_98 : i32
    %scan3A_100 = arith.constant 1 : i32
    scf.for %scan3A_782 = %scan3A_97 to %scan3A_99 step %scan3A_100  : i32 {
      %get3A = arith.index_cast %scan3A_782 : i32 to index
      %get3A_783 = arith.constant 0 : index
      %get3A_784 = tpu.vector_load %arg6[%get3A, %get3A_783] {strides = array<i32>} : memref<136x128xi32, #tpu.memory_space<vmem>>, vector<1x16xi32>,
      %get3A_785 = vector.shape_cast %get3A_784 : vector<1x16xi32> to vector<16xi32>
      %shift_left3A = arith.constant 16 : i32
      %shift_left3A_786 = vector.broadcast %shift_left3A : i32 to vector<16xi32>
      %shift_left3A_787 = arith.shli %get3A_785, %shift_left3A_786 : vector<16xi32>
      %swap3A = arith.index_cast %scan3A_782 : i32 to index
      %swap3A_788 = arith.constant 0 : index
      %swap3A_789 = tpu.vector_load %arg6[%swap3A, %swap3A_788] {strides = array<i32>} : memref<136x128xi32, #tpu.memory_space<vmem>>, vector<1x16xi32>,
      %swap3A_790 = vector.shape_cast %swap3A_789 : vector<1x16xi32> to vector<16xi32>
      %swap3A_791 = vector.shape_cast %shift_left3A_787 : vector<16xi32> to vector<1x16xi32>
      tpu.vector_store %arg6[%swap3A, %swap3A_788], %swap3A_791 {strides = array<i32>} : memref<136x128xi32, #tpu.memory_space<vmem>>, vector<1x16xi32>,
      %get3A_792 = arith.index_cast %scan3A_782 : i32 to index
      %get3A_793 = arith.constant 16 : index
      %get3A_794 = tpu.vector_load %arg6[%get3A_792, %get3A_793] {strides = array<i32>} : memref<136x128xi32, #tpu.memory_space<vmem>>, vector<1x16xi32>,
      %get3A_795 = vector.shape_cast %get3A_794 : vector<1x16xi32> to vector<16xi32>
      %shift_left3A_796 = arith.constant 16 : i32
      %shift_left3A_797 = vector.broadcast %shift_left3A_796 : i32 to vector<16xi32>
      %shift_left3A_798 = arith.shli %get3A_795, %shift_left3A_797 : vector<16xi32>
      %swap3A_799 = arith.index_cast %scan3A_782 : i32 to index
      %swap3A_800 = arith.constant 16 : index
      %swap3A_801 = tpu.vector_load %arg6[%swap3A_799, %swap3A_800] {strides = array<i32>} : memref<136x128xi32, #tpu.memory_space<vmem>>, vector<1x16xi32>,
      %swap3A_802 = vector.shape_cast %swap3A_801 : vector<1x16xi32> to vector<16xi32>
      %swap3A_803 = vector.shape_cast %shift_left3A_798 : vector<16xi32> to vector<1x16xi32>
      tpu.vector_store %arg6[%swap3A_799, %swap3A_800], %swap3A_803 {strides = array<i32>} : memref<136x128xi32, #tpu.memory_space<vmem>>, vector<1x16xi32>,
      %get3A_804 = arith.index_cast %scan3A_782 : i32 to index
      %get3A_805 = arith.constant 32 : index
      %get3A_806 = tpu.vector_load %arg6[%get3A_804, %get3A_805] {strides = array<i32>} : memref<136x128xi32, #tpu.memory_space<vmem>>, vector<1x16xi32>,
      %get3A_807 = vector.shape_cast %get3A_806 : vector<1x16xi32> to vector<16xi32>
      %shift_left3A_808 = arith.constant 16 : i32
      %shift_left3A_809 = vector.broadcast %shift_left3A_808 : i32 to vector<16xi32>
      %shift_left3A_810 = arith.shli %get3A_807, %shift_left3A_809 : vector<16xi32>
      %swap3A_811 = arith.index_cast %scan3A_782 : i32 to index
      %swap3A_812 = arith.constant 32 : index
      %swap3A_813 = tpu.vector_load %arg6[%swap3A_811, %swap3A_812] {strides = array<i32>} : memref<136x128xi32, #tpu.memory_space<vmem>>, vector<1x16xi32>,
      %swap3A_814 = vector.shape_cast %swap3A_813 : vector<1x16xi32> to vector<16xi32>
      %swap3A_815 = vector.shape_cast %shift_left3A_810 : vector<16xi32> to vector<1x16xi32>
      tpu.vector_store %arg6[%swap3A_811, %swap3A_812], %swap3A_815 {strides = array<i32>} : memref<136x128xi32, #tpu.memory_space<vmem>>, vector<1x16xi32>,
      %get3A_816 = arith.index_cast %scan3A_782 : i32 to index
      %get3A_817 = arith.constant 48 : index
      %get3A_818 = tpu.vector_load %arg6[%get3A_816, %get3A_817] {strides = array<i32>} : memref<136x128xi32, #tpu.memory_space<vmem>>, vector<1x16xi32>,
      %get3A_819 = vector.shape_cast %get3A_818 : vector<1x16xi32> to vector<16xi32>
      %shift_left3A_820 = arith.constant 16 : i32
      %shift_left3A_821 = vector.broadcast %shift_left3A_820 : i32 to vector<16xi32>
      %shift_left3A_822 = arith.shli %get3A_819, %shift_left3A_821 : vector<16xi32>
      %swap3A_823 = arith.index_cast %scan3A_782 : i32 to index
      %swap3A_824 = arith.constant 48 : index
      %swap3A_825 = tpu.vector_load %arg6[%swap3A_823, %swap3A_824] {strides = array<i32>} : memref<136x128xi32, #tpu.memory_space<vmem>>, vector<1x16xi32>,
      %swap3A_826 = vector.shape_cast %swap3A_825 : vector<1x16xi32> to vector<16xi32>
      %swap3A_827 = vector.shape_cast %shift_left3A_822 : vector<16xi32> to vector<1x16xi32>
      tpu.vector_store %arg6[%swap3A_823, %swap3A_824], %swap3A_827 {strides = array<i32>} : memref<136x128xi32, #tpu.memory_space<vmem>>, vector<1x16xi32>,
      %get3A_828 = arith.index_cast %scan3A_782 : i32 to index
      %get3A_829 = arith.constant 64 : index
      %get3A_830 = tpu.vector_load %arg6[%get3A_828, %get3A_829] {strides = array<i32>} : memref<136x128xi32, #tpu.memory_space<vmem>>, vector<1x16xi32>,
      %get3A_831 = vector.shape_cast %get3A_830 : vector<1x16xi32> to vector<16xi32>
      %shift_left3A_832 = arith.constant 16 : i32
      %shift_left3A_833 = vector.broadcast %shift_left3A_832 : i32 to vector<16xi32>
      %shift_left3A_834 = arith.shli %get3A_831, %shift_left3A_833 : vector<16xi32>
      %swap3A_835 = arith.index_cast %scan3A_782 : i32 to index
      %swap3A_836 = arith.constant 64 : index
      %swap3A_837 = tpu.vector_load %arg6[%swap3A_835, %swap3A_836] {strides = array<i32>} : memref<136x128xi32, #tpu.memory_space<vmem>>, vector<1x16xi32>,
      %swap3A_838 = vector.shape_cast %swap3A_837 : vector<1x16xi32> to vector<16xi32>
      %swap3A_839 = vector.shape_cast %shift_left3A_834 : vector<16xi32> to vector<1x16xi32>
      tpu.vector_store %arg6[%swap3A_835, %swap3A_836], %swap3A_839 {strides = array<i32>} : memref<136x128xi32, #tpu.memory_space<vmem>>, vector<1x16xi32>,
      %get3A_840 = arith.index_cast %scan3A_782 : i32 to index
      %get3A_841 = arith.constant 80 : index
      %get3A_842 = tpu.vector_load %arg6[%get3A_840, %get3A_841] {strides = array<i32>} : memref<136x128xi32, #tpu.memory_space<vmem>>, vector<1x16xi32>,
      %get3A_843 = vector.shape_cast %get3A_842 : vector<1x16xi32> to vector<16xi32>
      %shift_left3A_844 = arith.constant 16 : i32
      %shift_left3A_845 = vector.broadcast %shift_left3A_844 : i32 to vector<16xi32>
      %shift_left3A_846 = arith.shli %get3A_843, %shift_left3A_845 : vector<16xi32>
      %swap3A_847 = arith.index_cast %scan3A_782 : i32 to index
      %swap3A_848 = arith.constant 80 : index
      %swap3A_849 = tpu.vector_load %arg6[%swap3A_847, %swap3A_848] {strides = array<i32>} : memref<136x128xi32, #tpu.memory_space<vmem>>, vector<1x16xi32>,
      %swap3A_850 = vector.shape_cast %swap3A_849 : vector<1x16xi32> to vector<16xi32>
      %swap3A_851 = vector.shape_cast %shift_left3A_846 : vector<16xi32> to vector<1x16xi32>
      tpu.vector_store %arg6[%swap3A_847, %swap3A_848], %swap3A_851 {strides = array<i32>} : memref<136x128xi32, #tpu.memory_space<vmem>>, vector<1x16xi32>,
      %get3A_852 = arith.index_cast %scan3A_782 : i32 to index
      %get3A_853 = arith.constant 96 : index
      %get3A_854 = tpu.vector_load %arg6[%get3A_852, %get3A_853] {strides = array<i32>} : memref<136x128xi32, #tpu.memory_space<vmem>>, vector<1x16xi32>,
      %get3A_855 = vector.shape_cast %get3A_854 : vector<1x16xi32> to vector<16xi32>
      %shift_left3A_856 = arith.constant 16 : i32
      %shift_left3A_857 = vector.broadcast %shift_left3A_856 : i32 to vector<16xi32>
      %shift_left3A_858 = arith.shli %get3A_855, %shift_left3A_857 : vector<16xi32>
      %swap3A_859 = arith.index_cast %scan3A_782 : i32 to index
      %swap3A_860 = arith.constant 96 : index
      %swap3A_861 = tpu.vector_load %arg6[%swap3A_859, %swap3A_860] {strides = array<i32>} : memref<136x128xi32, #tpu.memory_space<vmem>>, vector<1x16xi32>,
      %swap3A_862 = vector.shape_cast %swap3A_861 : vector<1x16xi32> to vector<16xi32>
      %swap3A_863 = vector.shape_cast %shift_left3A_858 : vector<16xi32> to vector<1x16xi32>
      tpu.vector_store %arg6[%swap3A_859, %swap3A_860], %swap3A_863 {strides = array<i32>} : memref<136x128xi32, #tpu.memory_space<vmem>>, vector<1x16xi32>,
      %get3A_864 = arith.index_cast %scan3A_782 : i32 to index
      %get3A_865 = arith.constant 112 : index
      %get3A_866 = tpu.vector_load %arg6[%get3A_864, %get3A_865] {strides = array<i32>} : memref<136x128xi32, #tpu.memory_space<vmem>>, vector<1x16xi32>,
      %get3A_867 = vector.shape_cast %get3A_866 : vector<1x16xi32> to vector<16xi32>
      %shift_left3A_868 = arith.constant 16 : i32
      %shift_left3A_869 = vector.broadcast %shift_left3A_868 : i32 to vector<16xi32>
      %shift_left3A_870 = arith.shli %get3A_867, %shift_left3A_869 : vector<16xi32>
      %swap3A_871 = arith.index_cast %scan3A_782 : i32 to index
      %swap3A_872 = arith.constant 112 : index
      %swap3A_873 = tpu.vector_load %arg6[%swap3A_871, %swap3A_872] {strides = array<i32>} : memref<136x128xi32, #tpu.memory_space<vmem>>, vector<1x16xi32>,
      %swap3A_874 = vector.shape_cast %swap3A_873 : vector<1x16xi32> to vector<16xi32>
      %swap3A_875 = vector.shape_cast %shift_left3A_870 : vector<16xi32> to vector<1x16xi32>
      tpu.vector_store %arg6[%swap3A_871, %swap3A_872], %swap3A_875 {strides = array<i32>} : memref<136x128xi32, #tpu.memory_space<vmem>>, vector<1x16xi32>,
    }
    %scan3A_101 = arith.constant 136 : i32
    %add3A_102 = arith.constant 272 : i32
    %add3A_103 = arith.addi %min3A_3, %add3A_102 : i32
    %multiple_of3A_104 = tpu.assume_multiple %add3A_103, 8 : i32
    %dma_start3A_105 = arith.constant 0 : i32
    %dma_start3A_106 = tpu.memref_slice %arg3[%multiple_of3A_104, %dma_start3A_105] : memref<100000x128xi32, #tpu.memory_space<hbm>> -> memref<136x128xi32, #tpu.memory_space<hbm>>
    %dma_start3A_107 = arith.constant 0 : i32
    %dma_start3A_108 = tpu.memref_slice %arg3[%multiple_of3A_104, %dma_start3A_107] : memref<100000x128xi32, #tpu.memory_space<hbm>> -> memref<136x128xi32, #tpu.memory_space<hbm>>
    tpu.enqueue_dma source(%arg6 : memref<136x128xi32, #tpu.memory_space<vmem>>) target(%dma_start3A_108 : memref<136x128xi32, #tpu.memory_space<hbm>>) target_semaphore(%arg12 : memref<!tpu.dma_semaphore, #tpu.memory_space<semaphore_mem>>)
    %add3A_109 = arith.constant 272 : i32
    %add3A_110 = arith.addi %min3A_3, %add3A_109 : i32
    %multiple_of3A_111 = tpu.assume_multiple %add3A_110, 8 : i32
    %dma_wait3A_112 = arith.constant 0 : i32
    %dma_wait3A_113 = tpu.memref_slice %arg3[%multiple_of3A_111, %dma_wait3A_112] : memref<100000x128xi32, #tpu.memory_space<hbm>> -> memref<136x128xi32, #tpu.memory_space<hbm>>
    %dma_wait3A_114 = arith.constant 0 : i32
    %dma_wait3A_115 = tpu.memref_slice %arg3[%multiple_of3A_111, %dma_wait3A_114] : memref<100000x128xi32, #tpu.memory_space<hbm>> -> memref<136x128xi32, #tpu.memory_space<hbm>>
    tpu.wait_dma2 semaphore(%arg12 : memref<!tpu.dma_semaphore, #tpu.memory_space<semaphore_mem>>) src(%arg6 : memref<136x128xi32, #tpu.memory_space<vmem>>) dst(%dma_wait3A_115 : memref<136x128xi32, #tpu.memory_space<hbm>>)
    %add3A_116 = arith.constant 680 : i32
    %add3A_117 = arith.addi %min3A_3, %add3A_116 : i32
    %multiple_of3A_118 = tpu.assume_multiple %add3A_117, 8 : i32
    %dma_start3A_119 = arith.constant 0 : i32
    %dma_start3A_120 = tpu.memref_slice %arg2[%multiple_of3A_118, %dma_start3A_119] : memref<100000x128xi32, #tpu.memory_space<hbm>> -> memref<136x128xi32, #tpu.memory_space<hbm>>
    %dma_start3A_121 = arith.constant 0 : i32
    %dma_start3A_122 = tpu.memref_slice %arg2[%multiple_of3A_118, %dma_start3A_121] : memref<100000x128xi32, #tpu.memory_space<hbm>> -> memref<136x128xi32, #tpu.memory_space<hbm>>
    tpu.enqueue_dma source(%dma_start3A_122 : memref<136x128xi32, #tpu.memory_space<hbm>>) target(%arg6 : memref<136x128xi32, #tpu.memory_space<vmem>>) target_semaphore(%arg9 : memref<!tpu.dma_semaphore, #tpu.memory_space<semaphore_mem>>)
    %add3A_123 = arith.constant 408 : i32
    %add3A_124 = arith.addi %min3A_3, %add3A_123 : i32
    %multiple_of3A_125 = tpu.assume_multiple %add3A_124, 8 : i32
    %dma_wait3A_126 = arith.constant 0 : i32
    %dma_wait3A_127 = tpu.memref_slice %arg2[%multiple_of3A_125, %dma_wait3A_126] : memref<100000x128xi32, #tpu.memory_space<hbm>> -> memref<136x128xi32, #tpu.memory_space<hbm>>
    %dma_wait3A_128 = arith.constant 0 : i32
    %dma_wait3A_129 = tpu.memref_slice %arg2[%multiple_of3A_125, %dma_wait3A_128] : memref<100000x128xi32, #tpu.memory_space<hbm>> -> memref<136x128xi32, #tpu.memory_space<hbm>>
    tpu.wait_dma2 semaphore(%arg7 : memref<!tpu.dma_semaphore, #tpu.memory_space<semaphore_mem>>) src(%dma_wait3A_129 : memref<136x128xi32, #tpu.memory_space<hbm>>) dst(%arg4 : memref<136x128xi32, #tpu.memory_space<vmem>>)
    %scan3A_130 = arith.constant 0 : i32
    %scan3A_131 = arith.constant 0 : i32
    %scan3A_132 = arith.constant 136 : i32
    %scan3A_133 = arith.addi %scan3A_131, %scan3A_132 : i32
    %scan3A_134 = arith.constant 1 : i32
    scf.for %scan3A_782 = %scan3A_131 to %scan3A_133 step %scan3A_134  : i32 {
      %get3A = arith.index_cast %scan3A_782 : i32 to index
      %get3A_783 = arith.constant 0 : index
      %get3A_784 = tpu.vector_load %arg4[%get3A, %get3A_783] {strides = array<i32>} : memref<136x128xi32, #tpu.memory_space<vmem>>, vector<1x16xi32>,
      %get3A_785 = vector.shape_cast %get3A_784 : vector<1x16xi32> to vector<16xi32>
      %shift_left3A = arith.constant 16 : i32
      %shift_left3A_786 = vector.broadcast %shift_left3A : i32 to vector<16xi32>
      %shift_left3A_787 = arith.shli %get3A_785, %shift_left3A_786 : vector<16xi32>
      %swap3A = arith.index_cast %scan3A_782 : i32 to index
      %swap3A_788 = arith.constant 0 : index
      %swap3A_789 = tpu.vector_load %arg4[%swap3A, %swap3A_788] {strides = array<i32>} : memref<136x128xi32, #tpu.memory_space<vmem>>, vector<1x16xi32>,
      %swap3A_790 = vector.shape_cast %swap3A_789 : vector<1x16xi32> to vector<16xi32>
      %swap3A_791 = vector.shape_cast %shift_left3A_787 : vector<16xi32> to vector<1x16xi32>
      tpu.vector_store %arg4[%swap3A, %swap3A_788], %swap3A_791 {strides = array<i32>} : memref<136x128xi32, #tpu.memory_space<vmem>>, vector<1x16xi32>,
      %get3A_792 = arith.index_cast %scan3A_782 : i32 to index
      %get3A_793 = arith.constant 16 : index
      %get3A_794 = tpu.vector_load %arg4[%get3A_792, %get3A_793] {strides = array<i32>} : memref<136x128xi32, #tpu.memory_space<vmem>>, vector<1x16xi32>,
      %get3A_795 = vector.shape_cast %get3A_794 : vector<1x16xi32> to vector<16xi32>
      %shift_left3A_796 = arith.constant 16 : i32
      %shift_left3A_797 = vector.broadcast %shift_left3A_796 : i32 to vector<16xi32>
      %shift_left3A_798 = arith.shli %get3A_795, %shift_left3A_797 : vector<16xi32>
      %swap3A_799 = arith.index_cast %scan3A_782 : i32 to index
      %swap3A_800 = arith.constant 16 : index
      %swap3A_801 = tpu.vector_load %arg4[%swap3A_799, %swap3A_800] {strides = array<i32>} : memref<136x128xi32, #tpu.memory_space<vmem>>, vector<1x16xi32>,
      %swap3A_802 = vector.shape_cast %swap3A_801 : vector<1x16xi32> to vector<16xi32>
      %swap3A_803 = vector.shape_cast %shift_left3A_798 : vector<16xi32> to vector<1x16xi32>
      tpu.vector_store %arg4[%swap3A_799, %swap3A_800], %swap3A_803 {strides = array<i32>} : memref<136x128xi32, #tpu.memory_space<vmem>>, vector<1x16xi32>,
      %get3A_804 = arith.index_cast %scan3A_782 : i32 to index
      %get3A_805 = arith.constant 32 : index
      %get3A_806 = tpu.vector_load %arg4[%get3A_804, %get3A_805] {strides = array<i32>} : memref<136x128xi32, #tpu.memory_space<vmem>>, vector<1x16xi32>,
      %get3A_807 = vector.shape_cast %get3A_806 : vector<1x16xi32> to vector<16xi32>
      %shift_left3A_808 = arith.constant 16 : i32
      %shift_left3A_809 = vector.broadcast %shift_left3A_808 : i32 to vector<16xi32>
      %shift_left3A_810 = arith.shli %get3A_807, %shift_left3A_809 : vector<16xi32>
      %swap3A_811 = arith.index_cast %scan3A_782 : i32 to index
      %swap3A_812 = arith.constant 32 : index
      %swap3A_813 = tpu.vector_load %arg4[%swap3A_811, %swap3A_812] {strides = array<i32>} : memref<136x128xi32, #tpu.memory_space<vmem>>, vector<1x16xi32>,
      %swap3A_814 = vector.shape_cast %swap3A_813 : vector<1x16xi32> to vector<16xi32>
      %swap3A_815 = vector.shape_cast %shift_left3A_810 : vector<16xi32> to vector<1x16xi32>
      tpu.vector_store %arg4[%swap3A_811, %swap3A_812], %swap3A_815 {strides = array<i32>} : memref<136x128xi32, #tpu.memory_space<vmem>>, vector<1x16xi32>,
      %get3A_816 = arith.index_cast %scan3A_782 : i32 to index
      %get3A_817 = arith.constant 48 : index
      %get3A_818 = tpu.vector_load %arg4[%get3A_816, %get3A_817] {strides = array<i32>} : memref<136x128xi32, #tpu.memory_space<vmem>>, vector<1x16xi32>,
      %get3A_819 = vector.shape_cast %get3A_818 : vector<1x16xi32> to vector<16xi32>
      %shift_left3A_820 = arith.constant 16 : i32
      %shift_left3A_821 = vector.broadcast %shift_left3A_820 : i32 to vector<16xi32>
      %shift_left3A_822 = arith.shli %get3A_819, %shift_left3A_821 : vector<16xi32>
      %swap3A_823 = arith.index_cast %scan3A_782 : i32 to index
      %swap3A_824 = arith.constant 48 : index
      %swap3A_825 = tpu.vector_load %arg4[%swap3A_823, %swap3A_824] {strides = array<i32>} : memref<136x128xi32, #tpu.memory_space<vmem>>, vector<1x16xi32>,
      %swap3A_826 = vector.shape_cast %swap3A_825 : vector<1x16xi32> to vector<16xi32>
      %swap3A_827 = vector.shape_cast %shift_left3A_822 : vector<16xi32> to vector<1x16xi32>
      tpu.vector_store %arg4[%swap3A_823, %swap3A_824], %swap3A_827 {strides = array<i32>} : memref<136x128xi32, #tpu.memory_space<vmem>>, vector<1x16xi32>,
      %get3A_828 = arith.index_cast %scan3A_782 : i32 to index
      %get3A_829 = arith.constant 64 : index
      %get3A_830 = tpu.vector_load %arg4[%get3A_828, %get3A_829] {strides = array<i32>} : memref<136x128xi32, #tpu.memory_space<vmem>>, vector<1x16xi32>,
      %get3A_831 = vector.shape_cast %get3A_830 : vector<1x16xi32> to vector<16xi32>
      %shift_left3A_832 = arith.constant 16 : i32
      %shift_left3A_833 = vector.broadcast %shift_left3A_832 : i32 to vector<16xi32>
      %shift_left3A_834 = arith.shli %get3A_831, %shift_left3A_833 : vector<16xi32>
      %swap3A_835 = arith.index_cast %scan3A_782 : i32 to index
      %swap3A_836 = arith.constant 64 : index
      %swap3A_837 = tpu.vector_load %arg4[%swap3A_835, %swap3A_836] {strides = array<i32>} : memref<136x128xi32, #tpu.memory_space<vmem>>, vector<1x16xi32>,
      %swap3A_838 = vector.shape_cast %swap3A_837 : vector<1x16xi32> to vector<16xi32>
      %swap3A_839 = vector.shape_cast %shift_left3A_834 : vector<16xi32> to vector<1x16xi32>
      tpu.vector_store %arg4[%swap3A_835, %swap3A_836], %swap3A_839 {strides = array<i32>} : memref<136x128xi32, #tpu.memory_space<vmem>>, vector<1x16xi32>,
      %get3A_840 = arith.index_cast %scan3A_782 : i32 to index
      %get3A_841 = arith.constant 80 : index
      %get3A_842 = tpu.vector_load %arg4[%get3A_840, %get3A_841] {strides = array<i32>} : memref<136x128xi32, #tpu.memory_space<vmem>>, vector<1x16xi32>,
      %get3A_843 = vector.shape_cast %get3A_842 : vector<1x16xi32> to vector<16xi32>
      %shift_left3A_844 = arith.constant 16 : i32
      %shift_left3A_845 = vector.broadcast %shift_left3A_844 : i32 to vector<16xi32>
      %shift_left3A_846 = arith.shli %get3A_843, %shift_left3A_845 : vector<16xi32>
      %swap3A_847 = arith.index_cast %scan3A_782 : i32 to index
      %swap3A_848 = arith.constant 80 : index
      %swap3A_849 = tpu.vector_load %arg4[%swap3A_847, %swap3A_848] {strides = array<i32>} : memref<136x128xi32, #tpu.memory_space<vmem>>, vector<1x16xi32>,
      %swap3A_850 = vector.shape_cast %swap3A_849 : vector<1x16xi32> to vector<16xi32>
      %swap3A_851 = vector.shape_cast %shift_left3A_846 : vector<16xi32> to vector<1x16xi32>
      tpu.vector_store %arg4[%swap3A_847, %swap3A_848], %swap3A_851 {strides = array<i32>} : memref<136x128xi32, #tpu.memory_space<vmem>>, vector<1x16xi32>,
      %get3A_852 = arith.index_cast %scan3A_782 : i32 to index
      %get3A_853 = arith.constant 96 : index
      %get3A_854 = tpu.vector_load %arg4[%get3A_852, %get3A_853] {strides = array<i32>} : memref<136x128xi32, #tpu.memory_space<vmem>>, vector<1x16xi32>,
      %get3A_855 = vector.shape_cast %get3A_854 : vector<1x16xi32> to vector<16xi32>
      %shift_left3A_856 = arith.constant 16 : i32
      %shift_left3A_857 = vector.broadcast %shift_left3A_856 : i32 to vector<16xi32>
      %shift_left3A_858 = arith.shli %get3A_855, %shift_left3A_857 : vector<16xi32>
      %swap3A_859 = arith.index_cast %scan3A_782 : i32 to index
      %swap3A_860 = arith.constant 96 : index
      %swap3A_861 = tpu.vector_load %arg4[%swap3A_859, %swap3A_860] {strides = array<i32>} : memref<136x128xi32, #tpu.memory_space<vmem>>, vector<1x16xi32>,
      %swap3A_862 = vector.shape_cast %swap3A_861 : vector<1x16xi32> to vector<16xi32>
      %swap3A_863 = vector.shape_cast %shift_left3A_858 : vector<16xi32> to vector<1x16xi32>
      tpu.vector_store %arg4[%swap3A_859, %swap3A_860], %swap3A_863 {strides = array<i32>} : memref<136x128xi32, #tpu.memory_space<vmem>>, vector<1x16xi32>,
      %get3A_864 = arith.index_cast %scan3A_782 : i32 to index
      %get3A_865 = arith.constant 112 : index
      %get3A_866 = tpu.vector_load %arg4[%get3A_864, %get3A_865] {strides = array<i32>} : memref<136x128xi32, #tpu.memory_space<vmem>>, vector<1x16xi32>,
      %get3A_867 = vector.shape_cast %get3A_866 : vector<1x16xi32> to vector<16xi32>
      %shift_left3A_868 = arith.constant 16 : i32
      %shift_left3A_869 = vector.broadcast %shift_left3A_868 : i32 to vector<16xi32>
      %shift_left3A_870 = arith.shli %get3A_867, %shift_left3A_869 : vector<16xi32>
      %swap3A_871 = arith.index_cast %scan3A_782 : i32 to index
      %swap3A_872 = arith.constant 112 : index
      %swap3A_873 = tpu.vector_load %arg4[%swap3A_871, %swap3A_872] {strides = array<i32>} : memref<136x128xi32, #tpu.memory_space<vmem>>, vector<1x16xi32>,
      %swap3A_874 = vector.shape_cast %swap3A_873 : vector<1x16xi32> to vector<16xi32>
      %swap3A_875 = vector.shape_cast %shift_left3A_870 : vector<16xi32> to vector<1x16xi32>
      tpu.vector_store %arg4[%swap3A_871, %swap3A_872], %swap3A_875 {strides = array<i32>} : memref<136x128xi32, #tpu.memory_space<vmem>>, vector<1x16xi32>,
    }
    %scan3A_135 = arith.constant 136 : i32
    %add3A_136 = arith.constant 408 : i32
    %add3A_137 = arith.addi %min3A_3, %add3A_136 : i32
    %multiple_of3A_138 = tpu.assume_multiple %add3A_137, 8 : i32
    %dma_start3A_139 = arith.constant 0 : i32
    %dma_start3A_140 = tpu.memref_slice %arg3[%multiple_of3A_138, %dma_start3A_139] : memref<100000x128xi32, #tpu.memory_space<hbm>> -> memref<136x128xi32, #tpu.memory_space<hbm>>
    %dma_start3A_141 = arith.constant 0 : i32
    %dma_start3A_142 = tpu.memref_slice %arg3[%multiple_of3A_138, %dma_start3A_141] : memref<100000x128xi32, #tpu.memory_space<hbm>> -> memref<136x128xi32, #tpu.memory_space<hbm>>
    tpu.enqueue_dma source(%arg4 : memref<136x128xi32, #tpu.memory_space<vmem>>) target(%dma_start3A_142 : memref<136x128xi32, #tpu.memory_space<hbm>>) target_semaphore(%arg10 : memref<!tpu.dma_semaphore, #tpu.memory_space<semaphore_mem>>)
    %add3A_143 = arith.constant 408 : i32
    %add3A_144 = arith.addi %min3A_3, %add3A_143 : i32
    %multiple_of3A_145 = tpu.assume_multiple %add3A_144, 8 : i32
    %dma_wait3A_146 = arith.constant 0 : i32
    %dma_wait3A_147 = tpu.memref_slice %arg3[%multiple_of3A_145, %dma_wait3A_146] : memref<100000x128xi32, #tpu.memory_space<hbm>> -> memref<136x128xi32, #tpu.memory_space<hbm>>
    %dma_wait3A_148 = arith.constant 0 : i32
    %dma_wait3A_149 = tpu.memref_slice %arg3[%multiple_of3A_145, %dma_wait3A_148] : memref<100000x128xi32, #tpu.memory_space<hbm>> -> memref<136x128xi32, #tpu.memory_space<hbm>>
    tpu.wait_dma2 semaphore(%arg10 : memref<!tpu.dma_semaphore, #tpu.memory_space<semaphore_mem>>) src(%arg4 : memref<136x128xi32, #tpu.memory_space<vmem>>) dst(%dma_wait3A_149 : memref<136x128xi32, #tpu.memory_space<hbm>>)
    %add3A_150 = arith.constant 816 : i32
    %add3A_151 = arith.addi %min3A_3, %add3A_150 : i32
    %multiple_of3A_152 = tpu.assume_multiple %add3A_151, 8 : i32
    %dma_start3A_153 = arith.constant 0 : i32
    %dma_start3A_154 = tpu.memref_slice %arg2[%multiple_of3A_152, %dma_start3A_153] : memref<100000x128xi32, #tpu.memory_space<hbm>> -> memref<136x128xi32, #tpu.memory_space<hbm>>
    %dma_start3A_155 = arith.constant 0 : i32
    %dma_start3A_156 = tpu.memref_slice %arg2[%multiple_of3A_152, %dma_start3A_155] : memref<100000x128xi32, #tpu.memory_space<hbm>> -> memref<136x128xi32, #tpu.memory_space<hbm>>
    tpu.enqueue_dma source(%dma_start3A_156 : memref<136x128xi32, #tpu.memory_space<hbm>>) target(%arg4 : memref<136x128xi32, #tpu.memory_space<vmem>>) target_semaphore(%arg7 : memref<!tpu.dma_semaphore, #tpu.memory_space<semaphore_mem>>)
    %add3A_157 = arith.constant 544 : i32
    %add3A_158 = arith.addi %min3A_3, %add3A_157 : i32
    %multiple_of3A_159 = tpu.assume_multiple %add3A_158, 8 : i32
    %dma_wait3A_160 = arith.constant 0 : i32
    %dma_wait3A_161 = tpu.memref_slice %arg2[%multiple_of3A_159, %dma_wait3A_160] : memref<100000x128xi32, #tpu.memory_space<hbm>> -> memref<136x128xi32, #tpu.memory_space<hbm>>
    %dma_wait3A_162 = arith.constant 0 : i32
    %dma_wait3A_163 = tpu.memref_slice %arg2[%multiple_of3A_159, %dma_wait3A_162] : memref<100000x128xi32, #tpu.memory_space<hbm>> -> memref<136x128xi32, #tpu.memory_space<hbm>>
    tpu.wait_dma2 semaphore(%arg8 : memref<!tpu.dma_semaphore, #tpu.memory_space<semaphore_mem>>) src(%dma_wait3A_163 : memref<136x128xi32, #tpu.memory_space<hbm>>) dst(%arg5 : memref<136x128xi32, #tpu.memory_space<vmem>>)
    %scan3A_164 = arith.constant 0 : i32
    %scan3A_165 = arith.constant 0 : i32
    %scan3A_166 = arith.constant 136 : i32
    %scan3A_167 = arith.addi %scan3A_165, %scan3A_166 : i32
    %scan3A_168 = arith.constant 1 : i32
    scf.for %scan3A_782 = %scan3A_165 to %scan3A_167 step %scan3A_168  : i32 {
      %get3A = arith.index_cast %scan3A_782 : i32 to index
      %get3A_783 = arith.constant 0 : index
      %get3A_784 = tpu.vector_load %arg5[%get3A, %get3A_783] {strides = array<i32>} : memref<136x128xi32, #tpu.memory_space<vmem>>, vector<1x16xi32>,
      %get3A_785 = vector.shape_cast %get3A_784 : vector<1x16xi32> to vector<16xi32>
      %shift_left3A = arith.constant 16 : i32
      %shift_left3A_786 = vector.broadcast %shift_left3A : i32 to vector<16xi32>
      %shift_left3A_787 = arith.shli %get3A_785, %shift_left3A_786 : vector<16xi32>
      %swap3A = arith.index_cast %scan3A_782 : i32 to index
      %swap3A_788 = arith.constant 0 : index
      %swap3A_789 = tpu.vector_load %arg5[%swap3A, %swap3A_788] {strides = array<i32>} : memref<136x128xi32, #tpu.memory_space<vmem>>, vector<1x16xi32>,
      %swap3A_790 = vector.shape_cast %swap3A_789 : vector<1x16xi32> to vector<16xi32>
      %swap3A_791 = vector.shape_cast %shift_left3A_787 : vector<16xi32> to vector<1x16xi32>
      tpu.vector_store %arg5[%swap3A, %swap3A_788], %swap3A_791 {strides = array<i32>} : memref<136x128xi32, #tpu.memory_space<vmem>>, vector<1x16xi32>,
      %get3A_792 = arith.index_cast %scan3A_782 : i32 to index
      %get3A_793 = arith.constant 16 : index
      %get3A_794 = tpu.vector_load %arg5[%get3A_792, %get3A_793] {strides = array<i32>} : memref<136x128xi32, #tpu.memory_space<vmem>>, vector<1x16xi32>,
      %get3A_795 = vector.shape_cast %get3A_794 : vector<1x16xi32> to vector<16xi32>
      %shift_left3A_796 = arith.constant 16 : i32
      %shift_left3A_797 = vector.broadcast %shift_left3A_796 : i32 to vector<16xi32>
      %shift_left3A_798 = arith.shli %get3A_795, %shift_left3A_797 : vector<16xi32>
      %swap3A_799 = arith.index_cast %scan3A_782 : i32 to index
      %swap3A_800 = arith.constant 16 : index
      %swap3A_801 = tpu.vector_load %arg5[%swap3A_799, %swap3A_800] {strides = array<i32>} : memref<136x128xi32, #tpu.memory_space<vmem>>, vector<1x16xi32>,
      %swap3A_802 = vector.shape_cast %swap3A_801 : vector<1x16xi32> to vector<16xi32>
      %swap3A_803 = vector.shape_cast %shift_left3A_798 : vector<16xi32> to vector<1x16xi32>
      tpu.vector_store %arg5[%swap3A_799, %swap3A_800], %swap3A_803 {strides = array<i32>} : memref<136x128xi32, #tpu.memory_space<vmem>>, vector<1x16xi32>,
      %get3A_804 = arith.index_cast %scan3A_782 : i32 to index
      %get3A_805 = arith.constant 32 : index
      %get3A_806 = tpu.vector_load %arg5[%get3A_804, %get3A_805] {strides = array<i32>} : memref<136x128xi32, #tpu.memory_space<vmem>>, vector<1x16xi32>,
      %get3A_807 = vector.shape_cast %get3A_806 : vector<1x16xi32> to vector<16xi32>
      %shift_left3A_808 = arith.constant 16 : i32
      %shift_left3A_809 = vector.broadcast %shift_left3A_808 : i32 to vector<16xi32>
      %shift_left3A_810 = arith.shli %get3A_807, %shift_left3A_809 : vector<16xi32>
      %swap3A_811 = arith.index_cast %scan3A_782 : i32 to index
      %swap3A_812 = arith.constant 32 : index
      %swap3A_813 = tpu.vector_load %arg5[%swap3A_811, %swap3A_812] {strides = array<i32>} : memref<136x128xi32, #tpu.memory_space<vmem>>, vector<1x16xi32>,
      %swap3A_814 = vector.shape_cast %swap3A_813 : vector<1x16xi32> to vector<16xi32>
      %swap3A_815 = vector.shape_cast %shift_left3A_810 : vector<16xi32> to vector<1x16xi32>
      tpu.vector_store %arg5[%swap3A_811, %swap3A_812], %swap3A_815 {strides = array<i32>} : memref<136x128xi32, #tpu.memory_space<vmem>>, vector<1x16xi32>,
      %get3A_816 = arith.index_cast %scan3A_782 : i32 to index
      %get3A_817 = arith.constant 48 : index
      %get3A_818 = tpu.vector_load %arg5[%get3A_816, %get3A_817] {strides = array<i32>} : memref<136x128xi32, #tpu.memory_space<vmem>>, vector<1x16xi32>,
      %get3A_819 = vector.shape_cast %get3A_818 : vector<1x16xi32> to vector<16xi32>
      %shift_left3A_820 = arith.constant 16 : i32
      %shift_left3A_821 = vector.broadcast %shift_left3A_820 : i32 to vector<16xi32>
      %shift_left3A_822 = arith.shli %get3A_819, %shift_left3A_821 : vector<16xi32>
      %swap3A_823 = arith.index_cast %scan3A_782 : i32 to index
      %swap3A_824 = arith.constant 48 : index
      %swap3A_825 = tpu.vector_load %arg5[%swap3A_823, %swap3A_824] {strides = array<i32>} : memref<136x128xi32, #tpu.memory_space<vmem>>, vector<1x16xi32>,
      %swap3A_826 = vector.shape_cast %swap3A_825 : vector<1x16xi32> to vector<16xi32>
      %swap3A_827 = vector.shape_cast %shift_left3A_822 : vector<16xi32> to vector<1x16xi32>
      tpu.vector_store %arg5[%swap3A_823, %swap3A_824], %swap3A_827 {strides = array<i32>} : memref<136x128xi32, #tpu.memory_space<vmem>>, vector<1x16xi32>,
      %get3A_828 = arith.index_cast %scan3A_782 : i32 to index
      %get3A_829 = arith.constant 64 : index
      %get3A_830 = tpu.vector_load %arg5[%get3A_828, %get3A_829] {strides = array<i32>} : memref<136x128xi32, #tpu.memory_space<vmem>>, vector<1x16xi32>,
      %get3A_831 = vector.shape_cast %get3A_830 : vector<1x16xi32> to vector<16xi32>
      %shift_left3A_832 = arith.constant 16 : i32
      %shift_left3A_833 = vector.broadcast %shift_left3A_832 : i32 to vector<16xi32>
      %shift_left3A_834 = arith.shli %get3A_831, %shift_left3A_833 : vector<16xi32>
      %swap3A_835 = arith.index_cast %scan3A_782 : i32 to index
      %swap3A_836 = arith.constant 64 : index
      %swap3A_837 = tpu.vector_load %arg5[%swap3A_835, %swap3A_836] {strides = array<i32>} : memref<136x128xi32, #tpu.memory_space<vmem>>, vector<1x16xi32>,
      %swap3A_838 = vector.shape_cast %swap3A_837 : vector<1x16xi32> to vector<16xi32>
      %swap3A_839 = vector.shape_cast %shift_left3A_834 : vector<16xi32> to vector<1x16xi32>
      tpu.vector_store %arg5[%swap3A_835, %swap3A_836], %swap3A_839 {strides = array<i32>} : memref<136x128xi32, #tpu.memory_space<vmem>>, vector<1x16xi32>,
      %get3A_840 = arith.index_cast %scan3A_782 : i32 to index
      %get3A_841 = arith.constant 80 : index
      %get3A_842 = tpu.vector_load %arg5[%get3A_840, %get3A_841] {strides = array<i32>} : memref<136x128xi32, #tpu.memory_space<vmem>>, vector<1x16xi32>,
      %get3A_843 = vector.shape_cast %get3A_842 : vector<1x16xi32> to vector<16xi32>
      %shift_left3A_844 = arith.constant 16 : i32
      %shift_left3A_845 = vector.broadcast %shift_left3A_844 : i32 to vector<16xi32>
      %shift_left3A_846 = arith.shli %get3A_843, %shift_left3A_845 : vector<16xi32>
      %swap3A_847 = arith.index_cast %scan3A_782 : i32 to index
      %swap3A_848 = arith.constant 80 : index
      %swap3A_849 = tpu.vector_load %arg5[%swap3A_847, %swap3A_848] {strides = array<i32>} : memref<136x128xi32, #tpu.memory_space<vmem>>, vector<1x16xi32>,
      %swap3A_850 = vector.shape_cast %swap3A_849 : vector<1x16xi32> to vector<16xi32>
      %swap3A_851 = vector.shape_cast %shift_left3A_846 : vector<16xi32> to vector<1x16xi32>
      tpu.vector_store %arg5[%swap3A_847, %swap3A_848], %swap3A_851 {strides = array<i32>} : memref<136x128xi32, #tpu.memory_space<vmem>>, vector<1x16xi32>,
      %get3A_852 = arith.index_cast %scan3A_782 : i32 to index
      %get3A_853 = arith.constant 96 : index
      %get3A_854 = tpu.vector_load %arg5[%get3A_852, %get3A_853] {strides = array<i32>} : memref<136x128xi32, #tpu.memory_space<vmem>>, vector<1x16xi32>,
      %get3A_855 = vector.shape_cast %get3A_854 : vector<1x16xi32> to vector<16xi32>
      %shift_left3A_856 = arith.constant 16 : i32
      %shift_left3A_857 = vector.broadcast %shift_left3A_856 : i32 to vector<16xi32>
      %shift_left3A_858 = arith.shli %get3A_855, %shift_left3A_857 : vector<16xi32>
      %swap3A_859 = arith.index_cast %scan3A_782 : i32 to index
      %swap3A_860 = arith.constant 96 : index
      %swap3A_861 = tpu.vector_load %arg5[%swap3A_859, %swap3A_860] {strides = array<i32>} : memref<136x128xi32, #tpu.memory_space<vmem>>, vector<1x16xi32>,
      %swap3A_862 = vector.shape_cast %swap3A_861 : vector<1x16xi32> to vector<16xi32>
      %swap3A_863 = vector.shape_cast %shift_left3A_858 : vector<16xi32> to vector<1x16xi32>
      tpu.vector_store %arg5[%swap3A_859, %swap3A_860], %swap3A_863 {strides = array<i32>} : memref<136x128xi32, #tpu.memory_space<vmem>>, vector<1x16xi32>,
      %get3A_864 = arith.index_cast %scan3A_782 : i32 to index
      %get3A_865 = arith.constant 112 : index
      %get3A_866 = tpu.vector_load %arg5[%get3A_864, %get3A_865] {strides = array<i32>} : memref<136x128xi32, #tpu.memory_space<vmem>>, vector<1x16xi32>,
      %get3A_867 = vector.shape_cast %get3A_866 : vector<1x16xi32> to vector<16xi32>
      %shift_left3A_868 = arith.constant 16 : i32
      %shift_left3A_869 = vector.broadcast %shift_left3A_868 : i32 to vector<16xi32>
      %shift_left3A_870 = arith.shli %get3A_867, %shift_left3A_869 : vector<16xi32>
      %swap3A_871 = arith.index_cast %scan3A_782 : i32 to index
      %swap3A_872 = arith.constant 112 : index
      %swap3A_873 = tpu.vector_load %arg5[%swap3A_871, %swap3A_872] {strides = array<i32>} : memref<136x128xi32, #tpu.memory_space<vmem>>, vector<1x16xi32>,
      %swap3A_874 = vector.shape_cast %swap3A_873 : vector<1x16xi32> to vector<16xi32>
      %swap3A_875 = vector.shape_cast %shift_left3A_870 : vector<16xi32> to vector<1x16xi32>
      tpu.vector_store %arg5[%swap3A_871, %swap3A_872], %swap3A_875 {strides = array<i32>} : memref<136x128xi32, #tpu.memory_space<vmem>>, vector<1x16xi32>,
    }
    %scan3A_169 = arith.constant 136 : i32
    %add3A_170 = arith.constant 544 : i32
    %add3A_171 = arith.addi %min3A_3, %add3A_170 : i32
    %multiple_of3A_172 = tpu.assume_multiple %add3A_171, 8 : i32
    %dma_start3A_173 = arith.constant 0 : i32
    %dma_start3A_174 = tpu.memref_slice %arg3[%multiple_of3A_172, %dma_start3A_173] : memref<100000x128xi32, #tpu.memory_space<hbm>> -> memref<136x128xi32, #tpu.memory_space<hbm>>
    %dma_start3A_175 = arith.constant 0 : i32
    %dma_start3A_176 = tpu.memref_slice %arg3[%multiple_of3A_172, %dma_start3A_175] : memref<100000x128xi32, #tpu.memory_space<hbm>> -> memref<136x128xi32, #tpu.memory_space<hbm>>
    tpu.enqueue_dma source(%arg5 : memref<136x128xi32, #tpu.memory_space<vmem>>) target(%dma_start3A_176 : memref<136x128xi32, #tpu.memory_space<hbm>>) target_semaphore(%arg11 : memref<!tpu.dma_semaphore, #tpu.memory_space<semaphore_mem>>)
    %add3A_177 = arith.constant 544 : i32
    %add3A_178 = arith.addi %min3A_3, %add3A_177 : i32
    %multiple_of3A_179 = tpu.assume_multiple %add3A_178, 8 : i32
    %dma_wait3A_180 = arith.constant 0 : i32
    %dma_wait3A_181 = tpu.memref_slice %arg3[%multiple_of3A_179, %dma_wait3A_180] : memref<100000x128xi32, #tpu.memory_space<hbm>> -> memref<136x128xi32, #tpu.memory_space<hbm>>
    %dma_wait3A_182 = arith.constant 0 : i32
    %dma_wait3A_183 = tpu.memref_slice %arg3[%multiple_of3A_179, %dma_wait3A_182] : memref<100000x128xi32, #tpu.memory_space<hbm>> -> memref<136x128xi32, #tpu.memory_space<hbm>>
    tpu.wait_dma2 semaphore(%arg11 : memref<!tpu.dma_semaphore, #tpu.memory_space<semaphore_mem>>) src(%arg5 : memref<136x128xi32, #tpu.memory_space<vmem>>) dst(%dma_wait3A_183 : memref<136x128xi32, #tpu.memory_space<hbm>>)
    %add3A_184 = arith.constant 952 : i32
    %add3A_185 = arith.addi %min3A_3, %add3A_184 : i32
    %multiple_of3A_186 = tpu.assume_multiple %add3A_185, 8 : i32
    %dma_start3A_187 = arith.constant 0 : i32
    %dma_start3A_188 = tpu.memref_slice %arg2[%multiple_of3A_186, %dma_start3A_187] : memref<100000x128xi32, #tpu.memory_space<hbm>> -> memref<136x128xi32, #tpu.memory_space<hbm>>
    %dma_start3A_189 = arith.constant 0 : i32
    %dma_start3A_190 = tpu.memref_slice %arg2[%multiple_of3A_186, %dma_start3A_189] : memref<100000x128xi32, #tpu.memory_space<hbm>> -> memref<136x128xi32, #tpu.memory_space<hbm>>
    tpu.enqueue_dma source(%dma_start3A_190 : memref<136x128xi32, #tpu.memory_space<hbm>>) target(%arg5 : memref<136x128xi32, #tpu.memory_space<vmem>>) target_semaphore(%arg8 : memref<!tpu.dma_semaphore, #tpu.memory_space<semaphore_mem>>)
    %add3A_191 = arith.constant 680 : i32
    %add3A_192 = arith.addi %min3A_3, %add3A_191 : i32
    %multiple_of3A_193 = tpu.assume_multiple %add3A_192, 8 : i32
    %dma_wait3A_194 = arith.constant 0 : i32
    %dma_wait3A_195 = tpu.memref_slice %arg2[%multiple_of3A_193, %dma_wait3A_194] : memref<100000x128xi32, #tpu.memory_space<hbm>> -> memref<136x128xi32, #tpu.memory_space<hbm>>
    %dma_wait3A_196 = arith.constant 0 : i32
    %dma_wait3A_197 = tpu.memref_slice %arg2[%multiple_of3A_193, %dma_wait3A_196] : memref<100000x128xi32, #tpu.memory_space<hbm>> -> memref<136x128xi32, #tpu.memory_space<hbm>>
    tpu.wait_dma2 semaphore(%arg9 : memref<!tpu.dma_semaphore, #tpu.memory_space<semaphore_mem>>) src(%dma_wait3A_197 : memref<136x128xi32, #tpu.memory_space<hbm>>) dst(%arg6 : memref<136x128xi32, #tpu.memory_space<vmem>>)
    %scan3A_198 = arith.constant 0 : i32
    %scan3A_199 = arith.constant 0 : i32
    %scan3A_200 = arith.constant 136 : i32
    %scan3A_201 = arith.addi %scan3A_199, %scan3A_200 : i32
    %scan3A_202 = arith.constant 1 : i32
    scf.for %scan3A_782 = %scan3A_199 to %scan3A_201 step %scan3A_202  : i32 {
      %get3A = arith.index_cast %scan3A_782 : i32 to index
      %get3A_783 = arith.constant 0 : index
      %get3A_784 = tpu.vector_load %arg6[%get3A, %get3A_783] {strides = array<i32>} : memref<136x128xi32, #tpu.memory_space<vmem>>, vector<1x16xi32>,
      %get3A_785 = vector.shape_cast %get3A_784 : vector<1x16xi32> to vector<16xi32>
      %shift_left3A = arith.constant 16 : i32
      %shift_left3A_786 = vector.broadcast %shift_left3A : i32 to vector<16xi32>
      %shift_left3A_787 = arith.shli %get3A_785, %shift_left3A_786 : vector<16xi32>
      %swap3A = arith.index_cast %scan3A_782 : i32 to index
      %swap3A_788 = arith.constant 0 : index
      %swap3A_789 = tpu.vector_load %arg6[%swap3A, %swap3A_788] {strides = array<i32>} : memref<136x128xi32, #tpu.memory_space<vmem>>, vector<1x16xi32>,
      %swap3A_790 = vector.shape_cast %swap3A_789 : vector<1x16xi32> to vector<16xi32>
      %swap3A_791 = vector.shape_cast %shift_left3A_787 : vector<16xi32> to vector<1x16xi32>
      tpu.vector_store %arg6[%swap3A, %swap3A_788], %swap3A_791 {strides = array<i32>} : memref<136x128xi32, #tpu.memory_space<vmem>>, vector<1x16xi32>,
      %get3A_792 = arith.index_cast %scan3A_782 : i32 to index
      %get3A_793 = arith.constant 16 : index
      %get3A_794 = tpu.vector_load %arg6[%get3A_792, %get3A_793] {strides = array<i32>} : memref<136x128xi32, #tpu.memory_space<vmem>>, vector<1x16xi32>,
      %get3A_795 = vector.shape_cast %get3A_794 : vector<1x16xi32> to vector<16xi32>
      %shift_left3A_796 = arith.constant 16 : i32
      %shift_left3A_797 = vector.broadcast %shift_left3A_796 : i32 to vector<16xi32>
      %shift_left3A_798 = arith.shli %get3A_795, %shift_left3A_797 : vector<16xi32>
      %swap3A_799 = arith.index_cast %scan3A_782 : i32 to index
      %swap3A_800 = arith.constant 16 : index
      %swap3A_801 = tpu.vector_load %arg6[%swap3A_799, %swap3A_800] {strides = array<i32>} : memref<136x128xi32, #tpu.memory_space<vmem>>, vector<1x16xi32>,
      %swap3A_802 = vector.shape_cast %swap3A_801 : vector<1x16xi32> to vector<16xi32>
      %swap3A_803 = vector.shape_cast %shift_left3A_798 : vector<16xi32> to vector<1x16xi32>
      tpu.vector_store %arg6[%swap3A_799, %swap3A_800], %swap3A_803 {strides = array<i32>} : memref<136x128xi32, #tpu.memory_space<vmem>>, vector<1x16xi32>,
      %get3A_804 = arith.index_cast %scan3A_782 : i32 to index
      %get3A_805 = arith.constant 32 : index
      %get3A_806 = tpu.vector_load %arg6[%get3A_804, %get3A_805] {strides = array<i32>} : memref<136x128xi32, #tpu.memory_space<vmem>>, vector<1x16xi32>,
      %get3A_807 = vector.shape_cast %get3A_806 : vector<1x16xi32> to vector<16xi32>
      %shift_left3A_808 = arith.constant 16 : i32
      %shift_left3A_809 = vector.broadcast %shift_left3A_808 : i32 to vector<16xi32>
      %shift_left3A_810 = arith.shli %get3A_807, %shift_left3A_809 : vector<16xi32>
      %swap3A_811 = arith.index_cast %scan3A_782 : i32 to index
      %swap3A_812 = arith.constant 32 : index
      %swap3A_813 = tpu.vector_load %arg6[%swap3A_811, %swap3A_812] {strides = array<i32>} : memref<136x128xi32, #tpu.memory_space<vmem>>, vector<1x16xi32>,
      %swap3A_814 = vector.shape_cast %swap3A_813 : vector<1x16xi32> to vector<16xi32>
      %swap3A_815 = vector.shape_cast %shift_left3A_810 : vector<16xi32> to vector<1x16xi32>
      tpu.vector_store %arg6[%swap3A_811, %swap3A_812], %swap3A_815 {strides = array<i32>} : memref<136x128xi32, #tpu.memory_space<vmem>>, vector<1x16xi32>,
      %get3A_816 = arith.index_cast %scan3A_782 : i32 to index
      %get3A_817 = arith.constant 48 : index
      %get3A_818 = tpu.vector_load %arg6[%get3A_816, %get3A_817] {strides = array<i32>} : memref<136x128xi32, #tpu.memory_space<vmem>>, vector<1x16xi32>,
      %get3A_819 = vector.shape_cast %get3A_818 : vector<1x16xi32> to vector<16xi32>
      %shift_left3A_820 = arith.constant 16 : i32
      %shift_left3A_821 = vector.broadcast %shift_left3A_820 : i32 to vector<16xi32>
      %shift_left3A_822 = arith.shli %get3A_819, %shift_left3A_821 : vector<16xi32>
      %swap3A_823 = arith.index_cast %scan3A_782 : i32 to index
      %swap3A_824 = arith.constant 48 : index
      %swap3A_825 = tpu.vector_load %arg6[%swap3A_823, %swap3A_824] {strides = array<i32>} : memref<136x128xi32, #tpu.memory_space<vmem>>, vector<1x16xi32>,
      %swap3A_826 = vector.shape_cast %swap3A_825 : vector<1x16xi32> to vector<16xi32>
      %swap3A_827 = vector.shape_cast %shift_left3A_822 : vector<16xi32> to vector<1x16xi32>
      tpu.vector_store %arg6[%swap3A_823, %swap3A_824], %swap3A_827 {strides = array<i32>} : memref<136x128xi32, #tpu.memory_space<vmem>>, vector<1x16xi32>,
      %get3A_828 = arith.index_cast %scan3A_782 : i32 to index
      %get3A_829 = arith.constant 64 : index
      %get3A_830 = tpu.vector_load %arg6[%get3A_828, %get3A_829] {strides = array<i32>} : memref<136x128xi32, #tpu.memory_space<vmem>>, vector<1x16xi32>,
      %get3A_831 = vector.shape_cast %get3A_830 : vector<1x16xi32> to vector<16xi32>
      %shift_left3A_832 = arith.constant 16 : i32
      %shift_left3A_833 = vector.broadcast %shift_left3A_832 : i32 to vector<16xi32>
      %shift_left3A_834 = arith.shli %get3A_831, %shift_left3A_833 : vector<16xi32>
      %swap3A_835 = arith.index_cast %scan3A_782 : i32 to index
      %swap3A_836 = arith.constant 64 : index
      %swap3A_837 = tpu.vector_load %arg6[%swap3A_835, %swap3A_836] {strides = array<i32>} : memref<136x128xi32, #tpu.memory_space<vmem>>, vector<1x16xi32>,
      %swap3A_838 = vector.shape_cast %swap3A_837 : vector<1x16xi32> to vector<16xi32>
      %swap3A_839 = vector.shape_cast %shift_left3A_834 : vector<16xi32> to vector<1x16xi32>
      tpu.vector_store %arg6[%swap3A_835, %swap3A_836], %swap3A_839 {strides = array<i32>} : memref<136x128xi32, #tpu.memory_space<vmem>>, vector<1x16xi32>,
      %get3A_840 = arith.index_cast %scan3A_782 : i32 to index
      %get3A_841 = arith.constant 80 : index
      %get3A_842 = tpu.vector_load %arg6[%get3A_840, %get3A_841] {strides = array<i32>} : memref<136x128xi32, #tpu.memory_space<vmem>>, vector<1x16xi32>,
      %get3A_843 = vector.shape_cast %get3A_842 : vector<1x16xi32> to vector<16xi32>
      %shift_left3A_844 = arith.constant 16 : i32
      %shift_left3A_845 = vector.broadcast %shift_left3A_844 : i32 to vector<16xi32>
      %shift_left3A_846 = arith.shli %get3A_843, %shift_left3A_845 : vector<16xi32>
      %swap3A_847 = arith.index_cast %scan3A_782 : i32 to index
      %swap3A_848 = arith.constant 80 : index
      %swap3A_849 = tpu.vector_load %arg6[%swap3A_847, %swap3A_848] {strides = array<i32>} : memref<136x128xi32, #tpu.memory_space<vmem>>, vector<1x16xi32>,
      %swap3A_850 = vector.shape_cast %swap3A_849 : vector<1x16xi32> to vector<16xi32>
      %swap3A_851 = vector.shape_cast %shift_left3A_846 : vector<16xi32> to vector<1x16xi32>
      tpu.vector_store %arg6[%swap3A_847, %swap3A_848], %swap3A_851 {strides = array<i32>} : memref<136x128xi32, #tpu.memory_space<vmem>>, vector<1x16xi32>,
      %get3A_852 = arith.index_cast %scan3A_782 : i32 to index
      %get3A_853 = arith.constant 96 : index
      %get3A_854 = tpu.vector_load %arg6[%get3A_852, %get3A_853] {strides = array<i32>} : memref<136x128xi32, #tpu.memory_space<vmem>>, vector<1x16xi32>,
      %get3A_855 = vector.shape_cast %get3A_854 : vector<1x16xi32> to vector<16xi32>
      %shift_left3A_856 = arith.constant 16 : i32
      %shift_left3A_857 = vector.broadcast %shift_left3A_856 : i32 to vector<16xi32>
      %shift_left3A_858 = arith.shli %get3A_855, %shift_left3A_857 : vector<16xi32>
      %swap3A_859 = arith.index_cast %scan3A_782 : i32 to index
      %swap3A_860 = arith.constant 96 : index
      %swap3A_861 = tpu.vector_load %arg6[%swap3A_859, %swap3A_860] {strides = array<i32>} : memref<136x128xi32, #tpu.memory_space<vmem>>, vector<1x16xi32>,
      %swap3A_862 = vector.shape_cast %swap3A_861 : vector<1x16xi32> to vector<16xi32>
      %swap3A_863 = vector.shape_cast %shift_left3A_858 : vector<16xi32> to vector<1x16xi32>
      tpu.vector_store %arg6[%swap3A_859, %swap3A_860], %swap3A_863 {strides = array<i32>} : memref<136x128xi32, #tpu.memory_space<vmem>>, vector<1x16xi32>,
      %get3A_864 = arith.index_cast %scan3A_782 : i32 to index
      %get3A_865 = arith.constant 112 : index
      %get3A_866 = tpu.vector_load %arg6[%get3A_864, %get3A_865] {strides = array<i32>} : memref<136x128xi32, #tpu.memory_space<vmem>>, vector<1x16xi32>,
      %get3A_867 = vector.shape_cast %get3A_866 : vector<1x16xi32> to vector<16xi32>
      %shift_left3A_868 = arith.constant 16 : i32
      %shift_left3A_869 = vector.broadcast %shift_left3A_868 : i32 to vector<16xi32>
      %shift_left3A_870 = arith.shli %get3A_867, %shift_left3A_869 : vector<16xi32>
      %swap3A_871 = arith.index_cast %scan3A_782 : i32 to index
      %swap3A_872 = arith.constant 112 : index
      %swap3A_873 = tpu.vector_load %arg6[%swap3A_871, %swap3A_872] {strides = array<i32>} : memref<136x128xi32, #tpu.memory_space<vmem>>, vector<1x16xi32>,
      %swap3A_874 = vector.shape_cast %swap3A_873 : vector<1x16xi32> to vector<16xi32>
      %swap3A_875 = vector.shape_cast %shift_left3A_870 : vector<16xi32> to vector<1x16xi32>
      tpu.vector_store %arg6[%swap3A_871, %swap3A_872], %swap3A_875 {strides = array<i32>} : memref<136x128xi32, #tpu.memory_space<vmem>>, vector<1x16xi32>,
    }
    %scan3A_203 = arith.constant 136 : i32
    %add3A_204 = arith.constant 680 : i32
    %add3A_205 = arith.addi %min3A_3, %add3A_204 : i32
    %multiple_of3A_206 = tpu.assume_multiple %add3A_205, 8 : i32
    %dma_start3A_207 = arith.constant 0 : i32
    %dma_start3A_208 = tpu.memref_slice %arg3[%multiple_of3A_206, %dma_start3A_207] : memref<100000x128xi32, #tpu.memory_space<hbm>> -> memref<136x128xi32, #tpu.memory_space<hbm>>
    %dma_start3A_209 = arith.constant 0 : i32
    %dma_start3A_210 = tpu.memref_slice %arg3[%multiple_of3A_206, %dma_start3A_209] : memref<100000x128xi32, #tpu.memory_space<hbm>> -> memref<136x128xi32, #tpu.memory_space<hbm>>
    tpu.enqueue_dma source(%arg6 : memref<136x128xi32, #tpu.memory_space<vmem>>) target(%dma_start3A_210 : memref<136x128xi32, #tpu.memory_space<hbm>>) target_semaphore(%arg12 : memref<!tpu.dma_semaphore, #tpu.memory_space<semaphore_mem>>)
    %add3A_211 = arith.constant 680 : i32
    %add3A_212 = arith.addi %min3A_3, %add3A_211 : i32
    %multiple_of3A_213 = tpu.assume_multiple %add3A_212, 8 : i32
    %dma_wait3A_214 = arith.constant 0 : i32
    %dma_wait3A_215 = tpu.memref_slice %arg3[%multiple_of3A_213, %dma_wait3A_214] : memref<100000x128xi32, #tpu.memory_space<hbm>> -> memref<136x128xi32, #tpu.memory_space<hbm>>
    %dma_wait3A_216 = arith.constant 0 : i32
    %dma_wait3A_217 = tpu.memref_slice %arg3[%multiple_of3A_213, %dma_wait3A_216] : memref<100000x128xi32, #tpu.memory_space<hbm>> -> memref<136x128xi32, #tpu.memory_space<hbm>>
    tpu.wait_dma2 semaphore(%arg12 : memref<!tpu.dma_semaphore, #tpu.memory_space<semaphore_mem>>) src(%arg6 : memref<136x128xi32, #tpu.memory_space<vmem>>) dst(%dma_wait3A_217 : memref<136x128xi32, #tpu.memory_space<hbm>>)
    %add3A_218 = arith.constant 1088 : i32
    %add3A_219 = arith.addi %min3A_3, %add3A_218 : i32
    %multiple_of3A_220 = tpu.assume_multiple %add3A_219, 8 : i32
    %dma_start3A_221 = arith.constant 0 : i32
    %dma_start3A_222 = tpu.memref_slice %arg2[%multiple_of3A_220, %dma_start3A_221] : memref<100000x128xi32, #tpu.memory_space<hbm>> -> memref<136x128xi32, #tpu.memory_space<hbm>>
    %dma_start3A_223 = arith.constant 0 : i32
    %dma_start3A_224 = tpu.memref_slice %arg2[%multiple_of3A_220, %dma_start3A_223] : memref<100000x128xi32, #tpu.memory_space<hbm>> -> memref<136x128xi32, #tpu.memory_space<hbm>>
    tpu.enqueue_dma source(%dma_start3A_224 : memref<136x128xi32, #tpu.memory_space<hbm>>) target(%arg6 : memref<136x128xi32, #tpu.memory_space<vmem>>) target_semaphore(%arg9 : memref<!tpu.dma_semaphore, #tpu.memory_space<semaphore_mem>>)
    %add3A_225 = arith.constant 816 : i32
    %add3A_226 = arith.addi %min3A_3, %add3A_225 : i32
    %multiple_of3A_227 = tpu.assume_multiple %add3A_226, 8 : i32
    %dma_wait3A_228 = arith.constant 0 : i32
    %dma_wait3A_229 = tpu.memref_slice %arg2[%multiple_of3A_227, %dma_wait3A_228] : memref<100000x128xi32, #tpu.memory_space<hbm>> -> memref<136x128xi32, #tpu.memory_space<hbm>>
    %dma_wait3A_230 = arith.constant 0 : i32
    %dma_wait3A_231 = tpu.memref_slice %arg2[%multiple_of3A_227, %dma_wait3A_230] : memref<100000x128xi32, #tpu.memory_space<hbm>> -> memref<136x128xi32, #tpu.memory_space<hbm>>
    tpu.wait_dma2 semaphore(%arg7 : memref<!tpu.dma_semaphore, #tpu.memory_space<semaphore_mem>>) src(%dma_wait3A_231 : memref<136x128xi32, #tpu.memory_space<hbm>>) dst(%arg4 : memref<136x128xi32, #tpu.memory_space<vmem>>)
    %scan3A_232 = arith.constant 0 : i32
    %scan3A_233 = arith.constant 0 : i32
    %scan3A_234 = arith.constant 136 : i32
    %scan3A_235 = arith.addi %scan3A_233, %scan3A_234 : i32
    %scan3A_236 = arith.constant 1 : i32
    scf.for %scan3A_782 = %scan3A_233 to %scan3A_235 step %scan3A_236  : i32 {
      %get3A = arith.index_cast %scan3A_782 : i32 to index
      %get3A_783 = arith.constant 0 : index
      %get3A_784 = tpu.vector_load %arg4[%get3A, %get3A_783] {strides = array<i32>} : memref<136x128xi32, #tpu.memory_space<vmem>>, vector<1x16xi32>,
      %get3A_785 = vector.shape_cast %get3A_784 : vector<1x16xi32> to vector<16xi32>
      %shift_left3A = arith.constant 16 : i32
      %shift_left3A_786 = vector.broadcast %shift_left3A : i32 to vector<16xi32>
      %shift_left3A_787 = arith.shli %get3A_785, %shift_left3A_786 : vector<16xi32>
      %swap3A = arith.index_cast %scan3A_782 : i32 to index
      %swap3A_788 = arith.constant 0 : index
      %swap3A_789 = tpu.vector_load %arg4[%swap3A, %swap3A_788] {strides = array<i32>} : memref<136x128xi32, #tpu.memory_space<vmem>>, vector<1x16xi32>,
      %swap3A_790 = vector.shape_cast %swap3A_789 : vector<1x16xi32> to vector<16xi32>
      %swap3A_791 = vector.shape_cast %shift_left3A_787 : vector<16xi32> to vector<1x16xi32>
      tpu.vector_store %arg4[%swap3A, %swap3A_788], %swap3A_791 {strides = array<i32>} : memref<136x128xi32, #tpu.memory_space<vmem>>, vector<1x16xi32>,
      %get3A_792 = arith.index_cast %scan3A_782 : i32 to index
      %get3A_793 = arith.constant 16 : index
      %get3A_794 = tpu.vector_load %arg4[%get3A_792, %get3A_793] {strides = array<i32>} : memref<136x128xi32, #tpu.memory_space<vmem>>, vector<1x16xi32>,
      %get3A_795 = vector.shape_cast %get3A_794 : vector<1x16xi32> to vector<16xi32>
      %shift_left3A_796 = arith.constant 16 : i32
      %shift_left3A_797 = vector.broadcast %shift_left3A_796 : i32 to vector<16xi32>
      %shift_left3A_798 = arith.shli %get3A_795, %shift_left3A_797 : vector<16xi32>
      %swap3A_799 = arith.index_cast %scan3A_782 : i32 to index
      %swap3A_800 = arith.constant 16 : index
      %swap3A_801 = tpu.vector_load %arg4[%swap3A_799, %swap3A_800] {strides = array<i32>} : memref<136x128xi32, #tpu.memory_space<vmem>>, vector<1x16xi32>,
      %swap3A_802 = vector.shape_cast %swap3A_801 : vector<1x16xi32> to vector<16xi32>
      %swap3A_803 = vector.shape_cast %shift_left3A_798 : vector<16xi32> to vector<1x16xi32>
      tpu.vector_store %arg4[%swap3A_799, %swap3A_800], %swap3A_803 {strides = array<i32>} : memref<136x128xi32, #tpu.memory_space<vmem>>, vector<1x16xi32>,
      %get3A_804 = arith.index_cast %scan3A_782 : i32 to index
      %get3A_805 = arith.constant 32 : index
      %get3A_806 = tpu.vector_load %arg4[%get3A_804, %get3A_805] {strides = array<i32>} : memref<136x128xi32, #tpu.memory_space<vmem>>, vector<1x16xi32>,
      %get3A_807 = vector.shape_cast %get3A_806 : vector<1x16xi32> to vector<16xi32>
      %shift_left3A_808 = arith.constant 16 : i32
      %shift_left3A_809 = vector.broadcast %shift_left3A_808 : i32 to vector<16xi32>
      %shift_left3A_810 = arith.shli %get3A_807, %shift_left3A_809 : vector<16xi32>
      %swap3A_811 = arith.index_cast %scan3A_782 : i32 to index
      %swap3A_812 = arith.constant 32 : index
      %swap3A_813 = tpu.vector_load %arg4[%swap3A_811, %swap3A_812] {strides = array<i32>} : memref<136x128xi32, #tpu.memory_space<vmem>>, vector<1x16xi32>,
      %swap3A_814 = vector.shape_cast %swap3A_813 : vector<1x16xi32> to vector<16xi32>
      %swap3A_815 = vector.shape_cast %shift_left3A_810 : vector<16xi32> to vector<1x16xi32>
      tpu.vector_store %arg4[%swap3A_811, %swap3A_812], %swap3A_815 {strides = array<i32>} : memref<136x128xi32, #tpu.memory_space<vmem>>, vector<1x16xi32>,
      %get3A_816 = arith.index_cast %scan3A_782 : i32 to index
      %get3A_817 = arith.constant 48 : index
      %get3A_818 = tpu.vector_load %arg4[%get3A_816, %get3A_817] {strides = array<i32>} : memref<136x128xi32, #tpu.memory_space<vmem>>, vector<1x16xi32>,
      %get3A_819 = vector.shape_cast %get3A_818 : vector<1x16xi32> to vector<16xi32>
      %shift_left3A_820 = arith.constant 16 : i32
      %shift_left3A_821 = vector.broadcast %shift_left3A_820 : i32 to vector<16xi32>
      %shift_left3A_822 = arith.shli %get3A_819, %shift_left3A_821 : vector<16xi32>
      %swap3A_823 = arith.index_cast %scan3A_782 : i32 to index
      %swap3A_824 = arith.constant 48 : index
      %swap3A_825 = tpu.vector_load %arg4[%swap3A_823, %swap3A_824] {strides = array<i32>} : memref<136x128xi32, #tpu.memory_space<vmem>>, vector<1x16xi32>,
      %swap3A_826 = vector.shape_cast %swap3A_825 : vector<1x16xi32> to vector<16xi32>
      %swap3A_827 = vector.shape_cast %shift_left3A_822 : vector<16xi32> to vector<1x16xi32>
      tpu.vector_store %arg4[%swap3A_823, %swap3A_824], %swap3A_827 {strides = array<i32>} : memref<136x128xi32, #tpu.memory_space<vmem>>, vector<1x16xi32>,
      %get3A_828 = arith.index_cast %scan3A_782 : i32 to index
      %get3A_829 = arith.constant 64 : index
      %get3A_830 = tpu.vector_load %arg4[%get3A_828, %get3A_829] {strides = array<i32>} : memref<136x128xi32, #tpu.memory_space<vmem>>, vector<1x16xi32>,
      %get3A_831 = vector.shape_cast %get3A_830 : vector<1x16xi32> to vector<16xi32>
      %shift_left3A_832 = arith.constant 16 : i32
      %shift_left3A_833 = vector.broadcast %shift_left3A_832 : i32 to vector<16xi32>
      %shift_left3A_834 = arith.shli %get3A_831, %shift_left3A_833 : vector<16xi32>
      %swap3A_835 = arith.index_cast %scan3A_782 : i32 to index
      %swap3A_836 = arith.constant 64 : index
      %swap3A_837 = tpu.vector_load %arg4[%swap3A_835, %swap3A_836] {strides = array<i32>} : memref<136x128xi32, #tpu.memory_space<vmem>>, vector<1x16xi32>,
      %swap3A_838 = vector.shape_cast %swap3A_837 : vector<1x16xi32> to vector<16xi32>
      %swap3A_839 = vector.shape_cast %shift_left3A_834 : vector<16xi32> to vector<1x16xi32>
      tpu.vector_store %arg4[%swap3A_835, %swap3A_836], %swap3A_839 {strides = array<i32>} : memref<136x128xi32, #tpu.memory_space<vmem>>, vector<1x16xi32>,
      %get3A_840 = arith.index_cast %scan3A_782 : i32 to index
      %get3A_841 = arith.constant 80 : index
      %get3A_842 = tpu.vector_load %arg4[%get3A_840, %get3A_841] {strides = array<i32>} : memref<136x128xi32, #tpu.memory_space<vmem>>, vector<1x16xi32>,
      %get3A_843 = vector.shape_cast %get3A_842 : vector<1x16xi32> to vector<16xi32>
      %shift_left3A_844 = arith.constant 16 : i32
      %shift_left3A_845 = vector.broadcast %shift_left3A_844 : i32 to vector<16xi32>
      %shift_left3A_846 = arith.shli %get3A_843, %shift_left3A_845 : vector<16xi32>
      %swap3A_847 = arith.index_cast %scan3A_782 : i32 to index
      %swap3A_848 = arith.constant 80 : index
      %swap3A_849 = tpu.vector_load %arg4[%swap3A_847, %swap3A_848] {strides = array<i32>} : memref<136x128xi32, #tpu.memory_space<vmem>>, vector<1x16xi32>,
      %swap3A_850 = vector.shape_cast %swap3A_849 : vector<1x16xi32> to vector<16xi32>
      %swap3A_851 = vector.shape_cast %shift_left3A_846 : vector<16xi32> to vector<1x16xi32>
      tpu.vector_store %arg4[%swap3A_847, %swap3A_848], %swap3A_851 {strides = array<i32>} : memref<136x128xi32, #tpu.memory_space<vmem>>, vector<1x16xi32>,
      %get3A_852 = arith.index_cast %scan3A_782 : i32 to index
      %get3A_853 = arith.constant 96 : index
      %get3A_854 = tpu.vector_load %arg4[%get3A_852, %get3A_853] {strides = array<i32>} : memref<136x128xi32, #tpu.memory_space<vmem>>, vector<1x16xi32>,
      %get3A_855 = vector.shape_cast %get3A_854 : vector<1x16xi32> to vector<16xi32>
      %shift_left3A_856 = arith.constant 16 : i32
      %shift_left3A_857 = vector.broadcast %shift_left3A_856 : i32 to vector<16xi32>
      %shift_left3A_858 = arith.shli %get3A_855, %shift_left3A_857 : vector<16xi32>
      %swap3A_859 = arith.index_cast %scan3A_782 : i32 to index
      %swap3A_860 = arith.constant 96 : index
      %swap3A_861 = tpu.vector_load %arg4[%swap3A_859, %swap3A_860] {strides = array<i32>} : memref<136x128xi32, #tpu.memory_space<vmem>>, vector<1x16xi32>,
      %swap3A_862 = vector.shape_cast %swap3A_861 : vector<1x16xi32> to vector<16xi32>
      %swap3A_863 = vector.shape_cast %shift_left3A_858 : vector<16xi32> to vector<1x16xi32>
      tpu.vector_store %arg4[%swap3A_859, %swap3A_860], %swap3A_863 {strides = array<i32>} : memref<136x128xi32, #tpu.memory_space<vmem>>, vector<1x16xi32>,
      %get3A_864 = arith.index_cast %scan3A_782 : i32 to index
      %get3A_865 = arith.constant 112 : index
      %get3A_866 = tpu.vector_load %arg4[%get3A_864, %get3A_865] {strides = array<i32>} : memref<136x128xi32, #tpu.memory_space<vmem>>, vector<1x16xi32>,
      %get3A_867 = vector.shape_cast %get3A_866 : vector<1x16xi32> to vector<16xi32>
      %shift_left3A_868 = arith.constant 16 : i32
      %shift_left3A_869 = vector.broadcast %shift_left3A_868 : i32 to vector<16xi32>
      %shift_left3A_870 = arith.shli %get3A_867, %shift_left3A_869 : vector<16xi32>
      %swap3A_871 = arith.index_cast %scan3A_782 : i32 to index
      %swap3A_872 = arith.constant 112 : index
      %swap3A_873 = tpu.vector_load %arg4[%swap3A_871, %swap3A_872] {strides = array<i32>} : memref<136x128xi32, #tpu.memory_space<vmem>>, vector<1x16xi32>,
      %swap3A_874 = vector.shape_cast %swap3A_873 : vector<1x16xi32> to vector<16xi32>
      %swap3A_875 = vector.shape_cast %shift_left3A_870 : vector<16xi32> to vector<1x16xi32>
      tpu.vector_store %arg4[%swap3A_871, %swap3A_872], %swap3A_875 {strides = array<i32>} : memref<136x128xi32, #tpu.memory_space<vmem>>, vector<1x16xi32>,
    }
    %scan3A_237 = arith.constant 136 : i32
    %add3A_238 = arith.constant 816 : i32
    %add3A_239 = arith.addi %min3A_3, %add3A_238 : i32
    %multiple_of3A_240 = tpu.assume_multiple %add3A_239, 8 : i32
    %dma_start3A_241 = arith.constant 0 : i32
    %dma_start3A_242 = tpu.memref_slice %arg3[%multiple_of3A_240, %dma_start3A_241] : memref<100000x128xi32, #tpu.memory_space<hbm>> -> memref<136x128xi32, #tpu.memory_space<hbm>>
    %dma_start3A_243 = arith.constant 0 : i32
    %dma_start3A_244 = tpu.memref_slice %arg3[%multiple_of3A_240, %dma_start3A_243] : memref<100000x128xi32, #tpu.memory_space<hbm>> -> memref<136x128xi32, #tpu.memory_space<hbm>>
    tpu.enqueue_dma source(%arg4 : memref<136x128xi32, #tpu.memory_space<vmem>>) target(%dma_start3A_244 : memref<136x128xi32, #tpu.memory_space<hbm>>) target_semaphore(%arg10 : memref<!tpu.dma_semaphore, #tpu.memory_space<semaphore_mem>>)
    %add3A_245 = arith.constant 816 : i32
    %add3A_246 = arith.addi %min3A_3, %add3A_245 : i32
    %multiple_of3A_247 = tpu.assume_multiple %add3A_246, 8 : i32
    %dma_wait3A_248 = arith.constant 0 : i32
    %dma_wait3A_249 = tpu.memref_slice %arg3[%multiple_of3A_247, %dma_wait3A_248] : memref<100000x128xi32, #tpu.memory_space<hbm>> -> memref<136x128xi32, #tpu.memory_space<hbm>>
    %dma_wait3A_250 = arith.constant 0 : i32
    %dma_wait3A_251 = tpu.memref_slice %arg3[%multiple_of3A_247, %dma_wait3A_250] : memref<100000x128xi32, #tpu.memory_space<hbm>> -> memref<136x128xi32, #tpu.memory_space<hbm>>
    tpu.wait_dma2 semaphore(%arg10 : memref<!tpu.dma_semaphore, #tpu.memory_space<semaphore_mem>>) src(%arg4 : memref<136x128xi32, #tpu.memory_space<vmem>>) dst(%dma_wait3A_251 : memref<136x128xi32, #tpu.memory_space<hbm>>)
    %add3A_252 = arith.constant 1224 : i32
    %add3A_253 = arith.addi %min3A_3, %add3A_252 : i32
    %multiple_of3A_254 = tpu.assume_multiple %add3A_253, 8 : i32
    %dma_start3A_255 = arith.constant 0 : i32
    %dma_start3A_256 = tpu.memref_slice %arg2[%multiple_of3A_254, %dma_start3A_255] : memref<100000x128xi32, #tpu.memory_space<hbm>> -> memref<136x128xi32, #tpu.memory_space<hbm>>
    %dma_start3A_257 = arith.constant 0 : i32
    %dma_start3A_258 = tpu.memref_slice %arg2[%multiple_of3A_254, %dma_start3A_257] : memref<100000x128xi32, #tpu.memory_space<hbm>> -> memref<136x128xi32, #tpu.memory_space<hbm>>
    tpu.enqueue_dma source(%dma_start3A_258 : memref<136x128xi32, #tpu.memory_space<hbm>>) target(%arg4 : memref<136x128xi32, #tpu.memory_space<vmem>>) target_semaphore(%arg7 : memref<!tpu.dma_semaphore, #tpu.memory_space<semaphore_mem>>)
    %add3A_259 = arith.constant 952 : i32
    %add3A_260 = arith.addi %min3A_3, %add3A_259 : i32
    %multiple_of3A_261 = tpu.assume_multiple %add3A_260, 8 : i32
    %dma_wait3A_262 = arith.constant 0 : i32
    %dma_wait3A_263 = tpu.memref_slice %arg2[%multiple_of3A_261, %dma_wait3A_262] : memref<100000x128xi32, #tpu.memory_space<hbm>> -> memref<136x128xi32, #tpu.memory_space<hbm>>
    %dma_wait3A_264 = arith.constant 0 : i32
    %dma_wait3A_265 = tpu.memref_slice %arg2[%multiple_of3A_261, %dma_wait3A_264] : memref<100000x128xi32, #tpu.memory_space<hbm>> -> memref<136x128xi32, #tpu.memory_space<hbm>>
    tpu.wait_dma2 semaphore(%arg8 : memref<!tpu.dma_semaphore, #tpu.memory_space<semaphore_mem>>) src(%dma_wait3A_265 : memref<136x128xi32, #tpu.memory_space<hbm>>) dst(%arg5 : memref<136x128xi32, #tpu.memory_space<vmem>>)
    %scan3A_266 = arith.constant 0 : i32
    %scan3A_267 = arith.constant 0 : i32
    %scan3A_268 = arith.constant 136 : i32
    %scan3A_269 = arith.addi %scan3A_267, %scan3A_268 : i32
    %scan3A_270 = arith.constant 1 : i32
    scf.for %scan3A_782 = %scan3A_267 to %scan3A_269 step %scan3A_270  : i32 {
      %get3A = arith.index_cast %scan3A_782 : i32 to index
      %get3A_783 = arith.constant 0 : index
      %get3A_784 = tpu.vector_load %arg5[%get3A, %get3A_783] {strides = array<i32>} : memref<136x128xi32, #tpu.memory_space<vmem>>, vector<1x16xi32>,
      %get3A_785 = vector.shape_cast %get3A_784 : vector<1x16xi32> to vector<16xi32>
      %shift_left3A = arith.constant 16 : i32
      %shift_left3A_786 = vector.broadcast %shift_left3A : i32 to vector<16xi32>
      %shift_left3A_787 = arith.shli %get3A_785, %shift_left3A_786 : vector<16xi32>
      %swap3A = arith.index_cast %scan3A_782 : i32 to index
      %swap3A_788 = arith.constant 0 : index
      %swap3A_789 = tpu.vector_load %arg5[%swap3A, %swap3A_788] {strides = array<i32>} : memref<136x128xi32, #tpu.memory_space<vmem>>, vector<1x16xi32>,
      %swap3A_790 = vector.shape_cast %swap3A_789 : vector<1x16xi32> to vector<16xi32>
      %swap3A_791 = vector.shape_cast %shift_left3A_787 : vector<16xi32> to vector<1x16xi32>
      tpu.vector_store %arg5[%swap3A, %swap3A_788], %swap3A_791 {strides = array<i32>} : memref<136x128xi32, #tpu.memory_space<vmem>>, vector<1x16xi32>,
      %get3A_792 = arith.index_cast %scan3A_782 : i32 to index
      %get3A_793 = arith.constant 16 : index
      %get3A_794 = tpu.vector_load %arg5[%get3A_792, %get3A_793] {strides = array<i32>} : memref<136x128xi32, #tpu.memory_space<vmem>>, vector<1x16xi32>,
      %get3A_795 = vector.shape_cast %get3A_794 : vector<1x16xi32> to vector<16xi32>
      %shift_left3A_796 = arith.constant 16 : i32
      %shift_left3A_797 = vector.broadcast %shift_left3A_796 : i32 to vector<16xi32>
      %shift_left3A_798 = arith.shli %get3A_795, %shift_left3A_797 : vector<16xi32>
      %swap3A_799 = arith.index_cast %scan3A_782 : i32 to index
      %swap3A_800 = arith.constant 16 : index
      %swap3A_801 = tpu.vector_load %arg5[%swap3A_799, %swap3A_800] {strides = array<i32>} : memref<136x128xi32, #tpu.memory_space<vmem>>, vector<1x16xi32>,
      %swap3A_802 = vector.shape_cast %swap3A_801 : vector<1x16xi32> to vector<16xi32>
      %swap3A_803 = vector.shape_cast %shift_left3A_798 : vector<16xi32> to vector<1x16xi32>
      tpu.vector_store %arg5[%swap3A_799, %swap3A_800], %swap3A_803 {strides = array<i32>} : memref<136x128xi32, #tpu.memory_space<vmem>>, vector<1x16xi32>,
      %get3A_804 = arith.index_cast %scan3A_782 : i32 to index
      %get3A_805 = arith.constant 32 : index
      %get3A_806 = tpu.vector_load %arg5[%get3A_804, %get3A_805] {strides = array<i32>} : memref<136x128xi32, #tpu.memory_space<vmem>>, vector<1x16xi32>,
      %get3A_807 = vector.shape_cast %get3A_806 : vector<1x16xi32> to vector<16xi32>
      %shift_left3A_808 = arith.constant 16 : i32
      %shift_left3A_809 = vector.broadcast %shift_left3A_808 : i32 to vector<16xi32>
      %shift_left3A_810 = arith.shli %get3A_807, %shift_left3A_809 : vector<16xi32>
      %swap3A_811 = arith.index_cast %scan3A_782 : i32 to index
      %swap3A_812 = arith.constant 32 : index
      %swap3A_813 = tpu.vector_load %arg5[%swap3A_811, %swap3A_812] {strides = array<i32>} : memref<136x128xi32, #tpu.memory_space<vmem>>, vector<1x16xi32>,
      %swap3A_814 = vector.shape_cast %swap3A_813 : vector<1x16xi32> to vector<16xi32>
      %swap3A_815 = vector.shape_cast %shift_left3A_810 : vector<16xi32> to vector<1x16xi32>
      tpu.vector_store %arg5[%swap3A_811, %swap3A_812], %swap3A_815 {strides = array<i32>} : memref<136x128xi32, #tpu.memory_space<vmem>>, vector<1x16xi32>,
      %get3A_816 = arith.index_cast %scan3A_782 : i32 to index
      %get3A_817 = arith.constant 48 : index
      %get3A_818 = tpu.vector_load %arg5[%get3A_816, %get3A_817] {strides = array<i32>} : memref<136x128xi32, #tpu.memory_space<vmem>>, vector<1x16xi32>,
      %get3A_819 = vector.shape_cast %get3A_818 : vector<1x16xi32> to vector<16xi32>
      %shift_left3A_820 = arith.constant 16 : i32
      %shift_left3A_821 = vector.broadcast %shift_left3A_820 : i32 to vector<16xi32>
      %shift_left3A_822 = arith.shli %get3A_819, %shift_left3A_821 : vector<16xi32>
      %swap3A_823 = arith.index_cast %scan3A_782 : i32 to index
      %swap3A_824 = arith.constant 48 : index
      %swap3A_825 = tpu.vector_load %arg5[%swap3A_823, %swap3A_824] {strides = array<i32>} : memref<136x128xi32, #tpu.memory_space<vmem>>, vector<1x16xi32>,
      %swap3A_826 = vector.shape_cast %swap3A_825 : vector<1x16xi32> to vector<16xi32>
      %swap3A_827 = vector.shape_cast %shift_left3A_822 : vector<16xi32> to vector<1x16xi32>
      tpu.vector_store %arg5[%swap3A_823, %swap3A_824], %swap3A_827 {strides = array<i32>} : memref<136x128xi32, #tpu.memory_space<vmem>>, vector<1x16xi32>,
      %get3A_828 = arith.index_cast %scan3A_782 : i32 to index
      %get3A_829 = arith.constant 64 : index
      %get3A_830 = tpu.vector_load %arg5[%get3A_828, %get3A_829] {strides = array<i32>} : memref<136x128xi32, #tpu.memory_space<vmem>>, vector<1x16xi32>,
      %get3A_831 = vector.shape_cast %get3A_830 : vector<1x16xi32> to vector<16xi32>
      %shift_left3A_832 = arith.constant 16 : i32
      %shift_left3A_833 = vector.broadcast %shift_left3A_832 : i32 to vector<16xi32>
      %shift_left3A_834 = arith.shli %get3A_831, %shift_left3A_833 : vector<16xi32>
      %swap3A_835 = arith.index_cast %scan3A_782 : i32 to index
      %swap3A_836 = arith.constant 64 : index
      %swap3A_837 = tpu.vector_load %arg5[%swap3A_835, %swap3A_836] {strides = array<i32>} : memref<136x128xi32, #tpu.memory_space<vmem>>, vector<1x16xi32>,
      %swap3A_838 = vector.shape_cast %swap3A_837 : vector<1x16xi32> to vector<16xi32>
      %swap3A_839 = vector.shape_cast %shift_left3A_834 : vector<16xi32> to vector<1x16xi32>
      tpu.vector_store %arg5[%swap3A_835, %swap3A_836], %swap3A_839 {strides = array<i32>} : memref<136x128xi32, #tpu.memory_space<vmem>>, vector<1x16xi32>,
      %get3A_840 = arith.index_cast %scan3A_782 : i32 to index
      %get3A_841 = arith.constant 80 : index
      %get3A_842 = tpu.vector_load %arg5[%get3A_840, %get3A_841] {strides = array<i32>} : memref<136x128xi32, #tpu.memory_space<vmem>>, vector<1x16xi32>,
      %get3A_843 = vector.shape_cast %get3A_842 : vector<1x16xi32> to vector<16xi32>
      %shift_left3A_844 = arith.constant 16 : i32
      %shift_left3A_845 = vector.broadcast %shift_left3A_844 : i32 to vector<16xi32>
      %shift_left3A_846 = arith.shli %get3A_843, %shift_left3A_845 : vector<16xi32>
      %swap3A_847 = arith.index_cast %scan3A_782 : i32 to index
      %swap3A_848 = arith.constant 80 : index
      %swap3A_849 = tpu.vector_load %arg5[%swap3A_847, %swap3A_848] {strides = array<i32>} : memref<136x128xi32, #tpu.memory_space<vmem>>, vector<1x16xi32>,
      %swap3A_850 = vector.shape_cast %swap3A_849 : vector<1x16xi32> to vector<16xi32>
      %swap3A_851 = vector.shape_cast %shift_left3A_846 : vector<16xi32> to vector<1x16xi32>
      tpu.vector_store %arg5[%swap3A_847, %swap3A_848], %swap3A_851 {strides = array<i32>} : memref<136x128xi32, #tpu.memory_space<vmem>>, vector<1x16xi32>,
      %get3A_852 = arith.index_cast %scan3A_782 : i32 to index
      %get3A_853 = arith.constant 96 : index
      %get3A_854 = tpu.vector_load %arg5[%get3A_852, %get3A_853] {strides = array<i32>} : memref<136x128xi32, #tpu.memory_space<vmem>>, vector<1x16xi32>,
      %get3A_855 = vector.shape_cast %get3A_854 : vector<1x16xi32> to vector<16xi32>
      %shift_left3A_856 = arith.constant 16 : i32
      %shift_left3A_857 = vector.broadcast %shift_left3A_856 : i32 to vector<16xi32>
      %shift_left3A_858 = arith.shli %get3A_855, %shift_left3A_857 : vector<16xi32>
      %swap3A_859 = arith.index_cast %scan3A_782 : i32 to index
      %swap3A_860 = arith.constant 96 : index
      %swap3A_861 = tpu.vector_load %arg5[%swap3A_859, %swap3A_860] {strides = array<i32>} : memref<136x128xi32, #tpu.memory_space<vmem>>, vector<1x16xi32>,
      %swap3A_862 = vector.shape_cast %swap3A_861 : vector<1x16xi32> to vector<16xi32>
      %swap3A_863 = vector.shape_cast %shift_left3A_858 : vector<16xi32> to vector<1x16xi32>
      tpu.vector_store %arg5[%swap3A_859, %swap3A_860], %swap3A_863 {strides = array<i32>} : memref<136x128xi32, #tpu.memory_space<vmem>>, vector<1x16xi32>,
      %get3A_864 = arith.index_cast %scan3A_782 : i32 to index
      %get3A_865 = arith.constant 112 : index
      %get3A_866 = tpu.vector_load %arg5[%get3A_864, %get3A_865] {strides = array<i32>} : memref<136x128xi32, #tpu.memory_space<vmem>>, vector<1x16xi32>,
      %get3A_867 = vector.shape_cast %get3A_866 : vector<1x16xi32> to vector<16xi32>
      %shift_left3A_868 = arith.constant 16 : i32
      %shift_left3A_869 = vector.broadcast %shift_left3A_868 : i32 to vector<16xi32>
      %shift_left3A_870 = arith.shli %get3A_867, %shift_left3A_869 : vector<16xi32>
      %swap3A_871 = arith.index_cast %scan3A_782 : i32 to index
      %swap3A_872 = arith.constant 112 : index
      %swap3A_873 = tpu.vector_load %arg5[%swap3A_871, %swap3A_872] {strides = array<i32>} : memref<136x128xi32, #tpu.memory_space<vmem>>, vector<1x16xi32>,
      %swap3A_874 = vector.shape_cast %swap3A_873 : vector<1x16xi32> to vector<16xi32>
      %swap3A_875 = vector.shape_cast %shift_left3A_870 : vector<16xi32> to vector<1x16xi32>
      tpu.vector_store %arg5[%swap3A_871, %swap3A_872], %swap3A_875 {strides = array<i32>} : memref<136x128xi32, #tpu.memory_space<vmem>>, vector<1x16xi32>,
    }
    %scan3A_271 = arith.constant 136 : i32
    %add3A_272 = arith.constant 952 : i32
    %add3A_273 = arith.addi %min3A_3, %add3A_272 : i32
    %multiple_of3A_274 = tpu.assume_multiple %add3A_273, 8 : i32
    %dma_start3A_275 = arith.constant 0 : i32
    %dma_start3A_276 = tpu.memref_slice %arg3[%multiple_of3A_274, %dma_start3A_275] : memref<100000x128xi32, #tpu.memory_space<hbm>> -> memref<136x128xi32, #tpu.memory_space<hbm>>
    %dma_start3A_277 = arith.constant 0 : i32
    %dma_start3A_278 = tpu.memref_slice %arg3[%multiple_of3A_274, %dma_start3A_277] : memref<100000x128xi32, #tpu.memory_space<hbm>> -> memref<136x128xi32, #tpu.memory_space<hbm>>
    tpu.enqueue_dma source(%arg5 : memref<136x128xi32, #tpu.memory_space<vmem>>) target(%dma_start3A_278 : memref<136x128xi32, #tpu.memory_space<hbm>>) target_semaphore(%arg11 : memref<!tpu.dma_semaphore, #tpu.memory_space<semaphore_mem>>)
    %add3A_279 = arith.constant 952 : i32
    %add3A_280 = arith.addi %min3A_3, %add3A_279 : i32
    %multiple_of3A_281 = tpu.assume_multiple %add3A_280, 8 : i32
    %dma_wait3A_282 = arith.constant 0 : i32
    %dma_wait3A_283 = tpu.memref_slice %arg3[%multiple_of3A_281, %dma_wait3A_282] : memref<100000x128xi32, #tpu.memory_space<hbm>> -> memref<136x128xi32, #tpu.memory_space<hbm>>
    %dma_wait3A_284 = arith.constant 0 : i32
    %dma_wait3A_285 = tpu.memref_slice %arg3[%multiple_of3A_281, %dma_wait3A_284] : memref<100000x128xi32, #tpu.memory_space<hbm>> -> memref<136x128xi32, #tpu.memory_space<hbm>>
    tpu.wait_dma2 semaphore(%arg11 : memref<!tpu.dma_semaphore, #tpu.memory_space<semaphore_mem>>) src(%arg5 : memref<136x128xi32, #tpu.memory_space<vmem>>) dst(%dma_wait3A_285 : memref<136x128xi32, #tpu.memory_space<hbm>>)
    %add3A_286 = arith.constant 1360 : i32
    %add3A_287 = arith.addi %min3A_3, %add3A_286 : i32
    %multiple_of3A_288 = tpu.assume_multiple %add3A_287, 8 : i32
    %dma_start3A_289 = arith.constant 0 : i32
    %dma_start3A_290 = tpu.memref_slice %arg2[%multiple_of3A_288, %dma_start3A_289] : memref<100000x128xi32, #tpu.memory_space<hbm>> -> memref<136x128xi32, #tpu.memory_space<hbm>>
    %dma_start3A_291 = arith.constant 0 : i32
    %dma_start3A_292 = tpu.memref_slice %arg2[%multiple_of3A_288, %dma_start3A_291] : memref<100000x128xi32, #tpu.memory_space<hbm>> -> memref<136x128xi32, #tpu.memory_space<hbm>>
    tpu.enqueue_dma source(%dma_start3A_292 : memref<136x128xi32, #tpu.memory_space<hbm>>) target(%arg5 : memref<136x128xi32, #tpu.memory_space<vmem>>) target_semaphore(%arg8 : memref<!tpu.dma_semaphore, #tpu.memory_space<semaphore_mem>>)
    %add3A_293 = arith.constant 1088 : i32
    %add3A_294 = arith.addi %min3A_3, %add3A_293 : i32
    %multiple_of3A_295 = tpu.assume_multiple %add3A_294, 8 : i32
    %dma_wait3A_296 = arith.constant 0 : i32
    %dma_wait3A_297 = tpu.memref_slice %arg2[%multiple_of3A_295, %dma_wait3A_296] : memref<100000x128xi32, #tpu.memory_space<hbm>> -> memref<136x128xi32, #tpu.memory_space<hbm>>
    %dma_wait3A_298 = arith.constant 0 : i32
    %dma_wait3A_299 = tpu.memref_slice %arg2[%multiple_of3A_295, %dma_wait3A_298] : memref<100000x128xi32, #tpu.memory_space<hbm>> -> memref<136x128xi32, #tpu.memory_space<hbm>>
    tpu.wait_dma2 semaphore(%arg9 : memref<!tpu.dma_semaphore, #tpu.memory_space<semaphore_mem>>) src(%dma_wait3A_299 : memref<136x128xi32, #tpu.memory_space<hbm>>) dst(%arg6 : memref<136x128xi32, #tpu.memory_space<vmem>>)
    %scan3A_300 = arith.constant 0 : i32
    %scan3A_301 = arith.constant 0 : i32
    %scan3A_302 = arith.constant 136 : i32
    %scan3A_303 = arith.addi %scan3A_301, %scan3A_302 : i32
    %scan3A_304 = arith.constant 1 : i32
    scf.for %scan3A_782 = %scan3A_301 to %scan3A_303 step %scan3A_304  : i32 {
      %get3A = arith.index_cast %scan3A_782 : i32 to index
      %get3A_783 = arith.constant 0 : index
      %get3A_784 = tpu.vector_load %arg6[%get3A, %get3A_783] {strides = array<i32>} : memref<136x128xi32, #tpu.memory_space<vmem>>, vector<1x16xi32>,
      %get3A_785 = vector.shape_cast %get3A_784 : vector<1x16xi32> to vector<16xi32>
      %shift_left3A = arith.constant 16 : i32
      %shift_left3A_786 = vector.broadcast %shift_left3A : i32 to vector<16xi32>
      %shift_left3A_787 = arith.shli %get3A_785, %shift_left3A_786 : vector<16xi32>
      %swap3A = arith.index_cast %scan3A_782 : i32 to index
      %swap3A_788 = arith.constant 0 : index
      %swap3A_789 = tpu.vector_load %arg6[%swap3A, %swap3A_788] {strides = array<i32>} : memref<136x128xi32, #tpu.memory_space<vmem>>, vector<1x16xi32>,
      %swap3A_790 = vector.shape_cast %swap3A_789 : vector<1x16xi32> to vector<16xi32>
      %swap3A_791 = vector.shape_cast %shift_left3A_787 : vector<16xi32> to vector<1x16xi32>
      tpu.vector_store %arg6[%swap3A, %swap3A_788], %swap3A_791 {strides = array<i32>} : memref<136x128xi32, #tpu.memory_space<vmem>>, vector<1x16xi32>,
      %get3A_792 = arith.index_cast %scan3A_782 : i32 to index
      %get3A_793 = arith.constant 16 : index
      %get3A_794 = tpu.vector_load %arg6[%get3A_792, %get3A_793] {strides = array<i32>} : memref<136x128xi32, #tpu.memory_space<vmem>>, vector<1x16xi32>,
      %get3A_795 = vector.shape_cast %get3A_794 : vector<1x16xi32> to vector<16xi32>
      %shift_left3A_796 = arith.constant 16 : i32
      %shift_left3A_797 = vector.broadcast %shift_left3A_796 : i32 to vector<16xi32>
      %shift_left3A_798 = arith.shli %get3A_795, %shift_left3A_797 : vector<16xi32>
      %swap3A_799 = arith.index_cast %scan3A_782 : i32 to index
      %swap3A_800 = arith.constant 16 : index
      %swap3A_801 = tpu.vector_load %arg6[%swap3A_799, %swap3A_800] {strides = array<i32>} : memref<136x128xi32, #tpu.memory_space<vmem>>, vector<1x16xi32>,
      %swap3A_802 = vector.shape_cast %swap3A_801 : vector<1x16xi32> to vector<16xi32>
      %swap3A_803 = vector.shape_cast %shift_left3A_798 : vector<16xi32> to vector<1x16xi32>
      tpu.vector_store %arg6[%swap3A_799, %swap3A_800], %swap3A_803 {strides = array<i32>} : memref<136x128xi32, #tpu.memory_space<vmem>>, vector<1x16xi32>,
      %get3A_804 = arith.index_cast %scan3A_782 : i32 to index
      %get3A_805 = arith.constant 32 : index
      %get3A_806 = tpu.vector_load %arg6[%get3A_804, %get3A_805] {strides = array<i32>} : memref<136x128xi32, #tpu.memory_space<vmem>>, vector<1x16xi32>,
      %get3A_807 = vector.shape_cast %get3A_806 : vector<1x16xi32> to vector<16xi32>
      %shift_left3A_808 = arith.constant 16 : i32
      %shift_left3A_809 = vector.broadcast %shift_left3A_808 : i32 to vector<16xi32>
      %shift_left3A_810 = arith.shli %get3A_807, %shift_left3A_809 : vector<16xi32>
      %swap3A_811 = arith.index_cast %scan3A_782 : i32 to index
      %swap3A_812 = arith.constant 32 : index
      %swap3A_813 = tpu.vector_load %arg6[%swap3A_811, %swap3A_812] {strides = array<i32>} : memref<136x128xi32, #tpu.memory_space<vmem>>, vector<1x16xi32>,
      %swap3A_814 = vector.shape_cast %swap3A_813 : vector<1x16xi32> to vector<16xi32>
      %swap3A_815 = vector.shape_cast %shift_left3A_810 : vector<16xi32> to vector<1x16xi32>
      tpu.vector_store %arg6[%swap3A_811, %swap3A_812], %swap3A_815 {strides = array<i32>} : memref<136x128xi32, #tpu.memory_space<vmem>>, vector<1x16xi32>,
      %get3A_816 = arith.index_cast %scan3A_782 : i32 to index
      %get3A_817 = arith.constant 48 : index
      %get3A_818 = tpu.vector_load %arg6[%get3A_816, %get3A_817] {strides = array<i32>} : memref<136x128xi32, #tpu.memory_space<vmem>>, vector<1x16xi32>,
      %get3A_819 = vector.shape_cast %get3A_818 : vector<1x16xi32> to vector<16xi32>
      %shift_left3A_820 = arith.constant 16 : i32
      %shift_left3A_821 = vector.broadcast %shift_left3A_820 : i32 to vector<16xi32>
      %shift_left3A_822 = arith.shli %get3A_819, %shift_left3A_821 : vector<16xi32>
      %swap3A_823 = arith.index_cast %scan3A_782 : i32 to index
      %swap3A_824 = arith.constant 48 : index
      %swap3A_825 = tpu.vector_load %arg6[%swap3A_823, %swap3A_824] {strides = array<i32>} : memref<136x128xi32, #tpu.memory_space<vmem>>, vector<1x16xi32>,
      %swap3A_826 = vector.shape_cast %swap3A_825 : vector<1x16xi32> to vector<16xi32>
      %swap3A_827 = vector.shape_cast %shift_left3A_822 : vector<16xi32> to vector<1x16xi32>
      tpu.vector_store %arg6[%swap3A_823, %swap3A_824], %swap3A_827 {strides = array<i32>} : memref<136x128xi32, #tpu.memory_space<vmem>>, vector<1x16xi32>,
      %get3A_828 = arith.index_cast %scan3A_782 : i32 to index
      %get3A_829 = arith.constant 64 : index
      %get3A_830 = tpu.vector_load %arg6[%get3A_828, %get3A_829] {strides = array<i32>} : memref<136x128xi32, #tpu.memory_space<vmem>>, vector<1x16xi32>,
      %get3A_831 = vector.shape_cast %get3A_830 : vector<1x16xi32> to vector<16xi32>
      %shift_left3A_832 = arith.constant 16 : i32
      %shift_left3A_833 = vector.broadcast %shift_left3A_832 : i32 to vector<16xi32>
      %shift_left3A_834 = arith.shli %get3A_831, %shift_left3A_833 : vector<16xi32>
      %swap3A_835 = arith.index_cast %scan3A_782 : i32 to index
      %swap3A_836 = arith.constant 64 : index
      %swap3A_837 = tpu.vector_load %arg6[%swap3A_835, %swap3A_836] {strides = array<i32>} : memref<136x128xi32, #tpu.memory_space<vmem>>, vector<1x16xi32>,
      %swap3A_838 = vector.shape_cast %swap3A_837 : vector<1x16xi32> to vector<16xi32>
      %swap3A_839 = vector.shape_cast %shift_left3A_834 : vector<16xi32> to vector<1x16xi32>
      tpu.vector_store %arg6[%swap3A_835, %swap3A_836], %swap3A_839 {strides = array<i32>} : memref<136x128xi32, #tpu.memory_space<vmem>>, vector<1x16xi32>,
      %get3A_840 = arith.index_cast %scan3A_782 : i32 to index
      %get3A_841 = arith.constant 80 : index
      %get3A_842 = tpu.vector_load %arg6[%get3A_840, %get3A_841] {strides = array<i32>} : memref<136x128xi32, #tpu.memory_space<vmem>>, vector<1x16xi32>,
      %get3A_843 = vector.shape_cast %get3A_842 : vector<1x16xi32> to vector<16xi32>
      %shift_left3A_844 = arith.constant 16 : i32
      %shift_left3A_845 = vector.broadcast %shift_left3A_844 : i32 to vector<16xi32>
      %shift_left3A_846 = arith.shli %get3A_843, %shift_left3A_845 : vector<16xi32>
      %swap3A_847 = arith.index_cast %scan3A_782 : i32 to index
      %swap3A_848 = arith.constant 80 : index
      %swap3A_849 = tpu.vector_load %arg6[%swap3A_847, %swap3A_848] {strides = array<i32>} : memref<136x128xi32, #tpu.memory_space<vmem>>, vector<1x16xi32>,
      %swap3A_850 = vector.shape_cast %swap3A_849 : vector<1x16xi32> to vector<16xi32>
      %swap3A_851 = vector.shape_cast %shift_left3A_846 : vector<16xi32> to vector<1x16xi32>
      tpu.vector_store %arg6[%swap3A_847, %swap3A_848], %swap3A_851 {strides = array<i32>} : memref<136x128xi32, #tpu.memory_space<vmem>>, vector<1x16xi32>,
      %get3A_852 = arith.index_cast %scan3A_782 : i32 to index
      %get3A_853 = arith.constant 96 : index
      %get3A_854 = tpu.vector_load %arg6[%get3A_852, %get3A_853] {strides = array<i32>} : memref<136x128xi32, #tpu.memory_space<vmem>>, vector<1x16xi32>,
      %get3A_855 = vector.shape_cast %get3A_854 : vector<1x16xi32> to vector<16xi32>
      %shift_left3A_856 = arith.constant 16 : i32
      %shift_left3A_857 = vector.broadcast %shift_left3A_856 : i32 to vector<16xi32>
      %shift_left3A_858 = arith.shli %get3A_855, %shift_left3A_857 : vector<16xi32>
      %swap3A_859 = arith.index_cast %scan3A_782 : i32 to index
      %swap3A_860 = arith.constant 96 : index
      %swap3A_861 = tpu.vector_load %arg6[%swap3A_859, %swap3A_860] {strides = array<i32>} : memref<136x128xi32, #tpu.memory_space<vmem>>, vector<1x16xi32>,
      %swap3A_862 = vector.shape_cast %swap3A_861 : vector<1x16xi32> to vector<16xi32>
      %swap3A_863 = vector.shape_cast %shift_left3A_858 : vector<16xi32> to vector<1x16xi32>
      tpu.vector_store %arg6[%swap3A_859, %swap3A_860], %swap3A_863 {strides = array<i32>} : memref<136x128xi32, #tpu.memory_space<vmem>>, vector<1x16xi32>,
      %get3A_864 = arith.index_cast %scan3A_782 : i32 to index
      %get3A_865 = arith.constant 112 : index
      %get3A_866 = tpu.vector_load %arg6[%get3A_864, %get3A_865] {strides = array<i32>} : memref<136x128xi32, #tpu.memory_space<vmem>>, vector<1x16xi32>,
      %get3A_867 = vector.shape_cast %get3A_866 : vector<1x16xi32> to vector<16xi32>
      %shift_left3A_868 = arith.constant 16 : i32
      %shift_left3A_869 = vector.broadcast %shift_left3A_868 : i32 to vector<16xi32>
      %shift_left3A_870 = arith.shli %get3A_867, %shift_left3A_869 : vector<16xi32>
      %swap3A_871 = arith.index_cast %scan3A_782 : i32 to index
      %swap3A_872 = arith.constant 112 : index
      %swap3A_873 = tpu.vector_load %arg6[%swap3A_871, %swap3A_872] {strides = array<i32>} : memref<136x128xi32, #tpu.memory_space<vmem>>, vector<1x16xi32>,
      %swap3A_874 = vector.shape_cast %swap3A_873 : vector<1x16xi32> to vector<16xi32>
      %swap3A_875 = vector.shape_cast %shift_left3A_870 : vector<16xi32> to vector<1x16xi32>
      tpu.vector_store %arg6[%swap3A_871, %swap3A_872], %swap3A_875 {strides = array<i32>} : memref<136x128xi32, #tpu.memory_space<vmem>>, vector<1x16xi32>,
    }
    %scan3A_305 = arith.constant 136 : i32
    %add3A_306 = arith.constant 1088 : i32
    %add3A_307 = arith.addi %min3A_3, %add3A_306 : i32
    %multiple_of3A_308 = tpu.assume_multiple %add3A_307, 8 : i32
    %dma_start3A_309 = arith.constant 0 : i32
    %dma_start3A_310 = tpu.memref_slice %arg3[%multiple_of3A_308, %dma_start3A_309] : memref<100000x128xi32, #tpu.memory_space<hbm>> -> memref<136x128xi32, #tpu.memory_space<hbm>>
    %dma_start3A_311 = arith.constant 0 : i32
    %dma_start3A_312 = tpu.memref_slice %arg3[%multiple_of3A_308, %dma_start3A_311] : memref<100000x128xi32, #tpu.memory_space<hbm>> -> memref<136x128xi32, #tpu.memory_space<hbm>>
    tpu.enqueue_dma source(%arg6 : memref<136x128xi32, #tpu.memory_space<vmem>>) target(%dma_start3A_312 : memref<136x128xi32, #tpu.memory_space<hbm>>) target_semaphore(%arg12 : memref<!tpu.dma_semaphore, #tpu.memory_space<semaphore_mem>>)
    %add3A_313 = arith.constant 1088 : i32
    %add3A_314 = arith.addi %min3A_3, %add3A_313 : i32
    %multiple_of3A_315 = tpu.assume_multiple %add3A_314, 8 : i32
    %dma_wait3A_316 = arith.constant 0 : i32
    %dma_wait3A_317 = tpu.memref_slice %arg3[%multiple_of3A_315, %dma_wait3A_316] : memref<100000x128xi32, #tpu.memory_space<hbm>> -> memref<136x128xi32, #tpu.memory_space<hbm>>
    %dma_wait3A_318 = arith.constant 0 : i32
    %dma_wait3A_319 = tpu.memref_slice %arg3[%multiple_of3A_315, %dma_wait3A_318] : memref<100000x128xi32, #tpu.memory_space<hbm>> -> memref<136x128xi32, #tpu.memory_space<hbm>>
    tpu.wait_dma2 semaphore(%arg12 : memref<!tpu.dma_semaphore, #tpu.memory_space<semaphore_mem>>) src(%arg6 : memref<136x128xi32, #tpu.memory_space<vmem>>) dst(%dma_wait3A_319 : memref<136x128xi32, #tpu.memory_space<hbm>>)
    %add3A_320 = arith.constant 1496 : i32
    %add3A_321 = arith.addi %min3A_3, %add3A_320 : i32
    %multiple_of3A_322 = tpu.assume_multiple %add3A_321, 8 : i32
    %dma_start3A_323 = arith.constant 0 : i32
    %dma_start3A_324 = tpu.memref_slice %arg2[%multiple_of3A_322, %dma_start3A_323] : memref<100000x128xi32, #tpu.memory_space<hbm>> -> memref<136x128xi32, #tpu.memory_space<hbm>>
    %dma_start3A_325 = arith.constant 0 : i32
    %dma_start3A_326 = tpu.memref_slice %arg2[%multiple_of3A_322, %dma_start3A_325] : memref<100000x128xi32, #tpu.memory_space<hbm>> -> memref<136x128xi32, #tpu.memory_space<hbm>>
    tpu.enqueue_dma source(%dma_start3A_326 : memref<136x128xi32, #tpu.memory_space<hbm>>) target(%arg6 : memref<136x128xi32, #tpu.memory_space<vmem>>) target_semaphore(%arg9 : memref<!tpu.dma_semaphore, #tpu.memory_space<semaphore_mem>>)
    %add3A_327 = arith.constant 1224 : i32
    %add3A_328 = arith.addi %min3A_3, %add3A_327 : i32
    %multiple_of3A_329 = tpu.assume_multiple %add3A_328, 8 : i32
    %dma_wait3A_330 = arith.constant 0 : i32
    %dma_wait3A_331 = tpu.memref_slice %arg2[%multiple_of3A_329, %dma_wait3A_330] : memref<100000x128xi32, #tpu.memory_space<hbm>> -> memref<136x128xi32, #tpu.memory_space<hbm>>
    %dma_wait3A_332 = arith.constant 0 : i32
    %dma_wait3A_333 = tpu.memref_slice %arg2[%multiple_of3A_329, %dma_wait3A_332] : memref<100000x128xi32, #tpu.memory_space<hbm>> -> memref<136x128xi32, #tpu.memory_space<hbm>>
    tpu.wait_dma2 semaphore(%arg7 : memref<!tpu.dma_semaphore, #tpu.memory_space<semaphore_mem>>) src(%dma_wait3A_333 : memref<136x128xi32, #tpu.memory_space<hbm>>) dst(%arg4 : memref<136x128xi32, #tpu.memory_space<vmem>>)
    %scan3A_334 = arith.constant 0 : i32
    %scan3A_335 = arith.constant 0 : i32
    %scan3A_336 = arith.constant 136 : i32
    %scan3A_337 = arith.addi %scan3A_335, %scan3A_336 : i32
    %scan3A_338 = arith.constant 1 : i32
    scf.for %scan3A_782 = %scan3A_335 to %scan3A_337 step %scan3A_338  : i32 {
      %get3A = arith.index_cast %scan3A_782 : i32 to index
      %get3A_783 = arith.constant 0 : index
      %get3A_784 = tpu.vector_load %arg4[%get3A, %get3A_783] {strides = array<i32>} : memref<136x128xi32, #tpu.memory_space<vmem>>, vector<1x16xi32>,
      %get3A_785 = vector.shape_cast %get3A_784 : vector<1x16xi32> to vector<16xi32>
      %shift_left3A = arith.constant 16 : i32
      %shift_left3A_786 = vector.broadcast %shift_left3A : i32 to vector<16xi32>
      %shift_left3A_787 = arith.shli %get3A_785, %shift_left3A_786 : vector<16xi32>
      %swap3A = arith.index_cast %scan3A_782 : i32 to index
      %swap3A_788 = arith.constant 0 : index
      %swap3A_789 = tpu.vector_load %arg4[%swap3A, %swap3A_788] {strides = array<i32>} : memref<136x128xi32, #tpu.memory_space<vmem>>, vector<1x16xi32>,
      %swap3A_790 = vector.shape_cast %swap3A_789 : vector<1x16xi32> to vector<16xi32>
      %swap3A_791 = vector.shape_cast %shift_left3A_787 : vector<16xi32> to vector<1x16xi32>
      tpu.vector_store %arg4[%swap3A, %swap3A_788], %swap3A_791 {strides = array<i32>} : memref<136x128xi32, #tpu.memory_space<vmem>>, vector<1x16xi32>,
      %get3A_792 = arith.index_cast %scan3A_782 : i32 to index
      %get3A_793 = arith.constant 16 : index
      %get3A_794 = tpu.vector_load %arg4[%get3A_792, %get3A_793] {strides = array<i32>} : memref<136x128xi32, #tpu.memory_space<vmem>>, vector<1x16xi32>,
      %get3A_795 = vector.shape_cast %get3A_794 : vector<1x16xi32> to vector<16xi32>
      %shift_left3A_796 = arith.constant 16 : i32
      %shift_left3A_797 = vector.broadcast %shift_left3A_796 : i32 to vector<16xi32>
      %shift_left3A_798 = arith.shli %get3A_795, %shift_left3A_797 : vector<16xi32>
      %swap3A_799 = arith.index_cast %scan3A_782 : i32 to index
      %swap3A_800 = arith.constant 16 : index
      %swap3A_801 = tpu.vector_load %arg4[%swap3A_799, %swap3A_800] {strides = array<i32>} : memref<136x128xi32, #tpu.memory_space<vmem>>, vector<1x16xi32>,
      %swap3A_802 = vector.shape_cast %swap3A_801 : vector<1x16xi32> to vector<16xi32>
      %swap3A_803 = vector.shape_cast %shift_left3A_798 : vector<16xi32> to vector<1x16xi32>
      tpu.vector_store %arg4[%swap3A_799, %swap3A_800], %swap3A_803 {strides = array<i32>} : memref<136x128xi32, #tpu.memory_space<vmem>>, vector<1x16xi32>,
      %get3A_804 = arith.index_cast %scan3A_782 : i32 to index
      %get3A_805 = arith.constant 32 : index
      %get3A_806 = tpu.vector_load %arg4[%get3A_804, %get3A_805] {strides = array<i32>} : memref<136x128xi32, #tpu.memory_space<vmem>>, vector<1x16xi32>,
      %get3A_807 = vector.shape_cast %get3A_806 : vector<1x16xi32> to vector<16xi32>
      %shift_left3A_808 = arith.constant 16 : i32
      %shift_left3A_809 = vector.broadcast %shift_left3A_808 : i32 to vector<16xi32>
      %shift_left3A_810 = arith.shli %get3A_807, %shift_left3A_809 : vector<16xi32>
      %swap3A_811 = arith.index_cast %scan3A_782 : i32 to index
      %swap3A_812 = arith.constant 32 : index
      %swap3A_813 = tpu.vector_load %arg4[%swap3A_811, %swap3A_812] {strides = array<i32>} : memref<136x128xi32, #tpu.memory_space<vmem>>, vector<1x16xi32>,
      %swap3A_814 = vector.shape_cast %swap3A_813 : vector<1x16xi32> to vector<16xi32>
      %swap3A_815 = vector.shape_cast %shift_left3A_810 : vector<16xi32> to vector<1x16xi32>
      tpu.vector_store %arg4[%swap3A_811, %swap3A_812], %swap3A_815 {strides = array<i32>} : memref<136x128xi32, #tpu.memory_space<vmem>>, vector<1x16xi32>,
      %get3A_816 = arith.index_cast %scan3A_782 : i32 to index
      %get3A_817 = arith.constant 48 : index
      %get3A_818 = tpu.vector_load %arg4[%get3A_816, %get3A_817] {strides = array<i32>} : memref<136x128xi32, #tpu.memory_space<vmem>>, vector<1x16xi32>,
      %get3A_819 = vector.shape_cast %get3A_818 : vector<1x16xi32> to vector<16xi32>
      %shift_left3A_820 = arith.constant 16 : i32
      %shift_left3A_821 = vector.broadcast %shift_left3A_820 : i32 to vector<16xi32>
      %shift_left3A_822 = arith.shli %get3A_819, %shift_left3A_821 : vector<16xi32>
      %swap3A_823 = arith.index_cast %scan3A_782 : i32 to index
      %swap3A_824 = arith.constant 48 : index
      %swap3A_825 = tpu.vector_load %arg4[%swap3A_823, %swap3A_824] {strides = array<i32>} : memref<136x128xi32, #tpu.memory_space<vmem>>, vector<1x16xi32>,
      %swap3A_826 = vector.shape_cast %swap3A_825 : vector<1x16xi32> to vector<16xi32>
      %swap3A_827 = vector.shape_cast %shift_left3A_822 : vector<16xi32> to vector<1x16xi32>
      tpu.vector_store %arg4[%swap3A_823, %swap3A_824], %swap3A_827 {strides = array<i32>} : memref<136x128xi32, #tpu.memory_space<vmem>>, vector<1x16xi32>,
      %get3A_828 = arith.index_cast %scan3A_782 : i32 to index
      %get3A_829 = arith.constant 64 : index
      %get3A_830 = tpu.vector_load %arg4[%get3A_828, %get3A_829] {strides = array<i32>} : memref<136x128xi32, #tpu.memory_space<vmem>>, vector<1x16xi32>,
      %get3A_831 = vector.shape_cast %get3A_830 : vector<1x16xi32> to vector<16xi32>
      %shift_left3A_832 = arith.constant 16 : i32
      %shift_left3A_833 = vector.broadcast %shift_left3A_832 : i32 to vector<16xi32>
      %shift_left3A_834 = arith.shli %get3A_831, %shift_left3A_833 : vector<16xi32>
      %swap3A_835 = arith.index_cast %scan3A_782 : i32 to index
      %swap3A_836 = arith.constant 64 : index
      %swap3A_837 = tpu.vector_load %arg4[%swap3A_835, %swap3A_836] {strides = array<i32>} : memref<136x128xi32, #tpu.memory_space<vmem>>, vector<1x16xi32>,
      %swap3A_838 = vector.shape_cast %swap3A_837 : vector<1x16xi32> to vector<16xi32>
      %swap3A_839 = vector.shape_cast %shift_left3A_834 : vector<16xi32> to vector<1x16xi32>
      tpu.vector_store %arg4[%swap3A_835, %swap3A_836], %swap3A_839 {strides = array<i32>} : memref<136x128xi32, #tpu.memory_space<vmem>>, vector<1x16xi32>,
      %get3A_840 = arith.index_cast %scan3A_782 : i32 to index
      %get3A_841 = arith.constant 80 : index
      %get3A_842 = tpu.vector_load %arg4[%get3A_840, %get3A_841] {strides = array<i32>} : memref<136x128xi32, #tpu.memory_space<vmem>>, vector<1x16xi32>,
      %get3A_843 = vector.shape_cast %get3A_842 : vector<1x16xi32> to vector<16xi32>
      %shift_left3A_844 = arith.constant 16 : i32
      %shift_left3A_845 = vector.broadcast %shift_left3A_844 : i32 to vector<16xi32>
      %shift_left3A_846 = arith.shli %get3A_843, %shift_left3A_845 : vector<16xi32>
      %swap3A_847 = arith.index_cast %scan3A_782 : i32 to index
      %swap3A_848 = arith.constant 80 : index
      %swap3A_849 = tpu.vector_load %arg4[%swap3A_847, %swap3A_848] {strides = array<i32>} : memref<136x128xi32, #tpu.memory_space<vmem>>, vector<1x16xi32>,
      %swap3A_850 = vector.shape_cast %swap3A_849 : vector<1x16xi32> to vector<16xi32>
      %swap3A_851 = vector.shape_cast %shift_left3A_846 : vector<16xi32> to vector<1x16xi32>
      tpu.vector_store %arg4[%swap3A_847, %swap3A_848], %swap3A_851 {strides = array<i32>} : memref<136x128xi32, #tpu.memory_space<vmem>>, vector<1x16xi32>,
      %get3A_852 = arith.index_cast %scan3A_782 : i32 to index
      %get3A_853 = arith.constant 96 : index
      %get3A_854 = tpu.vector_load %arg4[%get3A_852, %get3A_853] {strides = array<i32>} : memref<136x128xi32, #tpu.memory_space<vmem>>, vector<1x16xi32>,
      %get3A_855 = vector.shape_cast %get3A_854 : vector<1x16xi32> to vector<16xi32>
      %shift_left3A_856 = arith.constant 16 : i32
      %shift_left3A_857 = vector.broadcast %shift_left3A_856 : i32 to vector<16xi32>
      %shift_left3A_858 = arith.shli %get3A_855, %shift_left3A_857 : vector<16xi32>
      %swap3A_859 = arith.index_cast %scan3A_782 : i32 to index
      %swap3A_860 = arith.constant 96 : index
      %swap3A_861 = tpu.vector_load %arg4[%swap3A_859, %swap3A_860] {strides = array<i32>} : memref<136x128xi32, #tpu.memory_space<vmem>>, vector<1x16xi32>,
      %swap3A_862 = vector.shape_cast %swap3A_861 : vector<1x16xi32> to vector<16xi32>
      %swap3A_863 = vector.shape_cast %shift_left3A_858 : vector<16xi32> to vector<1x16xi32>
      tpu.vector_store %arg4[%swap3A_859, %swap3A_860], %swap3A_863 {strides = array<i32>} : memref<136x128xi32, #tpu.memory_space<vmem>>, vector<1x16xi32>,
      %get3A_864 = arith.index_cast %scan3A_782 : i32 to index
      %get3A_865 = arith.constant 112 : index
      %get3A_866 = tpu.vector_load %arg4[%get3A_864, %get3A_865] {strides = array<i32>} : memref<136x128xi32, #tpu.memory_space<vmem>>, vector<1x16xi32>,
      %get3A_867 = vector.shape_cast %get3A_866 : vector<1x16xi32> to vector<16xi32>
      %shift_left3A_868 = arith.constant 16 : i32
      %shift_left3A_869 = vector.broadcast %shift_left3A_868 : i32 to vector<16xi32>
      %shift_left3A_870 = arith.shli %get3A_867, %shift_left3A_869 : vector<16xi32>
      %swap3A_871 = arith.index_cast %scan3A_782 : i32 to index
      %swap3A_872 = arith.constant 112 : index
      %swap3A_873 = tpu.vector_load %arg4[%swap3A_871, %swap3A_872] {strides = array<i32>} : memref<136x128xi32, #tpu.memory_space<vmem>>, vector<1x16xi32>,
      %swap3A_874 = vector.shape_cast %swap3A_873 : vector<1x16xi32> to vector<16xi32>
      %swap3A_875 = vector.shape_cast %shift_left3A_870 : vector<16xi32> to vector<1x16xi32>
      tpu.vector_store %arg4[%swap3A_871, %swap3A_872], %swap3A_875 {strides = array<i32>} : memref<136x128xi32, #tpu.memory_space<vmem>>, vector<1x16xi32>,
    }
    %scan3A_339 = arith.constant 136 : i32
    %add3A_340 = arith.constant 1224 : i32
    %add3A_341 = arith.addi %min3A_3, %add3A_340 : i32
    %multiple_of3A_342 = tpu.assume_multiple %add3A_341, 8 : i32
    %dma_start3A_343 = arith.constant 0 : i32
    %dma_start3A_344 = tpu.memref_slice %arg3[%multiple_of3A_342, %dma_start3A_343] : memref<100000x128xi32, #tpu.memory_space<hbm>> -> memref<136x128xi32, #tpu.memory_space<hbm>>
    %dma_start3A_345 = arith.constant 0 : i32
    %dma_start3A_346 = tpu.memref_slice %arg3[%multiple_of3A_342, %dma_start3A_345] : memref<100000x128xi32, #tpu.memory_space<hbm>> -> memref<136x128xi32, #tpu.memory_space<hbm>>
    tpu.enqueue_dma source(%arg4 : memref<136x128xi32, #tpu.memory_space<vmem>>) target(%dma_start3A_346 : memref<136x128xi32, #tpu.memory_space<hbm>>) target_semaphore(%arg10 : memref<!tpu.dma_semaphore, #tpu.memory_space<semaphore_mem>>)
    %add3A_347 = arith.constant 1224 : i32
    %add3A_348 = arith.addi %min3A_3, %add3A_347 : i32
    %multiple_of3A_349 = tpu.assume_multiple %add3A_348, 8 : i32
    %dma_wait3A_350 = arith.constant 0 : i32
    %dma_wait3A_351 = tpu.memref_slice %arg3[%multiple_of3A_349, %dma_wait3A_350] : memref<100000x128xi32, #tpu.memory_space<hbm>> -> memref<136x128xi32, #tpu.memory_space<hbm>>
    %dma_wait3A_352 = arith.constant 0 : i32
    %dma_wait3A_353 = tpu.memref_slice %arg3[%multiple_of3A_349, %dma_wait3A_352] : memref<100000x128xi32, #tpu.memory_space<hbm>> -> memref<136x128xi32, #tpu.memory_space<hbm>>
    tpu.wait_dma2 semaphore(%arg10 : memref<!tpu.dma_semaphore, #tpu.memory_space<semaphore_mem>>) src(%arg4 : memref<136x128xi32, #tpu.memory_space<vmem>>) dst(%dma_wait3A_353 : memref<136x128xi32, #tpu.memory_space<hbm>>)
    %add3A_354 = arith.constant 1632 : i32
    %add3A_355 = arith.addi %min3A_3, %add3A_354 : i32
    %multiple_of3A_356 = tpu.assume_multiple %add3A_355, 8 : i32
    %dma_start3A_357 = arith.constant 0 : i32
    %dma_start3A_358 = tpu.memref_slice %arg2[%multiple_of3A_356, %dma_start3A_357] : memref<100000x128xi32, #tpu.memory_space<hbm>> -> memref<136x128xi32, #tpu.memory_space<hbm>>
    %dma_start3A_359 = arith.constant 0 : i32
    %dma_start3A_360 = tpu.memref_slice %arg2[%multiple_of3A_356, %dma_start3A_359] : memref<100000x128xi32, #tpu.memory_space<hbm>> -> memref<136x128xi32, #tpu.memory_space<hbm>>
    tpu.enqueue_dma source(%dma_start3A_360 : memref<136x128xi32, #tpu.memory_space<hbm>>) target(%arg4 : memref<136x128xi32, #tpu.memory_space<vmem>>) target_semaphore(%arg7 : memref<!tpu.dma_semaphore, #tpu.memory_space<semaphore_mem>>)
    %add3A_361 = arith.constant 1360 : i32
    %add3A_362 = arith.addi %min3A_3, %add3A_361 : i32
    %multiple_of3A_363 = tpu.assume_multiple %add3A_362, 8 : i32
    %dma_wait3A_364 = arith.constant 0 : i32
    %dma_wait3A_365 = tpu.memref_slice %arg2[%multiple_of3A_363, %dma_wait3A_364] : memref<100000x128xi32, #tpu.memory_space<hbm>> -> memref<136x128xi32, #tpu.memory_space<hbm>>
    %dma_wait3A_366 = arith.constant 0 : i32
    %dma_wait3A_367 = tpu.memref_slice %arg2[%multiple_of3A_363, %dma_wait3A_366] : memref<100000x128xi32, #tpu.memory_space<hbm>> -> memref<136x128xi32, #tpu.memory_space<hbm>>
    tpu.wait_dma2 semaphore(%arg8 : memref<!tpu.dma_semaphore, #tpu.memory_space<semaphore_mem>>) src(%dma_wait3A_367 : memref<136x128xi32, #tpu.memory_space<hbm>>) dst(%arg5 : memref<136x128xi32, #tpu.memory_space<vmem>>)
    %scan3A_368 = arith.constant 0 : i32
    %scan3A_369 = arith.constant 0 : i32
    %scan3A_370 = arith.constant 136 : i32
    %scan3A_371 = arith.addi %scan3A_369, %scan3A_370 : i32
    %scan3A_372 = arith.constant 1 : i32
    scf.for %scan3A_782 = %scan3A_369 to %scan3A_371 step %scan3A_372  : i32 {
      %get3A = arith.index_cast %scan3A_782 : i32 to index
      %get3A_783 = arith.constant 0 : index
      %get3A_784 = tpu.vector_load %arg5[%get3A, %get3A_783] {strides = array<i32>} : memref<136x128xi32, #tpu.memory_space<vmem>>, vector<1x16xi32>,
      %get3A_785 = vector.shape_cast %get3A_784 : vector<1x16xi32> to vector<16xi32>
      %shift_left3A = arith.constant 16 : i32
      %shift_left3A_786 = vector.broadcast %shift_left3A : i32 to vector<16xi32>
      %shift_left3A_787 = arith.shli %get3A_785, %shift_left3A_786 : vector<16xi32>
      %swap3A = arith.index_cast %scan3A_782 : i32 to index
      %swap3A_788 = arith.constant 0 : index
      %swap3A_789 = tpu.vector_load %arg5[%swap3A, %swap3A_788] {strides = array<i32>} : memref<136x128xi32, #tpu.memory_space<vmem>>, vector<1x16xi32>,
      %swap3A_790 = vector.shape_cast %swap3A_789 : vector<1x16xi32> to vector<16xi32>
      %swap3A_791 = vector.shape_cast %shift_left3A_787 : vector<16xi32> to vector<1x16xi32>
      tpu.vector_store %arg5[%swap3A, %swap3A_788], %swap3A_791 {strides = array<i32>} : memref<136x128xi32, #tpu.memory_space<vmem>>, vector<1x16xi32>,
      %get3A_792 = arith.index_cast %scan3A_782 : i32 to index
      %get3A_793 = arith.constant 16 : index
      %get3A_794 = tpu.vector_load %arg5[%get3A_792, %get3A_793] {strides = array<i32>} : memref<136x128xi32, #tpu.memory_space<vmem>>, vector<1x16xi32>,
      %get3A_795 = vector.shape_cast %get3A_794 : vector<1x16xi32> to vector<16xi32>
      %shift_left3A_796 = arith.constant 16 : i32
      %shift_left3A_797 = vector.broadcast %shift_left3A_796 : i32 to vector<16xi32>
      %shift_left3A_798 = arith.shli %get3A_795, %shift_left3A_797 : vector<16xi32>
      %swap3A_799 = arith.index_cast %scan3A_782 : i32 to index
      %swap3A_800 = arith.constant 16 : index
      %swap3A_801 = tpu.vector_load %arg5[%swap3A_799, %swap3A_800] {strides = array<i32>} : memref<136x128xi32, #tpu.memory_space<vmem>>, vector<1x16xi32>,
      %swap3A_802 = vector.shape_cast %swap3A_801 : vector<1x16xi32> to vector<16xi32>
      %swap3A_803 = vector.shape_cast %shift_left3A_798 : vector<16xi32> to vector<1x16xi32>
      tpu.vector_store %arg5[%swap3A_799, %swap3A_800], %swap3A_803 {strides = array<i32>} : memref<136x128xi32, #tpu.memory_space<vmem>>, vector<1x16xi32>,
      %get3A_804 = arith.index_cast %scan3A_782 : i32 to index
      %get3A_805 = arith.constant 32 : index
      %get3A_806 = tpu.vector_load %arg5[%get3A_804, %get3A_805] {strides = array<i32>} : memref<136x128xi32, #tpu.memory_space<vmem>>, vector<1x16xi32>,
      %get3A_807 = vector.shape_cast %get3A_806 : vector<1x16xi32> to vector<16xi32>
      %shift_left3A_808 = arith.constant 16 : i32
      %shift_left3A_809 = vector.broadcast %shift_left3A_808 : i32 to vector<16xi32>
      %shift_left3A_810 = arith.shli %get3A_807, %shift_left3A_809 : vector<16xi32>
      %swap3A_811 = arith.index_cast %scan3A_782 : i32 to index
      %swap3A_812 = arith.constant 32 : index
      %swap3A_813 = tpu.vector_load %arg5[%swap3A_811, %swap3A_812] {strides = array<i32>} : memref<136x128xi32, #tpu.memory_space<vmem>>, vector<1x16xi32>,
      %swap3A_814 = vector.shape_cast %swap3A_813 : vector<1x16xi32> to vector<16xi32>
      %swap3A_815 = vector.shape_cast %shift_left3A_810 : vector<16xi32> to vector<1x16xi32>
      tpu.vector_store %arg5[%swap3A_811, %swap3A_812], %swap3A_815 {strides = array<i32>} : memref<136x128xi32, #tpu.memory_space<vmem>>, vector<1x16xi32>,
      %get3A_816 = arith.index_cast %scan3A_782 : i32 to index
      %get3A_817 = arith.constant 48 : index
      %get3A_818 = tpu.vector_load %arg5[%get3A_816, %get3A_817] {strides = array<i32>} : memref<136x128xi32, #tpu.memory_space<vmem>>, vector<1x16xi32>,
      %get3A_819 = vector.shape_cast %get3A_818 : vector<1x16xi32> to vector<16xi32>
      %shift_left3A_820 = arith.constant 16 : i32
      %shift_left3A_821 = vector.broadcast %shift_left3A_820 : i32 to vector<16xi32>
      %shift_left3A_822 = arith.shli %get3A_819, %shift_left3A_821 : vector<16xi32>
      %swap3A_823 = arith.index_cast %scan3A_782 : i32 to index
      %swap3A_824 = arith.constant 48 : index
      %swap3A_825 = tpu.vector_load %arg5[%swap3A_823, %swap3A_824] {strides = array<i32>} : memref<136x128xi32, #tpu.memory_space<vmem>>, vector<1x16xi32>,
      %swap3A_826 = vector.shape_cast %swap3A_825 : vector<1x16xi32> to vector<16xi32>
      %swap3A_827 = vector.shape_cast %shift_left3A_822 : vector<16xi32> to vector<1x16xi32>
      tpu.vector_store %arg5[%swap3A_823, %swap3A_824], %swap3A_827 {strides = array<i32>} : memref<136x128xi32, #tpu.memory_space<vmem>>, vector<1x16xi32>,
      %get3A_828 = arith.index_cast %scan3A_782 : i32 to index
      %get3A_829 = arith.constant 64 : index
      %get3A_830 = tpu.vector_load %arg5[%get3A_828, %get3A_829] {strides = array<i32>} : memref<136x128xi32, #tpu.memory_space<vmem>>, vector<1x16xi32>,
      %get3A_831 = vector.shape_cast %get3A_830 : vector<1x16xi32> to vector<16xi32>
      %shift_left3A_832 = arith.constant 16 : i32
      %shift_left3A_833 = vector.broadcast %shift_left3A_832 : i32 to vector<16xi32>
      %shift_left3A_834 = arith.shli %get3A_831, %shift_left3A_833 : vector<16xi32>
      %swap3A_835 = arith.index_cast %scan3A_782 : i32 to index
      %swap3A_836 = arith.constant 64 : index
      %swap3A_837 = tpu.vector_load %arg5[%swap3A_835, %swap3A_836] {strides = array<i32>} : memref<136x128xi32, #tpu.memory_space<vmem>>, vector<1x16xi32>,
      %swap3A_838 = vector.shape_cast %swap3A_837 : vector<1x16xi32> to vector<16xi32>
      %swap3A_839 = vector.shape_cast %shift_left3A_834 : vector<16xi32> to vector<1x16xi32>
      tpu.vector_store %arg5[%swap3A_835, %swap3A_836], %swap3A_839 {strides = array<i32>} : memref<136x128xi32, #tpu.memory_space<vmem>>, vector<1x16xi32>,
      %get3A_840 = arith.index_cast %scan3A_782 : i32 to index
      %get3A_841 = arith.constant 80 : index
      %get3A_842 = tpu.vector_load %arg5[%get3A_840, %get3A_841] {strides = array<i32>} : memref<136x128xi32, #tpu.memory_space<vmem>>, vector<1x16xi32>,
      %get3A_843 = vector.shape_cast %get3A_842 : vector<1x16xi32> to vector<16xi32>
      %shift_left3A_844 = arith.constant 16 : i32
      %shift_left3A_845 = vector.broadcast %shift_left3A_844 : i32 to vector<16xi32>
      %shift_left3A_846 = arith.shli %get3A_843, %shift_left3A_845 : vector<16xi32>
      %swap3A_847 = arith.index_cast %scan3A_782 : i32 to index
      %swap3A_848 = arith.constant 80 : index
      %swap3A_849 = tpu.vector_load %arg5[%swap3A_847, %swap3A_848] {strides = array<i32>} : memref<136x128xi32, #tpu.memory_space<vmem>>, vector<1x16xi32>,
      %swap3A_850 = vector.shape_cast %swap3A_849 : vector<1x16xi32> to vector<16xi32>
      %swap3A_851 = vector.shape_cast %shift_left3A_846 : vector<16xi32> to vector<1x16xi32>
      tpu.vector_store %arg5[%swap3A_847, %swap3A_848], %swap3A_851 {strides = array<i32>} : memref<136x128xi32, #tpu.memory_space<vmem>>, vector<1x16xi32>,
      %get3A_852 = arith.index_cast %scan3A_782 : i32 to index
      %get3A_853 = arith.constant 96 : index
      %get3A_854 = tpu.vector_load %arg5[%get3A_852, %get3A_853] {strides = array<i32>} : memref<136x128xi32, #tpu.memory_space<vmem>>, vector<1x16xi32>,
      %get3A_855 = vector.shape_cast %get3A_854 : vector<1x16xi32> to vector<16xi32>
      %shift_left3A_856 = arith.constant 16 : i32
      %shift_left3A_857 = vector.broadcast %shift_left3A_856 : i32 to vector<16xi32>
      %shift_left3A_858 = arith.shli %get3A_855, %shift_left3A_857 : vector<16xi32>
      %swap3A_859 = arith.index_cast %scan3A_782 : i32 to index
      %swap3A_860 = arith.constant 96 : index
      %swap3A_861 = tpu.vector_load %arg5[%swap3A_859, %swap3A_860] {strides = array<i32>} : memref<136x128xi32, #tpu.memory_space<vmem>>, vector<1x16xi32>,
      %swap3A_862 = vector.shape_cast %swap3A_861 : vector<1x16xi32> to vector<16xi32>
      %swap3A_863 = vector.shape_cast %shift_left3A_858 : vector<16xi32> to vector<1x16xi32>
      tpu.vector_store %arg5[%swap3A_859, %swap3A_860], %swap3A_863 {strides = array<i32>} : memref<136x128xi32, #tpu.memory_space<vmem>>, vector<1x16xi32>,
      %get3A_864 = arith.index_cast %scan3A_782 : i32 to index
      %get3A_865 = arith.constant 112 : index
      %get3A_866 = tpu.vector_load %arg5[%get3A_864, %get3A_865] {strides = array<i32>} : memref<136x128xi32, #tpu.memory_space<vmem>>, vector<1x16xi32>,
      %get3A_867 = vector.shape_cast %get3A_866 : vector<1x16xi32> to vector<16xi32>
      %shift_left3A_868 = arith.constant 16 : i32
      %shift_left3A_869 = vector.broadcast %shift_left3A_868 : i32 to vector<16xi32>
      %shift_left3A_870 = arith.shli %get3A_867, %shift_left3A_869 : vector<16xi32>
      %swap3A_871 = arith.index_cast %scan3A_782 : i32 to index
      %swap3A_872 = arith.constant 112 : index
      %swap3A_873 = tpu.vector_load %arg5[%swap3A_871, %swap3A_872] {strides = array<i32>} : memref<136x128xi32, #tpu.memory_space<vmem>>, vector<1x16xi32>,
      %swap3A_874 = vector.shape_cast %swap3A_873 : vector<1x16xi32> to vector<16xi32>
      %swap3A_875 = vector.shape_cast %shift_left3A_870 : vector<16xi32> to vector<1x16xi32>
      tpu.vector_store %arg5[%swap3A_871, %swap3A_872], %swap3A_875 {strides = array<i32>} : memref<136x128xi32, #tpu.memory_space<vmem>>, vector<1x16xi32>,
    }
    %scan3A_373 = arith.constant 136 : i32
    %add3A_374 = arith.constant 1360 : i32
    %add3A_375 = arith.addi %min3A_3, %add3A_374 : i32
    %multiple_of3A_376 = tpu.assume_multiple %add3A_375, 8 : i32
    %dma_start3A_377 = arith.constant 0 : i32
    %dma_start3A_378 = tpu.memref_slice %arg3[%multiple_of3A_376, %dma_start3A_377] : memref<100000x128xi32, #tpu.memory_space<hbm>> -> memref<136x128xi32, #tpu.memory_space<hbm>>
    %dma_start3A_379 = arith.constant 0 : i32
    %dma_start3A_380 = tpu.memref_slice %arg3[%multiple_of3A_376, %dma_start3A_379] : memref<100000x128xi32, #tpu.memory_space<hbm>> -> memref<136x128xi32, #tpu.memory_space<hbm>>
    tpu.enqueue_dma source(%arg5 : memref<136x128xi32, #tpu.memory_space<vmem>>) target(%dma_start3A_380 : memref<136x128xi32, #tpu.memory_space<hbm>>) target_semaphore(%arg11 : memref<!tpu.dma_semaphore, #tpu.memory_space<semaphore_mem>>)
    %add3A_381 = arith.constant 1360 : i32
    %add3A_382 = arith.addi %min3A_3, %add3A_381 : i32
    %multiple_of3A_383 = tpu.assume_multiple %add3A_382, 8 : i32
    %dma_wait3A_384 = arith.constant 0 : i32
    %dma_wait3A_385 = tpu.memref_slice %arg3[%multiple_of3A_383, %dma_wait3A_384] : memref<100000x128xi32, #tpu.memory_space<hbm>> -> memref<136x128xi32, #tpu.memory_space<hbm>>
    %dma_wait3A_386 = arith.constant 0 : i32
    %dma_wait3A_387 = tpu.memref_slice %arg3[%multiple_of3A_383, %dma_wait3A_386] : memref<100000x128xi32, #tpu.memory_space<hbm>> -> memref<136x128xi32, #tpu.memory_space<hbm>>
    tpu.wait_dma2 semaphore(%arg11 : memref<!tpu.dma_semaphore, #tpu.memory_space<semaphore_mem>>) src(%arg5 : memref<136x128xi32, #tpu.memory_space<vmem>>) dst(%dma_wait3A_387 : memref<136x128xi32, #tpu.memory_space<hbm>>)
    %add3A_388 = arith.constant 1768 : i32
    %add3A_389 = arith.addi %min3A_3, %add3A_388 : i32
    %multiple_of3A_390 = tpu.assume_multiple %add3A_389, 8 : i32
    %dma_start3A_391 = arith.constant 0 : i32
    %dma_start3A_392 = tpu.memref_slice %arg2[%multiple_of3A_390, %dma_start3A_391] : memref<100000x128xi32, #tpu.memory_space<hbm>> -> memref<136x128xi32, #tpu.memory_space<hbm>>
    %dma_start3A_393 = arith.constant 0 : i32
    %dma_start3A_394 = tpu.memref_slice %arg2[%multiple_of3A_390, %dma_start3A_393] : memref<100000x128xi32, #tpu.memory_space<hbm>> -> memref<136x128xi32, #tpu.memory_space<hbm>>
    tpu.enqueue_dma source(%dma_start3A_394 : memref<136x128xi32, #tpu.memory_space<hbm>>) target(%arg5 : memref<136x128xi32, #tpu.memory_space<vmem>>) target_semaphore(%arg8 : memref<!tpu.dma_semaphore, #tpu.memory_space<semaphore_mem>>)
    %add3A_395 = arith.constant 1496 : i32
    %add3A_396 = arith.addi %min3A_3, %add3A_395 : i32
    %multiple_of3A_397 = tpu.assume_multiple %add3A_396, 8 : i32
    %dma_wait3A_398 = arith.constant 0 : i32
    %dma_wait3A_399 = tpu.memref_slice %arg2[%multiple_of3A_397, %dma_wait3A_398] : memref<100000x128xi32, #tpu.memory_space<hbm>> -> memref<136x128xi32, #tpu.memory_space<hbm>>
    %dma_wait3A_400 = arith.constant 0 : i32
    %dma_wait3A_401 = tpu.memref_slice %arg2[%multiple_of3A_397, %dma_wait3A_400] : memref<100000x128xi32, #tpu.memory_space<hbm>> -> memref<136x128xi32, #tpu.memory_space<hbm>>
    tpu.wait_dma2 semaphore(%arg9 : memref<!tpu.dma_semaphore, #tpu.memory_space<semaphore_mem>>) src(%dma_wait3A_401 : memref<136x128xi32, #tpu.memory_space<hbm>>) dst(%arg6 : memref<136x128xi32, #tpu.memory_space<vmem>>)
    %scan3A_402 = arith.constant 0 : i32
    %scan3A_403 = arith.constant 0 : i32
    %scan3A_404 = arith.constant 136 : i32
    %scan3A_405 = arith.addi %scan3A_403, %scan3A_404 : i32
    %scan3A_406 = arith.constant 1 : i32
    scf.for %scan3A_782 = %scan3A_403 to %scan3A_405 step %scan3A_406  : i32 {
      %get3A = arith.index_cast %scan3A_782 : i32 to index
      %get3A_783 = arith.constant 0 : index
      %get3A_784 = tpu.vector_load %arg6[%get3A, %get3A_783] {strides = array<i32>} : memref<136x128xi32, #tpu.memory_space<vmem>>, vector<1x16xi32>,
      %get3A_785 = vector.shape_cast %get3A_784 : vector<1x16xi32> to vector<16xi32>
      %shift_left3A = arith.constant 16 : i32
      %shift_left3A_786 = vector.broadcast %shift_left3A : i32 to vector<16xi32>
      %shift_left3A_787 = arith.shli %get3A_785, %shift_left3A_786 : vector<16xi32>
      %swap3A = arith.index_cast %scan3A_782 : i32 to index
      %swap3A_788 = arith.constant 0 : index
      %swap3A_789 = tpu.vector_load %arg6[%swap3A, %swap3A_788] {strides = array<i32>} : memref<136x128xi32, #tpu.memory_space<vmem>>, vector<1x16xi32>,
      %swap3A_790 = vector.shape_cast %swap3A_789 : vector<1x16xi32> to vector<16xi32>
      %swap3A_791 = vector.shape_cast %shift_left3A_787 : vector<16xi32> to vector<1x16xi32>
      tpu.vector_store %arg6[%swap3A, %swap3A_788], %swap3A_791 {strides = array<i32>} : memref<136x128xi32, #tpu.memory_space<vmem>>, vector<1x16xi32>,
      %get3A_792 = arith.index_cast %scan3A_782 : i32 to index
      %get3A_793 = arith.constant 16 : index
      %get3A_794 = tpu.vector_load %arg6[%get3A_792, %get3A_793] {strides = array<i32>} : memref<136x128xi32, #tpu.memory_space<vmem>>, vector<1x16xi32>,
      %get3A_795 = vector.shape_cast %get3A_794 : vector<1x16xi32> to vector<16xi32>
      %shift_left3A_796 = arith.constant 16 : i32
      %shift_left3A_797 = vector.broadcast %shift_left3A_796 : i32 to vector<16xi32>
      %shift_left3A_798 = arith.shli %get3A_795, %shift_left3A_797 : vector<16xi32>
      %swap3A_799 = arith.index_cast %scan3A_782 : i32 to index
      %swap3A_800 = arith.constant 16 : index
      %swap3A_801 = tpu.vector_load %arg6[%swap3A_799, %swap3A_800] {strides = array<i32>} : memref<136x128xi32, #tpu.memory_space<vmem>>, vector<1x16xi32>,
      %swap3A_802 = vector.shape_cast %swap3A_801 : vector<1x16xi32> to vector<16xi32>
      %swap3A_803 = vector.shape_cast %shift_left3A_798 : vector<16xi32> to vector<1x16xi32>
      tpu.vector_store %arg6[%swap3A_799, %swap3A_800], %swap3A_803 {strides = array<i32>} : memref<136x128xi32, #tpu.memory_space<vmem>>, vector<1x16xi32>,
      %get3A_804 = arith.index_cast %scan3A_782 : i32 to index
      %get3A_805 = arith.constant 32 : index
      %get3A_806 = tpu.vector_load %arg6[%get3A_804, %get3A_805] {strides = array<i32>} : memref<136x128xi32, #tpu.memory_space<vmem>>, vector<1x16xi32>,
      %get3A_807 = vector.shape_cast %get3A_806 : vector<1x16xi32> to vector<16xi32>
      %shift_left3A_808 = arith.constant 16 : i32
      %shift_left3A_809 = vector.broadcast %shift_left3A_808 : i32 to vector<16xi32>
      %shift_left3A_810 = arith.shli %get3A_807, %shift_left3A_809 : vector<16xi32>
      %swap3A_811 = arith.index_cast %scan3A_782 : i32 to index
      %swap3A_812 = arith.constant 32 : index
      %swap3A_813 = tpu.vector_load %arg6[%swap3A_811, %swap3A_812] {strides = array<i32>} : memref<136x128xi32, #tpu.memory_space<vmem>>, vector<1x16xi32>,
      %swap3A_814 = vector.shape_cast %swap3A_813 : vector<1x16xi32> to vector<16xi32>
      %swap3A_815 = vector.shape_cast %shift_left3A_810 : vector<16xi32> to vector<1x16xi32>
      tpu.vector_store %arg6[%swap3A_811, %swap3A_812], %swap3A_815 {strides = array<i32>} : memref<136x128xi32, #tpu.memory_space<vmem>>, vector<1x16xi32>,
      %get3A_816 = arith.index_cast %scan3A_782 : i32 to index
      %get3A_817 = arith.constant 48 : index
      %get3A_818 = tpu.vector_load %arg6[%get3A_816, %get3A_817] {strides = array<i32>} : memref<136x128xi32, #tpu.memory_space<vmem>>, vector<1x16xi32>,
      %get3A_819 = vector.shape_cast %get3A_818 : vector<1x16xi32> to vector<16xi32>
      %shift_left3A_820 = arith.constant 16 : i32
      %shift_left3A_821 = vector.broadcast %shift_left3A_820 : i32 to vector<16xi32>
      %shift_left3A_822 = arith.shli %get3A_819, %shift_left3A_821 : vector<16xi32>
      %swap3A_823 = arith.index_cast %scan3A_782 : i32 to index
      %swap3A_824 = arith.constant 48 : index
      %swap3A_825 = tpu.vector_load %arg6[%swap3A_823, %swap3A_824] {strides = array<i32>} : memref<136x128xi32, #tpu.memory_space<vmem>>, vector<1x16xi32>,
      %swap3A_826 = vector.shape_cast %swap3A_825 : vector<1x16xi32> to vector<16xi32>
      %swap3A_827 = vector.shape_cast %shift_left3A_822 : vector<16xi32> to vector<1x16xi32>
      tpu.vector_store %arg6[%swap3A_823, %swap3A_824], %swap3A_827 {strides = array<i32>} : memref<136x128xi32, #tpu.memory_space<vmem>>, vector<1x16xi32>,
      %get3A_828 = arith.index_cast %scan3A_782 : i32 to index
      %get3A_829 = arith.constant 64 : index
      %get3A_830 = tpu.vector_load %arg6[%get3A_828, %get3A_829] {strides = array<i32>} : memref<136x128xi32, #tpu.memory_space<vmem>>, vector<1x16xi32>,
      %get3A_831 = vector.shape_cast %get3A_830 : vector<1x16xi32> to vector<16xi32>
      %shift_left3A_832 = arith.constant 16 : i32
      %shift_left3A_833 = vector.broadcast %shift_left3A_832 : i32 to vector<16xi32>
      %shift_left3A_834 = arith.shli %get3A_831, %shift_left3A_833 : vector<16xi32>
      %swap3A_835 = arith.index_cast %scan3A_782 : i32 to index
      %swap3A_836 = arith.constant 64 : index
      %swap3A_837 = tpu.vector_load %arg6[%swap3A_835, %swap3A_836] {strides = array<i32>} : memref<136x128xi32, #tpu.memory_space<vmem>>, vector<1x16xi32>,
      %swap3A_838 = vector.shape_cast %swap3A_837 : vector<1x16xi32> to vector<16xi32>
      %swap3A_839 = vector.shape_cast %shift_left3A_834 : vector<16xi32> to vector<1x16xi32>
      tpu.vector_store %arg6[%swap3A_835, %swap3A_836], %swap3A_839 {strides = array<i32>} : memref<136x128xi32, #tpu.memory_space<vmem>>, vector<1x16xi32>,
      %get3A_840 = arith.index_cast %scan3A_782 : i32 to index
      %get3A_841 = arith.constant 80 : index
      %get3A_842 = tpu.vector_load %arg6[%get3A_840, %get3A_841] {strides = array<i32>} : memref<136x128xi32, #tpu.memory_space<vmem>>, vector<1x16xi32>,
      %get3A_843 = vector.shape_cast %get3A_842 : vector<1x16xi32> to vector<16xi32>
      %shift_left3A_844 = arith.constant 16 : i32
      %shift_left3A_845 = vector.broadcast %shift_left3A_844 : i32 to vector<16xi32>
      %shift_left3A_846 = arith.shli %get3A_843, %shift_left3A_845 : vector<16xi32>
      %swap3A_847 = arith.index_cast %scan3A_782 : i32 to index
      %swap3A_848 = arith.constant 80 : index
      %swap3A_849 = tpu.vector_load %arg6[%swap3A_847, %swap3A_848] {strides = array<i32>} : memref<136x128xi32, #tpu.memory_space<vmem>>, vector<1x16xi32>,
      %swap3A_850 = vector.shape_cast %swap3A_849 : vector<1x16xi32> to vector<16xi32>
      %swap3A_851 = vector.shape_cast %shift_left3A_846 : vector<16xi32> to vector<1x16xi32>
      tpu.vector_store %arg6[%swap3A_847, %swap3A_848], %swap3A_851 {strides = array<i32>} : memref<136x128xi32, #tpu.memory_space<vmem>>, vector<1x16xi32>,
      %get3A_852 = arith.index_cast %scan3A_782 : i32 to index
      %get3A_853 = arith.constant 96 : index
      %get3A_854 = tpu.vector_load %arg6[%get3A_852, %get3A_853] {strides = array<i32>} : memref<136x128xi32, #tpu.memory_space<vmem>>, vector<1x16xi32>,
      %get3A_855 = vector.shape_cast %get3A_854 : vector<1x16xi32> to vector<16xi32>
      %shift_left3A_856 = arith.constant 16 : i32
      %shift_left3A_857 = vector.broadcast %shift_left3A_856 : i32 to vector<16xi32>
      %shift_left3A_858 = arith.shli %get3A_855, %shift_left3A_857 : vector<16xi32>
      %swap3A_859 = arith.index_cast %scan3A_782 : i32 to index
      %swap3A_860 = arith.constant 96 : index
      %swap3A_861 = tpu.vector_load %arg6[%swap3A_859, %swap3A_860] {strides = array<i32>} : memref<136x128xi32, #tpu.memory_space<vmem>>, vector<1x16xi32>,
      %swap3A_862 = vector.shape_cast %swap3A_861 : vector<1x16xi32> to vector<16xi32>
      %swap3A_863 = vector.shape_cast %shift_left3A_858 : vector<16xi32> to vector<1x16xi32>
      tpu.vector_store %arg6[%swap3A_859, %swap3A_860], %swap3A_863 {strides = array<i32>} : memref<136x128xi32, #tpu.memory_space<vmem>>, vector<1x16xi32>,
      %get3A_864 = arith.index_cast %scan3A_782 : i32 to index
      %get3A_865 = arith.constant 112 : index
      %get3A_866 = tpu.vector_load %arg6[%get3A_864, %get3A_865] {strides = array<i32>} : memref<136x128xi32, #tpu.memory_space<vmem>>, vector<1x16xi32>,
      %get3A_867 = vector.shape_cast %get3A_866 : vector<1x16xi32> to vector<16xi32>
      %shift_left3A_868 = arith.constant 16 : i32
      %shift_left3A_869 = vector.broadcast %shift_left3A_868 : i32 to vector<16xi32>
      %shift_left3A_870 = arith.shli %get3A_867, %shift_left3A_869 : vector<16xi32>
      %swap3A_871 = arith.index_cast %scan3A_782 : i32 to index
      %swap3A_872 = arith.constant 112 : index
      %swap3A_873 = tpu.vector_load %arg6[%swap3A_871, %swap3A_872] {strides = array<i32>} : memref<136x128xi32, #tpu.memory_space<vmem>>, vector<1x16xi32>,
      %swap3A_874 = vector.shape_cast %swap3A_873 : vector<1x16xi32> to vector<16xi32>
      %swap3A_875 = vector.shape_cast %shift_left3A_870 : vector<16xi32> to vector<1x16xi32>
      tpu.vector_store %arg6[%swap3A_871, %swap3A_872], %swap3A_875 {strides = array<i32>} : memref<136x128xi32, #tpu.memory_space<vmem>>, vector<1x16xi32>,
    }
    %scan3A_407 = arith.constant 136 : i32
    %add3A_408 = arith.constant 1496 : i32
    %add3A_409 = arith.addi %min3A_3, %add3A_408 : i32
    %multiple_of3A_410 = tpu.assume_multiple %add3A_409, 8 : i32
    %dma_start3A_411 = arith.constant 0 : i32
    %dma_start3A_412 = tpu.memref_slice %arg3[%multiple_of3A_410, %dma_start3A_411] : memref<100000x128xi32, #tpu.memory_space<hbm>> -> memref<136x128xi32, #tpu.memory_space<hbm>>
    %dma_start3A_413 = arith.constant 0 : i32
    %dma_start3A_414 = tpu.memref_slice %arg3[%multiple_of3A_410, %dma_start3A_413] : memref<100000x128xi32, #tpu.memory_space<hbm>> -> memref<136x128xi32, #tpu.memory_space<hbm>>
    tpu.enqueue_dma source(%arg6 : memref<136x128xi32, #tpu.memory_space<vmem>>) target(%dma_start3A_414 : memref<136x128xi32, #tpu.memory_space<hbm>>) target_semaphore(%arg12 : memref<!tpu.dma_semaphore, #tpu.memory_space<semaphore_mem>>)
    %add3A_415 = arith.constant 1496 : i32
    %add3A_416 = arith.addi %min3A_3, %add3A_415 : i32
    %multiple_of3A_417 = tpu.assume_multiple %add3A_416, 8 : i32
    %dma_wait3A_418 = arith.constant 0 : i32
    %dma_wait3A_419 = tpu.memref_slice %arg3[%multiple_of3A_417, %dma_wait3A_418] : memref<100000x128xi32, #tpu.memory_space<hbm>> -> memref<136x128xi32, #tpu.memory_space<hbm>>
    %dma_wait3A_420 = arith.constant 0 : i32
    %dma_wait3A_421 = tpu.memref_slice %arg3[%multiple_of3A_417, %dma_wait3A_420] : memref<100000x128xi32, #tpu.memory_space<hbm>> -> memref<136x128xi32, #tpu.memory_space<hbm>>
    tpu.wait_dma2 semaphore(%arg12 : memref<!tpu.dma_semaphore, #tpu.memory_space<semaphore_mem>>) src(%arg6 : memref<136x128xi32, #tpu.memory_space<vmem>>) dst(%dma_wait3A_421 : memref<136x128xi32, #tpu.memory_space<hbm>>)
    %add3A_422 = arith.constant 1904 : i32
    %add3A_423 = arith.addi %min3A_3, %add3A_422 : i32
    %multiple_of3A_424 = tpu.assume_multiple %add3A_423, 8 : i32
    %dma_start3A_425 = arith.constant 0 : i32
    %dma_start3A_426 = tpu.memref_slice %arg2[%multiple_of3A_424, %dma_start3A_425] : memref<100000x128xi32, #tpu.memory_space<hbm>> -> memref<136x128xi32, #tpu.memory_space<hbm>>
    %dma_start3A_427 = arith.constant 0 : i32
    %dma_start3A_428 = tpu.memref_slice %arg2[%multiple_of3A_424, %dma_start3A_427] : memref<100000x128xi32, #tpu.memory_space<hbm>> -> memref<136x128xi32, #tpu.memory_space<hbm>>
    tpu.enqueue_dma source(%dma_start3A_428 : memref<136x128xi32, #tpu.memory_space<hbm>>) target(%arg6 : memref<136x128xi32, #tpu.memory_space<vmem>>) target_semaphore(%arg9 : memref<!tpu.dma_semaphore, #tpu.memory_space<semaphore_mem>>)
    %add3A_429 = arith.constant 1632 : i32
    %add3A_430 = arith.addi %min3A_3, %add3A_429 : i32
    %multiple_of3A_431 = tpu.assume_multiple %add3A_430, 8 : i32
    %dma_wait3A_432 = arith.constant 0 : i32
    %dma_wait3A_433 = tpu.memref_slice %arg2[%multiple_of3A_431, %dma_wait3A_432] : memref<100000x128xi32, #tpu.memory_space<hbm>> -> memref<136x128xi32, #tpu.memory_space<hbm>>
    %dma_wait3A_434 = arith.constant 0 : i32
    %dma_wait3A_435 = tpu.memref_slice %arg2[%multiple_of3A_431, %dma_wait3A_434] : memref<100000x128xi32, #tpu.memory_space<hbm>> -> memref<136x128xi32, #tpu.memory_space<hbm>>
    tpu.wait_dma2 semaphore(%arg7 : memref<!tpu.dma_semaphore, #tpu.memory_space<semaphore_mem>>) src(%dma_wait3A_435 : memref<136x128xi32, #tpu.memory_space<hbm>>) dst(%arg4 : memref<136x128xi32, #tpu.memory_space<vmem>>)
    %scan3A_436 = arith.constant 0 : i32
    %scan3A_437 = arith.constant 0 : i32
    %scan3A_438 = arith.constant 136 : i32
    %scan3A_439 = arith.addi %scan3A_437, %scan3A_438 : i32
    %scan3A_440 = arith.constant 1 : i32
    scf.for %scan3A_782 = %scan3A_437 to %scan3A_439 step %scan3A_440  : i32 {
      %get3A = arith.index_cast %scan3A_782 : i32 to index
      %get3A_783 = arith.constant 0 : index
      %get3A_784 = tpu.vector_load %arg4[%get3A, %get3A_783] {strides = array<i32>} : memref<136x128xi32, #tpu.memory_space<vmem>>, vector<1x16xi32>,
      %get3A_785 = vector.shape_cast %get3A_784 : vector<1x16xi32> to vector<16xi32>
      %shift_left3A = arith.constant 16 : i32
      %shift_left3A_786 = vector.broadcast %shift_left3A : i32 to vector<16xi32>
      %shift_left3A_787 = arith.shli %get3A_785, %shift_left3A_786 : vector<16xi32>
      %swap3A = arith.index_cast %scan3A_782 : i32 to index
      %swap3A_788 = arith.constant 0 : index
      %swap3A_789 = tpu.vector_load %arg4[%swap3A, %swap3A_788] {strides = array<i32>} : memref<136x128xi32, #tpu.memory_space<vmem>>, vector<1x16xi32>,
      %swap3A_790 = vector.shape_cast %swap3A_789 : vector<1x16xi32> to vector<16xi32>
      %swap3A_791 = vector.shape_cast %shift_left3A_787 : vector<16xi32> to vector<1x16xi32>
      tpu.vector_store %arg4[%swap3A, %swap3A_788], %swap3A_791 {strides = array<i32>} : memref<136x128xi32, #tpu.memory_space<vmem>>, vector<1x16xi32>,
      %get3A_792 = arith.index_cast %scan3A_782 : i32 to index
      %get3A_793 = arith.constant 16 : index
      %get3A_794 = tpu.vector_load %arg4[%get3A_792, %get3A_793] {strides = array<i32>} : memref<136x128xi32, #tpu.memory_space<vmem>>, vector<1x16xi32>,
      %get3A_795 = vector.shape_cast %get3A_794 : vector<1x16xi32> to vector<16xi32>
      %shift_left3A_796 = arith.constant 16 : i32
      %shift_left3A_797 = vector.broadcast %shift_left3A_796 : i32 to vector<16xi32>
      %shift_left3A_798 = arith.shli %get3A_795, %shift_left3A_797 : vector<16xi32>
      %swap3A_799 = arith.index_cast %scan3A_782 : i32 to index
      %swap3A_800 = arith.constant 16 : index
      %swap3A_801 = tpu.vector_load %arg4[%swap3A_799, %swap3A_800] {strides = array<i32>} : memref<136x128xi32, #tpu.memory_space<vmem>>, vector<1x16xi32>,
      %swap3A_802 = vector.shape_cast %swap3A_801 : vector<1x16xi32> to vector<16xi32>
      %swap3A_803 = vector.shape_cast %shift_left3A_798 : vector<16xi32> to vector<1x16xi32>
      tpu.vector_store %arg4[%swap3A_799, %swap3A_800], %swap3A_803 {strides = array<i32>} : memref<136x128xi32, #tpu.memory_space<vmem>>, vector<1x16xi32>,
      %get3A_804 = arith.index_cast %scan3A_782 : i32 to index
      %get3A_805 = arith.constant 32 : index
      %get3A_806 = tpu.vector_load %arg4[%get3A_804, %get3A_805] {strides = array<i32>} : memref<136x128xi32, #tpu.memory_space<vmem>>, vector<1x16xi32>,
      %get3A_807 = vector.shape_cast %get3A_806 : vector<1x16xi32> to vector<16xi32>
      %shift_left3A_808 = arith.constant 16 : i32
      %shift_left3A_809 = vector.broadcast %shift_left3A_808 : i32 to vector<16xi32>
      %shift_left3A_810 = arith.shli %get3A_807, %shift_left3A_809 : vector<16xi32>
      %swap3A_811 = arith.index_cast %scan3A_782 : i32 to index
      %swap3A_812 = arith.constant 32 : index
      %swap3A_813 = tpu.vector_load %arg4[%swap3A_811, %swap3A_812] {strides = array<i32>} : memref<136x128xi32, #tpu.memory_space<vmem>>, vector<1x16xi32>,
      %swap3A_814 = vector.shape_cast %swap3A_813 : vector<1x16xi32> to vector<16xi32>
      %swap3A_815 = vector.shape_cast %shift_left3A_810 : vector<16xi32> to vector<1x16xi32>
      tpu.vector_store %arg4[%swap3A_811, %swap3A_812], %swap3A_815 {strides = array<i32>} : memref<136x128xi32, #tpu.memory_space<vmem>>, vector<1x16xi32>,
      %get3A_816 = arith.index_cast %scan3A_782 : i32 to index
      %get3A_817 = arith.constant 48 : index
      %get3A_818 = tpu.vector_load %arg4[%get3A_816, %get3A_817] {strides = array<i32>} : memref<136x128xi32, #tpu.memory_space<vmem>>, vector<1x16xi32>,
      %get3A_819 = vector.shape_cast %get3A_818 : vector<1x16xi32> to vector<16xi32>
      %shift_left3A_820 = arith.constant 16 : i32
      %shift_left3A_821 = vector.broadcast %shift_left3A_820 : i32 to vector<16xi32>
      %shift_left3A_822 = arith.shli %get3A_819, %shift_left3A_821 : vector<16xi32>
      %swap3A_823 = arith.index_cast %scan3A_782 : i32 to index
      %swap3A_824 = arith.constant 48 : index
      %swap3A_825 = tpu.vector_load %arg4[%swap3A_823, %swap3A_824] {strides = array<i32>} : memref<136x128xi32, #tpu.memory_space<vmem>>, vector<1x16xi32>,
      %swap3A_826 = vector.shape_cast %swap3A_825 : vector<1x16xi32> to vector<16xi32>
      %swap3A_827 = vector.shape_cast %shift_left3A_822 : vector<16xi32> to vector<1x16xi32>
      tpu.vector_store %arg4[%swap3A_823, %swap3A_824], %swap3A_827 {strides = array<i32>} : memref<136x128xi32, #tpu.memory_space<vmem>>, vector<1x16xi32>,
      %get3A_828 = arith.index_cast %scan3A_782 : i32 to index
      %get3A_829 = arith.constant 64 : index
      %get3A_830 = tpu.vector_load %arg4[%get3A_828, %get3A_829] {strides = array<i32>} : memref<136x128xi32, #tpu.memory_space<vmem>>, vector<1x16xi32>,
      %get3A_831 = vector.shape_cast %get3A_830 : vector<1x16xi32> to vector<16xi32>
      %shift_left3A_832 = arith.constant 16 : i32
      %shift_left3A_833 = vector.broadcast %shift_left3A_832 : i32 to vector<16xi32>
      %shift_left3A_834 = arith.shli %get3A_831, %shift_left3A_833 : vector<16xi32>
      %swap3A_835 = arith.index_cast %scan3A_782 : i32 to index
      %swap3A_836 = arith.constant 64 : index
      %swap3A_837 = tpu.vector_load %arg4[%swap3A_835, %swap3A_836] {strides = array<i32>} : memref<136x128xi32, #tpu.memory_space<vmem>>, vector<1x16xi32>,
      %swap3A_838 = vector.shape_cast %swap3A_837 : vector<1x16xi32> to vector<16xi32>
      %swap3A_839 = vector.shape_cast %shift_left3A_834 : vector<16xi32> to vector<1x16xi32>
      tpu.vector_store %arg4[%swap3A_835, %swap3A_836], %swap3A_839 {strides = array<i32>} : memref<136x128xi32, #tpu.memory_space<vmem>>, vector<1x16xi32>,
      %get3A_840 = arith.index_cast %scan3A_782 : i32 to index
      %get3A_841 = arith.constant 80 : index
      %get3A_842 = tpu.vector_load %arg4[%get3A_840, %get3A_841] {strides = array<i32>} : memref<136x128xi32, #tpu.memory_space<vmem>>, vector<1x16xi32>,
      %get3A_843 = vector.shape_cast %get3A_842 : vector<1x16xi32> to vector<16xi32>
      %shift_left3A_844 = arith.constant 16 : i32
      %shift_left3A_845 = vector.broadcast %shift_left3A_844 : i32 to vector<16xi32>
      %shift_left3A_846 = arith.shli %get3A_843, %shift_left3A_845 : vector<16xi32>
      %swap3A_847 = arith.index_cast %scan3A_782 : i32 to index
      %swap3A_848 = arith.constant 80 : index
      %swap3A_849 = tpu.vector_load %arg4[%swap3A_847, %swap3A_848] {strides = array<i32>} : memref<136x128xi32, #tpu.memory_space<vmem>>, vector<1x16xi32>,
      %swap3A_850 = vector.shape_cast %swap3A_849 : vector<1x16xi32> to vector<16xi32>
      %swap3A_851 = vector.shape_cast %shift_left3A_846 : vector<16xi32> to vector<1x16xi32>
      tpu.vector_store %arg4[%swap3A_847, %swap3A_848], %swap3A_851 {strides = array<i32>} : memref<136x128xi32, #tpu.memory_space<vmem>>, vector<1x16xi32>,
      %get3A_852 = arith.index_cast %scan3A_782 : i32 to index
      %get3A_853 = arith.constant 96 : index
      %get3A_854 = tpu.vector_load %arg4[%get3A_852, %get3A_853] {strides = array<i32>} : memref<136x128xi32, #tpu.memory_space<vmem>>, vector<1x16xi32>,
      %get3A_855 = vector.shape_cast %get3A_854 : vector<1x16xi32> to vector<16xi32>
      %shift_left3A_856 = arith.constant 16 : i32
      %shift_left3A_857 = vector.broadcast %shift_left3A_856 : i32 to vector<16xi32>
      %shift_left3A_858 = arith.shli %get3A_855, %shift_left3A_857 : vector<16xi32>
      %swap3A_859 = arith.index_cast %scan3A_782 : i32 to index
      %swap3A_860 = arith.constant 96 : index
      %swap3A_861 = tpu.vector_load %arg4[%swap3A_859, %swap3A_860] {strides = array<i32>} : memref<136x128xi32, #tpu.memory_space<vmem>>, vector<1x16xi32>,
      %swap3A_862 = vector.shape_cast %swap3A_861 : vector<1x16xi32> to vector<16xi32>
      %swap3A_863 = vector.shape_cast %shift_left3A_858 : vector<16xi32> to vector<1x16xi32>
      tpu.vector_store %arg4[%swap3A_859, %swap3A_860], %swap3A_863 {strides = array<i32>} : memref<136x128xi32, #tpu.memory_space<vmem>>, vector<1x16xi32>,
      %get3A_864 = arith.index_cast %scan3A_782 : i32 to index
      %get3A_865 = arith.constant 112 : index
      %get3A_866 = tpu.vector_load %arg4[%get3A_864, %get3A_865] {strides = array<i32>} : memref<136x128xi32, #tpu.memory_space<vmem>>, vector<1x16xi32>,
      %get3A_867 = vector.shape_cast %get3A_866 : vector<1x16xi32> to vector<16xi32>
      %shift_left3A_868 = arith.constant 16 : i32
      %shift_left3A_869 = vector.broadcast %shift_left3A_868 : i32 to vector<16xi32>
      %shift_left3A_870 = arith.shli %get3A_867, %shift_left3A_869 : vector<16xi32>
      %swap3A_871 = arith.index_cast %scan3A_782 : i32 to index
      %swap3A_872 = arith.constant 112 : index
      %swap3A_873 = tpu.vector_load %arg4[%swap3A_871, %swap3A_872] {strides = array<i32>} : memref<136x128xi32, #tpu.memory_space<vmem>>, vector<1x16xi32>,
      %swap3A_874 = vector.shape_cast %swap3A_873 : vector<1x16xi32> to vector<16xi32>
      %swap3A_875 = vector.shape_cast %shift_left3A_870 : vector<16xi32> to vector<1x16xi32>
      tpu.vector_store %arg4[%swap3A_871, %swap3A_872], %swap3A_875 {strides = array<i32>} : memref<136x128xi32, #tpu.memory_space<vmem>>, vector<1x16xi32>,
    }
    %scan3A_441 = arith.constant 136 : i32
    %add3A_442 = arith.constant 1632 : i32
    %add3A_443 = arith.addi %min3A_3, %add3A_442 : i32
    %multiple_of3A_444 = tpu.assume_multiple %add3A_443, 8 : i32
    %dma_start3A_445 = arith.constant 0 : i32
    %dma_start3A_446 = tpu.memref_slice %arg3[%multiple_of3A_444, %dma_start3A_445] : memref<100000x128xi32, #tpu.memory_space<hbm>> -> memref<136x128xi32, #tpu.memory_space<hbm>>
    %dma_start3A_447 = arith.constant 0 : i32
    %dma_start3A_448 = tpu.memref_slice %arg3[%multiple_of3A_444, %dma_start3A_447] : memref<100000x128xi32, #tpu.memory_space<hbm>> -> memref<136x128xi32, #tpu.memory_space<hbm>>
    tpu.enqueue_dma source(%arg4 : memref<136x128xi32, #tpu.memory_space<vmem>>) target(%dma_start3A_448 : memref<136x128xi32, #tpu.memory_space<hbm>>) target_semaphore(%arg10 : memref<!tpu.dma_semaphore, #tpu.memory_space<semaphore_mem>>)
    %add3A_449 = arith.constant 1632 : i32
    %add3A_450 = arith.addi %min3A_3, %add3A_449 : i32
    %multiple_of3A_451 = tpu.assume_multiple %add3A_450, 8 : i32
    %dma_wait3A_452 = arith.constant 0 : i32
    %dma_wait3A_453 = tpu.memref_slice %arg3[%multiple_of3A_451, %dma_wait3A_452] : memref<100000x128xi32, #tpu.memory_space<hbm>> -> memref<136x128xi32, #tpu.memory_space<hbm>>
    %dma_wait3A_454 = arith.constant 0 : i32
    %dma_wait3A_455 = tpu.memref_slice %arg3[%multiple_of3A_451, %dma_wait3A_454] : memref<100000x128xi32, #tpu.memory_space<hbm>> -> memref<136x128xi32, #tpu.memory_space<hbm>>
    tpu.wait_dma2 semaphore(%arg10 : memref<!tpu.dma_semaphore, #tpu.memory_space<semaphore_mem>>) src(%arg4 : memref<136x128xi32, #tpu.memory_space<vmem>>) dst(%dma_wait3A_455 : memref<136x128xi32, #tpu.memory_space<hbm>>)
    %add3A_456 = arith.constant 2040 : i32
    %add3A_457 = arith.addi %min3A_3, %add3A_456 : i32
    %multiple_of3A_458 = tpu.assume_multiple %add3A_457, 8 : i32
    %dma_start3A_459 = arith.constant 0 : i32
    %dma_start3A_460 = tpu.memref_slice %arg2[%multiple_of3A_458, %dma_start3A_459] : memref<100000x128xi32, #tpu.memory_space<hbm>> -> memref<136x128xi32, #tpu.memory_space<hbm>>
    %dma_start3A_461 = arith.constant 0 : i32
    %dma_start3A_462 = tpu.memref_slice %arg2[%multiple_of3A_458, %dma_start3A_461] : memref<100000x128xi32, #tpu.memory_space<hbm>> -> memref<136x128xi32, #tpu.memory_space<hbm>>
    tpu.enqueue_dma source(%dma_start3A_462 : memref<136x128xi32, #tpu.memory_space<hbm>>) target(%arg4 : memref<136x128xi32, #tpu.memory_space<vmem>>) target_semaphore(%arg7 : memref<!tpu.dma_semaphore, #tpu.memory_space<semaphore_mem>>)
    %add3A_463 = arith.constant 1768 : i32
    %add3A_464 = arith.addi %min3A_3, %add3A_463 : i32
    %multiple_of3A_465 = tpu.assume_multiple %add3A_464, 8 : i32
    %dma_wait3A_466 = arith.constant 0 : i32
    %dma_wait3A_467 = tpu.memref_slice %arg2[%multiple_of3A_465, %dma_wait3A_466] : memref<100000x128xi32, #tpu.memory_space<hbm>> -> memref<136x128xi32, #tpu.memory_space<hbm>>
    %dma_wait3A_468 = arith.constant 0 : i32
    %dma_wait3A_469 = tpu.memref_slice %arg2[%multiple_of3A_465, %dma_wait3A_468] : memref<100000x128xi32, #tpu.memory_space<hbm>> -> memref<136x128xi32, #tpu.memory_space<hbm>>
    tpu.wait_dma2 semaphore(%arg8 : memref<!tpu.dma_semaphore, #tpu.memory_space<semaphore_mem>>) src(%dma_wait3A_469 : memref<136x128xi32, #tpu.memory_space<hbm>>) dst(%arg5 : memref<136x128xi32, #tpu.memory_space<vmem>>)
    %scan3A_470 = arith.constant 0 : i32
    %scan3A_471 = arith.constant 0 : i32
    %scan3A_472 = arith.constant 136 : i32
    %scan3A_473 = arith.addi %scan3A_471, %scan3A_472 : i32
    %scan3A_474 = arith.constant 1 : i32
    scf.for %scan3A_782 = %scan3A_471 to %scan3A_473 step %scan3A_474  : i32 {
      %get3A = arith.index_cast %scan3A_782 : i32 to index
      %get3A_783 = arith.constant 0 : index
      %get3A_784 = tpu.vector_load %arg5[%get3A, %get3A_783] {strides = array<i32>} : memref<136x128xi32, #tpu.memory_space<vmem>>, vector<1x16xi32>,
      %get3A_785 = vector.shape_cast %get3A_784 : vector<1x16xi32> to vector<16xi32>
      %shift_left3A = arith.constant 16 : i32
      %shift_left3A_786 = vector.broadcast %shift_left3A : i32 to vector<16xi32>
      %shift_left3A_787 = arith.shli %get3A_785, %shift_left3A_786 : vector<16xi32>
      %swap3A = arith.index_cast %scan3A_782 : i32 to index
      %swap3A_788 = arith.constant 0 : index
      %swap3A_789 = tpu.vector_load %arg5[%swap3A, %swap3A_788] {strides = array<i32>} : memref<136x128xi32, #tpu.memory_space<vmem>>, vector<1x16xi32>,
      %swap3A_790 = vector.shape_cast %swap3A_789 : vector<1x16xi32> to vector<16xi32>
      %swap3A_791 = vector.shape_cast %shift_left3A_787 : vector<16xi32> to vector<1x16xi32>
      tpu.vector_store %arg5[%swap3A, %swap3A_788], %swap3A_791 {strides = array<i32>} : memref<136x128xi32, #tpu.memory_space<vmem>>, vector<1x16xi32>,
      %get3A_792 = arith.index_cast %scan3A_782 : i32 to index
      %get3A_793 = arith.constant 16 : index
      %get3A_794 = tpu.vector_load %arg5[%get3A_792, %get3A_793] {strides = array<i32>} : memref<136x128xi32, #tpu.memory_space<vmem>>, vector<1x16xi32>,
      %get3A_795 = vector.shape_cast %get3A_794 : vector<1x16xi32> to vector<16xi32>
      %shift_left3A_796 = arith.constant 16 : i32
      %shift_left3A_797 = vector.broadcast %shift_left3A_796 : i32 to vector<16xi32>
      %shift_left3A_798 = arith.shli %get3A_795, %shift_left3A_797 : vector<16xi32>
      %swap3A_799 = arith.index_cast %scan3A_782 : i32 to index
      %swap3A_800 = arith.constant 16 : index
      %swap3A_801 = tpu.vector_load %arg5[%swap3A_799, %swap3A_800] {strides = array<i32>} : memref<136x128xi32, #tpu.memory_space<vmem>>, vector<1x16xi32>,
      %swap3A_802 = vector.shape_cast %swap3A_801 : vector<1x16xi32> to vector<16xi32>
      %swap3A_803 = vector.shape_cast %shift_left3A_798 : vector<16xi32> to vector<1x16xi32>
      tpu.vector_store %arg5[%swap3A_799, %swap3A_800], %swap3A_803 {strides = array<i32>} : memref<136x128xi32, #tpu.memory_space<vmem>>, vector<1x16xi32>,
      %get3A_804 = arith.index_cast %scan3A_782 : i32 to index
      %get3A_805 = arith.constant 32 : index
      %get3A_806 = tpu.vector_load %arg5[%get3A_804, %get3A_805] {strides = array<i32>} : memref<136x128xi32, #tpu.memory_space<vmem>>, vector<1x16xi32>,
      %get3A_807 = vector.shape_cast %get3A_806 : vector<1x16xi32> to vector<16xi32>
      %shift_left3A_808 = arith.constant 16 : i32
      %shift_left3A_809 = vector.broadcast %shift_left3A_808 : i32 to vector<16xi32>
      %shift_left3A_810 = arith.shli %get3A_807, %shift_left3A_809 : vector<16xi32>
      %swap3A_811 = arith.index_cast %scan3A_782 : i32 to index
      %swap3A_812 = arith.constant 32 : index
      %swap3A_813 = tpu.vector_load %arg5[%swap3A_811, %swap3A_812] {strides = array<i32>} : memref<136x128xi32, #tpu.memory_space<vmem>>, vector<1x16xi32>,
      %swap3A_814 = vector.shape_cast %swap3A_813 : vector<1x16xi32> to vector<16xi32>
      %swap3A_815 = vector.shape_cast %shift_left3A_810 : vector<16xi32> to vector<1x16xi32>
      tpu.vector_store %arg5[%swap3A_811, %swap3A_812], %swap3A_815 {strides = array<i32>} : memref<136x128xi32, #tpu.memory_space<vmem>>, vector<1x16xi32>,
      %get3A_816 = arith.index_cast %scan3A_782 : i32 to index
      %get3A_817 = arith.constant 48 : index
      %get3A_818 = tpu.vector_load %arg5[%get3A_816, %get3A_817] {strides = array<i32>} : memref<136x128xi32, #tpu.memory_space<vmem>>, vector<1x16xi32>,
      %get3A_819 = vector.shape_cast %get3A_818 : vector<1x16xi32> to vector<16xi32>
      %shift_left3A_820 = arith.constant 16 : i32
      %shift_left3A_821 = vector.broadcast %shift_left3A_820 : i32 to vector<16xi32>
      %shift_left3A_822 = arith.shli %get3A_819, %shift_left3A_821 : vector<16xi32>
      %swap3A_823 = arith.index_cast %scan3A_782 : i32 to index
      %swap3A_824 = arith.constant 48 : index
      %swap3A_825 = tpu.vector_load %arg5[%swap3A_823, %swap3A_824] {strides = array<i32>} : memref<136x128xi32, #tpu.memory_space<vmem>>, vector<1x16xi32>,
      %swap3A_826 = vector.shape_cast %swap3A_825 : vector<1x16xi32> to vector<16xi32>
      %swap3A_827 = vector.shape_cast %shift_left3A_822 : vector<16xi32> to vector<1x16xi32>
      tpu.vector_store %arg5[%swap3A_823, %swap3A_824], %swap3A_827 {strides = array<i32>} : memref<136x128xi32, #tpu.memory_space<vmem>>, vector<1x16xi32>,
      %get3A_828 = arith.index_cast %scan3A_782 : i32 to index
      %get3A_829 = arith.constant 64 : index
      %get3A_830 = tpu.vector_load %arg5[%get3A_828, %get3A_829] {strides = array<i32>} : memref<136x128xi32, #tpu.memory_space<vmem>>, vector<1x16xi32>,
      %get3A_831 = vector.shape_cast %get3A_830 : vector<1x16xi32> to vector<16xi32>
      %shift_left3A_832 = arith.constant 16 : i32
      %shift_left3A_833 = vector.broadcast %shift_left3A_832 : i32 to vector<16xi32>
      %shift_left3A_834 = arith.shli %get3A_831, %shift_left3A_833 : vector<16xi32>
      %swap3A_835 = arith.index_cast %scan3A_782 : i32 to index
      %swap3A_836 = arith.constant 64 : index
      %swap3A_837 = tpu.vector_load %arg5[%swap3A_835, %swap3A_836] {strides = array<i32>} : memref<136x128xi32, #tpu.memory_space<vmem>>, vector<1x16xi32>,
      %swap3A_838 = vector.shape_cast %swap3A_837 : vector<1x16xi32> to vector<16xi32>
      %swap3A_839 = vector.shape_cast %shift_left3A_834 : vector<16xi32> to vector<1x16xi32>
      tpu.vector_store %arg5[%swap3A_835, %swap3A_836], %swap3A_839 {strides = array<i32>} : memref<136x128xi32, #tpu.memory_space<vmem>>, vector<1x16xi32>,
      %get3A_840 = arith.index_cast %scan3A_782 : i32 to index
      %get3A_841 = arith.constant 80 : index
      %get3A_842 = tpu.vector_load %arg5[%get3A_840, %get3A_841] {strides = array<i32>} : memref<136x128xi32, #tpu.memory_space<vmem>>, vector<1x16xi32>,
      %get3A_843 = vector.shape_cast %get3A_842 : vector<1x16xi32> to vector<16xi32>
      %shift_left3A_844 = arith.constant 16 : i32
      %shift_left3A_845 = vector.broadcast %shift_left3A_844 : i32 to vector<16xi32>
      %shift_left3A_846 = arith.shli %get3A_843, %shift_left3A_845 : vector<16xi32>
      %swap3A_847 = arith.index_cast %scan3A_782 : i32 to index
      %swap3A_848 = arith.constant 80 : index
      %swap3A_849 = tpu.vector_load %arg5[%swap3A_847, %swap3A_848] {strides = array<i32>} : memref<136x128xi32, #tpu.memory_space<vmem>>, vector<1x16xi32>,
      %swap3A_850 = vector.shape_cast %swap3A_849 : vector<1x16xi32> to vector<16xi32>
      %swap3A_851 = vector.shape_cast %shift_left3A_846 : vector<16xi32> to vector<1x16xi32>
      tpu.vector_store %arg5[%swap3A_847, %swap3A_848], %swap3A_851 {strides = array<i32>} : memref<136x128xi32, #tpu.memory_space<vmem>>, vector<1x16xi32>,
      %get3A_852 = arith.index_cast %scan3A_782 : i32 to index
      %get3A_853 = arith.constant 96 : index
      %get3A_854 = tpu.vector_load %arg5[%get3A_852, %get3A_853] {strides = array<i32>} : memref<136x128xi32, #tpu.memory_space<vmem>>, vector<1x16xi32>,
      %get3A_855 = vector.shape_cast %get3A_854 : vector<1x16xi32> to vector<16xi32>
      %shift_left3A_856 = arith.constant 16 : i32
      %shift_left3A_857 = vector.broadcast %shift_left3A_856 : i32 to vector<16xi32>
      %shift_left3A_858 = arith.shli %get3A_855, %shift_left3A_857 : vector<16xi32>
      %swap3A_859 = arith.index_cast %scan3A_782 : i32 to index
      %swap3A_860 = arith.constant 96 : index
      %swap3A_861 = tpu.vector_load %arg5[%swap3A_859, %swap3A_860] {strides = array<i32>} : memref<136x128xi32, #tpu.memory_space<vmem>>, vector<1x16xi32>,
      %swap3A_862 = vector.shape_cast %swap3A_861 : vector<1x16xi32> to vector<16xi32>
      %swap3A_863 = vector.shape_cast %shift_left3A_858 : vector<16xi32> to vector<1x16xi32>
      tpu.vector_store %arg5[%swap3A_859, %swap3A_860], %swap3A_863 {strides = array<i32>} : memref<136x128xi32, #tpu.memory_space<vmem>>, vector<1x16xi32>,
      %get3A_864 = arith.index_cast %scan3A_782 : i32 to index
      %get3A_865 = arith.constant 112 : index
      %get3A_866 = tpu.vector_load %arg5[%get3A_864, %get3A_865] {strides = array<i32>} : memref<136x128xi32, #tpu.memory_space<vmem>>, vector<1x16xi32>,
      %get3A_867 = vector.shape_cast %get3A_866 : vector<1x16xi32> to vector<16xi32>
      %shift_left3A_868 = arith.constant 16 : i32
      %shift_left3A_869 = vector.broadcast %shift_left3A_868 : i32 to vector<16xi32>
      %shift_left3A_870 = arith.shli %get3A_867, %shift_left3A_869 : vector<16xi32>
      %swap3A_871 = arith.index_cast %scan3A_782 : i32 to index
      %swap3A_872 = arith.constant 112 : index
      %swap3A_873 = tpu.vector_load %arg5[%swap3A_871, %swap3A_872] {strides = array<i32>} : memref<136x128xi32, #tpu.memory_space<vmem>>, vector<1x16xi32>,
      %swap3A_874 = vector.shape_cast %swap3A_873 : vector<1x16xi32> to vector<16xi32>
      %swap3A_875 = vector.shape_cast %shift_left3A_870 : vector<16xi32> to vector<1x16xi32>
      tpu.vector_store %arg5[%swap3A_871, %swap3A_872], %swap3A_875 {strides = array<i32>} : memref<136x128xi32, #tpu.memory_space<vmem>>, vector<1x16xi32>,
    }
    %scan3A_475 = arith.constant 136 : i32
    %add3A_476 = arith.constant 1768 : i32
    %add3A_477 = arith.addi %min3A_3, %add3A_476 : i32
    %multiple_of3A_478 = tpu.assume_multiple %add3A_477, 8 : i32
    %dma_start3A_479 = arith.constant 0 : i32
    %dma_start3A_480 = tpu.memref_slice %arg3[%multiple_of3A_478, %dma_start3A_479] : memref<100000x128xi32, #tpu.memory_space<hbm>> -> memref<136x128xi32, #tpu.memory_space<hbm>>
    %dma_start3A_481 = arith.constant 0 : i32
    %dma_start3A_482 = tpu.memref_slice %arg3[%multiple_of3A_478, %dma_start3A_481] : memref<100000x128xi32, #tpu.memory_space<hbm>> -> memref<136x128xi32, #tpu.memory_space<hbm>>
    tpu.enqueue_dma source(%arg5 : memref<136x128xi32, #tpu.memory_space<vmem>>) target(%dma_start3A_482 : memref<136x128xi32, #tpu.memory_space<hbm>>) target_semaphore(%arg11 : memref<!tpu.dma_semaphore, #tpu.memory_space<semaphore_mem>>)
    %add3A_483 = arith.constant 1768 : i32
    %add3A_484 = arith.addi %min3A_3, %add3A_483 : i32
    %multiple_of3A_485 = tpu.assume_multiple %add3A_484, 8 : i32
    %dma_wait3A_486 = arith.constant 0 : i32
    %dma_wait3A_487 = tpu.memref_slice %arg3[%multiple_of3A_485, %dma_wait3A_486] : memref<100000x128xi32, #tpu.memory_space<hbm>> -> memref<136x128xi32, #tpu.memory_space<hbm>>
    %dma_wait3A_488 = arith.constant 0 : i32
    %dma_wait3A_489 = tpu.memref_slice %arg3[%multiple_of3A_485, %dma_wait3A_488] : memref<100000x128xi32, #tpu.memory_space<hbm>> -> memref<136x128xi32, #tpu.memory_space<hbm>>
    tpu.wait_dma2 semaphore(%arg11 : memref<!tpu.dma_semaphore, #tpu.memory_space<semaphore_mem>>) src(%arg5 : memref<136x128xi32, #tpu.memory_space<vmem>>) dst(%dma_wait3A_489 : memref<136x128xi32, #tpu.memory_space<hbm>>)
    %add3A_490 = arith.constant 2176 : i32
    %add3A_491 = arith.addi %min3A_3, %add3A_490 : i32
    %multiple_of3A_492 = tpu.assume_multiple %add3A_491, 8 : i32
    %dma_start3A_493 = arith.constant 0 : i32
    %dma_start3A_494 = tpu.memref_slice %arg2[%multiple_of3A_492, %dma_start3A_493] : memref<100000x128xi32, #tpu.memory_space<hbm>> -> memref<136x128xi32, #tpu.memory_space<hbm>>
    %dma_start3A_495 = arith.constant 0 : i32
    %dma_start3A_496 = tpu.memref_slice %arg2[%multiple_of3A_492, %dma_start3A_495] : memref<100000x128xi32, #tpu.memory_space<hbm>> -> memref<136x128xi32, #tpu.memory_space<hbm>>
    tpu.enqueue_dma source(%dma_start3A_496 : memref<136x128xi32, #tpu.memory_space<hbm>>) target(%arg5 : memref<136x128xi32, #tpu.memory_space<vmem>>) target_semaphore(%arg8 : memref<!tpu.dma_semaphore, #tpu.memory_space<semaphore_mem>>)
    %add3A_497 = arith.constant 1904 : i32
    %add3A_498 = arith.addi %min3A_3, %add3A_497 : i32
    %multiple_of3A_499 = tpu.assume_multiple %add3A_498, 8 : i32
    %dma_wait3A_500 = arith.constant 0 : i32
    %dma_wait3A_501 = tpu.memref_slice %arg2[%multiple_of3A_499, %dma_wait3A_500] : memref<100000x128xi32, #tpu.memory_space<hbm>> -> memref<136x128xi32, #tpu.memory_space<hbm>>
    %dma_wait3A_502 = arith.constant 0 : i32
    %dma_wait3A_503 = tpu.memref_slice %arg2[%multiple_of3A_499, %dma_wait3A_502] : memref<100000x128xi32, #tpu.memory_space<hbm>> -> memref<136x128xi32, #tpu.memory_space<hbm>>
    tpu.wait_dma2 semaphore(%arg9 : memref<!tpu.dma_semaphore, #tpu.memory_space<semaphore_mem>>) src(%dma_wait3A_503 : memref<136x128xi32, #tpu.memory_space<hbm>>) dst(%arg6 : memref<136x128xi32, #tpu.memory_space<vmem>>)
    %scan3A_504 = arith.constant 0 : i32
    %scan3A_505 = arith.constant 0 : i32
    %scan3A_506 = arith.constant 136 : i32
    %scan3A_507 = arith.addi %scan3A_505, %scan3A_506 : i32
    %scan3A_508 = arith.constant 1 : i32
    scf.for %scan3A_782 = %scan3A_505 to %scan3A_507 step %scan3A_508  : i32 {
      %get3A = arith.index_cast %scan3A_782 : i32 to index
      %get3A_783 = arith.constant 0 : index
      %get3A_784 = tpu.vector_load %arg6[%get3A, %get3A_783] {strides = array<i32>} : memref<136x128xi32, #tpu.memory_space<vmem>>, vector<1x16xi32>,
      %get3A_785 = vector.shape_cast %get3A_784 : vector<1x16xi32> to vector<16xi32>
      %shift_left3A = arith.constant 16 : i32
      %shift_left3A_786 = vector.broadcast %shift_left3A : i32 to vector<16xi32>
      %shift_left3A_787 = arith.shli %get3A_785, %shift_left3A_786 : vector<16xi32>
      %swap3A = arith.index_cast %scan3A_782 : i32 to index
      %swap3A_788 = arith.constant 0 : index
      %swap3A_789 = tpu.vector_load %arg6[%swap3A, %swap3A_788] {strides = array<i32>} : memref<136x128xi32, #tpu.memory_space<vmem>>, vector<1x16xi32>,
      %swap3A_790 = vector.shape_cast %swap3A_789 : vector<1x16xi32> to vector<16xi32>
      %swap3A_791 = vector.shape_cast %shift_left3A_787 : vector<16xi32> to vector<1x16xi32>
      tpu.vector_store %arg6[%swap3A, %swap3A_788], %swap3A_791 {strides = array<i32>} : memref<136x128xi32, #tpu.memory_space<vmem>>, vector<1x16xi32>,
      %get3A_792 = arith.index_cast %scan3A_782 : i32 to index
      %get3A_793 = arith.constant 16 : index
      %get3A_794 = tpu.vector_load %arg6[%get3A_792, %get3A_793] {strides = array<i32>} : memref<136x128xi32, #tpu.memory_space<vmem>>, vector<1x16xi32>,
      %get3A_795 = vector.shape_cast %get3A_794 : vector<1x16xi32> to vector<16xi32>
      %shift_left3A_796 = arith.constant 16 : i32
      %shift_left3A_797 = vector.broadcast %shift_left3A_796 : i32 to vector<16xi32>
      %shift_left3A_798 = arith.shli %get3A_795, %shift_left3A_797 : vector<16xi32>
      %swap3A_799 = arith.index_cast %scan3A_782 : i32 to index
      %swap3A_800 = arith.constant 16 : index
      %swap3A_801 = tpu.vector_load %arg6[%swap3A_799, %swap3A_800] {strides = array<i32>} : memref<136x128xi32, #tpu.memory_space<vmem>>, vector<1x16xi32>,
      %swap3A_802 = vector.shape_cast %swap3A_801 : vector<1x16xi32> to vector<16xi32>
      %swap3A_803 = vector.shape_cast %shift_left3A_798 : vector<16xi32> to vector<1x16xi32>
      tpu.vector_store %arg6[%swap3A_799, %swap3A_800], %swap3A_803 {strides = array<i32>} : memref<136x128xi32, #tpu.memory_space<vmem>>, vector<1x16xi32>,
      %get3A_804 = arith.index_cast %scan3A_782 : i32 to index
      %get3A_805 = arith.constant 32 : index
      %get3A_806 = tpu.vector_load %arg6[%get3A_804, %get3A_805] {strides = array<i32>} : memref<136x128xi32, #tpu.memory_space<vmem>>, vector<1x16xi32>,
      %get3A_807 = vector.shape_cast %get3A_806 : vector<1x16xi32> to vector<16xi32>
      %shift_left3A_808 = arith.constant 16 : i32
      %shift_left3A_809 = vector.broadcast %shift_left3A_808 : i32 to vector<16xi32>
      %shift_left3A_810 = arith.shli %get3A_807, %shift_left3A_809 : vector<16xi32>
      %swap3A_811 = arith.index_cast %scan3A_782 : i32 to index
      %swap3A_812 = arith.constant 32 : index
      %swap3A_813 = tpu.vector_load %arg6[%swap3A_811, %swap3A_812] {strides = array<i32>} : memref<136x128xi32, #tpu.memory_space<vmem>>, vector<1x16xi32>,
      %swap3A_814 = vector.shape_cast %swap3A_813 : vector<1x16xi32> to vector<16xi32>
      %swap3A_815 = vector.shape_cast %shift_left3A_810 : vector<16xi32> to vector<1x16xi32>
      tpu.vector_store %arg6[%swap3A_811, %swap3A_812], %swap3A_815 {strides = array<i32>} : memref<136x128xi32, #tpu.memory_space<vmem>>, vector<1x16xi32>,
      %get3A_816 = arith.index_cast %scan3A_782 : i32 to index
      %get3A_817 = arith.constant 48 : index
      %get3A_818 = tpu.vector_load %arg6[%get3A_816, %get3A_817] {strides = array<i32>} : memref<136x128xi32, #tpu.memory_space<vmem>>, vector<1x16xi32>,
      %get3A_819 = vector.shape_cast %get3A_818 : vector<1x16xi32> to vector<16xi32>
      %shift_left3A_820 = arith.constant 16 : i32
      %shift_left3A_821 = vector.broadcast %shift_left3A_820 : i32 to vector<16xi32>
      %shift_left3A_822 = arith.shli %get3A_819, %shift_left3A_821 : vector<16xi32>
      %swap3A_823 = arith.index_cast %scan3A_782 : i32 to index
      %swap3A_824 = arith.constant 48 : index
      %swap3A_825 = tpu.vector_load %arg6[%swap3A_823, %swap3A_824] {strides = array<i32>} : memref<136x128xi32, #tpu.memory_space<vmem>>, vector<1x16xi32>,
      %swap3A_826 = vector.shape_cast %swap3A_825 : vector<1x16xi32> to vector<16xi32>
      %swap3A_827 = vector.shape_cast %shift_left3A_822 : vector<16xi32> to vector<1x16xi32>
      tpu.vector_store %arg6[%swap3A_823, %swap3A_824], %swap3A_827 {strides = array<i32>} : memref<136x128xi32, #tpu.memory_space<vmem>>, vector<1x16xi32>,
      %get3A_828 = arith.index_cast %scan3A_782 : i32 to index
      %get3A_829 = arith.constant 64 : index
      %get3A_830 = tpu.vector_load %arg6[%get3A_828, %get3A_829] {strides = array<i32>} : memref<136x128xi32, #tpu.memory_space<vmem>>, vector<1x16xi32>,
      %get3A_831 = vector.shape_cast %get3A_830 : vector<1x16xi32> to vector<16xi32>
      %shift_left3A_832 = arith.constant 16 : i32
      %shift_left3A_833 = vector.broadcast %shift_left3A_832 : i32 to vector<16xi32>
      %shift_left3A_834 = arith.shli %get3A_831, %shift_left3A_833 : vector<16xi32>
      %swap3A_835 = arith.index_cast %scan3A_782 : i32 to index
      %swap3A_836 = arith.constant 64 : index
      %swap3A_837 = tpu.vector_load %arg6[%swap3A_835, %swap3A_836] {strides = array<i32>} : memref<136x128xi32, #tpu.memory_space<vmem>>, vector<1x16xi32>,
      %swap3A_838 = vector.shape_cast %swap3A_837 : vector<1x16xi32> to vector<16xi32>
      %swap3A_839 = vector.shape_cast %shift_left3A_834 : vector<16xi32> to vector<1x16xi32>
      tpu.vector_store %arg6[%swap3A_835, %swap3A_836], %swap3A_839 {strides = array<i32>} : memref<136x128xi32, #tpu.memory_space<vmem>>, vector<1x16xi32>,
      %get3A_840 = arith.index_cast %scan3A_782 : i32 to index
      %get3A_841 = arith.constant 80 : index
      %get3A_842 = tpu.vector_load %arg6[%get3A_840, %get3A_841] {strides = array<i32>} : memref<136x128xi32, #tpu.memory_space<vmem>>, vector<1x16xi32>,
      %get3A_843 = vector.shape_cast %get3A_842 : vector<1x16xi32> to vector<16xi32>
      %shift_left3A_844 = arith.constant 16 : i32
      %shift_left3A_845 = vector.broadcast %shift_left3A_844 : i32 to vector<16xi32>
      %shift_left3A_846 = arith.shli %get3A_843, %shift_left3A_845 : vector<16xi32>
      %swap3A_847 = arith.index_cast %scan3A_782 : i32 to index
      %swap3A_848 = arith.constant 80 : index
      %swap3A_849 = tpu.vector_load %arg6[%swap3A_847, %swap3A_848] {strides = array<i32>} : memref<136x128xi32, #tpu.memory_space<vmem>>, vector<1x16xi32>,
      %swap3A_850 = vector.shape_cast %swap3A_849 : vector<1x16xi32> to vector<16xi32>
      %swap3A_851 = vector.shape_cast %shift_left3A_846 : vector<16xi32> to vector<1x16xi32>
      tpu.vector_store %arg6[%swap3A_847, %swap3A_848], %swap3A_851 {strides = array<i32>} : memref<136x128xi32, #tpu.memory_space<vmem>>, vector<1x16xi32>,
      %get3A_852 = arith.index_cast %scan3A_782 : i32 to index
      %get3A_853 = arith.constant 96 : index
      %get3A_854 = tpu.vector_load %arg6[%get3A_852, %get3A_853] {strides = array<i32>} : memref<136x128xi32, #tpu.memory_space<vmem>>, vector<1x16xi32>,
      %get3A_855 = vector.shape_cast %get3A_854 : vector<1x16xi32> to vector<16xi32>
      %shift_left3A_856 = arith.constant 16 : i32
      %shift_left3A_857 = vector.broadcast %shift_left3A_856 : i32 to vector<16xi32>
      %shift_left3A_858 = arith.shli %get3A_855, %shift_left3A_857 : vector<16xi32>
      %swap3A_859 = arith.index_cast %scan3A_782 : i32 to index
      %swap3A_860 = arith.constant 96 : index
      %swap3A_861 = tpu.vector_load %arg6[%swap3A_859, %swap3A_860] {strides = array<i32>} : memref<136x128xi32, #tpu.memory_space<vmem>>, vector<1x16xi32>,
      %swap3A_862 = vector.shape_cast %swap3A_861 : vector<1x16xi32> to vector<16xi32>
      %swap3A_863 = vector.shape_cast %shift_left3A_858 : vector<16xi32> to vector<1x16xi32>
      tpu.vector_store %arg6[%swap3A_859, %swap3A_860], %swap3A_863 {strides = array<i32>} : memref<136x128xi32, #tpu.memory_space<vmem>>, vector<1x16xi32>,
      %get3A_864 = arith.index_cast %scan3A_782 : i32 to index
      %get3A_865 = arith.constant 112 : index
      %get3A_866 = tpu.vector_load %arg6[%get3A_864, %get3A_865] {strides = array<i32>} : memref<136x128xi32, #tpu.memory_space<vmem>>, vector<1x16xi32>,
      %get3A_867 = vector.shape_cast %get3A_866 : vector<1x16xi32> to vector<16xi32>
      %shift_left3A_868 = arith.constant 16 : i32
      %shift_left3A_869 = vector.broadcast %shift_left3A_868 : i32 to vector<16xi32>
      %shift_left3A_870 = arith.shli %get3A_867, %shift_left3A_869 : vector<16xi32>
      %swap3A_871 = arith.index_cast %scan3A_782 : i32 to index
      %swap3A_872 = arith.constant 112 : index
      %swap3A_873 = tpu.vector_load %arg6[%swap3A_871, %swap3A_872] {strides = array<i32>} : memref<136x128xi32, #tpu.memory_space<vmem>>, vector<1x16xi32>,
      %swap3A_874 = vector.shape_cast %swap3A_873 : vector<1x16xi32> to vector<16xi32>
      %swap3A_875 = vector.shape_cast %shift_left3A_870 : vector<16xi32> to vector<1x16xi32>
      tpu.vector_store %arg6[%swap3A_871, %swap3A_872], %swap3A_875 {strides = array<i32>} : memref<136x128xi32, #tpu.memory_space<vmem>>, vector<1x16xi32>,
    }
    %scan3A_509 = arith.constant 136 : i32
    %add3A_510 = arith.constant 1904 : i32
    %add3A_511 = arith.addi %min3A_3, %add3A_510 : i32
    %multiple_of3A_512 = tpu.assume_multiple %add3A_511, 8 : i32
    %dma_start3A_513 = arith.constant 0 : i32
    %dma_start3A_514 = tpu.memref_slice %arg3[%multiple_of3A_512, %dma_start3A_513] : memref<100000x128xi32, #tpu.memory_space<hbm>> -> memref<136x128xi32, #tpu.memory_space<hbm>>
    %dma_start3A_515 = arith.constant 0 : i32
    %dma_start3A_516 = tpu.memref_slice %arg3[%multiple_of3A_512, %dma_start3A_515] : memref<100000x128xi32, #tpu.memory_space<hbm>> -> memref<136x128xi32, #tpu.memory_space<hbm>>
    tpu.enqueue_dma source(%arg6 : memref<136x128xi32, #tpu.memory_space<vmem>>) target(%dma_start3A_516 : memref<136x128xi32, #tpu.memory_space<hbm>>) target_semaphore(%arg12 : memref<!tpu.dma_semaphore, #tpu.memory_space<semaphore_mem>>)
    %add3A_517 = arith.constant 1904 : i32
    %add3A_518 = arith.addi %min3A_3, %add3A_517 : i32
    %multiple_of3A_519 = tpu.assume_multiple %add3A_518, 8 : i32
    %dma_wait3A_520 = arith.constant 0 : i32
    %dma_wait3A_521 = tpu.memref_slice %arg3[%multiple_of3A_519, %dma_wait3A_520] : memref<100000x128xi32, #tpu.memory_space<hbm>> -> memref<136x128xi32, #tpu.memory_space<hbm>>
    %dma_wait3A_522 = arith.constant 0 : i32
    %dma_wait3A_523 = tpu.memref_slice %arg3[%multiple_of3A_519, %dma_wait3A_522] : memref<100000x128xi32, #tpu.memory_space<hbm>> -> memref<136x128xi32, #tpu.memory_space<hbm>>
    tpu.wait_dma2 semaphore(%arg12 : memref<!tpu.dma_semaphore, #tpu.memory_space<semaphore_mem>>) src(%arg6 : memref<136x128xi32, #tpu.memory_space<vmem>>) dst(%dma_wait3A_523 : memref<136x128xi32, #tpu.memory_space<hbm>>)
    %add3A_524 = arith.constant 2312 : i32
    %add3A_525 = arith.addi %min3A_3, %add3A_524 : i32
    %multiple_of3A_526 = tpu.assume_multiple %add3A_525, 8 : i32
    %dma_start3A_527 = arith.constant 0 : i32
    %dma_start3A_528 = tpu.memref_slice %arg2[%multiple_of3A_526, %dma_start3A_527] : memref<100000x128xi32, #tpu.memory_space<hbm>> -> memref<136x128xi32, #tpu.memory_space<hbm>>
    %dma_start3A_529 = arith.constant 0 : i32
    %dma_start3A_530 = tpu.memref_slice %arg2[%multiple_of3A_526, %dma_start3A_529] : memref<100000x128xi32, #tpu.memory_space<hbm>> -> memref<136x128xi32, #tpu.memory_space<hbm>>
    tpu.enqueue_dma source(%dma_start3A_530 : memref<136x128xi32, #tpu.memory_space<hbm>>) target(%arg6 : memref<136x128xi32, #tpu.memory_space<vmem>>) target_semaphore(%arg9 : memref<!tpu.dma_semaphore, #tpu.memory_space<semaphore_mem>>)
    %add3A_531 = arith.constant 2040 : i32
    %add3A_532 = arith.addi %min3A_3, %add3A_531 : i32
    %multiple_of3A_533 = tpu.assume_multiple %add3A_532, 8 : i32
    %dma_wait3A_534 = arith.constant 0 : i32
    %dma_wait3A_535 = tpu.memref_slice %arg2[%multiple_of3A_533, %dma_wait3A_534] : memref<100000x128xi32, #tpu.memory_space<hbm>> -> memref<136x128xi32, #tpu.memory_space<hbm>>
    %dma_wait3A_536 = arith.constant 0 : i32
    %dma_wait3A_537 = tpu.memref_slice %arg2[%multiple_of3A_533, %dma_wait3A_536] : memref<100000x128xi32, #tpu.memory_space<hbm>> -> memref<136x128xi32, #tpu.memory_space<hbm>>
    tpu.wait_dma2 semaphore(%arg7 : memref<!tpu.dma_semaphore, #tpu.memory_space<semaphore_mem>>) src(%dma_wait3A_537 : memref<136x128xi32, #tpu.memory_space<hbm>>) dst(%arg4 : memref<136x128xi32, #tpu.memory_space<vmem>>)
    %scan3A_538 = arith.constant 0 : i32
    %scan3A_539 = arith.constant 0 : i32
    %scan3A_540 = arith.constant 136 : i32
    %scan3A_541 = arith.addi %scan3A_539, %scan3A_540 : i32
    %scan3A_542 = arith.constant 1 : i32
    scf.for %scan3A_782 = %scan3A_539 to %scan3A_541 step %scan3A_542  : i32 {
      %get3A = arith.index_cast %scan3A_782 : i32 to index
      %get3A_783 = arith.constant 0 : index
      %get3A_784 = tpu.vector_load %arg4[%get3A, %get3A_783] {strides = array<i32>} : memref<136x128xi32, #tpu.memory_space<vmem>>, vector<1x16xi32>,
      %get3A_785 = vector.shape_cast %get3A_784 : vector<1x16xi32> to vector<16xi32>
      %shift_left3A = arith.constant 16 : i32
      %shift_left3A_786 = vector.broadcast %shift_left3A : i32 to vector<16xi32>
      %shift_left3A_787 = arith.shli %get3A_785, %shift_left3A_786 : vector<16xi32>
      %swap3A = arith.index_cast %scan3A_782 : i32 to index
      %swap3A_788 = arith.constant 0 : index
      %swap3A_789 = tpu.vector_load %arg4[%swap3A, %swap3A_788] {strides = array<i32>} : memref<136x128xi32, #tpu.memory_space<vmem>>, vector<1x16xi32>,
      %swap3A_790 = vector.shape_cast %swap3A_789 : vector<1x16xi32> to vector<16xi32>
      %swap3A_791 = vector.shape_cast %shift_left3A_787 : vector<16xi32> to vector<1x16xi32>
      tpu.vector_store %arg4[%swap3A, %swap3A_788], %swap3A_791 {strides = array<i32>} : memref<136x128xi32, #tpu.memory_space<vmem>>, vector<1x16xi32>,
      %get3A_792 = arith.index_cast %scan3A_782 : i32 to index
      %get3A_793 = arith.constant 16 : index
      %get3A_794 = tpu.vector_load %arg4[%get3A_792, %get3A_793] {strides = array<i32>} : memref<136x128xi32, #tpu.memory_space<vmem>>, vector<1x16xi32>,
      %get3A_795 = vector.shape_cast %get3A_794 : vector<1x16xi32> to vector<16xi32>
      %shift_left3A_796 = arith.constant 16 : i32
      %shift_left3A_797 = vector.broadcast %shift_left3A_796 : i32 to vector<16xi32>
      %shift_left3A_798 = arith.shli %get3A_795, %shift_left3A_797 : vector<16xi32>
      %swap3A_799 = arith.index_cast %scan3A_782 : i32 to index
      %swap3A_800 = arith.constant 16 : index
      %swap3A_801 = tpu.vector_load %arg4[%swap3A_799, %swap3A_800] {strides = array<i32>} : memref<136x128xi32, #tpu.memory_space<vmem>>, vector<1x16xi32>,
      %swap3A_802 = vector.shape_cast %swap3A_801 : vector<1x16xi32> to vector<16xi32>
      %swap3A_803 = vector.shape_cast %shift_left3A_798 : vector<16xi32> to vector<1x16xi32>
      tpu.vector_store %arg4[%swap3A_799, %swap3A_800], %swap3A_803 {strides = array<i32>} : memref<136x128xi32, #tpu.memory_space<vmem>>, vector<1x16xi32>,
      %get3A_804 = arith.index_cast %scan3A_782 : i32 to index
      %get3A_805 = arith.constant 32 : index
      %get3A_806 = tpu.vector_load %arg4[%get3A_804, %get3A_805] {strides = array<i32>} : memref<136x128xi32, #tpu.memory_space<vmem>>, vector<1x16xi32>,
      %get3A_807 = vector.shape_cast %get3A_806 : vector<1x16xi32> to vector<16xi32>
      %shift_left3A_808 = arith.constant 16 : i32
      %shift_left3A_809 = vector.broadcast %shift_left3A_808 : i32 to vector<16xi32>
      %shift_left3A_810 = arith.shli %get3A_807, %shift_left3A_809 : vector<16xi32>
      %swap3A_811 = arith.index_cast %scan3A_782 : i32 to index
      %swap3A_812 = arith.constant 32 : index
      %swap3A_813 = tpu.vector_load %arg4[%swap3A_811, %swap3A_812] {strides = array<i32>} : memref<136x128xi32, #tpu.memory_space<vmem>>, vector<1x16xi32>,
      %swap3A_814 = vector.shape_cast %swap3A_813 : vector<1x16xi32> to vector<16xi32>
      %swap3A_815 = vector.shape_cast %shift_left3A_810 : vector<16xi32> to vector<1x16xi32>
      tpu.vector_store %arg4[%swap3A_811, %swap3A_812], %swap3A_815 {strides = array<i32>} : memref<136x128xi32, #tpu.memory_space<vmem>>, vector<1x16xi32>,
      %get3A_816 = arith.index_cast %scan3A_782 : i32 to index
      %get3A_817 = arith.constant 48 : index
      %get3A_818 = tpu.vector_load %arg4[%get3A_816, %get3A_817] {strides = array<i32>} : memref<136x128xi32, #tpu.memory_space<vmem>>, vector<1x16xi32>,
      %get3A_819 = vector.shape_cast %get3A_818 : vector<1x16xi32> to vector<16xi32>
      %shift_left3A_820 = arith.constant 16 : i32
      %shift_left3A_821 = vector.broadcast %shift_left3A_820 : i32 to vector<16xi32>
      %shift_left3A_822 = arith.shli %get3A_819, %shift_left3A_821 : vector<16xi32>
      %swap3A_823 = arith.index_cast %scan3A_782 : i32 to index
      %swap3A_824 = arith.constant 48 : index
      %swap3A_825 = tpu.vector_load %arg4[%swap3A_823, %swap3A_824] {strides = array<i32>} : memref<136x128xi32, #tpu.memory_space<vmem>>, vector<1x16xi32>,
      %swap3A_826 = vector.shape_cast %swap3A_825 : vector<1x16xi32> to vector<16xi32>
      %swap3A_827 = vector.shape_cast %shift_left3A_822 : vector<16xi32> to vector<1x16xi32>
      tpu.vector_store %arg4[%swap3A_823, %swap3A_824], %swap3A_827 {strides = array<i32>} : memref<136x128xi32, #tpu.memory_space<vmem>>, vector<1x16xi32>,
      %get3A_828 = arith.index_cast %scan3A_782 : i32 to index
      %get3A_829 = arith.constant 64 : index
      %get3A_830 = tpu.vector_load %arg4[%get3A_828, %get3A_829] {strides = array<i32>} : memref<136x128xi32, #tpu.memory_space<vmem>>, vector<1x16xi32>,
      %get3A_831 = vector.shape_cast %get3A_830 : vector<1x16xi32> to vector<16xi32>
      %shift_left3A_832 = arith.constant 16 : i32
      %shift_left3A_833 = vector.broadcast %shift_left3A_832 : i32 to vector<16xi32>
      %shift_left3A_834 = arith.shli %get3A_831, %shift_left3A_833 : vector<16xi32>
      %swap3A_835 = arith.index_cast %scan3A_782 : i32 to index
      %swap3A_836 = arith.constant 64 : index
      %swap3A_837 = tpu.vector_load %arg4[%swap3A_835, %swap3A_836] {strides = array<i32>} : memref<136x128xi32, #tpu.memory_space<vmem>>, vector<1x16xi32>,
      %swap3A_838 = vector.shape_cast %swap3A_837 : vector<1x16xi32> to vector<16xi32>
      %swap3A_839 = vector.shape_cast %shift_left3A_834 : vector<16xi32> to vector<1x16xi32>
      tpu.vector_store %arg4[%swap3A_835, %swap3A_836], %swap3A_839 {strides = array<i32>} : memref<136x128xi32, #tpu.memory_space<vmem>>, vector<1x16xi32>,
      %get3A_840 = arith.index_cast %scan3A_782 : i32 to index
      %get3A_841 = arith.constant 80 : index
      %get3A_842 = tpu.vector_load %arg4[%get3A_840, %get3A_841] {strides = array<i32>} : memref<136x128xi32, #tpu.memory_space<vmem>>, vector<1x16xi32>,
      %get3A_843 = vector.shape_cast %get3A_842 : vector<1x16xi32> to vector<16xi32>
      %shift_left3A_844 = arith.constant 16 : i32
      %shift_left3A_845 = vector.broadcast %shift_left3A_844 : i32 to vector<16xi32>
      %shift_left3A_846 = arith.shli %get3A_843, %shift_left3A_845 : vector<16xi32>
      %swap3A_847 = arith.index_cast %scan3A_782 : i32 to index
      %swap3A_848 = arith.constant 80 : index
      %swap3A_849 = tpu.vector_load %arg4[%swap3A_847, %swap3A_848] {strides = array<i32>} : memref<136x128xi32, #tpu.memory_space<vmem>>, vector<1x16xi32>,
      %swap3A_850 = vector.shape_cast %swap3A_849 : vector<1x16xi32> to vector<16xi32>
      %swap3A_851 = vector.shape_cast %shift_left3A_846 : vector<16xi32> to vector<1x16xi32>
      tpu.vector_store %arg4[%swap3A_847, %swap3A_848], %swap3A_851 {strides = array<i32>} : memref<136x128xi32, #tpu.memory_space<vmem>>, vector<1x16xi32>,
      %get3A_852 = arith.index_cast %scan3A_782 : i32 to index
      %get3A_853 = arith.constant 96 : index
      %get3A_854 = tpu.vector_load %arg4[%get3A_852, %get3A_853] {strides = array<i32>} : memref<136x128xi32, #tpu.memory_space<vmem>>, vector<1x16xi32>,
      %get3A_855 = vector.shape_cast %get3A_854 : vector<1x16xi32> to vector<16xi32>
      %shift_left3A_856 = arith.constant 16 : i32
      %shift_left3A_857 = vector.broadcast %shift_left3A_856 : i32 to vector<16xi32>
      %shift_left3A_858 = arith.shli %get3A_855, %shift_left3A_857 : vector<16xi32>
      %swap3A_859 = arith.index_cast %scan3A_782 : i32 to index
      %swap3A_860 = arith.constant 96 : index
      %swap3A_861 = tpu.vector_load %arg4[%swap3A_859, %swap3A_860] {strides = array<i32>} : memref<136x128xi32, #tpu.memory_space<vmem>>, vector<1x16xi32>,
      %swap3A_862 = vector.shape_cast %swap3A_861 : vector<1x16xi32> to vector<16xi32>
      %swap3A_863 = vector.shape_cast %shift_left3A_858 : vector<16xi32> to vector<1x16xi32>
      tpu.vector_store %arg4[%swap3A_859, %swap3A_860], %swap3A_863 {strides = array<i32>} : memref<136x128xi32, #tpu.memory_space<vmem>>, vector<1x16xi32>,
      %get3A_864 = arith.index_cast %scan3A_782 : i32 to index
      %get3A_865 = arith.constant 112 : index
      %get3A_866 = tpu.vector_load %arg4[%get3A_864, %get3A_865] {strides = array<i32>} : memref<136x128xi32, #tpu.memory_space<vmem>>, vector<1x16xi32>,
      %get3A_867 = vector.shape_cast %get3A_866 : vector<1x16xi32> to vector<16xi32>
      %shift_left3A_868 = arith.constant 16 : i32
      %shift_left3A_869 = vector.broadcast %shift_left3A_868 : i32 to vector<16xi32>
      %shift_left3A_870 = arith.shli %get3A_867, %shift_left3A_869 : vector<16xi32>
      %swap3A_871 = arith.index_cast %scan3A_782 : i32 to index
      %swap3A_872 = arith.constant 112 : index
      %swap3A_873 = tpu.vector_load %arg4[%swap3A_871, %swap3A_872] {strides = array<i32>} : memref<136x128xi32, #tpu.memory_space<vmem>>, vector<1x16xi32>,
      %swap3A_874 = vector.shape_cast %swap3A_873 : vector<1x16xi32> to vector<16xi32>
      %swap3A_875 = vector.shape_cast %shift_left3A_870 : vector<16xi32> to vector<1x16xi32>
      tpu.vector_store %arg4[%swap3A_871, %swap3A_872], %swap3A_875 {strides = array<i32>} : memref<136x128xi32, #tpu.memory_space<vmem>>, vector<1x16xi32>,
    }
    %scan3A_543 = arith.constant 136 : i32
    %add3A_544 = arith.constant 2040 : i32
    %add3A_545 = arith.addi %min3A_3, %add3A_544 : i32
    %multiple_of3A_546 = tpu.assume_multiple %add3A_545, 8 : i32
    %dma_start3A_547 = arith.constant 0 : i32
    %dma_start3A_548 = tpu.memref_slice %arg3[%multiple_of3A_546, %dma_start3A_547] : memref<100000x128xi32, #tpu.memory_space<hbm>> -> memref<136x128xi32, #tpu.memory_space<hbm>>
    %dma_start3A_549 = arith.constant 0 : i32
    %dma_start3A_550 = tpu.memref_slice %arg3[%multiple_of3A_546, %dma_start3A_549] : memref<100000x128xi32, #tpu.memory_space<hbm>> -> memref<136x128xi32, #tpu.memory_space<hbm>>
    tpu.enqueue_dma source(%arg4 : memref<136x128xi32, #tpu.memory_space<vmem>>) target(%dma_start3A_550 : memref<136x128xi32, #tpu.memory_space<hbm>>) target_semaphore(%arg10 : memref<!tpu.dma_semaphore, #tpu.memory_space<semaphore_mem>>)
    %add3A_551 = arith.constant 2040 : i32
    %add3A_552 = arith.addi %min3A_3, %add3A_551 : i32
    %multiple_of3A_553 = tpu.assume_multiple %add3A_552, 8 : i32
    %dma_wait3A_554 = arith.constant 0 : i32
    %dma_wait3A_555 = tpu.memref_slice %arg3[%multiple_of3A_553, %dma_wait3A_554] : memref<100000x128xi32, #tpu.memory_space<hbm>> -> memref<136x128xi32, #tpu.memory_space<hbm>>
    %dma_wait3A_556 = arith.constant 0 : i32
    %dma_wait3A_557 = tpu.memref_slice %arg3[%multiple_of3A_553, %dma_wait3A_556] : memref<100000x128xi32, #tpu.memory_space<hbm>> -> memref<136x128xi32, #tpu.memory_space<hbm>>
    tpu.wait_dma2 semaphore(%arg10 : memref<!tpu.dma_semaphore, #tpu.memory_space<semaphore_mem>>) src(%arg4 : memref<136x128xi32, #tpu.memory_space<vmem>>) dst(%dma_wait3A_557 : memref<136x128xi32, #tpu.memory_space<hbm>>)
    %add3A_558 = arith.constant 2448 : i32
    %add3A_559 = arith.addi %min3A_3, %add3A_558 : i32
    %multiple_of3A_560 = tpu.assume_multiple %add3A_559, 8 : i32
    %dma_start3A_561 = arith.constant 0 : i32
    %dma_start3A_562 = tpu.memref_slice %arg2[%multiple_of3A_560, %dma_start3A_561] : memref<100000x128xi32, #tpu.memory_space<hbm>> -> memref<136x128xi32, #tpu.memory_space<hbm>>
    %dma_start3A_563 = arith.constant 0 : i32
    %dma_start3A_564 = tpu.memref_slice %arg2[%multiple_of3A_560, %dma_start3A_563] : memref<100000x128xi32, #tpu.memory_space<hbm>> -> memref<136x128xi32, #tpu.memory_space<hbm>>
    tpu.enqueue_dma source(%dma_start3A_564 : memref<136x128xi32, #tpu.memory_space<hbm>>) target(%arg4 : memref<136x128xi32, #tpu.memory_space<vmem>>) target_semaphore(%arg7 : memref<!tpu.dma_semaphore, #tpu.memory_space<semaphore_mem>>)
    %add3A_565 = arith.constant 2176 : i32
    %add3A_566 = arith.addi %min3A_3, %add3A_565 : i32
    %multiple_of3A_567 = tpu.assume_multiple %add3A_566, 8 : i32
    %dma_wait3A_568 = arith.constant 0 : i32
    %dma_wait3A_569 = tpu.memref_slice %arg2[%multiple_of3A_567, %dma_wait3A_568] : memref<100000x128xi32, #tpu.memory_space<hbm>> -> memref<136x128xi32, #tpu.memory_space<hbm>>
    %dma_wait3A_570 = arith.constant 0 : i32
    %dma_wait3A_571 = tpu.memref_slice %arg2[%multiple_of3A_567, %dma_wait3A_570] : memref<100000x128xi32, #tpu.memory_space<hbm>> -> memref<136x128xi32, #tpu.memory_space<hbm>>
    tpu.wait_dma2 semaphore(%arg8 : memref<!tpu.dma_semaphore, #tpu.memory_space<semaphore_mem>>) src(%dma_wait3A_571 : memref<136x128xi32, #tpu.memory_space<hbm>>) dst(%arg5 : memref<136x128xi32, #tpu.memory_space<vmem>>)
    %scan3A_572 = arith.constant 0 : i32
    %scan3A_573 = arith.constant 0 : i32
    %scan3A_574 = arith.constant 136 : i32
    %scan3A_575 = arith.addi %scan3A_573, %scan3A_574 : i32
    %scan3A_576 = arith.constant 1 : i32
    scf.for %scan3A_782 = %scan3A_573 to %scan3A_575 step %scan3A_576  : i32 {
      %get3A = arith.index_cast %scan3A_782 : i32 to index
      %get3A_783 = arith.constant 0 : index
      %get3A_784 = tpu.vector_load %arg5[%get3A, %get3A_783] {strides = array<i32>} : memref<136x128xi32, #tpu.memory_space<vmem>>, vector<1x16xi32>,
      %get3A_785 = vector.shape_cast %get3A_784 : vector<1x16xi32> to vector<16xi32>
      %shift_left3A = arith.constant 16 : i32
      %shift_left3A_786 = vector.broadcast %shift_left3A : i32 to vector<16xi32>
      %shift_left3A_787 = arith.shli %get3A_785, %shift_left3A_786 : vector<16xi32>
      %swap3A = arith.index_cast %scan3A_782 : i32 to index
      %swap3A_788 = arith.constant 0 : index
      %swap3A_789 = tpu.vector_load %arg5[%swap3A, %swap3A_788] {strides = array<i32>} : memref<136x128xi32, #tpu.memory_space<vmem>>, vector<1x16xi32>,
      %swap3A_790 = vector.shape_cast %swap3A_789 : vector<1x16xi32> to vector<16xi32>
      %swap3A_791 = vector.shape_cast %shift_left3A_787 : vector<16xi32> to vector<1x16xi32>
      tpu.vector_store %arg5[%swap3A, %swap3A_788], %swap3A_791 {strides = array<i32>} : memref<136x128xi32, #tpu.memory_space<vmem>>, vector<1x16xi32>,
      %get3A_792 = arith.index_cast %scan3A_782 : i32 to index
      %get3A_793 = arith.constant 16 : index
      %get3A_794 = tpu.vector_load %arg5[%get3A_792, %get3A_793] {strides = array<i32>} : memref<136x128xi32, #tpu.memory_space<vmem>>, vector<1x16xi32>,
      %get3A_795 = vector.shape_cast %get3A_794 : vector<1x16xi32> to vector<16xi32>
      %shift_left3A_796 = arith.constant 16 : i32
      %shift_left3A_797 = vector.broadcast %shift_left3A_796 : i32 to vector<16xi32>
      %shift_left3A_798 = arith.shli %get3A_795, %shift_left3A_797 : vector<16xi32>
      %swap3A_799 = arith.index_cast %scan3A_782 : i32 to index
      %swap3A_800 = arith.constant 16 : index
      %swap3A_801 = tpu.vector_load %arg5[%swap3A_799, %swap3A_800] {strides = array<i32>} : memref<136x128xi32, #tpu.memory_space<vmem>>, vector<1x16xi32>,
      %swap3A_802 = vector.shape_cast %swap3A_801 : vector<1x16xi32> to vector<16xi32>
      %swap3A_803 = vector.shape_cast %shift_left3A_798 : vector<16xi32> to vector<1x16xi32>
      tpu.vector_store %arg5[%swap3A_799, %swap3A_800], %swap3A_803 {strides = array<i32>} : memref<136x128xi32, #tpu.memory_space<vmem>>, vector<1x16xi32>,
      %get3A_804 = arith.index_cast %scan3A_782 : i32 to index
      %get3A_805 = arith.constant 32 : index
      %get3A_806 = tpu.vector_load %arg5[%get3A_804, %get3A_805] {strides = array<i32>} : memref<136x128xi32, #tpu.memory_space<vmem>>, vector<1x16xi32>,
      %get3A_807 = vector.shape_cast %get3A_806 : vector<1x16xi32> to vector<16xi32>
      %shift_left3A_808 = arith.constant 16 : i32
      %shift_left3A_809 = vector.broadcast %shift_left3A_808 : i32 to vector<16xi32>
      %shift_left3A_810 = arith.shli %get3A_807, %shift_left3A_809 : vector<16xi32>
      %swap3A_811 = arith.index_cast %scan3A_782 : i32 to index
      %swap3A_812 = arith.constant 32 : index
      %swap3A_813 = tpu.vector_load %arg5[%swap3A_811, %swap3A_812] {strides = array<i32>} : memref<136x128xi32, #tpu.memory_space<vmem>>, vector<1x16xi32>,
      %swap3A_814 = vector.shape_cast %swap3A_813 : vector<1x16xi32> to vector<16xi32>
      %swap3A_815 = vector.shape_cast %shift_left3A_810 : vector<16xi32> to vector<1x16xi32>
      tpu.vector_store %arg5[%swap3A_811, %swap3A_812], %swap3A_815 {strides = array<i32>} : memref<136x128xi32, #tpu.memory_space<vmem>>, vector<1x16xi32>,
      %get3A_816 = arith.index_cast %scan3A_782 : i32 to index
      %get3A_817 = arith.constant 48 : index
      %get3A_818 = tpu.vector_load %arg5[%get3A_816, %get3A_817] {strides = array<i32>} : memref<136x128xi32, #tpu.memory_space<vmem>>, vector<1x16xi32>,
      %get3A_819 = vector.shape_cast %get3A_818 : vector<1x16xi32> to vector<16xi32>
      %shift_left3A_820 = arith.constant 16 : i32
      %shift_left3A_821 = vector.broadcast %shift_left3A_820 : i32 to vector<16xi32>
      %shift_left3A_822 = arith.shli %get3A_819, %shift_left3A_821 : vector<16xi32>
      %swap3A_823 = arith.index_cast %scan3A_782 : i32 to index
      %swap3A_824 = arith.constant 48 : index
      %swap3A_825 = tpu.vector_load %arg5[%swap3A_823, %swap3A_824] {strides = array<i32>} : memref<136x128xi32, #tpu.memory_space<vmem>>, vector<1x16xi32>,
      %swap3A_826 = vector.shape_cast %swap3A_825 : vector<1x16xi32> to vector<16xi32>
      %swap3A_827 = vector.shape_cast %shift_left3A_822 : vector<16xi32> to vector<1x16xi32>
      tpu.vector_store %arg5[%swap3A_823, %swap3A_824], %swap3A_827 {strides = array<i32>} : memref<136x128xi32, #tpu.memory_space<vmem>>, vector<1x16xi32>,
      %get3A_828 = arith.index_cast %scan3A_782 : i32 to index
      %get3A_829 = arith.constant 64 : index
      %get3A_830 = tpu.vector_load %arg5[%get3A_828, %get3A_829] {strides = array<i32>} : memref<136x128xi32, #tpu.memory_space<vmem>>, vector<1x16xi32>,
      %get3A_831 = vector.shape_cast %get3A_830 : vector<1x16xi32> to vector<16xi32>
      %shift_left3A_832 = arith.constant 16 : i32
      %shift_left3A_833 = vector.broadcast %shift_left3A_832 : i32 to vector<16xi32>
      %shift_left3A_834 = arith.shli %get3A_831, %shift_left3A_833 : vector<16xi32>
      %swap3A_835 = arith.index_cast %scan3A_782 : i32 to index
      %swap3A_836 = arith.constant 64 : index
      %swap3A_837 = tpu.vector_load %arg5[%swap3A_835, %swap3A_836] {strides = array<i32>} : memref<136x128xi32, #tpu.memory_space<vmem>>, vector<1x16xi32>,
      %swap3A_838 = vector.shape_cast %swap3A_837 : vector<1x16xi32> to vector<16xi32>
      %swap3A_839 = vector.shape_cast %shift_left3A_834 : vector<16xi32> to vector<1x16xi32>
      tpu.vector_store %arg5[%swap3A_835, %swap3A_836], %swap3A_839 {strides = array<i32>} : memref<136x128xi32, #tpu.memory_space<vmem>>, vector<1x16xi32>,
      %get3A_840 = arith.index_cast %scan3A_782 : i32 to index
      %get3A_841 = arith.constant 80 : index
      %get3A_842 = tpu.vector_load %arg5[%get3A_840, %get3A_841] {strides = array<i32>} : memref<136x128xi32, #tpu.memory_space<vmem>>, vector<1x16xi32>,
      %get3A_843 = vector.shape_cast %get3A_842 : vector<1x16xi32> to vector<16xi32>
      %shift_left3A_844 = arith.constant 16 : i32
      %shift_left3A_845 = vector.broadcast %shift_left3A_844 : i32 to vector<16xi32>
      %shift_left3A_846 = arith.shli %get3A_843, %shift_left3A_845 : vector<16xi32>
      %swap3A_847 = arith.index_cast %scan3A_782 : i32 to index
      %swap3A_848 = arith.constant 80 : index
      %swap3A_849 = tpu.vector_load %arg5[%swap3A_847, %swap3A_848] {strides = array<i32>} : memref<136x128xi32, #tpu.memory_space<vmem>>, vector<1x16xi32>,
      %swap3A_850 = vector.shape_cast %swap3A_849 : vector<1x16xi32> to vector<16xi32>
      %swap3A_851 = vector.shape_cast %shift_left3A_846 : vector<16xi32> to vector<1x16xi32>
      tpu.vector_store %arg5[%swap3A_847, %swap3A_848], %swap3A_851 {strides = array<i32>} : memref<136x128xi32, #tpu.memory_space<vmem>>, vector<1x16xi32>,
      %get3A_852 = arith.index_cast %scan3A_782 : i32 to index
      %get3A_853 = arith.constant 96 : index
      %get3A_854 = tpu.vector_load %arg5[%get3A_852, %get3A_853] {strides = array<i32>} : memref<136x128xi32, #tpu.memory_space<vmem>>, vector<1x16xi32>,
      %get3A_855 = vector.shape_cast %get3A_854 : vector<1x16xi32> to vector<16xi32>
      %shift_left3A_856 = arith.constant 16 : i32
      %shift_left3A_857 = vector.broadcast %shift_left3A_856 : i32 to vector<16xi32>
      %shift_left3A_858 = arith.shli %get3A_855, %shift_left3A_857 : vector<16xi32>
      %swap3A_859 = arith.index_cast %scan3A_782 : i32 to index
      %swap3A_860 = arith.constant 96 : index
      %swap3A_861 = tpu.vector_load %arg5[%swap3A_859, %swap3A_860] {strides = array<i32>} : memref<136x128xi32, #tpu.memory_space<vmem>>, vector<1x16xi32>,
      %swap3A_862 = vector.shape_cast %swap3A_861 : vector<1x16xi32> to vector<16xi32>
      %swap3A_863 = vector.shape_cast %shift_left3A_858 : vector<16xi32> to vector<1x16xi32>
      tpu.vector_store %arg5[%swap3A_859, %swap3A_860], %swap3A_863 {strides = array<i32>} : memref<136x128xi32, #tpu.memory_space<vmem>>, vector<1x16xi32>,
      %get3A_864 = arith.index_cast %scan3A_782 : i32 to index
      %get3A_865 = arith.constant 112 : index
      %get3A_866 = tpu.vector_load %arg5[%get3A_864, %get3A_865] {strides = array<i32>} : memref<136x128xi32, #tpu.memory_space<vmem>>, vector<1x16xi32>,
      %get3A_867 = vector.shape_cast %get3A_866 : vector<1x16xi32> to vector<16xi32>
      %shift_left3A_868 = arith.constant 16 : i32
      %shift_left3A_869 = vector.broadcast %shift_left3A_868 : i32 to vector<16xi32>
      %shift_left3A_870 = arith.shli %get3A_867, %shift_left3A_869 : vector<16xi32>
      %swap3A_871 = arith.index_cast %scan3A_782 : i32 to index
      %swap3A_872 = arith.constant 112 : index
      %swap3A_873 = tpu.vector_load %arg5[%swap3A_871, %swap3A_872] {strides = array<i32>} : memref<136x128xi32, #tpu.memory_space<vmem>>, vector<1x16xi32>,
      %swap3A_874 = vector.shape_cast %swap3A_873 : vector<1x16xi32> to vector<16xi32>
      %swap3A_875 = vector.shape_cast %shift_left3A_870 : vector<16xi32> to vector<1x16xi32>
      tpu.vector_store %arg5[%swap3A_871, %swap3A_872], %swap3A_875 {strides = array<i32>} : memref<136x128xi32, #tpu.memory_space<vmem>>, vector<1x16xi32>,
    }
    %scan3A_577 = arith.constant 136 : i32
    %add3A_578 = arith.constant 2176 : i32
    %add3A_579 = arith.addi %min3A_3, %add3A_578 : i32
    %multiple_of3A_580 = tpu.assume_multiple %add3A_579, 8 : i32
    %dma_start3A_581 = arith.constant 0 : i32
    %dma_start3A_582 = tpu.memref_slice %arg3[%multiple_of3A_580, %dma_start3A_581] : memref<100000x128xi32, #tpu.memory_space<hbm>> -> memref<136x128xi32, #tpu.memory_space<hbm>>
    %dma_start3A_583 = arith.constant 0 : i32
    %dma_start3A_584 = tpu.memref_slice %arg3[%multiple_of3A_580, %dma_start3A_583] : memref<100000x128xi32, #tpu.memory_space<hbm>> -> memref<136x128xi32, #tpu.memory_space<hbm>>
    tpu.enqueue_dma source(%arg5 : memref<136x128xi32, #tpu.memory_space<vmem>>) target(%dma_start3A_584 : memref<136x128xi32, #tpu.memory_space<hbm>>) target_semaphore(%arg11 : memref<!tpu.dma_semaphore, #tpu.memory_space<semaphore_mem>>)
    %add3A_585 = arith.constant 2176 : i32
    %add3A_586 = arith.addi %min3A_3, %add3A_585 : i32
    %multiple_of3A_587 = tpu.assume_multiple %add3A_586, 8 : i32
    %dma_wait3A_588 = arith.constant 0 : i32
    %dma_wait3A_589 = tpu.memref_slice %arg3[%multiple_of3A_587, %dma_wait3A_588] : memref<100000x128xi32, #tpu.memory_space<hbm>> -> memref<136x128xi32, #tpu.memory_space<hbm>>
    %dma_wait3A_590 = arith.constant 0 : i32
    %dma_wait3A_591 = tpu.memref_slice %arg3[%multiple_of3A_587, %dma_wait3A_590] : memref<100000x128xi32, #tpu.memory_space<hbm>> -> memref<136x128xi32, #tpu.memory_space<hbm>>
    tpu.wait_dma2 semaphore(%arg11 : memref<!tpu.dma_semaphore, #tpu.memory_space<semaphore_mem>>) src(%arg5 : memref<136x128xi32, #tpu.memory_space<vmem>>) dst(%dma_wait3A_591 : memref<136x128xi32, #tpu.memory_space<hbm>>)
    %add3A_592 = arith.constant 2584 : i32
    %add3A_593 = arith.addi %min3A_3, %add3A_592 : i32
    %multiple_of3A_594 = tpu.assume_multiple %add3A_593, 8 : i32
    %dma_start3A_595 = arith.constant 0 : i32
    %dma_start3A_596 = tpu.memref_slice %arg2[%multiple_of3A_594, %dma_start3A_595] : memref<100000x128xi32, #tpu.memory_space<hbm>> -> memref<136x128xi32, #tpu.memory_space<hbm>>
    %dma_start3A_597 = arith.constant 0 : i32
    %dma_start3A_598 = tpu.memref_slice %arg2[%multiple_of3A_594, %dma_start3A_597] : memref<100000x128xi32, #tpu.memory_space<hbm>> -> memref<136x128xi32, #tpu.memory_space<hbm>>
    tpu.enqueue_dma source(%dma_start3A_598 : memref<136x128xi32, #tpu.memory_space<hbm>>) target(%arg5 : memref<136x128xi32, #tpu.memory_space<vmem>>) target_semaphore(%arg8 : memref<!tpu.dma_semaphore, #tpu.memory_space<semaphore_mem>>)
    %add3A_599 = arith.constant 2312 : i32
    %add3A_600 = arith.addi %min3A_3, %add3A_599 : i32
    %multiple_of3A_601 = tpu.assume_multiple %add3A_600, 8 : i32
    %dma_wait3A_602 = arith.constant 0 : i32
    %dma_wait3A_603 = tpu.memref_slice %arg2[%multiple_of3A_601, %dma_wait3A_602] : memref<100000x128xi32, #tpu.memory_space<hbm>> -> memref<136x128xi32, #tpu.memory_space<hbm>>
    %dma_wait3A_604 = arith.constant 0 : i32
    %dma_wait3A_605 = tpu.memref_slice %arg2[%multiple_of3A_601, %dma_wait3A_604] : memref<100000x128xi32, #tpu.memory_space<hbm>> -> memref<136x128xi32, #tpu.memory_space<hbm>>
    tpu.wait_dma2 semaphore(%arg9 : memref<!tpu.dma_semaphore, #tpu.memory_space<semaphore_mem>>) src(%dma_wait3A_605 : memref<136x128xi32, #tpu.memory_space<hbm>>) dst(%arg6 : memref<136x128xi32, #tpu.memory_space<vmem>>)
    %scan3A_606 = arith.constant 0 : i32
    %scan3A_607 = arith.constant 0 : i32
    %scan3A_608 = arith.constant 136 : i32
    %scan3A_609 = arith.addi %scan3A_607, %scan3A_608 : i32
    %scan3A_610 = arith.constant 1 : i32
    scf.for %scan3A_782 = %scan3A_607 to %scan3A_609 step %scan3A_610  : i32 {
      %get3A = arith.index_cast %scan3A_782 : i32 to index
      %get3A_783 = arith.constant 0 : index
      %get3A_784 = tpu.vector_load %arg6[%get3A, %get3A_783] {strides = array<i32>} : memref<136x128xi32, #tpu.memory_space<vmem>>, vector<1x16xi32>,
      %get3A_785 = vector.shape_cast %get3A_784 : vector<1x16xi32> to vector<16xi32>
      %shift_left3A = arith.constant 16 : i32
      %shift_left3A_786 = vector.broadcast %shift_left3A : i32 to vector<16xi32>
      %shift_left3A_787 = arith.shli %get3A_785, %shift_left3A_786 : vector<16xi32>
      %swap3A = arith.index_cast %scan3A_782 : i32 to index
      %swap3A_788 = arith.constant 0 : index
      %swap3A_789 = tpu.vector_load %arg6[%swap3A, %swap3A_788] {strides = array<i32>} : memref<136x128xi32, #tpu.memory_space<vmem>>, vector<1x16xi32>,
      %swap3A_790 = vector.shape_cast %swap3A_789 : vector<1x16xi32> to vector<16xi32>
      %swap3A_791 = vector.shape_cast %shift_left3A_787 : vector<16xi32> to vector<1x16xi32>
      tpu.vector_store %arg6[%swap3A, %swap3A_788], %swap3A_791 {strides = array<i32>} : memref<136x128xi32, #tpu.memory_space<vmem>>, vector<1x16xi32>,
      %get3A_792 = arith.index_cast %scan3A_782 : i32 to index
      %get3A_793 = arith.constant 16 : index
      %get3A_794 = tpu.vector_load %arg6[%get3A_792, %get3A_793] {strides = array<i32>} : memref<136x128xi32, #tpu.memory_space<vmem>>, vector<1x16xi32>,
      %get3A_795 = vector.shape_cast %get3A_794 : vector<1x16xi32> to vector<16xi32>
      %shift_left3A_796 = arith.constant 16 : i32
      %shift_left3A_797 = vector.broadcast %shift_left3A_796 : i32 to vector<16xi32>
      %shift_left3A_798 = arith.shli %get3A_795, %shift_left3A_797 : vector<16xi32>
      %swap3A_799 = arith.index_cast %scan3A_782 : i32 to index
      %swap3A_800 = arith.constant 16 : index
      %swap3A_801 = tpu.vector_load %arg6[%swap3A_799, %swap3A_800] {strides = array<i32>} : memref<136x128xi32, #tpu.memory_space<vmem>>, vector<1x16xi32>,
      %swap3A_802 = vector.shape_cast %swap3A_801 : vector<1x16xi32> to vector<16xi32>
      %swap3A_803 = vector.shape_cast %shift_left3A_798 : vector<16xi32> to vector<1x16xi32>
      tpu.vector_store %arg6[%swap3A_799, %swap3A_800], %swap3A_803 {strides = array<i32>} : memref<136x128xi32, #tpu.memory_space<vmem>>, vector<1x16xi32>,
      %get3A_804 = arith.index_cast %scan3A_782 : i32 to index
      %get3A_805 = arith.constant 32 : index
      %get3A_806 = tpu.vector_load %arg6[%get3A_804, %get3A_805] {strides = array<i32>} : memref<136x128xi32, #tpu.memory_space<vmem>>, vector<1x16xi32>,
      %get3A_807 = vector.shape_cast %get3A_806 : vector<1x16xi32> to vector<16xi32>
      %shift_left3A_808 = arith.constant 16 : i32
      %shift_left3A_809 = vector.broadcast %shift_left3A_808 : i32 to vector<16xi32>
      %shift_left3A_810 = arith.shli %get3A_807, %shift_left3A_809 : vector<16xi32>
      %swap3A_811 = arith.index_cast %scan3A_782 : i32 to index
      %swap3A_812 = arith.constant 32 : index
      %swap3A_813 = tpu.vector_load %arg6[%swap3A_811, %swap3A_812] {strides = array<i32>} : memref<136x128xi32, #tpu.memory_space<vmem>>, vector<1x16xi32>,
      %swap3A_814 = vector.shape_cast %swap3A_813 : vector<1x16xi32> to vector<16xi32>
      %swap3A_815 = vector.shape_cast %shift_left3A_810 : vector<16xi32> to vector<1x16xi32>
      tpu.vector_store %arg6[%swap3A_811, %swap3A_812], %swap3A_815 {strides = array<i32>} : memref<136x128xi32, #tpu.memory_space<vmem>>, vector<1x16xi32>,
      %get3A_816 = arith.index_cast %scan3A_782 : i32 to index
      %get3A_817 = arith.constant 48 : index
      %get3A_818 = tpu.vector_load %arg6[%get3A_816, %get3A_817] {strides = array<i32>} : memref<136x128xi32, #tpu.memory_space<vmem>>, vector<1x16xi32>,
      %get3A_819 = vector.shape_cast %get3A_818 : vector<1x16xi32> to vector<16xi32>
      %shift_left3A_820 = arith.constant 16 : i32
      %shift_left3A_821 = vector.broadcast %shift_left3A_820 : i32 to vector<16xi32>
      %shift_left3A_822 = arith.shli %get3A_819, %shift_left3A_821 : vector<16xi32>
      %swap3A_823 = arith.index_cast %scan3A_782 : i32 to index
      %swap3A_824 = arith.constant 48 : index
      %swap3A_825 = tpu.vector_load %arg6[%swap3A_823, %swap3A_824] {strides = array<i32>} : memref<136x128xi32, #tpu.memory_space<vmem>>, vector<1x16xi32>,
      %swap3A_826 = vector.shape_cast %swap3A_825 : vector<1x16xi32> to vector<16xi32>
      %swap3A_827 = vector.shape_cast %shift_left3A_822 : vector<16xi32> to vector<1x16xi32>
      tpu.vector_store %arg6[%swap3A_823, %swap3A_824], %swap3A_827 {strides = array<i32>} : memref<136x128xi32, #tpu.memory_space<vmem>>, vector<1x16xi32>,
      %get3A_828 = arith.index_cast %scan3A_782 : i32 to index
      %get3A_829 = arith.constant 64 : index
      %get3A_830 = tpu.vector_load %arg6[%get3A_828, %get3A_829] {strides = array<i32>} : memref<136x128xi32, #tpu.memory_space<vmem>>, vector<1x16xi32>,
      %get3A_831 = vector.shape_cast %get3A_830 : vector<1x16xi32> to vector<16xi32>
      %shift_left3A_832 = arith.constant 16 : i32
      %shift_left3A_833 = vector.broadcast %shift_left3A_832 : i32 to vector<16xi32>
      %shift_left3A_834 = arith.shli %get3A_831, %shift_left3A_833 : vector<16xi32>
      %swap3A_835 = arith.index_cast %scan3A_782 : i32 to index
      %swap3A_836 = arith.constant 64 : index
      %swap3A_837 = tpu.vector_load %arg6[%swap3A_835, %swap3A_836] {strides = array<i32>} : memref<136x128xi32, #tpu.memory_space<vmem>>, vector<1x16xi32>,
      %swap3A_838 = vector.shape_cast %swap3A_837 : vector<1x16xi32> to vector<16xi32>
      %swap3A_839 = vector.shape_cast %shift_left3A_834 : vector<16xi32> to vector<1x16xi32>
      tpu.vector_store %arg6[%swap3A_835, %swap3A_836], %swap3A_839 {strides = array<i32>} : memref<136x128xi32, #tpu.memory_space<vmem>>, vector<1x16xi32>,
      %get3A_840 = arith.index_cast %scan3A_782 : i32 to index
      %get3A_841 = arith.constant 80 : index
      %get3A_842 = tpu.vector_load %arg6[%get3A_840, %get3A_841] {strides = array<i32>} : memref<136x128xi32, #tpu.memory_space<vmem>>, vector<1x16xi32>,
      %get3A_843 = vector.shape_cast %get3A_842 : vector<1x16xi32> to vector<16xi32>
      %shift_left3A_844 = arith.constant 16 : i32
      %shift_left3A_845 = vector.broadcast %shift_left3A_844 : i32 to vector<16xi32>
      %shift_left3A_846 = arith.shli %get3A_843, %shift_left3A_845 : vector<16xi32>
      %swap3A_847 = arith.index_cast %scan3A_782 : i32 to index
      %swap3A_848 = arith.constant 80 : index
      %swap3A_849 = tpu.vector_load %arg6[%swap3A_847, %swap3A_848] {strides = array<i32>} : memref<136x128xi32, #tpu.memory_space<vmem>>, vector<1x16xi32>,
      %swap3A_850 = vector.shape_cast %swap3A_849 : vector<1x16xi32> to vector<16xi32>
      %swap3A_851 = vector.shape_cast %shift_left3A_846 : vector<16xi32> to vector<1x16xi32>
      tpu.vector_store %arg6[%swap3A_847, %swap3A_848], %swap3A_851 {strides = array<i32>} : memref<136x128xi32, #tpu.memory_space<vmem>>, vector<1x16xi32>,
      %get3A_852 = arith.index_cast %scan3A_782 : i32 to index
      %get3A_853 = arith.constant 96 : index
      %get3A_854 = tpu.vector_load %arg6[%get3A_852, %get3A_853] {strides = array<i32>} : memref<136x128xi32, #tpu.memory_space<vmem>>, vector<1x16xi32>,
      %get3A_855 = vector.shape_cast %get3A_854 : vector<1x16xi32> to vector<16xi32>
      %shift_left3A_856 = arith.constant 16 : i32
      %shift_left3A_857 = vector.broadcast %shift_left3A_856 : i32 to vector<16xi32>
      %shift_left3A_858 = arith.shli %get3A_855, %shift_left3A_857 : vector<16xi32>
      %swap3A_859 = arith.index_cast %scan3A_782 : i32 to index
      %swap3A_860 = arith.constant 96 : index
      %swap3A_861 = tpu.vector_load %arg6[%swap3A_859, %swap3A_860] {strides = array<i32>} : memref<136x128xi32, #tpu.memory_space<vmem>>, vector<1x16xi32>,
      %swap3A_862 = vector.shape_cast %swap3A_861 : vector<1x16xi32> to vector<16xi32>
      %swap3A_863 = vector.shape_cast %shift_left3A_858 : vector<16xi32> to vector<1x16xi32>
      tpu.vector_store %arg6[%swap3A_859, %swap3A_860], %swap3A_863 {strides = array<i32>} : memref<136x128xi32, #tpu.memory_space<vmem>>, vector<1x16xi32>,
      %get3A_864 = arith.index_cast %scan3A_782 : i32 to index
      %get3A_865 = arith.constant 112 : index
      %get3A_866 = tpu.vector_load %arg6[%get3A_864, %get3A_865] {strides = array<i32>} : memref<136x128xi32, #tpu.memory_space<vmem>>, vector<1x16xi32>,
      %get3A_867 = vector.shape_cast %get3A_866 : vector<1x16xi32> to vector<16xi32>
      %shift_left3A_868 = arith.constant 16 : i32
      %shift_left3A_869 = vector.broadcast %shift_left3A_868 : i32 to vector<16xi32>
      %shift_left3A_870 = arith.shli %get3A_867, %shift_left3A_869 : vector<16xi32>
      %swap3A_871 = arith.index_cast %scan3A_782 : i32 to index
      %swap3A_872 = arith.constant 112 : index
      %swap3A_873 = tpu.vector_load %arg6[%swap3A_871, %swap3A_872] {strides = array<i32>} : memref<136x128xi32, #tpu.memory_space<vmem>>, vector<1x16xi32>,
      %swap3A_874 = vector.shape_cast %swap3A_873 : vector<1x16xi32> to vector<16xi32>
      %swap3A_875 = vector.shape_cast %shift_left3A_870 : vector<16xi32> to vector<1x16xi32>
      tpu.vector_store %arg6[%swap3A_871, %swap3A_872], %swap3A_875 {strides = array<i32>} : memref<136x128xi32, #tpu.memory_space<vmem>>, vector<1x16xi32>,
    }
    %scan3A_611 = arith.constant 136 : i32
    %add3A_612 = arith.constant 2312 : i32
    %add3A_613 = arith.addi %min3A_3, %add3A_612 : i32
    %multiple_of3A_614 = tpu.assume_multiple %add3A_613, 8 : i32
    %dma_start3A_615 = arith.constant 0 : i32
    %dma_start3A_616 = tpu.memref_slice %arg3[%multiple_of3A_614, %dma_start3A_615] : memref<100000x128xi32, #tpu.memory_space<hbm>> -> memref<136x128xi32, #tpu.memory_space<hbm>>
    %dma_start3A_617 = arith.constant 0 : i32
    %dma_start3A_618 = tpu.memref_slice %arg3[%multiple_of3A_614, %dma_start3A_617] : memref<100000x128xi32, #tpu.memory_space<hbm>> -> memref<136x128xi32, #tpu.memory_space<hbm>>
    tpu.enqueue_dma source(%arg6 : memref<136x128xi32, #tpu.memory_space<vmem>>) target(%dma_start3A_618 : memref<136x128xi32, #tpu.memory_space<hbm>>) target_semaphore(%arg12 : memref<!tpu.dma_semaphore, #tpu.memory_space<semaphore_mem>>)
    %add3A_619 = arith.constant 2312 : i32
    %add3A_620 = arith.addi %min3A_3, %add3A_619 : i32
    %multiple_of3A_621 = tpu.assume_multiple %add3A_620, 8 : i32
    %dma_wait3A_622 = arith.constant 0 : i32
    %dma_wait3A_623 = tpu.memref_slice %arg3[%multiple_of3A_621, %dma_wait3A_622] : memref<100000x128xi32, #tpu.memory_space<hbm>> -> memref<136x128xi32, #tpu.memory_space<hbm>>
    %dma_wait3A_624 = arith.constant 0 : i32
    %dma_wait3A_625 = tpu.memref_slice %arg3[%multiple_of3A_621, %dma_wait3A_624] : memref<100000x128xi32, #tpu.memory_space<hbm>> -> memref<136x128xi32, #tpu.memory_space<hbm>>
    tpu.wait_dma2 semaphore(%arg12 : memref<!tpu.dma_semaphore, #tpu.memory_space<semaphore_mem>>) src(%arg6 : memref<136x128xi32, #tpu.memory_space<vmem>>) dst(%dma_wait3A_625 : memref<136x128xi32, #tpu.memory_space<hbm>>)
    %add3A_626 = arith.constant 2720 : i32
    %add3A_627 = arith.addi %min3A_3, %add3A_626 : i32
    %multiple_of3A_628 = tpu.assume_multiple %add3A_627, 8 : i32
    %dma_start3A_629 = arith.constant 0 : i32
    %dma_start3A_630 = tpu.memref_slice %arg2[%multiple_of3A_628, %dma_start3A_629] : memref<100000x128xi32, #tpu.memory_space<hbm>> -> memref<136x128xi32, #tpu.memory_space<hbm>>
    %dma_start3A_631 = arith.constant 0 : i32
    %dma_start3A_632 = tpu.memref_slice %arg2[%multiple_of3A_628, %dma_start3A_631] : memref<100000x128xi32, #tpu.memory_space<hbm>> -> memref<136x128xi32, #tpu.memory_space<hbm>>
    tpu.enqueue_dma source(%dma_start3A_632 : memref<136x128xi32, #tpu.memory_space<hbm>>) target(%arg6 : memref<136x128xi32, #tpu.memory_space<vmem>>) target_semaphore(%arg9 : memref<!tpu.dma_semaphore, #tpu.memory_space<semaphore_mem>>)
    %add3A_633 = arith.constant 2448 : i32
    %add3A_634 = arith.addi %min3A_3, %add3A_633 : i32
    %multiple_of3A_635 = tpu.assume_multiple %add3A_634, 8 : i32
    %dma_wait3A_636 = arith.constant 0 : i32
    %dma_wait3A_637 = tpu.memref_slice %arg2[%multiple_of3A_635, %dma_wait3A_636] : memref<100000x128xi32, #tpu.memory_space<hbm>> -> memref<136x128xi32, #tpu.memory_space<hbm>>
    %dma_wait3A_638 = arith.constant 0 : i32
    %dma_wait3A_639 = tpu.memref_slice %arg2[%multiple_of3A_635, %dma_wait3A_638] : memref<100000x128xi32, #tpu.memory_space<hbm>> -> memref<136x128xi32, #tpu.memory_space<hbm>>
    tpu.wait_dma2 semaphore(%arg7 : memref<!tpu.dma_semaphore, #tpu.memory_space<semaphore_mem>>) src(%dma_wait3A_639 : memref<136x128xi32, #tpu.memory_space<hbm>>) dst(%arg4 : memref<136x128xi32, #tpu.memory_space<vmem>>)
    %scan3A_640 = arith.constant 0 : i32
    %scan3A_641 = arith.constant 0 : i32
    %scan3A_642 = arith.constant 136 : i32
    %scan3A_643 = arith.addi %scan3A_641, %scan3A_642 : i32
    %scan3A_644 = arith.constant 1 : i32
    scf.for %scan3A_782 = %scan3A_641 to %scan3A_643 step %scan3A_644  : i32 {
      %get3A = arith.index_cast %scan3A_782 : i32 to index
      %get3A_783 = arith.constant 0 : index
      %get3A_784 = tpu.vector_load %arg4[%get3A, %get3A_783] {strides = array<i32>} : memref<136x128xi32, #tpu.memory_space<vmem>>, vector<1x16xi32>,
      %get3A_785 = vector.shape_cast %get3A_784 : vector<1x16xi32> to vector<16xi32>
      %shift_left3A = arith.constant 16 : i32
      %shift_left3A_786 = vector.broadcast %shift_left3A : i32 to vector<16xi32>
      %shift_left3A_787 = arith.shli %get3A_785, %shift_left3A_786 : vector<16xi32>
      %swap3A = arith.index_cast %scan3A_782 : i32 to index
      %swap3A_788 = arith.constant 0 : index
      %swap3A_789 = tpu.vector_load %arg4[%swap3A, %swap3A_788] {strides = array<i32>} : memref<136x128xi32, #tpu.memory_space<vmem>>, vector<1x16xi32>,
      %swap3A_790 = vector.shape_cast %swap3A_789 : vector<1x16xi32> to vector<16xi32>
      %swap3A_791 = vector.shape_cast %shift_left3A_787 : vector<16xi32> to vector<1x16xi32>
      tpu.vector_store %arg4[%swap3A, %swap3A_788], %swap3A_791 {strides = array<i32>} : memref<136x128xi32, #tpu.memory_space<vmem>>, vector<1x16xi32>,
      %get3A_792 = arith.index_cast %scan3A_782 : i32 to index
      %get3A_793 = arith.constant 16 : index
      %get3A_794 = tpu.vector_load %arg4[%get3A_792, %get3A_793] {strides = array<i32>} : memref<136x128xi32, #tpu.memory_space<vmem>>, vector<1x16xi32>,
      %get3A_795 = vector.shape_cast %get3A_794 : vector<1x16xi32> to vector<16xi32>
      %shift_left3A_796 = arith.constant 16 : i32
      %shift_left3A_797 = vector.broadcast %shift_left3A_796 : i32 to vector<16xi32>
      %shift_left3A_798 = arith.shli %get3A_795, %shift_left3A_797 : vector<16xi32>
      %swap3A_799 = arith.index_cast %scan3A_782 : i32 to index
      %swap3A_800 = arith.constant 16 : index
      %swap3A_801 = tpu.vector_load %arg4[%swap3A_799, %swap3A_800] {strides = array<i32>} : memref<136x128xi32, #tpu.memory_space<vmem>>, vector<1x16xi32>,
      %swap3A_802 = vector.shape_cast %swap3A_801 : vector<1x16xi32> to vector<16xi32>
      %swap3A_803 = vector.shape_cast %shift_left3A_798 : vector<16xi32> to vector<1x16xi32>
      tpu.vector_store %arg4[%swap3A_799, %swap3A_800], %swap3A_803 {strides = array<i32>} : memref<136x128xi32, #tpu.memory_space<vmem>>, vector<1x16xi32>,
      %get3A_804 = arith.index_cast %scan3A_782 : i32 to index
      %get3A_805 = arith.constant 32 : index
      %get3A_806 = tpu.vector_load %arg4[%get3A_804, %get3A_805] {strides = array<i32>} : memref<136x128xi32, #tpu.memory_space<vmem>>, vector<1x16xi32>,
      %get3A_807 = vector.shape_cast %get3A_806 : vector<1x16xi32> to vector<16xi32>
      %shift_left3A_808 = arith.constant 16 : i32
      %shift_left3A_809 = vector.broadcast %shift_left3A_808 : i32 to vector<16xi32>
      %shift_left3A_810 = arith.shli %get3A_807, %shift_left3A_809 : vector<16xi32>
      %swap3A_811 = arith.index_cast %scan3A_782 : i32 to index
      %swap3A_812 = arith.constant 32 : index
      %swap3A_813 = tpu.vector_load %arg4[%swap3A_811, %swap3A_812] {strides = array<i32>} : memref<136x128xi32, #tpu.memory_space<vmem>>, vector<1x16xi32>,
      %swap3A_814 = vector.shape_cast %swap3A_813 : vector<1x16xi32> to vector<16xi32>
      %swap3A_815 = vector.shape_cast %shift_left3A_810 : vector<16xi32> to vector<1x16xi32>
      tpu.vector_store %arg4[%swap3A_811, %swap3A_812], %swap3A_815 {strides = array<i32>} : memref<136x128xi32, #tpu.memory_space<vmem>>, vector<1x16xi32>,
      %get3A_816 = arith.index_cast %scan3A_782 : i32 to index
      %get3A_817 = arith.constant 48 : index
      %get3A_818 = tpu.vector_load %arg4[%get3A_816, %get3A_817] {strides = array<i32>} : memref<136x128xi32, #tpu.memory_space<vmem>>, vector<1x16xi32>,
      %get3A_819 = vector.shape_cast %get3A_818 : vector<1x16xi32> to vector<16xi32>
      %shift_left3A_820 = arith.constant 16 : i32
      %shift_left3A_821 = vector.broadcast %shift_left3A_820 : i32 to vector<16xi32>
      %shift_left3A_822 = arith.shli %get3A_819, %shift_left3A_821 : vector<16xi32>
      %swap3A_823 = arith.index_cast %scan3A_782 : i32 to index
      %swap3A_824 = arith.constant 48 : index
      %swap3A_825 = tpu.vector_load %arg4[%swap3A_823, %swap3A_824] {strides = array<i32>} : memref<136x128xi32, #tpu.memory_space<vmem>>, vector<1x16xi32>,
      %swap3A_826 = vector.shape_cast %swap3A_825 : vector<1x16xi32> to vector<16xi32>
      %swap3A_827 = vector.shape_cast %shift_left3A_822 : vector<16xi32> to vector<1x16xi32>
      tpu.vector_store %arg4[%swap3A_823, %swap3A_824], %swap3A_827 {strides = array<i32>} : memref<136x128xi32, #tpu.memory_space<vmem>>, vector<1x16xi32>,
      %get3A_828 = arith.index_cast %scan3A_782 : i32 to index
      %get3A_829 = arith.constant 64 : index
      %get3A_830 = tpu.vector_load %arg4[%get3A_828, %get3A_829] {strides = array<i32>} : memref<136x128xi32, #tpu.memory_space<vmem>>, vector<1x16xi32>,
      %get3A_831 = vector.shape_cast %get3A_830 : vector<1x16xi32> to vector<16xi32>
      %shift_left3A_832 = arith.constant 16 : i32
      %shift_left3A_833 = vector.broadcast %shift_left3A_832 : i32 to vector<16xi32>
      %shift_left3A_834 = arith.shli %get3A_831, %shift_left3A_833 : vector<16xi32>
      %swap3A_835 = arith.index_cast %scan3A_782 : i32 to index
      %swap3A_836 = arith.constant 64 : index
      %swap3A_837 = tpu.vector_load %arg4[%swap3A_835, %swap3A_836] {strides = array<i32>} : memref<136x128xi32, #tpu.memory_space<vmem>>, vector<1x16xi32>,
      %swap3A_838 = vector.shape_cast %swap3A_837 : vector<1x16xi32> to vector<16xi32>
      %swap3A_839 = vector.shape_cast %shift_left3A_834 : vector<16xi32> to vector<1x16xi32>
      tpu.vector_store %arg4[%swap3A_835, %swap3A_836], %swap3A_839 {strides = array<i32>} : memref<136x128xi32, #tpu.memory_space<vmem>>, vector<1x16xi32>,
      %get3A_840 = arith.index_cast %scan3A_782 : i32 to index
      %get3A_841 = arith.constant 80 : index
      %get3A_842 = tpu.vector_load %arg4[%get3A_840, %get3A_841] {strides = array<i32>} : memref<136x128xi32, #tpu.memory_space<vmem>>, vector<1x16xi32>,
      %get3A_843 = vector.shape_cast %get3A_842 : vector<1x16xi32> to vector<16xi32>
      %shift_left3A_844 = arith.constant 16 : i32
      %shift_left3A_845 = vector.broadcast %shift_left3A_844 : i32 to vector<16xi32>
      %shift_left3A_846 = arith.shli %get3A_843, %shift_left3A_845 : vector<16xi32>
      %swap3A_847 = arith.index_cast %scan3A_782 : i32 to index
      %swap3A_848 = arith.constant 80 : index
      %swap3A_849 = tpu.vector_load %arg4[%swap3A_847, %swap3A_848] {strides = array<i32>} : memref<136x128xi32, #tpu.memory_space<vmem>>, vector<1x16xi32>,
      %swap3A_850 = vector.shape_cast %swap3A_849 : vector<1x16xi32> to vector<16xi32>
      %swap3A_851 = vector.shape_cast %shift_left3A_846 : vector<16xi32> to vector<1x16xi32>
      tpu.vector_store %arg4[%swap3A_847, %swap3A_848], %swap3A_851 {strides = array<i32>} : memref<136x128xi32, #tpu.memory_space<vmem>>, vector<1x16xi32>,
      %get3A_852 = arith.index_cast %scan3A_782 : i32 to index
      %get3A_853 = arith.constant 96 : index
      %get3A_854 = tpu.vector_load %arg4[%get3A_852, %get3A_853] {strides = array<i32>} : memref<136x128xi32, #tpu.memory_space<vmem>>, vector<1x16xi32>,
      %get3A_855 = vector.shape_cast %get3A_854 : vector<1x16xi32> to vector<16xi32>
      %shift_left3A_856 = arith.constant 16 : i32
      %shift_left3A_857 = vector.broadcast %shift_left3A_856 : i32 to vector<16xi32>
      %shift_left3A_858 = arith.shli %get3A_855, %shift_left3A_857 : vector<16xi32>
      %swap3A_859 = arith.index_cast %scan3A_782 : i32 to index
      %swap3A_860 = arith.constant 96 : index
      %swap3A_861 = tpu.vector_load %arg4[%swap3A_859, %swap3A_860] {strides = array<i32>} : memref<136x128xi32, #tpu.memory_space<vmem>>, vector<1x16xi32>,
      %swap3A_862 = vector.shape_cast %swap3A_861 : vector<1x16xi32> to vector<16xi32>
      %swap3A_863 = vector.shape_cast %shift_left3A_858 : vector<16xi32> to vector<1x16xi32>
      tpu.vector_store %arg4[%swap3A_859, %swap3A_860], %swap3A_863 {strides = array<i32>} : memref<136x128xi32, #tpu.memory_space<vmem>>, vector<1x16xi32>,
      %get3A_864 = arith.index_cast %scan3A_782 : i32 to index
      %get3A_865 = arith.constant 112 : index
      %get3A_866 = tpu.vector_load %arg4[%get3A_864, %get3A_865] {strides = array<i32>} : memref<136x128xi32, #tpu.memory_space<vmem>>, vector<1x16xi32>,
      %get3A_867 = vector.shape_cast %get3A_866 : vector<1x16xi32> to vector<16xi32>
      %shift_left3A_868 = arith.constant 16 : i32
      %shift_left3A_869 = vector.broadcast %shift_left3A_868 : i32 to vector<16xi32>
      %shift_left3A_870 = arith.shli %get3A_867, %shift_left3A_869 : vector<16xi32>
      %swap3A_871 = arith.index_cast %scan3A_782 : i32 to index
      %swap3A_872 = arith.constant 112 : index
      %swap3A_873 = tpu.vector_load %arg4[%swap3A_871, %swap3A_872] {strides = array<i32>} : memref<136x128xi32, #tpu.memory_space<vmem>>, vector<1x16xi32>,
      %swap3A_874 = vector.shape_cast %swap3A_873 : vector<1x16xi32> to vector<16xi32>
      %swap3A_875 = vector.shape_cast %shift_left3A_870 : vector<16xi32> to vector<1x16xi32>
      tpu.vector_store %arg4[%swap3A_871, %swap3A_872], %swap3A_875 {strides = array<i32>} : memref<136x128xi32, #tpu.memory_space<vmem>>, vector<1x16xi32>,
    }
    %scan3A_645 = arith.constant 136 : i32
    %add3A_646 = arith.constant 2448 : i32
    %add3A_647 = arith.addi %min3A_3, %add3A_646 : i32
    %multiple_of3A_648 = tpu.assume_multiple %add3A_647, 8 : i32
    %dma_start3A_649 = arith.constant 0 : i32
    %dma_start3A_650 = tpu.memref_slice %arg3[%multiple_of3A_648, %dma_start3A_649] : memref<100000x128xi32, #tpu.memory_space<hbm>> -> memref<136x128xi32, #tpu.memory_space<hbm>>
    %dma_start3A_651 = arith.constant 0 : i32
    %dma_start3A_652 = tpu.memref_slice %arg3[%multiple_of3A_648, %dma_start3A_651] : memref<100000x128xi32, #tpu.memory_space<hbm>> -> memref<136x128xi32, #tpu.memory_space<hbm>>
    tpu.enqueue_dma source(%arg4 : memref<136x128xi32, #tpu.memory_space<vmem>>) target(%dma_start3A_652 : memref<136x128xi32, #tpu.memory_space<hbm>>) target_semaphore(%arg10 : memref<!tpu.dma_semaphore, #tpu.memory_space<semaphore_mem>>)
    %add3A_653 = arith.constant 2448 : i32
    %add3A_654 = arith.addi %min3A_3, %add3A_653 : i32
    %multiple_of3A_655 = tpu.assume_multiple %add3A_654, 8 : i32
    %dma_wait3A_656 = arith.constant 0 : i32
    %dma_wait3A_657 = tpu.memref_slice %arg3[%multiple_of3A_655, %dma_wait3A_656] : memref<100000x128xi32, #tpu.memory_space<hbm>> -> memref<136x128xi32, #tpu.memory_space<hbm>>
    %dma_wait3A_658 = arith.constant 0 : i32
    %dma_wait3A_659 = tpu.memref_slice %arg3[%multiple_of3A_655, %dma_wait3A_658] : memref<100000x128xi32, #tpu.memory_space<hbm>> -> memref<136x128xi32, #tpu.memory_space<hbm>>
    tpu.wait_dma2 semaphore(%arg10 : memref<!tpu.dma_semaphore, #tpu.memory_space<semaphore_mem>>) src(%arg4 : memref<136x128xi32, #tpu.memory_space<vmem>>) dst(%dma_wait3A_659 : memref<136x128xi32, #tpu.memory_space<hbm>>)
    %add3A_660 = arith.constant 2856 : i32
    %add3A_661 = arith.addi %min3A_3, %add3A_660 : i32
    %multiple_of3A_662 = tpu.assume_multiple %add3A_661, 8 : i32
    %dma_start3A_663 = arith.constant 0 : i32
    %dma_start3A_664 = tpu.memref_slice %arg2[%multiple_of3A_662, %dma_start3A_663] : memref<100000x128xi32, #tpu.memory_space<hbm>> -> memref<136x128xi32, #tpu.memory_space<hbm>>
    %dma_start3A_665 = arith.constant 0 : i32
    %dma_start3A_666 = tpu.memref_slice %arg2[%multiple_of3A_662, %dma_start3A_665] : memref<100000x128xi32, #tpu.memory_space<hbm>> -> memref<136x128xi32, #tpu.memory_space<hbm>>
    tpu.enqueue_dma source(%dma_start3A_666 : memref<136x128xi32, #tpu.memory_space<hbm>>) target(%arg4 : memref<136x128xi32, #tpu.memory_space<vmem>>) target_semaphore(%arg7 : memref<!tpu.dma_semaphore, #tpu.memory_space<semaphore_mem>>)
    %add3A_667 = arith.constant 2584 : i32
    %add3A_668 = arith.addi %min3A_3, %add3A_667 : i32
    %multiple_of3A_669 = tpu.assume_multiple %add3A_668, 8 : i32
    %dma_wait3A_670 = arith.constant 0 : i32
    %dma_wait3A_671 = tpu.memref_slice %arg2[%multiple_of3A_669, %dma_wait3A_670] : memref<100000x128xi32, #tpu.memory_space<hbm>> -> memref<136x128xi32, #tpu.memory_space<hbm>>
    %dma_wait3A_672 = arith.constant 0 : i32
    %dma_wait3A_673 = tpu.memref_slice %arg2[%multiple_of3A_669, %dma_wait3A_672] : memref<100000x128xi32, #tpu.memory_space<hbm>> -> memref<136x128xi32, #tpu.memory_space<hbm>>
    tpu.wait_dma2 semaphore(%arg8 : memref<!tpu.dma_semaphore, #tpu.memory_space<semaphore_mem>>) src(%dma_wait3A_673 : memref<136x128xi32, #tpu.memory_space<hbm>>) dst(%arg5 : memref<136x128xi32, #tpu.memory_space<vmem>>)
    %scan3A_674 = arith.constant 0 : i32
    %scan3A_675 = arith.constant 0 : i32
    %scan3A_676 = arith.constant 136 : i32
    %scan3A_677 = arith.addi %scan3A_675, %scan3A_676 : i32
    %scan3A_678 = arith.constant 1 : i32
    scf.for %scan3A_782 = %scan3A_675 to %scan3A_677 step %scan3A_678  : i32 {
      %get3A = arith.index_cast %scan3A_782 : i32 to index
      %get3A_783 = arith.constant 0 : index
      %get3A_784 = tpu.vector_load %arg5[%get3A, %get3A_783] {strides = array<i32>} : memref<136x128xi32, #tpu.memory_space<vmem>>, vector<1x16xi32>,
      %get3A_785 = vector.shape_cast %get3A_784 : vector<1x16xi32> to vector<16xi32>
      %shift_left3A = arith.constant 16 : i32
      %shift_left3A_786 = vector.broadcast %shift_left3A : i32 to vector<16xi32>
      %shift_left3A_787 = arith.shli %get3A_785, %shift_left3A_786 : vector<16xi32>
      %swap3A = arith.index_cast %scan3A_782 : i32 to index
      %swap3A_788 = arith.constant 0 : index
      %swap3A_789 = tpu.vector_load %arg5[%swap3A, %swap3A_788] {strides = array<i32>} : memref<136x128xi32, #tpu.memory_space<vmem>>, vector<1x16xi32>,
      %swap3A_790 = vector.shape_cast %swap3A_789 : vector<1x16xi32> to vector<16xi32>
      %swap3A_791 = vector.shape_cast %shift_left3A_787 : vector<16xi32> to vector<1x16xi32>
      tpu.vector_store %arg5[%swap3A, %swap3A_788], %swap3A_791 {strides = array<i32>} : memref<136x128xi32, #tpu.memory_space<vmem>>, vector<1x16xi32>,
      %get3A_792 = arith.index_cast %scan3A_782 : i32 to index
      %get3A_793 = arith.constant 16 : index
      %get3A_794 = tpu.vector_load %arg5[%get3A_792, %get3A_793] {strides = array<i32>} : memref<136x128xi32, #tpu.memory_space<vmem>>, vector<1x16xi32>,
      %get3A_795 = vector.shape_cast %get3A_794 : vector<1x16xi32> to vector<16xi32>
      %shift_left3A_796 = arith.constant 16 : i32
      %shift_left3A_797 = vector.broadcast %shift_left3A_796 : i32 to vector<16xi32>
      %shift_left3A_798 = arith.shli %get3A_795, %shift_left3A_797 : vector<16xi32>
      %swap3A_799 = arith.index_cast %scan3A_782 : i32 to index
      %swap3A_800 = arith.constant 16 : index
      %swap3A_801 = tpu.vector_load %arg5[%swap3A_799, %swap3A_800] {strides = array<i32>} : memref<136x128xi32, #tpu.memory_space<vmem>>, vector<1x16xi32>,
      %swap3A_802 = vector.shape_cast %swap3A_801 : vector<1x16xi32> to vector<16xi32>
      %swap3A_803 = vector.shape_cast %shift_left3A_798 : vector<16xi32> to vector<1x16xi32>
      tpu.vector_store %arg5[%swap3A_799, %swap3A_800], %swap3A_803 {strides = array<i32>} : memref<136x128xi32, #tpu.memory_space<vmem>>, vector<1x16xi32>,
      %get3A_804 = arith.index_cast %scan3A_782 : i32 to index
      %get3A_805 = arith.constant 32 : index
      %get3A_806 = tpu.vector_load %arg5[%get3A_804, %get3A_805] {strides = array<i32>} : memref<136x128xi32, #tpu.memory_space<vmem>>, vector<1x16xi32>,
      %get3A_807 = vector.shape_cast %get3A_806 : vector<1x16xi32> to vector<16xi32>
      %shift_left3A_808 = arith.constant 16 : i32
      %shift_left3A_809 = vector.broadcast %shift_left3A_808 : i32 to vector<16xi32>
      %shift_left3A_810 = arith.shli %get3A_807, %shift_left3A_809 : vector<16xi32>
      %swap3A_811 = arith.index_cast %scan3A_782 : i32 to index
      %swap3A_812 = arith.constant 32 : index
      %swap3A_813 = tpu.vector_load %arg5[%swap3A_811, %swap3A_812] {strides = array<i32>} : memref<136x128xi32, #tpu.memory_space<vmem>>, vector<1x16xi32>,
      %swap3A_814 = vector.shape_cast %swap3A_813 : vector<1x16xi32> to vector<16xi32>
      %swap3A_815 = vector.shape_cast %shift_left3A_810 : vector<16xi32> to vector<1x16xi32>
      tpu.vector_store %arg5[%swap3A_811, %swap3A_812], %swap3A_815 {strides = array<i32>} : memref<136x128xi32, #tpu.memory_space<vmem>>, vector<1x16xi32>,
      %get3A_816 = arith.index_cast %scan3A_782 : i32 to index
      %get3A_817 = arith.constant 48 : index
      %get3A_818 = tpu.vector_load %arg5[%get3A_816, %get3A_817] {strides = array<i32>} : memref<136x128xi32, #tpu.memory_space<vmem>>, vector<1x16xi32>,
      %get3A_819 = vector.shape_cast %get3A_818 : vector<1x16xi32> to vector<16xi32>
      %shift_left3A_820 = arith.constant 16 : i32
      %shift_left3A_821 = vector.broadcast %shift_left3A_820 : i32 to vector<16xi32>
      %shift_left3A_822 = arith.shli %get3A_819, %shift_left3A_821 : vector<16xi32>
      %swap3A_823 = arith.index_cast %scan3A_782 : i32 to index
      %swap3A_824 = arith.constant 48 : index
      %swap3A_825 = tpu.vector_load %arg5[%swap3A_823, %swap3A_824] {strides = array<i32>} : memref<136x128xi32, #tpu.memory_space<vmem>>, vector<1x16xi32>,
      %swap3A_826 = vector.shape_cast %swap3A_825 : vector<1x16xi32> to vector<16xi32>
      %swap3A_827 = vector.shape_cast %shift_left3A_822 : vector<16xi32> to vector<1x16xi32>
      tpu.vector_store %arg5[%swap3A_823, %swap3A_824], %swap3A_827 {strides = array<i32>} : memref<136x128xi32, #tpu.memory_space<vmem>>, vector<1x16xi32>,
      %get3A_828 = arith.index_cast %scan3A_782 : i32 to index
      %get3A_829 = arith.constant 64 : index
      %get3A_830 = tpu.vector_load %arg5[%get3A_828, %get3A_829] {strides = array<i32>} : memref<136x128xi32, #tpu.memory_space<vmem>>, vector<1x16xi32>,
      %get3A_831 = vector.shape_cast %get3A_830 : vector<1x16xi32> to vector<16xi32>
      %shift_left3A_832 = arith.constant 16 : i32
      %shift_left3A_833 = vector.broadcast %shift_left3A_832 : i32 to vector<16xi32>
      %shift_left3A_834 = arith.shli %get3A_831, %shift_left3A_833 : vector<16xi32>
      %swap3A_835 = arith.index_cast %scan3A_782 : i32 to index
      %swap3A_836 = arith.constant 64 : index
      %swap3A_837 = tpu.vector_load %arg5[%swap3A_835, %swap3A_836] {strides = array<i32>} : memref<136x128xi32, #tpu.memory_space<vmem>>, vector<1x16xi32>,
      %swap3A_838 = vector.shape_cast %swap3A_837 : vector<1x16xi32> to vector<16xi32>
      %swap3A_839 = vector.shape_cast %shift_left3A_834 : vector<16xi32> to vector<1x16xi32>
      tpu.vector_store %arg5[%swap3A_835, %swap3A_836], %swap3A_839 {strides = array<i32>} : memref<136x128xi32, #tpu.memory_space<vmem>>, vector<1x16xi32>,
      %get3A_840 = arith.index_cast %scan3A_782 : i32 to index
      %get3A_841 = arith.constant 80 : index
      %get3A_842 = tpu.vector_load %arg5[%get3A_840, %get3A_841] {strides = array<i32>} : memref<136x128xi32, #tpu.memory_space<vmem>>, vector<1x16xi32>,
      %get3A_843 = vector.shape_cast %get3A_842 : vector<1x16xi32> to vector<16xi32>
      %shift_left3A_844 = arith.constant 16 : i32
      %shift_left3A_845 = vector.broadcast %shift_left3A_844 : i32 to vector<16xi32>
      %shift_left3A_846 = arith.shli %get3A_843, %shift_left3A_845 : vector<16xi32>
      %swap3A_847 = arith.index_cast %scan3A_782 : i32 to index
      %swap3A_848 = arith.constant 80 : index
      %swap3A_849 = tpu.vector_load %arg5[%swap3A_847, %swap3A_848] {strides = array<i32>} : memref<136x128xi32, #tpu.memory_space<vmem>>, vector<1x16xi32>,
      %swap3A_850 = vector.shape_cast %swap3A_849 : vector<1x16xi32> to vector<16xi32>
      %swap3A_851 = vector.shape_cast %shift_left3A_846 : vector<16xi32> to vector<1x16xi32>
      tpu.vector_store %arg5[%swap3A_847, %swap3A_848], %swap3A_851 {strides = array<i32>} : memref<136x128xi32, #tpu.memory_space<vmem>>, vector<1x16xi32>,
      %get3A_852 = arith.index_cast %scan3A_782 : i32 to index
      %get3A_853 = arith.constant 96 : index
      %get3A_854 = tpu.vector_load %arg5[%get3A_852, %get3A_853] {strides = array<i32>} : memref<136x128xi32, #tpu.memory_space<vmem>>, vector<1x16xi32>,
      %get3A_855 = vector.shape_cast %get3A_854 : vector<1x16xi32> to vector<16xi32>
      %shift_left3A_856 = arith.constant 16 : i32
      %shift_left3A_857 = vector.broadcast %shift_left3A_856 : i32 to vector<16xi32>
      %shift_left3A_858 = arith.shli %get3A_855, %shift_left3A_857 : vector<16xi32>
      %swap3A_859 = arith.index_cast %scan3A_782 : i32 to index
      %swap3A_860 = arith.constant 96 : index
      %swap3A_861 = tpu.vector_load %arg5[%swap3A_859, %swap3A_860] {strides = array<i32>} : memref<136x128xi32, #tpu.memory_space<vmem>>, vector<1x16xi32>,
      %swap3A_862 = vector.shape_cast %swap3A_861 : vector<1x16xi32> to vector<16xi32>
      %swap3A_863 = vector.shape_cast %shift_left3A_858 : vector<16xi32> to vector<1x16xi32>
      tpu.vector_store %arg5[%swap3A_859, %swap3A_860], %swap3A_863 {strides = array<i32>} : memref<136x128xi32, #tpu.memory_space<vmem>>, vector<1x16xi32>,
      %get3A_864 = arith.index_cast %scan3A_782 : i32 to index
      %get3A_865 = arith.constant 112 : index
      %get3A_866 = tpu.vector_load %arg5[%get3A_864, %get3A_865] {strides = array<i32>} : memref<136x128xi32, #tpu.memory_space<vmem>>, vector<1x16xi32>,
      %get3A_867 = vector.shape_cast %get3A_866 : vector<1x16xi32> to vector<16xi32>
      %shift_left3A_868 = arith.constant 16 : i32
      %shift_left3A_869 = vector.broadcast %shift_left3A_868 : i32 to vector<16xi32>
      %shift_left3A_870 = arith.shli %get3A_867, %shift_left3A_869 : vector<16xi32>
      %swap3A_871 = arith.index_cast %scan3A_782 : i32 to index
      %swap3A_872 = arith.constant 112 : index
      %swap3A_873 = tpu.vector_load %arg5[%swap3A_871, %swap3A_872] {strides = array<i32>} : memref<136x128xi32, #tpu.memory_space<vmem>>, vector<1x16xi32>,
      %swap3A_874 = vector.shape_cast %swap3A_873 : vector<1x16xi32> to vector<16xi32>
      %swap3A_875 = vector.shape_cast %shift_left3A_870 : vector<16xi32> to vector<1x16xi32>
      tpu.vector_store %arg5[%swap3A_871, %swap3A_872], %swap3A_875 {strides = array<i32>} : memref<136x128xi32, #tpu.memory_space<vmem>>, vector<1x16xi32>,
    }
    %scan3A_679 = arith.constant 136 : i32
    %add3A_680 = arith.constant 2584 : i32
    %add3A_681 = arith.addi %min3A_3, %add3A_680 : i32
    %multiple_of3A_682 = tpu.assume_multiple %add3A_681, 8 : i32
    %dma_start3A_683 = arith.constant 0 : i32
    %dma_start3A_684 = tpu.memref_slice %arg3[%multiple_of3A_682, %dma_start3A_683] : memref<100000x128xi32, #tpu.memory_space<hbm>> -> memref<136x128xi32, #tpu.memory_space<hbm>>
    %dma_start3A_685 = arith.constant 0 : i32
    %dma_start3A_686 = tpu.memref_slice %arg3[%multiple_of3A_682, %dma_start3A_685] : memref<100000x128xi32, #tpu.memory_space<hbm>> -> memref<136x128xi32, #tpu.memory_space<hbm>>
    tpu.enqueue_dma source(%arg5 : memref<136x128xi32, #tpu.memory_space<vmem>>) target(%dma_start3A_686 : memref<136x128xi32, #tpu.memory_space<hbm>>) target_semaphore(%arg11 : memref<!tpu.dma_semaphore, #tpu.memory_space<semaphore_mem>>)
    %add3A_687 = arith.constant 2584 : i32
    %add3A_688 = arith.addi %min3A_3, %add3A_687 : i32
    %multiple_of3A_689 = tpu.assume_multiple %add3A_688, 8 : i32
    %dma_wait3A_690 = arith.constant 0 : i32
    %dma_wait3A_691 = tpu.memref_slice %arg3[%multiple_of3A_689, %dma_wait3A_690] : memref<100000x128xi32, #tpu.memory_space<hbm>> -> memref<136x128xi32, #tpu.memory_space<hbm>>
    %dma_wait3A_692 = arith.constant 0 : i32
    %dma_wait3A_693 = tpu.memref_slice %arg3[%multiple_of3A_689, %dma_wait3A_692] : memref<100000x128xi32, #tpu.memory_space<hbm>> -> memref<136x128xi32, #tpu.memory_space<hbm>>
    tpu.wait_dma2 semaphore(%arg11 : memref<!tpu.dma_semaphore, #tpu.memory_space<semaphore_mem>>) src(%arg5 : memref<136x128xi32, #tpu.memory_space<vmem>>) dst(%dma_wait3A_693 : memref<136x128xi32, #tpu.memory_space<hbm>>)
    %add3A_694 = arith.constant 2992 : i32
    %add3A_695 = arith.addi %min3A_3, %add3A_694 : i32
    %multiple_of3A_696 = tpu.assume_multiple %add3A_695, 8 : i32
    %dma_start3A_697 = arith.constant 0 : i32
    %dma_start3A_698 = tpu.memref_slice %arg2[%multiple_of3A_696, %dma_start3A_697] : memref<100000x128xi32, #tpu.memory_space<hbm>> -> memref<136x128xi32, #tpu.memory_space<hbm>>
    %dma_start3A_699 = arith.constant 0 : i32
    %dma_start3A_700 = tpu.memref_slice %arg2[%multiple_of3A_696, %dma_start3A_699] : memref<100000x128xi32, #tpu.memory_space<hbm>> -> memref<136x128xi32, #tpu.memory_space<hbm>>
    tpu.enqueue_dma source(%dma_start3A_700 : memref<136x128xi32, #tpu.memory_space<hbm>>) target(%arg5 : memref<136x128xi32, #tpu.memory_space<vmem>>) target_semaphore(%arg8 : memref<!tpu.dma_semaphore, #tpu.memory_space<semaphore_mem>>)
    %add3A_701 = arith.constant 2720 : i32
    %add3A_702 = arith.addi %min3A_3, %add3A_701 : i32
    %multiple_of3A_703 = tpu.assume_multiple %add3A_702, 8 : i32
    %dma_wait3A_704 = arith.constant 0 : i32
    %dma_wait3A_705 = tpu.memref_slice %arg2[%multiple_of3A_703, %dma_wait3A_704] : memref<100000x128xi32, #tpu.memory_space<hbm>> -> memref<136x128xi32, #tpu.memory_space<hbm>>
    %dma_wait3A_706 = arith.constant 0 : i32
    %dma_wait3A_707 = tpu.memref_slice %arg2[%multiple_of3A_703, %dma_wait3A_706] : memref<100000x128xi32, #tpu.memory_space<hbm>> -> memref<136x128xi32, #tpu.memory_space<hbm>>
    tpu.wait_dma2 semaphore(%arg9 : memref<!tpu.dma_semaphore, #tpu.memory_space<semaphore_mem>>) src(%dma_wait3A_707 : memref<136x128xi32, #tpu.memory_space<hbm>>) dst(%arg6 : memref<136x128xi32, #tpu.memory_space<vmem>>)
    %scan3A_708 = arith.constant 0 : i32
    %scan3A_709 = arith.constant 0 : i32
    %scan3A_710 = arith.constant 136 : i32
    %scan3A_711 = arith.addi %scan3A_709, %scan3A_710 : i32
    %scan3A_712 = arith.constant 1 : i32
    scf.for %scan3A_782 = %scan3A_709 to %scan3A_711 step %scan3A_712  : i32 {
      %get3A = arith.index_cast %scan3A_782 : i32 to index
      %get3A_783 = arith.constant 0 : index
      %get3A_784 = tpu.vector_load %arg6[%get3A, %get3A_783] {strides = array<i32>} : memref<136x128xi32, #tpu.memory_space<vmem>>, vector<1x16xi32>,
      %get3A_785 = vector.shape_cast %get3A_784 : vector<1x16xi32> to vector<16xi32>
      %shift_left3A = arith.constant 16 : i32
      %shift_left3A_786 = vector.broadcast %shift_left3A : i32 to vector<16xi32>
      %shift_left3A_787 = arith.shli %get3A_785, %shift_left3A_786 : vector<16xi32>
      %swap3A = arith.index_cast %scan3A_782 : i32 to index
      %swap3A_788 = arith.constant 0 : index
      %swap3A_789 = tpu.vector_load %arg6[%swap3A, %swap3A_788] {strides = array<i32>} : memref<136x128xi32, #tpu.memory_space<vmem>>, vector<1x16xi32>,
      %swap3A_790 = vector.shape_cast %swap3A_789 : vector<1x16xi32> to vector<16xi32>
      %swap3A_791 = vector.shape_cast %shift_left3A_787 : vector<16xi32> to vector<1x16xi32>
      tpu.vector_store %arg6[%swap3A, %swap3A_788], %swap3A_791 {strides = array<i32>} : memref<136x128xi32, #tpu.memory_space<vmem>>, vector<1x16xi32>,
      %get3A_792 = arith.index_cast %scan3A_782 : i32 to index
      %get3A_793 = arith.constant 16 : index
      %get3A_794 = tpu.vector_load %arg6[%get3A_792, %get3A_793] {strides = array<i32>} : memref<136x128xi32, #tpu.memory_space<vmem>>, vector<1x16xi32>,
      %get3A_795 = vector.shape_cast %get3A_794 : vector<1x16xi32> to vector<16xi32>
      %shift_left3A_796 = arith.constant 16 : i32
      %shift_left3A_797 = vector.broadcast %shift_left3A_796 : i32 to vector<16xi32>
      %shift_left3A_798 = arith.shli %get3A_795, %shift_left3A_797 : vector<16xi32>
      %swap3A_799 = arith.index_cast %scan3A_782 : i32 to index
      %swap3A_800 = arith.constant 16 : index
      %swap3A_801 = tpu.vector_load %arg6[%swap3A_799, %swap3A_800] {strides = array<i32>} : memref<136x128xi32, #tpu.memory_space<vmem>>, vector<1x16xi32>,
      %swap3A_802 = vector.shape_cast %swap3A_801 : vector<1x16xi32> to vector<16xi32>
      %swap3A_803 = vector.shape_cast %shift_left3A_798 : vector<16xi32> to vector<1x16xi32>
      tpu.vector_store %arg6[%swap3A_799, %swap3A_800], %swap3A_803 {strides = array<i32>} : memref<136x128xi32, #tpu.memory_space<vmem>>, vector<1x16xi32>,
      %get3A_804 = arith.index_cast %scan3A_782 : i32 to index
      %get3A_805 = arith.constant 32 : index
      %get3A_806 = tpu.vector_load %arg6[%get3A_804, %get3A_805] {strides = array<i32>} : memref<136x128xi32, #tpu.memory_space<vmem>>, vector<1x16xi32>,
      %get3A_807 = vector.shape_cast %get3A_806 : vector<1x16xi32> to vector<16xi32>
      %shift_left3A_808 = arith.constant 16 : i32
      %shift_left3A_809 = vector.broadcast %shift_left3A_808 : i32 to vector<16xi32>
      %shift_left3A_810 = arith.shli %get3A_807, %shift_left3A_809 : vector<16xi32>
      %swap3A_811 = arith.index_cast %scan3A_782 : i32 to index
      %swap3A_812 = arith.constant 32 : index
      %swap3A_813 = tpu.vector_load %arg6[%swap3A_811, %swap3A_812] {strides = array<i32>} : memref<136x128xi32, #tpu.memory_space<vmem>>, vector<1x16xi32>,
      %swap3A_814 = vector.shape_cast %swap3A_813 : vector<1x16xi32> to vector<16xi32>
      %swap3A_815 = vector.shape_cast %shift_left3A_810 : vector<16xi32> to vector<1x16xi32>
      tpu.vector_store %arg6[%swap3A_811, %swap3A_812], %swap3A_815 {strides = array<i32>} : memref<136x128xi32, #tpu.memory_space<vmem>>, vector<1x16xi32>,
      %get3A_816 = arith.index_cast %scan3A_782 : i32 to index
      %get3A_817 = arith.constant 48 : index
      %get3A_818 = tpu.vector_load %arg6[%get3A_816, %get3A_817] {strides = array<i32>} : memref<136x128xi32, #tpu.memory_space<vmem>>, vector<1x16xi32>,
      %get3A_819 = vector.shape_cast %get3A_818 : vector<1x16xi32> to vector<16xi32>
      %shift_left3A_820 = arith.constant 16 : i32
      %shift_left3A_821 = vector.broadcast %shift_left3A_820 : i32 to vector<16xi32>
      %shift_left3A_822 = arith.shli %get3A_819, %shift_left3A_821 : vector<16xi32>
      %swap3A_823 = arith.index_cast %scan3A_782 : i32 to index
      %swap3A_824 = arith.constant 48 : index
      %swap3A_825 = tpu.vector_load %arg6[%swap3A_823, %swap3A_824] {strides = array<i32>} : memref<136x128xi32, #tpu.memory_space<vmem>>, vector<1x16xi32>,
      %swap3A_826 = vector.shape_cast %swap3A_825 : vector<1x16xi32> to vector<16xi32>
      %swap3A_827 = vector.shape_cast %shift_left3A_822 : vector<16xi32> to vector<1x16xi32>
      tpu.vector_store %arg6[%swap3A_823, %swap3A_824], %swap3A_827 {strides = array<i32>} : memref<136x128xi32, #tpu.memory_space<vmem>>, vector<1x16xi32>,
      %get3A_828 = arith.index_cast %scan3A_782 : i32 to index
      %get3A_829 = arith.constant 64 : index
      %get3A_830 = tpu.vector_load %arg6[%get3A_828, %get3A_829] {strides = array<i32>} : memref<136x128xi32, #tpu.memory_space<vmem>>, vector<1x16xi32>,
      %get3A_831 = vector.shape_cast %get3A_830 : vector<1x16xi32> to vector<16xi32>
      %shift_left3A_832 = arith.constant 16 : i32
      %shift_left3A_833 = vector.broadcast %shift_left3A_832 : i32 to vector<16xi32>
      %shift_left3A_834 = arith.shli %get3A_831, %shift_left3A_833 : vector<16xi32>
      %swap3A_835 = arith.index_cast %scan3A_782 : i32 to index
      %swap3A_836 = arith.constant 64 : index
      %swap3A_837 = tpu.vector_load %arg6[%swap3A_835, %swap3A_836] {strides = array<i32>} : memref<136x128xi32, #tpu.memory_space<vmem>>, vector<1x16xi32>,
      %swap3A_838 = vector.shape_cast %swap3A_837 : vector<1x16xi32> to vector<16xi32>
      %swap3A_839 = vector.shape_cast %shift_left3A_834 : vector<16xi32> to vector<1x16xi32>
      tpu.vector_store %arg6[%swap3A_835, %swap3A_836], %swap3A_839 {strides = array<i32>} : memref<136x128xi32, #tpu.memory_space<vmem>>, vector<1x16xi32>,
      %get3A_840 = arith.index_cast %scan3A_782 : i32 to index
      %get3A_841 = arith.constant 80 : index
      %get3A_842 = tpu.vector_load %arg6[%get3A_840, %get3A_841] {strides = array<i32>} : memref<136x128xi32, #tpu.memory_space<vmem>>, vector<1x16xi32>,
      %get3A_843 = vector.shape_cast %get3A_842 : vector<1x16xi32> to vector<16xi32>
      %shift_left3A_844 = arith.constant 16 : i32
      %shift_left3A_845 = vector.broadcast %shift_left3A_844 : i32 to vector<16xi32>
      %shift_left3A_846 = arith.shli %get3A_843, %shift_left3A_845 : vector<16xi32>
      %swap3A_847 = arith.index_cast %scan3A_782 : i32 to index
      %swap3A_848 = arith.constant 80 : index
      %swap3A_849 = tpu.vector_load %arg6[%swap3A_847, %swap3A_848] {strides = array<i32>} : memref<136x128xi32, #tpu.memory_space<vmem>>, vector<1x16xi32>,
      %swap3A_850 = vector.shape_cast %swap3A_849 : vector<1x16xi32> to vector<16xi32>
      %swap3A_851 = vector.shape_cast %shift_left3A_846 : vector<16xi32> to vector<1x16xi32>
      tpu.vector_store %arg6[%swap3A_847, %swap3A_848], %swap3A_851 {strides = array<i32>} : memref<136x128xi32, #tpu.memory_space<vmem>>, vector<1x16xi32>,
      %get3A_852 = arith.index_cast %scan3A_782 : i32 to index
      %get3A_853 = arith.constant 96 : index
      %get3A_854 = tpu.vector_load %arg6[%get3A_852, %get3A_853] {strides = array<i32>} : memref<136x128xi32, #tpu.memory_space<vmem>>, vector<1x16xi32>,
      %get3A_855 = vector.shape_cast %get3A_854 : vector<1x16xi32> to vector<16xi32>
      %shift_left3A_856 = arith.constant 16 : i32
      %shift_left3A_857 = vector.broadcast %shift_left3A_856 : i32 to vector<16xi32>
      %shift_left3A_858 = arith.shli %get3A_855, %shift_left3A_857 : vector<16xi32>
      %swap3A_859 = arith.index_cast %scan3A_782 : i32 to index
      %swap3A_860 = arith.constant 96 : index
      %swap3A_861 = tpu.vector_load %arg6[%swap3A_859, %swap3A_860] {strides = array<i32>} : memref<136x128xi32, #tpu.memory_space<vmem>>, vector<1x16xi32>,
      %swap3A_862 = vector.shape_cast %swap3A_861 : vector<1x16xi32> to vector<16xi32>
      %swap3A_863 = vector.shape_cast %shift_left3A_858 : vector<16xi32> to vector<1x16xi32>
      tpu.vector_store %arg6[%swap3A_859, %swap3A_860], %swap3A_863 {strides = array<i32>} : memref<136x128xi32, #tpu.memory_space<vmem>>, vector<1x16xi32>,
      %get3A_864 = arith.index_cast %scan3A_782 : i32 to index
      %get3A_865 = arith.constant 112 : index
      %get3A_866 = tpu.vector_load %arg6[%get3A_864, %get3A_865] {strides = array<i32>} : memref<136x128xi32, #tpu.memory_space<vmem>>, vector<1x16xi32>,
      %get3A_867 = vector.shape_cast %get3A_866 : vector<1x16xi32> to vector<16xi32>
      %shift_left3A_868 = arith.constant 16 : i32
      %shift_left3A_869 = vector.broadcast %shift_left3A_868 : i32 to vector<16xi32>
      %shift_left3A_870 = arith.shli %get3A_867, %shift_left3A_869 : vector<16xi32>
      %swap3A_871 = arith.index_cast %scan3A_782 : i32 to index
      %swap3A_872 = arith.constant 112 : index
      %swap3A_873 = tpu.vector_load %arg6[%swap3A_871, %swap3A_872] {strides = array<i32>} : memref<136x128xi32, #tpu.memory_space<vmem>>, vector<1x16xi32>,
      %swap3A_874 = vector.shape_cast %swap3A_873 : vector<1x16xi32> to vector<16xi32>
      %swap3A_875 = vector.shape_cast %shift_left3A_870 : vector<16xi32> to vector<1x16xi32>
      tpu.vector_store %arg6[%swap3A_871, %swap3A_872], %swap3A_875 {strides = array<i32>} : memref<136x128xi32, #tpu.memory_space<vmem>>, vector<1x16xi32>,
    }
    %scan3A_713 = arith.constant 136 : i32
    %add3A_714 = arith.constant 2720 : i32
    %add3A_715 = arith.addi %min3A_3, %add3A_714 : i32
    %multiple_of3A_716 = tpu.assume_multiple %add3A_715, 8 : i32
    %dma_start3A_717 = arith.constant 0 : i32
    %dma_start3A_718 = tpu.memref_slice %arg3[%multiple_of3A_716, %dma_start3A_717] : memref<100000x128xi32, #tpu.memory_space<hbm>> -> memref<136x128xi32, #tpu.memory_space<hbm>>
    %dma_start3A_719 = arith.constant 0 : i32
    %dma_start3A_720 = tpu.memref_slice %arg3[%multiple_of3A_716, %dma_start3A_719] : memref<100000x128xi32, #tpu.memory_space<hbm>> -> memref<136x128xi32, #tpu.memory_space<hbm>>
    tpu.enqueue_dma source(%arg6 : memref<136x128xi32, #tpu.memory_space<vmem>>) target(%dma_start3A_720 : memref<136x128xi32, #tpu.memory_space<hbm>>) target_semaphore(%arg12 : memref<!tpu.dma_semaphore, #tpu.memory_space<semaphore_mem>>)
    %add3A_721 = arith.constant 2856 : i32
    %add3A_722 = arith.addi %min3A_3, %add3A_721 : i32
    %multiple_of3A_723 = tpu.assume_multiple %add3A_722, 8 : i32
    %dma_wait3A_724 = arith.constant 0 : i32
    %dma_wait3A_725 = tpu.memref_slice %arg2[%multiple_of3A_723, %dma_wait3A_724] : memref<100000x128xi32, #tpu.memory_space<hbm>> -> memref<136x128xi32, #tpu.memory_space<hbm>>
    %dma_wait3A_726 = arith.constant 0 : i32
    %dma_wait3A_727 = tpu.memref_slice %arg2[%multiple_of3A_723, %dma_wait3A_726] : memref<100000x128xi32, #tpu.memory_space<hbm>> -> memref<136x128xi32, #tpu.memory_space<hbm>>
    tpu.wait_dma2 semaphore(%arg7 : memref<!tpu.dma_semaphore, #tpu.memory_space<semaphore_mem>>) src(%dma_wait3A_727 : memref<136x128xi32, #tpu.memory_space<hbm>>) dst(%arg4 : memref<136x128xi32, #tpu.memory_space<vmem>>)
    %scan3A_728 = arith.constant 0 : i32
    %scan3A_729 = arith.constant 0 : i32
    %scan3A_730 = arith.constant 136 : i32
    %scan3A_731 = arith.addi %scan3A_729, %scan3A_730 : i32
    %scan3A_732 = arith.constant 1 : i32
    scf.for %scan3A_782 = %scan3A_729 to %scan3A_731 step %scan3A_732  : i32 {
      %get3A = arith.index_cast %scan3A_782 : i32 to index
      %get3A_783 = arith.constant 0 : index
      %get3A_784 = tpu.vector_load %arg4[%get3A, %get3A_783] {strides = array<i32>} : memref<136x128xi32, #tpu.memory_space<vmem>>, vector<1x16xi32>,
      %get3A_785 = vector.shape_cast %get3A_784 : vector<1x16xi32> to vector<16xi32>
      %shift_left3A = arith.constant 16 : i32
      %shift_left3A_786 = vector.broadcast %shift_left3A : i32 to vector<16xi32>
      %shift_left3A_787 = arith.shli %get3A_785, %shift_left3A_786 : vector<16xi32>
      %swap3A = arith.index_cast %scan3A_782 : i32 to index
      %swap3A_788 = arith.constant 0 : index
      %swap3A_789 = tpu.vector_load %arg4[%swap3A, %swap3A_788] {strides = array<i32>} : memref<136x128xi32, #tpu.memory_space<vmem>>, vector<1x16xi32>,
      %swap3A_790 = vector.shape_cast %swap3A_789 : vector<1x16xi32> to vector<16xi32>
      %swap3A_791 = vector.shape_cast %shift_left3A_787 : vector<16xi32> to vector<1x16xi32>
      tpu.vector_store %arg4[%swap3A, %swap3A_788], %swap3A_791 {strides = array<i32>} : memref<136x128xi32, #tpu.memory_space<vmem>>, vector<1x16xi32>,
      %get3A_792 = arith.index_cast %scan3A_782 : i32 to index
      %get3A_793 = arith.constant 16 : index
      %get3A_794 = tpu.vector_load %arg4[%get3A_792, %get3A_793] {strides = array<i32>} : memref<136x128xi32, #tpu.memory_space<vmem>>, vector<1x16xi32>,
      %get3A_795 = vector.shape_cast %get3A_794 : vector<1x16xi32> to vector<16xi32>
      %shift_left3A_796 = arith.constant 16 : i32
      %shift_left3A_797 = vector.broadcast %shift_left3A_796 : i32 to vector<16xi32>
      %shift_left3A_798 = arith.shli %get3A_795, %shift_left3A_797 : vector<16xi32>
      %swap3A_799 = arith.index_cast %scan3A_782 : i32 to index
      %swap3A_800 = arith.constant 16 : index
      %swap3A_801 = tpu.vector_load %arg4[%swap3A_799, %swap3A_800] {strides = array<i32>} : memref<136x128xi32, #tpu.memory_space<vmem>>, vector<1x16xi32>,
      %swap3A_802 = vector.shape_cast %swap3A_801 : vector<1x16xi32> to vector<16xi32>
      %swap3A_803 = vector.shape_cast %shift_left3A_798 : vector<16xi32> to vector<1x16xi32>
      tpu.vector_store %arg4[%swap3A_799, %swap3A_800], %swap3A_803 {strides = array<i32>} : memref<136x128xi32, #tpu.memory_space<vmem>>, vector<1x16xi32>,
      %get3A_804 = arith.index_cast %scan3A_782 : i32 to index
      %get3A_805 = arith.constant 32 : index
      %get3A_806 = tpu.vector_load %arg4[%get3A_804, %get3A_805] {strides = array<i32>} : memref<136x128xi32, #tpu.memory_space<vmem>>, vector<1x16xi32>,
      %get3A_807 = vector.shape_cast %get3A_806 : vector<1x16xi32> to vector<16xi32>
      %shift_left3A_808 = arith.constant 16 : i32
      %shift_left3A_809 = vector.broadcast %shift_left3A_808 : i32 to vector<16xi32>
      %shift_left3A_810 = arith.shli %get3A_807, %shift_left3A_809 : vector<16xi32>
      %swap3A_811 = arith.index_cast %scan3A_782 : i32 to index
      %swap3A_812 = arith.constant 32 : index
      %swap3A_813 = tpu.vector_load %arg4[%swap3A_811, %swap3A_812] {strides = array<i32>} : memref<136x128xi32, #tpu.memory_space<vmem>>, vector<1x16xi32>,
      %swap3A_814 = vector.shape_cast %swap3A_813 : vector<1x16xi32> to vector<16xi32>
      %swap3A_815 = vector.shape_cast %shift_left3A_810 : vector<16xi32> to vector<1x16xi32>
      tpu.vector_store %arg4[%swap3A_811, %swap3A_812], %swap3A_815 {strides = array<i32>} : memref<136x128xi32, #tpu.memory_space<vmem>>, vector<1x16xi32>,
      %get3A_816 = arith.index_cast %scan3A_782 : i32 to index
      %get3A_817 = arith.constant 48 : index
      %get3A_818 = tpu.vector_load %arg4[%get3A_816, %get3A_817] {strides = array<i32>} : memref<136x128xi32, #tpu.memory_space<vmem>>, vector<1x16xi32>,
      %get3A_819 = vector.shape_cast %get3A_818 : vector<1x16xi32> to vector<16xi32>
      %shift_left3A_820 = arith.constant 16 : i32
      %shift_left3A_821 = vector.broadcast %shift_left3A_820 : i32 to vector<16xi32>
      %shift_left3A_822 = arith.shli %get3A_819, %shift_left3A_821 : vector<16xi32>
      %swap3A_823 = arith.index_cast %scan3A_782 : i32 to index
      %swap3A_824 = arith.constant 48 : index
      %swap3A_825 = tpu.vector_load %arg4[%swap3A_823, %swap3A_824] {strides = array<i32>} : memref<136x128xi32, #tpu.memory_space<vmem>>, vector<1x16xi32>,
      %swap3A_826 = vector.shape_cast %swap3A_825 : vector<1x16xi32> to vector<16xi32>
      %swap3A_827 = vector.shape_cast %shift_left3A_822 : vector<16xi32> to vector<1x16xi32>
      tpu.vector_store %arg4[%swap3A_823, %swap3A_824], %swap3A_827 {strides = array<i32>} : memref<136x128xi32, #tpu.memory_space<vmem>>, vector<1x16xi32>,
      %get3A_828 = arith.index_cast %scan3A_782 : i32 to index
      %get3A_829 = arith.constant 64 : index
      %get3A_830 = tpu.vector_load %arg4[%get3A_828, %get3A_829] {strides = array<i32>} : memref<136x128xi32, #tpu.memory_space<vmem>>, vector<1x16xi32>,
      %get3A_831 = vector.shape_cast %get3A_830 : vector<1x16xi32> to vector<16xi32>
      %shift_left3A_832 = arith.constant 16 : i32
      %shift_left3A_833 = vector.broadcast %shift_left3A_832 : i32 to vector<16xi32>
      %shift_left3A_834 = arith.shli %get3A_831, %shift_left3A_833 : vector<16xi32>
      %swap3A_835 = arith.index_cast %scan3A_782 : i32 to index
      %swap3A_836 = arith.constant 64 : index
      %swap3A_837 = tpu.vector_load %arg4[%swap3A_835, %swap3A_836] {strides = array<i32>} : memref<136x128xi32, #tpu.memory_space<vmem>>, vector<1x16xi32>,
      %swap3A_838 = vector.shape_cast %swap3A_837 : vector<1x16xi32> to vector<16xi32>
      %swap3A_839 = vector.shape_cast %shift_left3A_834 : vector<16xi32> to vector<1x16xi32>
      tpu.vector_store %arg4[%swap3A_835, %swap3A_836], %swap3A_839 {strides = array<i32>} : memref<136x128xi32, #tpu.memory_space<vmem>>, vector<1x16xi32>,
      %get3A_840 = arith.index_cast %scan3A_782 : i32 to index
      %get3A_841 = arith.constant 80 : index
      %get3A_842 = tpu.vector_load %arg4[%get3A_840, %get3A_841] {strides = array<i32>} : memref<136x128xi32, #tpu.memory_space<vmem>>, vector<1x16xi32>,
      %get3A_843 = vector.shape_cast %get3A_842 : vector<1x16xi32> to vector<16xi32>
      %shift_left3A_844 = arith.constant 16 : i32
      %shift_left3A_845 = vector.broadcast %shift_left3A_844 : i32 to vector<16xi32>
      %shift_left3A_846 = arith.shli %get3A_843, %shift_left3A_845 : vector<16xi32>
      %swap3A_847 = arith.index_cast %scan3A_782 : i32 to index
      %swap3A_848 = arith.constant 80 : index
      %swap3A_849 = tpu.vector_load %arg4[%swap3A_847, %swap3A_848] {strides = array<i32>} : memref<136x128xi32, #tpu.memory_space<vmem>>, vector<1x16xi32>,
      %swap3A_850 = vector.shape_cast %swap3A_849 : vector<1x16xi32> to vector<16xi32>
      %swap3A_851 = vector.shape_cast %shift_left3A_846 : vector<16xi32> to vector<1x16xi32>
      tpu.vector_store %arg4[%swap3A_847, %swap3A_848], %swap3A_851 {strides = array<i32>} : memref<136x128xi32, #tpu.memory_space<vmem>>, vector<1x16xi32>,
      %get3A_852 = arith.index_cast %scan3A_782 : i32 to index
      %get3A_853 = arith.constant 96 : index
      %get3A_854 = tpu.vector_load %arg4[%get3A_852, %get3A_853] {strides = array<i32>} : memref<136x128xi32, #tpu.memory_space<vmem>>, vector<1x16xi32>,
      %get3A_855 = vector.shape_cast %get3A_854 : vector<1x16xi32> to vector<16xi32>
      %shift_left3A_856 = arith.constant 16 : i32
      %shift_left3A_857 = vector.broadcast %shift_left3A_856 : i32 to vector<16xi32>
      %shift_left3A_858 = arith.shli %get3A_855, %shift_left3A_857 : vector<16xi32>
      %swap3A_859 = arith.index_cast %scan3A_782 : i32 to index
      %swap3A_860 = arith.constant 96 : index
      %swap3A_861 = tpu.vector_load %arg4[%swap3A_859, %swap3A_860] {strides = array<i32>} : memref<136x128xi32, #tpu.memory_space<vmem>>, vector<1x16xi32>,
      %swap3A_862 = vector.shape_cast %swap3A_861 : vector<1x16xi32> to vector<16xi32>
      %swap3A_863 = vector.shape_cast %shift_left3A_858 : vector<16xi32> to vector<1x16xi32>
      tpu.vector_store %arg4[%swap3A_859, %swap3A_860], %swap3A_863 {strides = array<i32>} : memref<136x128xi32, #tpu.memory_space<vmem>>, vector<1x16xi32>,
      %get3A_864 = arith.index_cast %scan3A_782 : i32 to index
      %get3A_865 = arith.constant 112 : index
      %get3A_866 = tpu.vector_load %arg4[%get3A_864, %get3A_865] {strides = array<i32>} : memref<136x128xi32, #tpu.memory_space<vmem>>, vector<1x16xi32>,
      %get3A_867 = vector.shape_cast %get3A_866 : vector<1x16xi32> to vector<16xi32>
      %shift_left3A_868 = arith.constant 16 : i32
      %shift_left3A_869 = vector.broadcast %shift_left3A_868 : i32 to vector<16xi32>
      %shift_left3A_870 = arith.shli %get3A_867, %shift_left3A_869 : vector<16xi32>
      %swap3A_871 = arith.index_cast %scan3A_782 : i32 to index
      %swap3A_872 = arith.constant 112 : index
      %swap3A_873 = tpu.vector_load %arg4[%swap3A_871, %swap3A_872] {strides = array<i32>} : memref<136x128xi32, #tpu.memory_space<vmem>>, vector<1x16xi32>,
      %swap3A_874 = vector.shape_cast %swap3A_873 : vector<1x16xi32> to vector<16xi32>
      %swap3A_875 = vector.shape_cast %shift_left3A_870 : vector<16xi32> to vector<1x16xi32>
      tpu.vector_store %arg4[%swap3A_871, %swap3A_872], %swap3A_875 {strides = array<i32>} : memref<136x128xi32, #tpu.memory_space<vmem>>, vector<1x16xi32>,
    }
    %scan3A_733 = arith.constant 136 : i32
    %add3A_734 = arith.constant 2856 : i32
    %add3A_735 = arith.addi %min3A_3, %add3A_734 : i32
    %multiple_of3A_736 = tpu.assume_multiple %add3A_735, 8 : i32
    %dma_start3A_737 = arith.constant 0 : i32
    %dma_start3A_738 = tpu.memref_slice %arg3[%multiple_of3A_736, %dma_start3A_737] : memref<100000x128xi32, #tpu.memory_space<hbm>> -> memref<136x128xi32, #tpu.memory_space<hbm>>
    %dma_start3A_739 = arith.constant 0 : i32
    %dma_start3A_740 = tpu.memref_slice %arg3[%multiple_of3A_736, %dma_start3A_739] : memref<100000x128xi32, #tpu.memory_space<hbm>> -> memref<136x128xi32, #tpu.memory_space<hbm>>
    tpu.enqueue_dma source(%arg4 : memref<136x128xi32, #tpu.memory_space<vmem>>) target(%dma_start3A_740 : memref<136x128xi32, #tpu.memory_space<hbm>>) target_semaphore(%arg10 : memref<!tpu.dma_semaphore, #tpu.memory_space<semaphore_mem>>)
    %add3A_741 = arith.constant 2992 : i32
    %add3A_742 = arith.addi %min3A_3, %add3A_741 : i32
    %multiple_of3A_743 = tpu.assume_multiple %add3A_742, 8 : i32
    %dma_wait3A_744 = arith.constant 0 : i32
    %dma_wait3A_745 = tpu.memref_slice %arg2[%multiple_of3A_743, %dma_wait3A_744] : memref<100000x128xi32, #tpu.memory_space<hbm>> -> memref<136x128xi32, #tpu.memory_space<hbm>>
    %dma_wait3A_746 = arith.constant 0 : i32
    %dma_wait3A_747 = tpu.memref_slice %arg2[%multiple_of3A_743, %dma_wait3A_746] : memref<100000x128xi32, #tpu.memory_space<hbm>> -> memref<136x128xi32, #tpu.memory_space<hbm>>
    tpu.wait_dma2 semaphore(%arg8 : memref<!tpu.dma_semaphore, #tpu.memory_space<semaphore_mem>>) src(%dma_wait3A_747 : memref<136x128xi32, #tpu.memory_space<hbm>>) dst(%arg5 : memref<136x128xi32, #tpu.memory_space<vmem>>)
    %scan3A_748 = arith.constant 0 : i32
    %scan3A_749 = arith.constant 0 : i32
    %scan3A_750 = arith.constant 136 : i32
    %scan3A_751 = arith.addi %scan3A_749, %scan3A_750 : i32
    %scan3A_752 = arith.constant 1 : i32
    scf.for %scan3A_782 = %scan3A_749 to %scan3A_751 step %scan3A_752  : i32 {
      %get3A = arith.index_cast %scan3A_782 : i32 to index
      %get3A_783 = arith.constant 0 : index
      %get3A_784 = tpu.vector_load %arg5[%get3A, %get3A_783] {strides = array<i32>} : memref<136x128xi32, #tpu.memory_space<vmem>>, vector<1x16xi32>,
      %get3A_785 = vector.shape_cast %get3A_784 : vector<1x16xi32> to vector<16xi32>
      %shift_left3A = arith.constant 16 : i32
      %shift_left3A_786 = vector.broadcast %shift_left3A : i32 to vector<16xi32>
      %shift_left3A_787 = arith.shli %get3A_785, %shift_left3A_786 : vector<16xi32>
      %swap3A = arith.index_cast %scan3A_782 : i32 to index
      %swap3A_788 = arith.constant 0 : index
      %swap3A_789 = tpu.vector_load %arg5[%swap3A, %swap3A_788] {strides = array<i32>} : memref<136x128xi32, #tpu.memory_space<vmem>>, vector<1x16xi32>,
      %swap3A_790 = vector.shape_cast %swap3A_789 : vector<1x16xi32> to vector<16xi32>
      %swap3A_791 = vector.shape_cast %shift_left3A_787 : vector<16xi32> to vector<1x16xi32>
      tpu.vector_store %arg5[%swap3A, %swap3A_788], %swap3A_791 {strides = array<i32>} : memref<136x128xi32, #tpu.memory_space<vmem>>, vector<1x16xi32>,
      %get3A_792 = arith.index_cast %scan3A_782 : i32 to index
      %get3A_793 = arith.constant 16 : index
      %get3A_794 = tpu.vector_load %arg5[%get3A_792, %get3A_793] {strides = array<i32>} : memref<136x128xi32, #tpu.memory_space<vmem>>, vector<1x16xi32>,
      %get3A_795 = vector.shape_cast %get3A_794 : vector<1x16xi32> to vector<16xi32>
      %shift_left3A_796 = arith.constant 16 : i32
      %shift_left3A_797 = vector.broadcast %shift_left3A_796 : i32 to vector<16xi32>
      %shift_left3A_798 = arith.shli %get3A_795, %shift_left3A_797 : vector<16xi32>
      %swap3A_799 = arith.index_cast %scan3A_782 : i32 to index
      %swap3A_800 = arith.constant 16 : index
      %swap3A_801 = tpu.vector_load %arg5[%swap3A_799, %swap3A_800] {strides = array<i32>} : memref<136x128xi32, #tpu.memory_space<vmem>>, vector<1x16xi32>,
      %swap3A_802 = vector.shape_cast %swap3A_801 : vector<1x16xi32> to vector<16xi32>
      %swap3A_803 = vector.shape_cast %shift_left3A_798 : vector<16xi32> to vector<1x16xi32>
      tpu.vector_store %arg5[%swap3A_799, %swap3A_800], %swap3A_803 {strides = array<i32>} : memref<136x128xi32, #tpu.memory_space<vmem>>, vector<1x16xi32>,
      %get3A_804 = arith.index_cast %scan3A_782 : i32 to index
      %get3A_805 = arith.constant 32 : index
      %get3A_806 = tpu.vector_load %arg5[%get3A_804, %get3A_805] {strides = array<i32>} : memref<136x128xi32, #tpu.memory_space<vmem>>, vector<1x16xi32>,
      %get3A_807 = vector.shape_cast %get3A_806 : vector<1x16xi32> to vector<16xi32>
      %shift_left3A_808 = arith.constant 16 : i32
      %shift_left3A_809 = vector.broadcast %shift_left3A_808 : i32 to vector<16xi32>
      %shift_left3A_810 = arith.shli %get3A_807, %shift_left3A_809 : vector<16xi32>
      %swap3A_811 = arith.index_cast %scan3A_782 : i32 to index
      %swap3A_812 = arith.constant 32 : index
      %swap3A_813 = tpu.vector_load %arg5[%swap3A_811, %swap3A_812] {strides = array<i32>} : memref<136x128xi32, #tpu.memory_space<vmem>>, vector<1x16xi32>,
      %swap3A_814 = vector.shape_cast %swap3A_813 : vector<1x16xi32> to vector<16xi32>
      %swap3A_815 = vector.shape_cast %shift_left3A_810 : vector<16xi32> to vector<1x16xi32>
      tpu.vector_store %arg5[%swap3A_811, %swap3A_812], %swap3A_815 {strides = array<i32>} : memref<136x128xi32, #tpu.memory_space<vmem>>, vector<1x16xi32>,
      %get3A_816 = arith.index_cast %scan3A_782 : i32 to index
      %get3A_817 = arith.constant 48 : index
      %get3A_818 = tpu.vector_load %arg5[%get3A_816, %get3A_817] {strides = array<i32>} : memref<136x128xi32, #tpu.memory_space<vmem>>, vector<1x16xi32>,
      %get3A_819 = vector.shape_cast %get3A_818 : vector<1x16xi32> to vector<16xi32>
      %shift_left3A_820 = arith.constant 16 : i32
      %shift_left3A_821 = vector.broadcast %shift_left3A_820 : i32 to vector<16xi32>
      %shift_left3A_822 = arith.shli %get3A_819, %shift_left3A_821 : vector<16xi32>
      %swap3A_823 = arith.index_cast %scan3A_782 : i32 to index
      %swap3A_824 = arith.constant 48 : index
      %swap3A_825 = tpu.vector_load %arg5[%swap3A_823, %swap3A_824] {strides = array<i32>} : memref<136x128xi32, #tpu.memory_space<vmem>>, vector<1x16xi32>,
      %swap3A_826 = vector.shape_cast %swap3A_825 : vector<1x16xi32> to vector<16xi32>
      %swap3A_827 = vector.shape_cast %shift_left3A_822 : vector<16xi32> to vector<1x16xi32>
      tpu.vector_store %arg5[%swap3A_823, %swap3A_824], %swap3A_827 {strides = array<i32>} : memref<136x128xi32, #tpu.memory_space<vmem>>, vector<1x16xi32>,
      %get3A_828 = arith.index_cast %scan3A_782 : i32 to index
      %get3A_829 = arith.constant 64 : index
      %get3A_830 = tpu.vector_load %arg5[%get3A_828, %get3A_829] {strides = array<i32>} : memref<136x128xi32, #tpu.memory_space<vmem>>, vector<1x16xi32>,
      %get3A_831 = vector.shape_cast %get3A_830 : vector<1x16xi32> to vector<16xi32>
      %shift_left3A_832 = arith.constant 16 : i32
      %shift_left3A_833 = vector.broadcast %shift_left3A_832 : i32 to vector<16xi32>
      %shift_left3A_834 = arith.shli %get3A_831, %shift_left3A_833 : vector<16xi32>
      %swap3A_835 = arith.index_cast %scan3A_782 : i32 to index
      %swap3A_836 = arith.constant 64 : index
      %swap3A_837 = tpu.vector_load %arg5[%swap3A_835, %swap3A_836] {strides = array<i32>} : memref<136x128xi32, #tpu.memory_space<vmem>>, vector<1x16xi32>,
      %swap3A_838 = vector.shape_cast %swap3A_837 : vector<1x16xi32> to vector<16xi32>
      %swap3A_839 = vector.shape_cast %shift_left3A_834 : vector<16xi32> to vector<1x16xi32>
      tpu.vector_store %arg5[%swap3A_835, %swap3A_836], %swap3A_839 {strides = array<i32>} : memref<136x128xi32, #tpu.memory_space<vmem>>, vector<1x16xi32>,
      %get3A_840 = arith.index_cast %scan3A_782 : i32 to index
      %get3A_841 = arith.constant 80 : index
      %get3A_842 = tpu.vector_load %arg5[%get3A_840, %get3A_841] {strides = array<i32>} : memref<136x128xi32, #tpu.memory_space<vmem>>, vector<1x16xi32>,
      %get3A_843 = vector.shape_cast %get3A_842 : vector<1x16xi32> to vector<16xi32>
      %shift_left3A_844 = arith.constant 16 : i32
      %shift_left3A_845 = vector.broadcast %shift_left3A_844 : i32 to vector<16xi32>
      %shift_left3A_846 = arith.shli %get3A_843, %shift_left3A_845 : vector<16xi32>
      %swap3A_847 = arith.index_cast %scan3A_782 : i32 to index
      %swap3A_848 = arith.constant 80 : index
      %swap3A_849 = tpu.vector_load %arg5[%swap3A_847, %swap3A_848] {strides = array<i32>} : memref<136x128xi32, #tpu.memory_space<vmem>>, vector<1x16xi32>,
      %swap3A_850 = vector.shape_cast %swap3A_849 : vector<1x16xi32> to vector<16xi32>
      %swap3A_851 = vector.shape_cast %shift_left3A_846 : vector<16xi32> to vector<1x16xi32>
      tpu.vector_store %arg5[%swap3A_847, %swap3A_848], %swap3A_851 {strides = array<i32>} : memref<136x128xi32, #tpu.memory_space<vmem>>, vector<1x16xi32>,
      %get3A_852 = arith.index_cast %scan3A_782 : i32 to index
      %get3A_853 = arith.constant 96 : index
      %get3A_854 = tpu.vector_load %arg5[%get3A_852, %get3A_853] {strides = array<i32>} : memref<136x128xi32, #tpu.memory_space<vmem>>, vector<1x16xi32>,
      %get3A_855 = vector.shape_cast %get3A_854 : vector<1x16xi32> to vector<16xi32>
      %shift_left3A_856 = arith.constant 16 : i32
      %shift_left3A_857 = vector.broadcast %shift_left3A_856 : i32 to vector<16xi32>
      %shift_left3A_858 = arith.shli %get3A_855, %shift_left3A_857 : vector<16xi32>
      %swap3A_859 = arith.index_cast %scan3A_782 : i32 to index
      %swap3A_860 = arith.constant 96 : index
      %swap3A_861 = tpu.vector_load %arg5[%swap3A_859, %swap3A_860] {strides = array<i32>} : memref<136x128xi32, #tpu.memory_space<vmem>>, vector<1x16xi32>,
      %swap3A_862 = vector.shape_cast %swap3A_861 : vector<1x16xi32> to vector<16xi32>
      %swap3A_863 = vector.shape_cast %shift_left3A_858 : vector<16xi32> to vector<1x16xi32>
      tpu.vector_store %arg5[%swap3A_859, %swap3A_860], %swap3A_863 {strides = array<i32>} : memref<136x128xi32, #tpu.memory_space<vmem>>, vector<1x16xi32>,
      %get3A_864 = arith.index_cast %scan3A_782 : i32 to index
      %get3A_865 = arith.constant 112 : index
      %get3A_866 = tpu.vector_load %arg5[%get3A_864, %get3A_865] {strides = array<i32>} : memref<136x128xi32, #tpu.memory_space<vmem>>, vector<1x16xi32>,
      %get3A_867 = vector.shape_cast %get3A_866 : vector<1x16xi32> to vector<16xi32>
      %shift_left3A_868 = arith.constant 16 : i32
      %shift_left3A_869 = vector.broadcast %shift_left3A_868 : i32 to vector<16xi32>
      %shift_left3A_870 = arith.shli %get3A_867, %shift_left3A_869 : vector<16xi32>
      %swap3A_871 = arith.index_cast %scan3A_782 : i32 to index
      %swap3A_872 = arith.constant 112 : index
      %swap3A_873 = tpu.vector_load %arg5[%swap3A_871, %swap3A_872] {strides = array<i32>} : memref<136x128xi32, #tpu.memory_space<vmem>>, vector<1x16xi32>,
      %swap3A_874 = vector.shape_cast %swap3A_873 : vector<1x16xi32> to vector<16xi32>
      %swap3A_875 = vector.shape_cast %shift_left3A_870 : vector<16xi32> to vector<1x16xi32>
      tpu.vector_store %arg5[%swap3A_871, %swap3A_872], %swap3A_875 {strides = array<i32>} : memref<136x128xi32, #tpu.memory_space<vmem>>, vector<1x16xi32>,
    }
    %scan3A_753 = arith.constant 136 : i32
    %add3A_754 = arith.constant 2992 : i32
    %add3A_755 = arith.addi %min3A_3, %add3A_754 : i32
    %multiple_of3A_756 = tpu.assume_multiple %add3A_755, 8 : i32
    %dma_start3A_757 = arith.constant 0 : i32
    %dma_start3A_758 = tpu.memref_slice %arg3[%multiple_of3A_756, %dma_start3A_757] : memref<100000x128xi32, #tpu.memory_space<hbm>> -> memref<136x128xi32, #tpu.memory_space<hbm>>
    %dma_start3A_759 = arith.constant 0 : i32
    %dma_start3A_760 = tpu.memref_slice %arg3[%multiple_of3A_756, %dma_start3A_759] : memref<100000x128xi32, #tpu.memory_space<hbm>> -> memref<136x128xi32, #tpu.memory_space<hbm>>
    tpu.enqueue_dma source(%arg5 : memref<136x128xi32, #tpu.memory_space<vmem>>) target(%dma_start3A_760 : memref<136x128xi32, #tpu.memory_space<hbm>>) target_semaphore(%arg11 : memref<!tpu.dma_semaphore, #tpu.memory_space<semaphore_mem>>)
    %add3A_761 = arith.constant 2720 : i32
    %add3A_762 = arith.addi %min3A_3, %add3A_761 : i32
    %multiple_of3A_763 = tpu.assume_multiple %add3A_762, 8 : i32
    %dma_wait3A_764 = arith.constant 0 : i32
    %dma_wait3A_765 = tpu.memref_slice %arg3[%multiple_of3A_763, %dma_wait3A_764] : memref<100000x128xi32, #tpu.memory_space<hbm>> -> memref<136x128xi32, #tpu.memory_space<hbm>>
    %dma_wait3A_766 = arith.constant 0 : i32
    %dma_wait3A_767 = tpu.memref_slice %arg3[%multiple_of3A_763, %dma_wait3A_766] : memref<100000x128xi32, #tpu.memory_space<hbm>> -> memref<136x128xi32, #tpu.memory_space<hbm>>
    tpu.wait_dma2 semaphore(%arg12 : memref<!tpu.dma_semaphore, #tpu.memory_space<semaphore_mem>>) src(%arg6 : memref<136x128xi32, #tpu.memory_space<vmem>>) dst(%dma_wait3A_767 : memref<136x128xi32, #tpu.memory_space<hbm>>)
    %add3A_768 = arith.constant 2856 : i32
    %add3A_769 = arith.addi %min3A_3, %add3A_768 : i32
    %multiple_of3A_770 = tpu.assume_multiple %add3A_769, 8 : i32
    %dma_wait3A_771 = arith.constant 0 : i32
    %dma_wait3A_772 = tpu.memref_slice %arg3[%multiple_of3A_770, %dma_wait3A_771] : memref<100000x128xi32, #tpu.memory_space<hbm>> -> memref<136x128xi32, #tpu.memory_space<hbm>>
    %dma_wait3A_773 = arith.constant 0 : i32
    %dma_wait3A_774 = tpu.memref_slice %arg3[%multiple_of3A_770, %dma_wait3A_773] : memref<100000x128xi32, #tpu.memory_space<hbm>> -> memref<136x128xi32, #tpu.memory_space<hbm>>
    tpu.wait_dma2 semaphore(%arg10 : memref<!tpu.dma_semaphore, #tpu.memory_space<semaphore_mem>>) src(%arg4 : memref<136x128xi32, #tpu.memory_space<vmem>>) dst(%dma_wait3A_774 : memref<136x128xi32, #tpu.memory_space<hbm>>)
    %add3A_775 = arith.constant 2992 : i32
    %add3A_776 = arith.addi %min3A_3, %add3A_775 : i32
    %multiple_of3A_777 = tpu.assume_multiple %add3A_776, 8 : i32
    %dma_wait3A_778 = arith.constant 0 : i32
    %dma_wait3A_779 = tpu.memref_slice %arg3[%multiple_of3A_777, %dma_wait3A_778] : memref<100000x128xi32, #tpu.memory_space<hbm>> -> memref<136x128xi32, #tpu.memory_space<hbm>>
    %dma_wait3A_780 = arith.constant 0 : i32
    %dma_wait3A_781 = tpu.memref_slice %arg3[%multiple_of3A_777, %dma_wait3A_780] : memref<100000x128xi32, #tpu.memory_space<hbm>> -> memref<136x128xi32, #tpu.memory_space<hbm>>
    tpu.wait_dma2 semaphore(%arg11 : memref<!tpu.dma_semaphore, #tpu.memory_space<semaphore_mem>>) src(%arg5 : memref<136x128xi32, #tpu.memory_space<vmem>>) dst(%dma_wait3A_781 : memref<136x128xi32, #tpu.memory_space<hbm>>)
    return
  }
}

</mosaic_0001>

<sc_bundles>
// kernel: kernel.4.cloned.1.call-start
scs
__scs_entry_jumppad:
0x0: {  	(pc) =	sbr.rel $0x88, $3  }
0x1: {  	(tag) =	ssettag $0x0;
	lr =	simm.s32 $0x1  }
0x2: {  	[smem:$0x3F9F] =	sst lr;
	_ =	strace $0xD0000000  }
0x3: {  	_ = 	snop  }
0x4: {  	_ = 	snop  }
0x5: {  	_ = 	snop  }
0x6: {  	_ = 	snop  }
0x7: {  	_ = 	snop  }
__scs_overlays_trampoline_lowered:
0x8: {  	[smem:$0x3FAE] =	sst s0  }
0x9: {  	[smem:$0x3FAF] =	sst s1  }
0xa: {  	[smem:$0x3FB0] =	sst s2  }
0xb: {  	[smem:$0x3FB1] =	sst s3  }
0xc: {  	[smem:$0x3FB2] =	sst s4  }
0xd: {  	[smem:$0x3FB3] =	sst s5  }
0xe: {  	[smem:$0x3FB4] =	sst s6  }
0xf: {  	[smem:$0x3FB5] =	sst s7  }
0x10: {  	[smem:$0x3FB6] =	sst s8  }
0x11: {  	[smem:$0x3FB7] =	sst s9;
	s0 =	simm.s32 @!p0 $0x0  }
0x12: {  	s1 =	sld [smem:$0x3F9D];
	s0 =	simm.s32 @p0 $0x1  }
0x13: {  	[smem:$0x3FB8] =	sst s0;
	s0 =	simm.s32 @!p1 $0x0  }
0x14: {  	s2 =	sld [smem:$0x3F9C];
	s0 =	simm.s32 @p1 $0x1  }
0x15: {  	[smem:$0x3FB9] =	sst s0;
	s0 =	simm.s32 @!p2 $0x0  }
0x16: {  	s3 =	sld [smem:$0x3FDB];
	s0 =	simm.s32 @p2 $0x1  }
0x17: {  	s4 =	simm.s32 $0x1BF5;
	[smem:$0x3FBB] =	sst s0  }
0x18: {  	s0 =	sld [smem:$0x3F9E];
	_ =	swait.ge [sflag:s4], $0x0  }
0x19: {  	s7 =	sld [smem:$0x3F9F]  }
0x1a: {  	s8 =	sadd.s32 $0xFFFFE003, lr  }
0x1b: {  	s9 =	sadd.s32 $0xFFFFFEF7, lr;
	s5 =	simm.s32 $0xFFFFFFFF;
	p2 =	slt.u32 s8, $0xFFFFF086  }
0x1c: {  	p1 =	slt.u32 s9, $0xF7A;
	s5 =	simm.s32 @!p2 $0x0  }
0x1d: {  	s5 =	simm.s32 @p1 $0x1;
	p0 =	seq.s32 s7, s2  }
0x1e: {  	s7 =	smul.u32 @!p0 $0xF7A, s2;
	p2 =	seq.s32 @!p0 s5, $0x0  }
0x1f: {  	s9 =	smul.u32 $0xF7A, s1;
	s8 =	simm.s32 @!p0 $0x1BF5;
	p2 =	por !p2, p0  }
0x20: {  	[sflag:s8] =	ssyncset.s32 @!p0 $0xFFFFF086;
	s6 =	sadd.s32 @!p0 s3, s7;
	s7 =	simm.s32 @!p0 $0x108  }
0x21: {  	s3 =	sadd.s32 s3, s9;
	s6 =	sadd.s32 @!p0 $0x88, s6;
	s7 =	simm.s32 @p2 $0x1082  }
0x22: {  	[simem:s7], [sflag:s8] =	dma.local @!p0 [hbm:s6], $0xF7A  }
0x23: {  	s9 =	sor.u32 $0xD0000000, s2;
	s6 =	simm.s32 $0x108;
	_ =	swait.ge @!p0 [sflag:s8], $0x0  }
0x24: {  	s3 =	sadd.s32 $0x88, s3;
	s6 =	simm.s32 @!p1 $0x1082;
	[sflag:s4] =	ssyncset.s32 $0xFFFFF086  }
0x25: {  	[simem:s6], [sflag:s4] =	dma.local [hbm:s3], $0xF7A  }
0x26: {  	[smem:$0x3F9F] =	sst s1;
	(tag) =	ssettag s2;
	_ =	strace s9  }
0x27: {  	s1 =	sld [smem:$0x3FAF]  }
0x28: {  	s2 =	sld [smem:$0x3FB0]  }
0x29: {  	s4 =	sld [smem:$0x3FB2]  }
0x2a: {  	p0 =	seq.s32 s5, $0x0;
	s5 =	sld [smem:$0x3FB3]  }
0x2b: {  	s6 =	sld [smem:$0x3FB4]  }
0x2c: {  	s7 =	sld [smem:$0x3FB5]  }
0x2d: {  	s3 =	simm.s32 $0x108;
	s8 =	sld [smem:$0x3FB6]  }
0x2e: {  	s3 =	simm.s32 @!p0 $0x1082;
	s9 =	sld [smem:$0x3FB7]  }
0x2f: {  	lr =	sadd.s32 s0, s3;
	s0 =	sld [smem:$0x3FAE]  }
0x30: {  	s3 =	sld [smem:$0x3FB1]  }
0x31: {  	[smem:$0x3FBA] =	sst s10  }
0x32: {  	s10 =	sld [smem:$0x3FB8];
	_ =	sdelay $0x3  }
0x33: {  	p0 =	seq.s32 s10, $0x1;
	s10 =	sld [smem:$0x3FBA];
	_ =	sdelay $0x3  }
0x34: {  	[smem:$0x3FBA] =	sst s10  }
0x35: {  	s10 =	sld [smem:$0x3FB9];
	_ =	sdelay $0x3  }
0x36: {  	p1 =	seq.s32 s10, $0x1;
	s10 =	sld [smem:$0x3FBA];
	_ =	sdelay $0x3  }
0x37: {  	[smem:$0x3FBA] =	sst s10  }
0x38: {  	s10 =	sld [smem:$0x3FBB]  }
0x39: {  	_ = 	snop;
	(pc) =	sbr.ind lr, $3  }
0x3a: {  	_ = 	snop  }
0x3b: {  	_ = 	snop  }
0x3c: {  	p2 =	seq.s32 s10, $0x1;
	s10 =	sld [smem:$0x3FBA]  }
0x3d: {  	_ =	shalt  }
0x3e: {  	_ =	shalt  }
0x3f: {  	_ =	shalt  }
0x40: {  	_ =	shalt  }
0x41: {  	_ =	shalt  }
0x42: {  	_ =	shalt  }
0x43: {  	_ =	shalt  }
0x44: {  	_ =	shalt  }
0x45: {  	_ =	shalt  }
0x46: {  	_ =	shalt  }
0x47: {  	_ =	shalt  }
0x48: {  	_ =	shalt  }
0x49: {  	_ =	shalt  }
0x4a: {  	_ =	shalt  }
0x4b: {  	_ =	shalt  }
0x4c: {  	_ =	shalt  }
0x4d: {  	_ =	shalt  }
0x4e: {  	_ =	shalt  }
0x4f: {  	_ =	shalt  }
0x50: {  	_ =	shalt  }
0x51: {  	_ =	shalt  }
0x52: {  	_ =	shalt  }
0x53: {  	_ =	shalt  }
0x54: {  	_ =	shalt  }
0x55: {  	_ =	shalt  }
0x56: {  	_ =	shalt  }
0x57: {  	_ =	shalt  }
0x58: {  	_ =	shalt  }
0x59: {  	_ =	shalt  }
0x5a: {  	_ =	shalt  }
0x5b: {  	_ =	shalt  }
0x5c: {  	_ =	shalt  }
0x5d: {  	_ =	shalt  }
0x5e: {  	_ =	shalt  }
0x5f: {  	_ =	shalt  }
0x60: {  	_ =	shalt  }
0x61: {  	_ =	shalt  }
0x62: {  	_ =	shalt  }
0x63: {  	_ =	shalt  }
0x64: {  	_ =	shalt  }
0x65: {  	_ =	shalt  }
0x66: {  	_ =	shalt  }
0x67: {  	_ =	shalt  }
0x68: {  	_ =	shalt  }
0x69: {  	_ =	shalt  }
0x6a: {  	_ =	shalt  }
0x6b: {  	_ =	shalt  }
0x6c: {  	_ =	shalt  }
0x6d: {  	_ =	shalt  }
0x6e: {  	_ =	shalt  }
0x6f: {  	_ =	shalt  }
0x70: {  	_ =	shalt  }
0x71: {  	_ =	shalt  }
0x72: {  	_ =	shalt  }
0x73: {  	_ =	shalt  }
0x74: {  	_ =	shalt  }
0x75: {  	_ =	shalt  }
0x76: {  	_ =	shalt  }
0x77: {  	_ =	shalt  }
0x78: {  	_ =	shalt  }
0x79: {  	_ =	shalt  }
0x7a: {  	_ =	shalt  }
0x7b: {  	_ =	shalt  }
0x7c: {  	_ =	shalt  }
0x7d: {  	_ =	shalt  }
0x7e: {  	_ =	shalt  }
0x7f: {  	_ =	shalt  }
0x80: {  	_ =	shalt  }
0x81: {  	_ =	shalt  }
0x82: {  	_ =	shalt  }
0x83: {  	_ =	shalt  }
0x84: {  	_ =	shalt  }
0x85: {  	_ =	shalt  }
0x86: {  	_ =	shalt  }
0x87: {  	_ =	shalt  }
.Lfunc_end0:
.L_simem_size_0:
called_computation_lowered:
.L_overlay_start_0:
0x88: {  	s2 =	sld [smem:$0x3FD9]  }
0x89: {  	s3 =	sld [smem:$0x3FFE];
	_ =	sdelay $0x1  }
0x8a: {  	s1 =	srdreg.scid  }
0x8b: {  	s0 =	sand.u32 $0x1, s1  }
0x8c: {  	s16 =	sshll.u32 s0, $0xA;
	s2 =	sadd.s32 s3, s2  }
0x8d: {  	s2 =	sadd.s32 s2, s16  }
0x8e: {  	[smem:$0x3FC6] =	sst s2  }
0x8f: {  	_ = 	snop  }
0x90: {  	(tm) =	ssettm $0x1  }
0x91: {  	s17 =	sld [smem:$0x3FFB];
	_ =	sdelay $0x3  }
0x92: {  	_ =	strace s17  }
0x93: {  	s2 =	sld [smem:$0x3FFC];
	_ =	sdelay $0x3  }
0x94: {  	_ =	strace s2  }
0x95: {  	s2 =	sld [smem:$0x3FFD];
	_ =	sdelay $0x3  }
0x96: {  	_ =	strace s2  }
0x97: {  	_ =	strace $0x8FFFFFFF  }
0x98: {  	s18 =	sld [smem:$0x3FDB];
	_ =	sdelay $0x1  }
0x99: {  	s19 =	simm.s32 $_scs_section_size  }
0x9a: {  	s4 =	simm.s32 $_size__tile_overlayer_lowered;
	s5 =	simm.s32 $_tile_overlayer_lowered  }
0x9b: {  	s22 =	simm.s32 $0x1BFF;
	s21 =	sshll.u32 s5, $0x1;
	s2 =	sadd.s32 s19, s18  }
0x9c: {  	s6 =	simm.s32 $0x0;
	s20 =	sshll.u32 s4, $0x1;
	s4 =	sadd.s32 s21, s2  }
0x9d: {  	[timem:s6], [sflag:s22] =	dma.local [hbm:s4], s20  }
0x9e: {  	_ =	swait.ge [sflag:s22], s20  }
0x9f: {  	s3 =	ssub.s32 $0x0, s20;
	[sflag:s22] =	ssyncset.done $0x0  }
0xa0: {  	[sflag:s22] =	ssyncadd.s32 s3;
	_ =	sdelay $0x1  }
0xa1: {  	s23 =	simm.s32 $0x1B8B  }
0xa2: {  	_ =	swait.ge [sflag:s23], $0x1  }
0xa3: {  	[sflag:s23] =	ssyncset.done $0x0  }
0xa4: {  	s25 =	simm.s32 $0x1B8E;
	s24 =	sld [smem:$0x3FFE];
	[sflag:s23] =	ssyncadd.s32 $0xFFFFFFFF  }
0xa5: {  	s26 =	simm.s32 $execute0_lowered;
	[smem:$0x3FD2] =	sst s25  }
0xa6: {  	s4 =	sshll.u32 s26, $0x1;
	_ =	strace $0x80000046;
	[dreg:$0x1] =	wrdreg $0xFFFFFFFF  }
0xa7: {  	s28 =	simm.s32 $_size_execute0_lowered;
	s2 =	sadd.s32 s2, s4;
	[dreg:$0x0] =	wrdreg $0x0  }
0xa8: {  	s4 =	sshll.u32 s28, $0x1;
	[dreg:$0x2] =	wrdreg s2  }
0xa9: {  	[dreg:$0x3] =	wrdreg s4  }
0xaa: {  	[dreg:$0x4] =	wrdreg $0xC0  }
0xab: {  	_ =	task [dreg:s6], $0x5FFFF  }
0xac: {  	[dreg:$0x1] =	wrdreg $0xFFFFFFFF  }
0xad: {  	[dreg:$0x0] =	wrdreg $0x60  }
0xae: {  	[dreg:$0x2] =	wrdreg s24  }
0xaf: {  	[dreg:$0x3] =	wrdreg $0x9  }
0xb0: {  	_ =	task.clear_ibuf [dreg:s6], $0x4FFFF;
	_ =	strace $0x90000046  }
0xb1: {  	s29 =	simm.s32 $0x9;
	_ =	strace $0x80000048  }
0xb2: {  	_ =	swait.ge [sflag:s29], $0x1  }
0xb3: {  	[sflag:s29] =	ssyncadd.s32 $0xFFFFFFFF  }
0xb4: {  	_ =	strace $0x90000048  }
0xb5: {  	_ =	sfence  }
0xb6: {  	s30 =	sld [smem:$0x0];
	_ =	sdelay $0x2  }
0xb7: {  	s31 =	sshll.u32 s1, $0xD;
	s1 =	sshrl.u32 s1, $0x2  }
0xb8: {  	s3 =	sand.u32 $0x4000, s31;
	s1 =	sadd.s32 s1, s30  }
0xb9: {  	s0 =	sor.u32 s3, s0;
	s1 =	sshll.u32 s1, $0x11  }
0xba: {  	s0 =	sor.u32 s1, s0  }
0xbb: {  	s0 =	sadd.s32 $0x8F2B, s0  }
0xbc: {  	[sflag:s0] =	ssyncadd.remote.s32 $0x1  }
0xbd: {  	_ =	sfence.sel $0xFFFF  }
0xbe: {  	[dreg:$0x0] =	wrdreg $0xFFFFFFFF;
	(pc) =	sbr.abs _section_cstart, $3  }
0xbf: {  	[dreg:$0x1] =	wrdreg $0xFFFFFFFF  }
0xc0: {  	_ =	task.clear_ibuf [dreg:s6], $0x2FFFF;
	_ =	strace $0x9FFFFFFF  }
0xc1: {  	(tm) =	ssettm $0x7FFFFFFF  }
tec
execute0_lowered:
.L_overlay_start_1:
0x0: {  	(tag) =	ssettag $0x1  }
0x1: {  	s0 =	srdreg.scid;
	s1 =	stileid.u32  }
0x2: {  	s0 =	sand.u32 $0x1, s0;
	s1 =	sshll.u32 s1, $0x1  }
0x3: {  	s2 =	sor.u32 s0, s1  }
0x4: {  	s2 =	smul.u32 $0xC38, s2  }
0x5: {  	s3 =	rddreg [dreg:$0x0]  }
0x6: {  	s28 =	simm.s32 $0x0;
	s14 =	sadd.s32 $0xA00, s3;
	s2 =	smin.u32 s2, $0x17A68  }
0x7: {  	s17 =	sadd.s32 $0x187400, s3;
	s1 =	simm.s32 $0x0;
	s12 =	sshll.u32 s2, $0x4  }
0x8: {  	s0 =	ssub.s32 $0x2, s0;
	[smem:$0x7FF] =	sst s1;
	s20 =	sadd.s32 $0x880, s12  }
0x9: {  	s19 =	sshrl.u32 s0, $0x1;
	s2 =	sadd.s32 $0x1100, s12;
	s21 =	sadd.s32 s14, s20  }
0xa: {  	s23 =	sadd.s32 $0x1980, s12;
	s22 =	sadd.s32 s14, s2;
	[dreg:$0x2] =	wrdreg s21  }
0xb: {  	s18 =	ssub.s32 s0, s19;
	s4 =	sadd.s32 s14, s23;
	[dreg:$0x3] =	wrdreg s22  }
0xc: {  	s24 =	sadd.s32 $0x2200, s12;
	s0 =	sadd.s32 s17, s20;
	[dreg:$0x4] =	wrdreg s4  }
0xd: {  	s18 =	smax.u32 s18, $0x1;
	s25 =	sadd.s32 s14, s24;
	[dreg:$0x5] =	wrdreg s0  }
0xe: {  	s26 =	sadd.s32 $0x2A80, s12;
	s2 =	sadd.s32 s17, s2;
	[dreg:$0x6] =	wrdreg s25  }
0xf: {  	s30 =	sadd.s32 $0x3300, s12;
	s29 =	sadd.s32 s14, s26;
	[dreg:$0x7] =	wrdreg s2  }
0x10: {  	s5 =	sadd.s32 $0x3B80, s12;
	s3 =	sadd.s32 s17, s23;
	[dreg:$0x8] =	wrdreg s29  }
0x11: {  	s7 =	sadd.s32 $0x4400, s12;
	s31 =	sadd.s32 s14, s30;
	[dreg:$0x9] =	wrdreg s3  }
0x12: {  	s9 =	sadd.s32 $0x4C80, s12;
	s6 =	sadd.s32 s14, s5;
	[dreg:$0xa] =	wrdreg s31  }
0x13: {  	s11 =	sadd.s32 $0x5500, s12;
	s8 =	sadd.s32 s14, s7;
	[dreg:$0xc] =	wrdreg s6  }
0x14: {  	s13 =	sadd.s32 $0x5D80, s12;
	s10 =	sadd.s32 s14, s9;
	[dreg:$0xe] =	wrdreg s8  }
0x15: {  	s15 =	sadd.s32 s14, s11;
	s16 =	sadd.s32 s14, s13;
	[dreg:$0x10] =	wrdreg s10  }
0x16: {  	s19 =	sadd.s32 s17, s13;
	s20 =	sadd.s32 $0x6600, s12;
	[dreg:$0x14] =	wrdreg s15  }
0x17: {  	s0 =	sadd.s32 s17, s24;
	s2 =	sadd.s32 s17, s26;
	[dreg:$0x16] =	wrdreg s16  }
0x18: {  	s3 =	sadd.s32 s17, s30;
	[dreg:$0x17] =	wrdreg s19;
	s21 =	sadd.s32 $0x6E80, s12  }
0x19: {  	s22 =	sadd.s32 s14, s20;
	s25 =	sadd.s32 $0x7700, s12;
	s26 =	sadd.s32 $0x7F80, s12  }
0x1a: {  	s31 =	sadd.s32 $0x8800, s12;
	s10 =	sadd.s32 s14, s12;
	[dreg:$0xb] =	wrdreg s0  }
0x1b: {  	s15 =	sadd.s32 $0xAA00, s12;
	s16 =	sadd.s32 $0xB280, s12;
	[dreg:$0xd] =	wrdreg s2  }
0x1c: {  	s19 =	sadd.s32 $0xBB00, s12;
	[dreg:$0xf] =	wrdreg s3;
	s0 =	sadd.s32 s17, s5  }
0x1d: {  	s2 =	sadd.s32 s17, s7;
	s3 =	sadd.s32 s17, s9;
	[dreg:$0x18] =	wrdreg s22  }
0x1e: {  	s23 =	sadd.s32 s14, s21;
	s24 =	sadd.s32 s17, s21;
	[dreg:$0x11] =	wrdreg s0  }
0x1f: {  	s29 =	sadd.s32 s14, s25;
	s30 =	sadd.s32 s14, s26;
	[dreg:$0x12] =	wrdreg s2  }
0x20: {  	s5 =	sadd.s32 $0x9080, s12;
	s7 =	sadd.s32 $0x9900, s12;
	[dreg:$0x13] =	wrdreg s3  }
0x21: {  	s9 =	sadd.s32 $0xA180, s12;
	s13 =	sadd.s32 s14, s16;
	[dreg:$0x1a] =	wrdreg s23  }
0x22: {  	s16 =	sadd.s32 s17, s16;
	s21 =	simm.s32 $0x1;
	[dreg:$0x1b] =	wrdreg s24  }
0x23: {  	s22 =	simm.s32 $0x4;
	s0 =	sadd.s32 s17, s11;
	[dreg:$0x1c] =	wrdreg s29  }
0x24: {  	[dreg:$0x1e] =	wrdreg s30;
	s2 =	sadd.s32 s14, s31;
	s3 =	sadd.s32 s17, s31  }
0x25: {  	s4 =	sadd.s32 s14, s5;
	s5 =	sadd.s32 s17, s5;
	s6 =	sadd.s32 s14, s7  }
0x26: {  	s7 =	sadd.s32 s17, s7;
	s8 =	sadd.s32 s14, s9;
	s9 =	sadd.s32 s17, s9  }
0x27: {  	s11 =	sadd.s32 s17, s12;
	s12 =	sadd.s32 s14, s15;
	s14 =	sadd.s32 s14, s19  }
0x28: {  	s15 =	sadd.s32 s17, s15;
	s23 =	simm.s32 $0x2;
	s24 =	simm.s32 $0x5  }
0x29: {  	[dreg:$0x15] =	wrdreg s0;
	s0 =	sadd.s32 s17, s20;
	s20 =	simm.s32 $0x8800  }
0x2a: {  	[dreg:$0x19] =	wrdreg s0;
	s0 =	sadd.s32 s17, s25;
	s25 =	simm.s32 $0x3  }
0x2b: {  	[dreg:$0x1d] =	wrdreg s0;
	s0 =	sadd.s32 s17, s26;
	s17 =	sadd.s32 s17, s19  }
0x2c: {  	s19 =	simm.s32 $0x4400;
	s26 =	simm.s32 $0x6;
	_ =	strace $0x80000047  }
.LBB2_1:
0x2d: {  	[tilespmem:s1], [sflag:$0x1] =	stream.linear.gather [hbm4b:s10+s1], $0x4400, $0x38;
	[tilespmem:$0xCC00] =	vst v63  }
0x2e: {  	s29 =	rddreg [dreg:$0x2]  }
0x2f: {  	[tilespmem:s19], [sflag:$0x2] =	stream.linear.gather [hbm4b:s29+s1], $0x4400, $0x38;
	[tilespmem:$0xCC00] =	vst v63  }
0x30: {  	s29 =	rddreg [dreg:$0x3]  }
0x31: {  	[tilespmem:s20], [sflag:$0x3] =	stream.linear.gather [hbm4b:s29+s1], $0x4400, $0x38;
	[tilespmem:$0xCC00] =	vst v63  }
0x32: {  	_ =	swait.ge [sflag:s21], $0x4400  }
0x33: {  	[sflag:s21] =	ssyncset.done $0x0  }
0x34: {  	s29 =	simm.s32 $0x0;
	[sflag:s21] =	ssyncadd.s32 $0xFFFFBC00  }
0x35: {  	v2 =	vld [tilespmem:s29+$0x0]  }
0x36: {  	v4 =	vld [tilespmem:s29+$0x10]  }
0x37: {  	v3 =	vld [tilespmem:s29+$0x20]  }
0x38: {  	v1 =	vld [tilespmem:s29+$0x30]  }
0x39: {  	v0 =	vld [tilespmem:s29+$0x40]  }
0x3a: {  	v5 =	vshll.u32 v2, $0x10;
	v2 =	vld [tilespmem:s29+$0x50]  }
0x3b: {  	s30 =	simm.s32 $0x200;
	[tilespmem:s29+$0x0] =	vst v5;
	v5 =	vshll.u32 v4, $0x10;
	v4 =	vld [tilespmem:s29+$0x60]  }
.LBB2_2:
0x3c: {  	s31 =	sshra.s32 s30, $0x2;
	p0 =	sne.s32 s30, $0x10E00;
	[tilespmem:s29+$0x10] =	vst v5;
	v3 =	vshll.u32 v3, $0x10;
	v5 =	vld [tilespmem:s29+$0x70]  }
0x3d: {  	v6 =	vld [tilespmem:s31+$0x0];
	[tilespmem:s29+$0x20] =	vst v3;
	v1 =	vshll.u32 v1, $0x10  }
0x3e: {  	v7 =	vld [tilespmem:s31+$0x10];
	[tilespmem:s29+$0x30] =	vst v1;
	v0 =	vshll.u32 v0, $0x10  }
.Ltmp0:
0x3f: {  	v3 =	vld [tilespmem:s31+$0x20];
	[tilespmem:s29+$0x40] =	vst v0;
	v0 =	vshll.u32 v2, $0x10;
	(pc) =	sbr.rel @p0 .LBB2_2-.Ltmp0, $4  }
0x40: {  	v1 =	vld [tilespmem:s31+$0x30];
	[tilespmem:s29+$0x50] =	vst v0;
	v2 =	vshll.u32 v4, $0x10  }
0x41: {  	v0 =	vld [tilespmem:s31+$0x40];
	[tilespmem:s29+$0x60] =	vst v2;
	v4 =	vshll.u32 v5, $0x10  }
0x42: {  	v5 =	vshll.u32 v6, $0x10;
	v2 =	vld [tilespmem:s31+$0x50];
	[tilespmem:s29+$0x70] =	vst v4;
	s29 =	smov.u32 s31  }
0x43: {  	s30 =	sadd.s32 $0x200, s30;
	[tilespmem:s29+$0x0] =	vst v5;
	v5 =	vshll.u32 v7, $0x10;
	v4 =	vld [tilespmem:s29+$0x60]  }
0x44: {  	[tilespmem:s29+$0x10] =	vst v5;
	v3 =	vshll.u32 v3, $0x10;
	v5 =	vld [tilespmem:s29+$0x70]  }
0x45: {  	[tilespmem:s29+$0x20] =	vst v3;
	v1 =	vshll.u32 v1, $0x10  }
0x46: {  	[tilespmem:s29+$0x30] =	vst v1;
	v0 =	vshll.u32 v0, $0x10  }
0x47: {  	[tilespmem:s29+$0x40] =	vst v0;
	v0 =	vshll.u32 v2, $0x10  }
0x48: {  	[tilespmem:s29+$0x50] =	vst v0;
	v0 =	vshll.u32 v4, $0x10  }
0x49: {  	[tilespmem:s29+$0x60] =	vst v0;
	v0 =	vshll.u32 v5, $0x10  }
0x4a: {  	[tilespmem:s29+$0x70] =	vst v0;
	s29 =	simm.s32 $0x0  }
0x4b: {  	[hbm4b:s11+s29] =	stream.linear.scatter [tilespmem:s29], [sflag:$0x4], $0x4400, $0x38;
	[tilespmem:$0xCC00] =	vst v63  }
0x4c: {  	_ =	swait.ge [sflag:s22], $0x4400  }
0x4d: {  	[sflag:s22] =	ssyncset.done $0x0  }
0x4e: {  	s30 =	rddreg [dreg:$0x4];
	[sflag:s22] =	ssyncadd.s32 $0xFFFFBC00  }
0x4f: {  	[tilespmem:s29], [sflag:$0x1] =	stream.linear.gather [hbm4b:s30+s29], $0x4400, $0x38;
	[tilespmem:$0xCC00] =	vst v63  }
0x50: {  	_ =	swait.ge [sflag:s23], $0x4400  }
0x51: {  	[sflag:s23] =	ssyncset.done $0x0  }
0x52: {  	s29 =	simm.s32 $0x0;
	[sflag:s23] =	ssyncadd.s32 $0xFFFFBC00  }
0x53: {  	v2 =	vld [tilespmem:s29+$0x4400]  }
0x54: {  	v4 =	vld [tilespmem:s29+$0x4410]  }
0x55: {  	v3 =	vld [tilespmem:s29+$0x4420]  }
0x56: {  	v1 =	vld [tilespmem:s29+$0x4430]  }
0x57: {  	v0 =	vld [tilespmem:s29+$0x4440]  }
0x58: {  	v5 =	vshll.u32 v2, $0x10;
	v2 =	vld [tilespmem:s29+$0x4450]  }
0x59: {  	s30 =	simm.s32 $0x200;
	[tilespmem:s29+$0x4400] =	vst v5;
	v5 =	vshll.u32 v4, $0x10;
	v4 =	vld [tilespmem:s29+$0x4460]  }
.LBB2_4:
0x5a: {  	s31 =	sshra.s32 s30, $0x2;
	p0 =	sne.s32 s30, $0x10E00;
	[tilespmem:s29+$0x4410] =	vst v5;
	v3 =	vshll.u32 v3, $0x10;
	v5 =	vld [tilespmem:s29+$0x4470]  }
0x5b: {  	v6 =	vld [tilespmem:s31+$0x4400];
	[tilespmem:s29+$0x4420] =	vst v3;
	v1 =	vshll.u32 v1, $0x10  }
0x5c: {  	v7 =	vld [tilespmem:s31+$0x4410];
	[tilespmem:s29+$0x4430] =	vst v1;
	v0 =	vshll.u32 v0, $0x10  }
.Ltmp1:
0x5d: {  	v3 =	vld [tilespmem:s31+$0x4420];
	[tilespmem:s29+$0x4440] =	vst v0;
	v0 =	vshll.u32 v2, $0x10;
	(pc) =	sbr.rel @p0 .LBB2_4-.Ltmp1, $4  }
0x5e: {  	v1 =	vld [tilespmem:s31+$0x4430];
	[tilespmem:s29+$0x4450] =	vst v0;
	v2 =	vshll.u32 v4, $0x10  }
0x5f: {  	v0 =	vld [tilespmem:s31+$0x4440];
	[tilespmem:s29+$0x4460] =	vst v2;
	v4 =	vshll.u32 v5, $0x10  }
0x60: {  	v5 =	vshll.u32 v6, $0x10;
	v2 =	vld [tilespmem:s31+$0x4450];
	[tilespmem:s29+$0x4470] =	vst v4;
	s29 =	smov.u32 s31  }
0x61: {  	s30 =	sadd.s32 $0x200, s30;
	[tilespmem:s29+$0x4400] =	vst v5;
	v5 =	vshll.u32 v7, $0x10;
	v4 =	vld [tilespmem:s29+$0x4460]  }
0x62: {  	[tilespmem:s29+$0x4410] =	vst v5;
	v3 =	vshll.u32 v3, $0x10;
	v5 =	vld [tilespmem:s29+$0x4470]  }
0x63: {  	[tilespmem:s29+$0x4420] =	vst v3;
	v1 =	vshll.u32 v1, $0x10  }
0x64: {  	[tilespmem:s29+$0x4430] =	vst v1;
	v0 =	vshll.u32 v0, $0x10  }
0x65: {  	[tilespmem:s29+$0x4440] =	vst v0;
	v0 =	vshll.u32 v2, $0x10  }
0x66: {  	[tilespmem:s29+$0x4450] =	vst v0;
	v0 =	vshll.u32 v4, $0x10  }
0x67: {  	[tilespmem:s29+$0x4460] =	vst v0;
	v0 =	vshll.u32 v5, $0x10  }
0x68: {  	s30 =	rddreg [dreg:$0x5];
	[tilespmem:s29+$0x4470] =	vst v0;
	s29 =	simm.s32 $0x0  }
0x69: {  	[hbm4b:s30+s29] =	stream.linear.scatter [tilespmem:s19], [sflag:$0x5], $0x4400, $0x38;
	[tilespmem:$0xCC00] =	vst v63  }
0x6a: {  	_ =	swait.ge [sflag:s24], $0x4400  }
0x6b: {  	[sflag:s24] =	ssyncset.done $0x0  }
0x6c: {  	s30 =	rddreg [dreg:$0x6];
	[sflag:s24] =	ssyncadd.s32 $0xFFFFBC00  }
0x6d: {  	[tilespmem:s19], [sflag:$0x2] =	stream.linear.gather [hbm4b:s30+s29], $0x4400, $0x38;
	[tilespmem:$0xCC00] =	vst v63  }
0x6e: {  	_ =	swait.ge [sflag:s25], $0x4400  }
0x6f: {  	[sflag:s25] =	ssyncset.done $0x0  }
0x70: {  	s29 =	simm.s32 $0x0;
	[sflag:s25] =	ssyncadd.s32 $0xFFFFBC00  }
0x71: {  	v2 =	vld [tilespmem:s29+$0x8800]  }
0x72: {  	v4 =	vld [tilespmem:s29+$0x8810]  }
0x73: {  	v3 =	vld [tilespmem:s29+$0x8820]  }
0x74: {  	v1 =	vld [tilespmem:s29+$0x8830]  }
0x75: {  	v0 =	vld [tilespmem:s29+$0x8840]  }
0x76: {  	v5 =	vshll.u32 v2, $0x10;
	v2 =	vld [tilespmem:s29+$0x8850]  }
0x77: {  	s30 =	simm.s32 $0x200;
	[tilespmem:s29+$0x8800] =	vst v5;
	v5 =	vshll.u32 v4, $0x10;
	v4 =	vld [tilespmem:s29+$0x8860]  }
.LBB2_6:
0x78: {  	s31 =	sshra.s32 s30, $0x2;
	p0 =	sne.s32 s30, $0x10E00;
	[tilespmem:s29+$0x8810] =	vst v5;
	v3 =	vshll.u32 v3, $0x10;
	v5 =	vld [tilespmem:s29+$0x8870]  }
0x79: {  	v6 =	vld [tilespmem:s31+$0x8800];
	[tilespmem:s29+$0x8820] =	vst v3;
	v1 =	vshll.u32 v1, $0x10  }
0x7a: {  	v7 =	vld [tilespmem:s31+$0x8810];
	[tilespmem:s29+$0x8830] =	vst v1;
	v0 =	vshll.u32 v0, $0x10  }
.Ltmp2:
0x7b: {  	v3 =	vld [tilespmem:s31+$0x8820];
	[tilespmem:s29+$0x8840] =	vst v0;
	v0 =	vshll.u32 v2, $0x10;
	(pc) =	sbr.rel @p0 .LBB2_6-.Ltmp2, $4  }
0x7c: {  	v1 =	vld [tilespmem:s31+$0x8830];
	[tilespmem:s29+$0x8850] =	vst v0;
	v2 =	vshll.u32 v4, $0x10  }
0x7d: {  	v0 =	vld [tilespmem:s31+$0x8840];
	[tilespmem:s29+$0x8860] =	vst v2;
	v4 =	vshll.u32 v5, $0x10  }
0x7e: {  	v5 =	vshll.u32 v6, $0x10;
	v2 =	vld [tilespmem:s31+$0x8850];
	[tilespmem:s29+$0x8870] =	vst v4;
	s29 =	smov.u32 s31  }
0x7f: {  	s30 =	sadd.s32 $0x200, s30;
	[tilespmem:s29+$0x8800] =	vst v5;
	v5 =	vshll.u32 v7, $0x10;
	v4 =	vld [tilespmem:s29+$0x8860]  }
0x80: {  	[tilespmem:s29+$0x8810] =	vst v5;
	v3 =	vshll.u32 v3, $0x10;
	v5 =	vld [tilespmem:s29+$0x8870]  }
0x81: {  	[tilespmem:s29+$0x8820] =	vst v3;
	v1 =	vshll.u32 v1, $0x10  }
0x82: {  	[tilespmem:s29+$0x8830] =	vst v1;
	v0 =	vshll.u32 v0, $0x10  }
0x83: {  	[tilespmem:s29+$0x8840] =	vst v0;
	v0 =	vshll.u32 v2, $0x10  }
0x84: {  	[tilespmem:s29+$0x8850] =	vst v0;
	v0 =	vshll.u32 v4, $0x10  }
0x85: {  	[tilespmem:s29+$0x8860] =	vst v0;
	v0 =	vshll.u32 v5, $0x10  }
0x86: {  	s30 =	rddreg [dreg:$0x7];
	[tilespmem:s29+$0x8870] =	vst v0;
	s29 =	simm.s32 $0x0  }
0x87: {  	[hbm4b:s30+s29] =	stream.linear.scatter [tilespmem:s20], [sflag:$0x6], $0x4400, $0x38;
	[tilespmem:$0xCC00] =	vst v63  }
0x88: {  	_ =	swait.ge [sflag:s26], $0x4400  }
0x89: {  	[sflag:s26] =	ssyncset.done $0x0  }
0x8a: {  	s30 =	rddreg [dreg:$0x8];
	[sflag:s26] =	ssyncadd.s32 $0xFFFFBC00  }
0x8b: {  	[tilespmem:s20], [sflag:$0x3] =	stream.linear.gather [hbm4b:s30+s29], $0x4400, $0x38;
	[tilespmem:$0xCC00] =	vst v63  }
0x8c: {  	_ =	swait.ge [sflag:s21], $0x4400  }
0x8d: {  	[sflag:s21] =	ssyncset.done $0x0  }
0x8e: {  	s29 =	simm.s32 $0x0;
	[sflag:s21] =	ssyncadd.s32 $0xFFFFBC00  }
0x8f: {  	v2 =	vld [tilespmem:s29+$0x0]  }
0x90: {  	v4 =	vld [tilespmem:s29+$0x10]  }
0x91: {  	v3 =	vld [tilespmem:s29+$0x20]  }
0x92: {  	v1 =	vld [tilespmem:s29+$0x30]  }
0x93: {  	v0 =	vld [tilespmem:s29+$0x40]  }
0x94: {  	v5 =	vshll.u32 v2, $0x10;
	v2 =	vld [tilespmem:s29+$0x50]  }
0x95: {  	s30 =	simm.s32 $0x200;
	[tilespmem:s29+$0x0] =	vst v5;
	v5 =	vshll.u32 v4, $0x10;
	v4 =	vld [tilespmem:s29+$0x60]  }
.LBB2_8:
0x96: {  	s31 =	sshra.s32 s30, $0x2;
	p0 =	sne.s32 s30, $0x10E00;
	[tilespmem:s29+$0x10] =	vst v5;
	v3 =	vshll.u32 v3, $0x10;
	v5 =	vld [tilespmem:s29+$0x70]  }
0x97: {  	v6 =	vld [tilespmem:s31+$0x0];
	[tilespmem:s29+$0x20] =	vst v3;
	v1 =	vshll.u32 v1, $0x10  }
0x98: {  	v7 =	vld [tilespmem:s31+$0x10];
	[tilespmem:s29+$0x30] =	vst v1;
	v0 =	vshll.u32 v0, $0x10  }
.Ltmp3:
0x99: {  	v3 =	vld [tilespmem:s31+$0x20];
	[tilespmem:s29+$0x40] =	vst v0;
	v0 =	vshll.u32 v2, $0x10;
	(pc) =	sbr.rel @p0 .LBB2_8-.Ltmp3, $4  }
0x9a: {  	v1 =	vld [tilespmem:s31+$0x30];
	[tilespmem:s29+$0x50] =	vst v0;
	v2 =	vshll.u32 v4, $0x10  }
0x9b: {  	v0 =	vld [tilespmem:s31+$0x40];
	[tilespmem:s29+$0x60] =	vst v2;
	v4 =	vshll.u32 v5, $0x10  }
0x9c: {  	v5 =	vshll.u32 v6, $0x10;
	v2 =	vld [tilespmem:s31+$0x50];
	[tilespmem:s29+$0x70] =	vst v4;
	s29 =	smov.u32 s31  }
0x9d: {  	s30 =	sadd.s32 $0x200, s30;
	[tilespmem:s29+$0x0] =	vst v5;
	v5 =	vshll.u32 v7, $0x10;
	v4 =	vld [tilespmem:s29+$0x60]  }
0x9e: {  	[tilespmem:s29+$0x10] =	vst v5;
	v3 =	vshll.u32 v3, $0x10;
	v5 =	vld [tilespmem:s29+$0x70]  }
0x9f: {  	[tilespmem:s29+$0x20] =	vst v3;
	v1 =	vshll.u32 v1, $0x10  }
0xa0: {  	[tilespmem:s29+$0x30] =	vst v1;
	v0 =	vshll.u32 v0, $0x10  }
0xa1: {  	[tilespmem:s29+$0x40] =	vst v0;
	v0 =	vshll.u32 v2, $0x10  }
0xa2: {  	[tilespmem:s29+$0x50] =	vst v0;
	v0 =	vshll.u32 v4, $0x10  }
0xa3: {  	[tilespmem:s29+$0x60] =	vst v0;
	v0 =	vshll.u32 v5, $0x10  }
0xa4: {  	s30 =	rddreg [dreg:$0x9];
	[tilespmem:s29+$0x70] =	vst v0;
	s29 =	simm.s32 $0x0  }
0xa5: {  	[hbm4b:s30+s29] =	stream.linear.scatter [tilespmem:s29], [sflag:$0x4], $0x4400, $0x38;
	[tilespmem:$0xCC00] =	vst v63  }
0xa6: {  	_ =	swait.ge [sflag:s22], $0x4400  }
0xa7: {  	[sflag:s22] =	ssyncset.done $0x0  }
0xa8: {  	s30 =	rddreg [dreg:$0xa];
	[sflag:s22] =	ssyncadd.s32 $0xFFFFBC00  }
0xa9: {  	[tilespmem:s29], [sflag:$0x1] =	stream.linear.gather [hbm4b:s30+s29], $0x4400, $0x38;
	[tilespmem:$0xCC00] =	vst v63  }
0xaa: {  	_ =	swait.ge [sflag:s23], $0x4400  }
0xab: {  	[sflag:s23] =	ssyncset.done $0x0  }
0xac: {  	s29 =	simm.s32 $0x0;
	[sflag:s23] =	ssyncadd.s32 $0xFFFFBC00  }
0xad: {  	v2 =	vld [tilespmem:s29+$0x4400]  }
0xae: {  	v4 =	vld [tilespmem:s29+$0x4410]  }
0xaf: {  	v3 =	vld [tilespmem:s29+$0x4420]  }
0xb0: {  	v1 =	vld [tilespmem:s29+$0x4430]  }
0xb1: {  	v0 =	vld [tilespmem:s29+$0x4440]  }
0xb2: {  	v5 =	vshll.u32 v2, $0x10;
	v2 =	vld [tilespmem:s29+$0x4450]  }
0xb3: {  	s30 =	simm.s32 $0x200;
	[tilespmem:s29+$0x4400] =	vst v5;
	v5 =	vshll.u32 v4, $0x10;
	v4 =	vld [tilespmem:s29+$0x4460]  }
.LBB2_10:
0xb4: {  	s31 =	sshra.s32 s30, $0x2;
	p0 =	sne.s32 s30, $0x10E00;
	[tilespmem:s29+$0x4410] =	vst v5;
	v3 =	vshll.u32 v3, $0x10;
	v5 =	vld [tilespmem:s29+$0x4470]  }
0xb5: {  	v6 =	vld [tilespmem:s31+$0x4400];
	[tilespmem:s29+$0x4420] =	vst v3;
	v1 =	vshll.u32 v1, $0x10  }
0xb6: {  	v7 =	vld [tilespmem:s31+$0x4410];
	[tilespmem:s29+$0x4430] =	vst v1;
	v0 =	vshll.u32 v0, $0x10  }
.Ltmp4:
0xb7: {  	v3 =	vld [tilespmem:s31+$0x4420];
	[tilespmem:s29+$0x4440] =	vst v0;
	v0 =	vshll.u32 v2, $0x10;
	(pc) =	sbr.rel @p0 .LBB2_10-.Ltmp4, $4  }
0xb8: {  	v1 =	vld [tilespmem:s31+$0x4430];
	[tilespmem:s29+$0x4450] =	vst v0;
	v2 =	vshll.u32 v4, $0x10  }
0xb9: {  	v0 =	vld [tilespmem:s31+$0x4440];
	[tilespmem:s29+$0x4460] =	vst v2;
	v4 =	vshll.u32 v5, $0x10  }
0xba: {  	v5 =	vshll.u32 v6, $0x10;
	v2 =	vld [tilespmem:s31+$0x4450];
	[tilespmem:s29+$0x4470] =	vst v4;
	s29 =	smov.u32 s31  }
0xbb: {  	s30 =	sadd.s32 $0x200, s30;
	[tilespmem:s29+$0x4400] =	vst v5;
	v5 =	vshll.u32 v7, $0x10;
	v4 =	vld [tilespmem:s29+$0x4460]  }
0xbc: {  	[tilespmem:s29+$0x4410] =	vst v5;
	v3 =	vshll.u32 v3, $0x10;
	v5 =	vld [tilespmem:s29+$0x4470]  }
0xbd: {  	[tilespmem:s29+$0x4420] =	vst v3;
	v1 =	vshll.u32 v1, $0x10  }
0xbe: {  	[tilespmem:s29+$0x4430] =	vst v1;
	v0 =	vshll.u32 v0, $0x10  }
0xbf: {  	[tilespmem:s29+$0x4440] =	vst v0;
	v0 =	vshll.u32 v2, $0x10  }
0xc0: {  	[tilespmem:s29+$0x4450] =	vst v0;
	v0 =	vshll.u32 v4, $0x10  }
0xc1: {  	[tilespmem:s29+$0x4460] =	vst v0;
	v0 =	vshll.u32 v5, $0x10  }
0xc2: {  	s30 =	rddreg [dreg:$0xb];
	[tilespmem:s29+$0x4470] =	vst v0;
	s29 =	simm.s32 $0x0  }
0xc3: {  	[hbm4b:s30+s29] =	stream.linear.scatter [tilespmem:s19], [sflag:$0x5], $0x4400, $0x38;
	[tilespmem:$0xCC00] =	vst v63  }
0xc4: {  	_ =	swait.ge [sflag:s24], $0x4400  }
0xc5: {  	[sflag:s24] =	ssyncset.done $0x0  }
0xc6: {  	s30 =	rddreg [dreg:$0xc];
	[sflag:s24] =	ssyncadd.s32 $0xFFFFBC00  }
0xc7: {  	[tilespmem:s19], [sflag:$0x2] =	stream.linear.gather [hbm4b:s30+s29], $0x4400, $0x38;
	[tilespmem:$0xCC00] =	vst v63  }
0xc8: {  	_ =	swait.ge [sflag:s25], $0x4400  }
0xc9: {  	[sflag:s25] =	ssyncset.done $0x0  }
0xca: {  	s29 =	simm.s32 $0x0;
	[sflag:s25] =	ssyncadd.s32 $0xFFFFBC00  }
0xcb: {  	v2 =	vld [tilespmem:s29+$0x8800]  }
0xcc: {  	v4 =	vld [tilespmem:s29+$0x8810]  }
0xcd: {  	v3 =	vld [tilespmem:s29+$0x8820]  }
0xce: {  	v1 =	vld [tilespmem:s29+$0x8830]  }
0xcf: {  	v0 =	vld [tilespmem:s29+$0x8840]  }
0xd0: {  	v5 =	vshll.u32 v2, $0x10;
	v2 =	vld [tilespmem:s29+$0x8850]  }
0xd1: {  	s30 =	simm.s32 $0x200;
	[tilespmem:s29+$0x8800] =	vst v5;
	v5 =	vshll.u32 v4, $0x10;
	v4 =	vld [tilespmem:s29+$0x8860]  }
.LBB2_12:
0xd2: {  	s31 =	sshra.s32 s30, $0x2;
	p0 =	sne.s32 s30, $0x10E00;
	[tilespmem:s29+$0x8810] =	vst v5;
	v3 =	vshll.u32 v3, $0x10;
	v5 =	vld [tilespmem:s29+$0x8870]  }
0xd3: {  	v6 =	vld [tilespmem:s31+$0x8800];
	[tilespmem:s29+$0x8820] =	vst v3;
	v1 =	vshll.u32 v1, $0x10  }
0xd4: {  	v7 =	vld [tilespmem:s31+$0x8810];
	[tilespmem:s29+$0x8830] =	vst v1;
	v0 =	vshll.u32 v0, $0x10  }
.Ltmp5:
0xd5: {  	v3 =	vld [tilespmem:s31+$0x8820];
	[tilespmem:s29+$0x8840] =	vst v0;
	v0 =	vshll.u32 v2, $0x10;
	(pc) =	sbr.rel @p0 .LBB2_12-.Ltmp5, $4  }
0xd6: {  	v1 =	vld [tilespmem:s31+$0x8830];
	[tilespmem:s29+$0x8850] =	vst v0;
	v2 =	vshll.u32 v4, $0x10  }
0xd7: {  	v0 =	vld [tilespmem:s31+$0x8840];
	[tilespmem:s29+$0x8860] =	vst v2;
	v4 =	vshll.u32 v5, $0x10  }
0xd8: {  	v5 =	vshll.u32 v6, $0x10;
	v2 =	vld [tilespmem:s31+$0x8850];
	[tilespmem:s29+$0x8870] =	vst v4;
	s29 =	smov.u32 s31  }
0xd9: {  	s30 =	sadd.s32 $0x200, s30;
	[tilespmem:s29+$0x8800] =	vst v5;
	v5 =	vshll.u32 v7, $0x10;
	v4 =	vld [tilespmem:s29+$0x8860]  }
0xda: {  	[tilespmem:s29+$0x8810] =	vst v5;
	v3 =	vshll.u32 v3, $0x10;
	v5 =	vld [tilespmem:s29+$0x8870]  }
0xdb: {  	[tilespmem:s29+$0x8820] =	vst v3;
	v1 =	vshll.u32 v1, $0x10  }
0xdc: {  	[tilespmem:s29+$0x8830] =	vst v1;
	v0 =	vshll.u32 v0, $0x10  }
0xdd: {  	[tilespmem:s29+$0x8840] =	vst v0;
	v0 =	vshll.u32 v2, $0x10  }
0xde: {  	[tilespmem:s29+$0x8850] =	vst v0;
	v0 =	vshll.u32 v4, $0x10  }
0xdf: {  	[tilespmem:s29+$0x8860] =	vst v0;
	v0 =	vshll.u32 v5, $0x10  }
0xe0: {  	s30 =	rddreg [dreg:$0xd];
	[tilespmem:s29+$0x8870] =	vst v0;
	s29 =	simm.s32 $0x0  }
0xe1: {  	[hbm4b:s30+s29] =	stream.linear.scatter [tilespmem:s20], [sflag:$0x6], $0x4400, $0x38;
	[tilespmem:$0xCC00] =	vst v63  }
0xe2: {  	_ =	swait.ge [sflag:s26], $0x4400  }
0xe3: {  	[sflag:s26] =	ssyncset.done $0x0  }
0xe4: {  	s30 =	rddreg [dreg:$0xe];
	[sflag:s26] =	ssyncadd.s32 $0xFFFFBC00  }
0xe5: {  	[tilespmem:s20], [sflag:$0x3] =	stream.linear.gather [hbm4b:s30+s29], $0x4400, $0x38;
	[tilespmem:$0xCC00] =	vst v63  }
0xe6: {  	_ =	swait.ge [sflag:s21], $0x4400  }
0xe7: {  	[sflag:s21] =	ssyncset.done $0x0  }
0xe8: {  	s29 =	simm.s32 $0x0;
	[sflag:s21] =	ssyncadd.s32 $0xFFFFBC00  }
0xe9: {  	v2 =	vld [tilespmem:s29+$0x0]  }
0xea: {  	v4 =	vld [tilespmem:s29+$0x10]  }
0xeb: {  	v3 =	vld [tilespmem:s29+$0x20]  }
0xec: {  	v1 =	vld [tilespmem:s29+$0x30]  }
0xed: {  	v0 =	vld [tilespmem:s29+$0x40]  }
0xee: {  	v5 =	vshll.u32 v2, $0x10;
	v2 =	vld [tilespmem:s29+$0x50]  }
0xef: {  	s30 =	simm.s32 $0x200;
	[tilespmem:s29+$0x0] =	vst v5;
	v5 =	vshll.u32 v4, $0x10;
	v4 =	vld [tilespmem:s29+$0x60]  }
.LBB2_14:
0xf0: {  	s31 =	sshra.s32 s30, $0x2;
	p0 =	sne.s32 s30, $0x10E00;
	[tilespmem:s29+$0x10] =	vst v5;
	v3 =	vshll.u32 v3, $0x10;
	v5 =	vld [tilespmem:s29+$0x70]  }
0xf1: {  	v6 =	vld [tilespmem:s31+$0x0];
	[tilespmem:s29+$0x20] =	vst v3;
	v1 =	vshll.u32 v1, $0x10  }
0xf2: {  	v7 =	vld [tilespmem:s31+$0x10];
	[tilespmem:s29+$0x30] =	vst v1;
	v0 =	vshll.u32 v0, $0x10  }
.Ltmp6:
0xf3: {  	v3 =	vld [tilespmem:s31+$0x20];
	[tilespmem:s29+$0x40] =	vst v0;
	v0 =	vshll.u32 v2, $0x10;
	(pc) =	sbr.rel @p0 .LBB2_14-.Ltmp6, $4  }
0xf4: {  	v1 =	vld [tilespmem:s31+$0x30];
	[tilespmem:s29+$0x50] =	vst v0;
	v2 =	vshll.u32 v4, $0x10  }
0xf5: {  	v0 =	vld [tilespmem:s31+$0x40];
	[tilespmem:s29+$0x60] =	vst v2;
	v4 =	vshll.u32 v5, $0x10  }
0xf6: {  	v5 =	vshll.u32 v6, $0x10;
	v2 =	vld [tilespmem:s31+$0x50];
	[tilespmem:s29+$0x70] =	vst v4;
	s29 =	smov.u32 s31  }
0xf7: {  	s30 =	sadd.s32 $0x200, s30;
	[tilespmem:s29+$0x0] =	vst v5;
	v5 =	vshll.u32 v7, $0x10;
	v4 =	vld [tilespmem:s29+$0x60]  }
0xf8: {  	[tilespmem:s29+$0x10] =	vst v5;
	v3 =	vshll.u32 v3, $0x10;
	v5 =	vld [tilespmem:s29+$0x70]  }
0xf9: {  	[tilespmem:s29+$0x20] =	vst v3;
	v1 =	vshll.u32 v1, $0x10  }
0xfa: {  	[tilespmem:s29+$0x30] =	vst v1;
	v0 =	vshll.u32 v0, $0x10  }
0xfb: {  	[tilespmem:s29+$0x40] =	vst v0;
	v0 =	vshll.u32 v2, $0x10  }
0xfc: {  	[tilespmem:s29+$0x50] =	vst v0;
	v0 =	vshll.u32 v4, $0x10  }
0xfd: {  	[tilespmem:s29+$0x60] =	vst v0;
	v0 =	vshll.u32 v5, $0x10  }
0xfe: {  	s30 =	rddreg [dreg:$0xf];
	[tilespmem:s29+$0x70] =	vst v0;
	s29 =	simm.s32 $0x0  }
0xff: {  	[hbm4b:s30+s29] =	stream.linear.scatter [tilespmem:s29], [sflag:$0x4], $0x4400, $0x38;
	[tilespmem:$0xCC00] =	vst v63  }
0x100: {  	_ =	swait.ge [sflag:s22], $0x4400  }
0x101: {  	[sflag:s22] =	ssyncset.done $0x0  }
0x102: {  	s30 =	rddreg [dreg:$0x10];
	[sflag:s22] =	ssyncadd.s32 $0xFFFFBC00  }
0x103: {  	[tilespmem:s29], [sflag:$0x1] =	stream.linear.gather [hbm4b:s30+s29], $0x4400, $0x38;
	[tilespmem:$0xCC00] =	vst v63  }
0x104: {  	_ =	swait.ge [sflag:s23], $0x4400  }
0x105: {  	[sflag:s23] =	ssyncset.done $0x0  }
0x106: {  	s29 =	simm.s32 $0x0;
	[sflag:s23] =	ssyncadd.s32 $0xFFFFBC00  }
0x107: {  	v2 =	vld [tilespmem:s29+$0x4400]  }
0x108: {  	v4 =	vld [tilespmem:s29+$0x4410]  }
0x109: {  	v3 =	vld [tilespmem:s29+$0x4420]  }
0x10a: {  	v1 =	vld [tilespmem:s29+$0x4430]  }
0x10b: {  	v0 =	vld [tilespmem:s29+$0x4440]  }
0x10c: {  	v5 =	vshll.u32 v2, $0x10;
	v2 =	vld [tilespmem:s29+$0x4450]  }
0x10d: {  	s30 =	simm.s32 $0x200;
	[tilespmem:s29+$0x4400] =	vst v5;
	v5 =	vshll.u32 v4, $0x10;
	v4 =	vld [tilespmem:s29+$0x4460]  }
.LBB2_16:
0x10e: {  	s31 =	sshra.s32 s30, $0x2;
	p0 =	sne.s32 s30, $0x10E00;
	[tilespmem:s29+$0x4410] =	vst v5;
	v3 =	vshll.u32 v3, $0x10;
	v5 =	vld [tilespmem:s29+$0x4470]  }
0x10f: {  	v6 =	vld [tilespmem:s31+$0x4400];
	[tilespmem:s29+$0x4420] =	vst v3;
	v1 =	vshll.u32 v1, $0x10  }
0x110: {  	v7 =	vld [tilespmem:s31+$0x4410];
	[tilespmem:s29+$0x4430] =	vst v1;
	v0 =	vshll.u32 v0, $0x10  }
.Ltmp7:
0x111: {  	v3 =	vld [tilespmem:s31+$0x4420];
	[tilespmem:s29+$0x4440] =	vst v0;
	v0 =	vshll.u32 v2, $0x10;
	(pc) =	sbr.rel @p0 .LBB2_16-.Ltmp7, $4  }
0x112: {  	v1 =	vld [tilespmem:s31+$0x4430];
	[tilespmem:s29+$0x4450] =	vst v0;
	v2 =	vshll.u32 v4, $0x10  }
0x113: {  	v0 =	vld [tilespmem:s31+$0x4440];
	[tilespmem:s29+$0x4460] =	vst v2;
	v4 =	vshll.u32 v5, $0x10  }
0x114: {  	v5 =	vshll.u32 v6, $0x10;
	v2 =	vld [tilespmem:s31+$0x4450];
	[tilespmem:s29+$0x4470] =	vst v4;
	s29 =	smov.u32 s31  }
0x115: {  	s30 =	sadd.s32 $0x200, s30;
	[tilespmem:s29+$0x4400] =	vst v5;
	v5 =	vshll.u32 v7, $0x10;
	v4 =	vld [tilespmem:s29+$0x4460]  }
0x116: {  	[tilespmem:s29+$0x4410] =	vst v5;
	v3 =	vshll.u32 v3, $0x10;
	v5 =	vld [tilespmem:s29+$0x4470]  }
0x117: {  	[tilespmem:s29+$0x4420] =	vst v3;
	v1 =	vshll.u32 v1, $0x10  }
0x118: {  	[tilespmem:s29+$0x4430] =	vst v1;
	v0 =	vshll.u32 v0, $0x10  }
0x119: {  	[tilespmem:s29+$0x4440] =	vst v0;
	v0 =	vshll.u32 v2, $0x10  }
0x11a: {  	[tilespmem:s29+$0x4450] =	vst v0;
	v0 =	vshll.u32 v4, $0x10  }
0x11b: {  	[tilespmem:s29+$0x4460] =	vst v0;
	v0 =	vshll.u32 v5, $0x10  }
0x11c: {  	s30 =	rddreg [dreg:$0x11];
	[tilespmem:s29+$0x4470] =	vst v0;
	s29 =	simm.s32 $0x0  }
0x11d: {  	[hbm4b:s30+s29] =	stream.linear.scatter [tilespmem:s19], [sflag:$0x5], $0x4400, $0x38;
	[tilespmem:$0xCC00] =	vst v63  }
0x11e: {  	_ =	swait.ge [sflag:s24], $0x4400  }
0x11f: {  	[sflag:s24] =	ssyncset.done $0x0  }
0x120: {  	s30 =	rddreg [dreg:$0x14];
	[sflag:s24] =	ssyncadd.s32 $0xFFFFBC00  }
0x121: {  	[tilespmem:s19], [sflag:$0x2] =	stream.linear.gather [hbm4b:s30+s29], $0x4400, $0x38;
	[tilespmem:$0xCC00] =	vst v63  }
0x122: {  	_ =	swait.ge [sflag:s25], $0x4400  }
0x123: {  	[sflag:s25] =	ssyncset.done $0x0  }
0x124: {  	s29 =	simm.s32 $0x0;
	[sflag:s25] =	ssyncadd.s32 $0xFFFFBC00  }
0x125: {  	v2 =	vld [tilespmem:s29+$0x8800]  }
0x126: {  	v4 =	vld [tilespmem:s29+$0x8810]  }
0x127: {  	v3 =	vld [tilespmem:s29+$0x8820]  }
0x128: {  	v1 =	vld [tilespmem:s29+$0x8830]  }
0x129: {  	v0 =	vld [tilespmem:s29+$0x8840]  }
0x12a: {  	v5 =	vshll.u32 v2, $0x10;
	v2 =	vld [tilespmem:s29+$0x8850]  }
0x12b: {  	s30 =	simm.s32 $0x200;
	[tilespmem:s29+$0x8800] =	vst v5;
	v5 =	vshll.u32 v4, $0x10;
	v4 =	vld [tilespmem:s29+$0x8860]  }
.LBB2_18:
0x12c: {  	s31 =	sshra.s32 s30, $0x2;
	p0 =	sne.s32 s30, $0x10E00;
	[tilespmem:s29+$0x8810] =	vst v5;
	v3 =	vshll.u32 v3, $0x10;
	v5 =	vld [tilespmem:s29+$0x8870]  }
0x12d: {  	v6 =	vld [tilespmem:s31+$0x8800];
	[tilespmem:s29+$0x8820] =	vst v3;
	v1 =	vshll.u32 v1, $0x10  }
0x12e: {  	v7 =	vld [tilespmem:s31+$0x8810];
	[tilespmem:s29+$0x8830] =	vst v1;
	v0 =	vshll.u32 v0, $0x10  }
.Ltmp8:
0x12f: {  	v3 =	vld [tilespmem:s31+$0x8820];
	[tilespmem:s29+$0x8840] =	vst v0;
	v0 =	vshll.u32 v2, $0x10;
	(pc) =	sbr.rel @p0 .LBB2_18-.Ltmp8, $4  }
0x130: {  	v1 =	vld [tilespmem:s31+$0x8830];
	[tilespmem:s29+$0x8850] =	vst v0;
	v2 =	vshll.u32 v4, $0x10  }
0x131: {  	v0 =	vld [tilespmem:s31+$0x8840];
	[tilespmem:s29+$0x8860] =	vst v2;
	v4 =	vshll.u32 v5, $0x10  }
0x132: {  	v5 =	vshll.u32 v6, $0x10;
	v2 =	vld [tilespmem:s31+$0x8850];
	[tilespmem:s29+$0x8870] =	vst v4;
	s29 =	smov.u32 s31  }
0x133: {  	s30 =	sadd.s32 $0x200, s30;
	[tilespmem:s29+$0x8800] =	vst v5;
	v5 =	vshll.u32 v7, $0x10;
	v4 =	vld [tilespmem:s29+$0x8860]  }
0x134: {  	[tilespmem:s29+$0x8810] =	vst v5;
	v3 =	vshll.u32 v3, $0x10;
	v5 =	vld [tilespmem:s29+$0x8870]  }
0x135: {  	[tilespmem:s29+$0x8820] =	vst v3;
	v1 =	vshll.u32 v1, $0x10  }
0x136: {  	[tilespmem:s29+$0x8830] =	vst v1;
	v0 =	vshll.u32 v0, $0x10  }
0x137: {  	[tilespmem:s29+$0x8840] =	vst v0;
	v0 =	vshll.u32 v2, $0x10  }
0x138: {  	[tilespmem:s29+$0x8850] =	vst v0;
	v0 =	vshll.u32 v4, $0x10  }
0x139: {  	[tilespmem:s29+$0x8860] =	vst v0;
	v0 =	vshll.u32 v5, $0x10  }
0x13a: {  	s30 =	rddreg [dreg:$0x12];
	[tilespmem:s29+$0x8870] =	vst v0;
	s29 =	simm.s32 $0x0  }
0x13b: {  	[hbm4b:s30+s29] =	stream.linear.scatter [tilespmem:s20], [sflag:$0x6], $0x4400, $0x38;
	[tilespmem:$0xCC00] =	vst v63  }
0x13c: {  	_ =	swait.ge [sflag:s26], $0x4400  }
0x13d: {  	[sflag:s26] =	ssyncset.done $0x0  }
0x13e: {  	s30 =	rddreg [dreg:$0x16];
	[sflag:s26] =	ssyncadd.s32 $0xFFFFBC00  }
0x13f: {  	[tilespmem:s20], [sflag:$0x3] =	stream.linear.gather [hbm4b:s30+s29], $0x4400, $0x38;
	[tilespmem:$0xCC00] =	vst v63  }
0x140: {  	_ =	swait.ge [sflag:s21], $0x4400  }
0x141: {  	[sflag:s21] =	ssyncset.done $0x0  }
0x142: {  	s29 =	simm.s32 $0x0;
	[sflag:s21] =	ssyncadd.s32 $0xFFFFBC00  }
0x143: {  	v2 =	vld [tilespmem:s29+$0x0]  }
0x144: {  	v4 =	vld [tilespmem:s29+$0x10]  }
0x145: {  	v3 =	vld [tilespmem:s29+$0x20]  }
0x146: {  	v1 =	vld [tilespmem:s29+$0x30]  }
0x147: {  	v0 =	vld [tilespmem:s29+$0x40]  }
0x148: {  	v5 =	vshll.u32 v2, $0x10;
	v2 =	vld [tilespmem:s29+$0x50]  }
0x149: {  	s30 =	simm.s32 $0x200;
	[tilespmem:s29+$0x0] =	vst v5;
	v5 =	vshll.u32 v4, $0x10;
	v4 =	vld [tilespmem:s29+$0x60]  }
.LBB2_20:
0x14a: {  	s31 =	sshra.s32 s30, $0x2;
	p0 =	sne.s32 s30, $0x10E00;
	[tilespmem:s29+$0x10] =	vst v5;
	v3 =	vshll.u32 v3, $0x10;
	v5 =	vld [tilespmem:s29+$0x70]  }
0x14b: {  	v6 =	vld [tilespmem:s31+$0x0];
	[tilespmem:s29+$0x20] =	vst v3;
	v1 =	vshll.u32 v1, $0x10  }
0x14c: {  	v7 =	vld [tilespmem:s31+$0x10];
	[tilespmem:s29+$0x30] =	vst v1;
	v0 =	vshll.u32 v0, $0x10  }
.Ltmp9:
0x14d: {  	v3 =	vld [tilespmem:s31+$0x20];
	[tilespmem:s29+$0x40] =	vst v0;
	v0 =	vshll.u32 v2, $0x10;
	(pc) =	sbr.rel @p0 .LBB2_20-.Ltmp9, $4  }
0x14e: {  	v1 =	vld [tilespmem:s31+$0x30];
	[tilespmem:s29+$0x50] =	vst v0;
	v2 =	vshll.u32 v4, $0x10  }
0x14f: {  	v0 =	vld [tilespmem:s31+$0x40];
	[tilespmem:s29+$0x60] =	vst v2;
	v4 =	vshll.u32 v5, $0x10  }
0x150: {  	v5 =	vshll.u32 v6, $0x10;
	v2 =	vld [tilespmem:s31+$0x50];
	[tilespmem:s29+$0x70] =	vst v4;
	s29 =	smov.u32 s31  }
0x151: {  	s30 =	sadd.s32 $0x200, s30;
	[tilespmem:s29+$0x0] =	vst v5;
	v5 =	vshll.u32 v7, $0x10;
	v4 =	vld [tilespmem:s29+$0x60]  }
0x152: {  	[tilespmem:s29+$0x10] =	vst v5;
	v3 =	vshll.u32 v3, $0x10;
	v5 =	vld [tilespmem:s29+$0x70]  }
0x153: {  	[tilespmem:s29+$0x20] =	vst v3;
	v1 =	vshll.u32 v1, $0x10  }
0x154: {  	[tilespmem:s29+$0x30] =	vst v1;
	v0 =	vshll.u32 v0, $0x10  }
0x155: {  	[tilespmem:s29+$0x40] =	vst v0;
	v0 =	vshll.u32 v2, $0x10  }
0x156: {  	[tilespmem:s29+$0x50] =	vst v0;
	v0 =	vshll.u32 v4, $0x10  }
0x157: {  	[tilespmem:s29+$0x60] =	vst v0;
	v0 =	vshll.u32 v5, $0x10  }
0x158: {  	s30 =	rddreg [dreg:$0x13];
	[tilespmem:s29+$0x70] =	vst v0;
	s29 =	simm.s32 $0x0  }
0x159: {  	[hbm4b:s30+s29] =	stream.linear.scatter [tilespmem:s29], [sflag:$0x4], $0x4400, $0x38;
	[tilespmem:$0xCC00] =	vst v63  }
0x15a: {  	_ =	swait.ge [sflag:s22], $0x4400  }
0x15b: {  	[sflag:s22] =	ssyncset.done $0x0  }
0x15c: {  	s30 =	rddreg [dreg:$0x18];
	[sflag:s22] =	ssyncadd.s32 $0xFFFFBC00  }
0x15d: {  	[tilespmem:s29], [sflag:$0x1] =	stream.linear.gather [hbm4b:s30+s29], $0x4400, $0x38;
	[tilespmem:$0xCC00] =	vst v63  }
0x15e: {  	_ =	swait.ge [sflag:s23], $0x4400  }
0x15f: {  	[sflag:s23] =	ssyncset.done $0x0  }
0x160: {  	s29 =	simm.s32 $0x0;
	[sflag:s23] =	ssyncadd.s32 $0xFFFFBC00  }
0x161: {  	v2 =	vld [tilespmem:s29+$0x4400]  }
0x162: {  	v4 =	vld [tilespmem:s29+$0x4410]  }
0x163: {  	v3 =	vld [tilespmem:s29+$0x4420]  }
0x164: {  	v1 =	vld [tilespmem:s29+$0x4430]  }
0x165: {  	v0 =	vld [tilespmem:s29+$0x4440]  }
0x166: {  	v5 =	vshll.u32 v2, $0x10;
	v2 =	vld [tilespmem:s29+$0x4450]  }
0x167: {  	s30 =	simm.s32 $0x200;
	[tilespmem:s29+$0x4400] =	vst v5;
	v5 =	vshll.u32 v4, $0x10;
	v4 =	vld [tilespmem:s29+$0x4460]  }
.LBB2_22:
0x168: {  	s31 =	sshra.s32 s30, $0x2;
	p0 =	sne.s32 s30, $0x10E00;
	[tilespmem:s29+$0x4410] =	vst v5;
	v3 =	vshll.u32 v3, $0x10;
	v5 =	vld [tilespmem:s29+$0x4470]  }
0x169: {  	v6 =	vld [tilespmem:s31+$0x4400];
	[tilespmem:s29+$0x4420] =	vst v3;
	v1 =	vshll.u32 v1, $0x10  }
0x16a: {  	v7 =	vld [tilespmem:s31+$0x4410];
	[tilespmem:s29+$0x4430] =	vst v1;
	v0 =	vshll.u32 v0, $0x10  }
.Ltmp10:
0x16b: {  	v3 =	vld [tilespmem:s31+$0x4420];
	[tilespmem:s29+$0x4440] =	vst v0;
	v0 =	vshll.u32 v2, $0x10;
	(pc) =	sbr.rel @p0 .LBB2_22-.Ltmp10, $4  }
0x16c: {  	v1 =	vld [tilespmem:s31+$0x4430];
	[tilespmem:s29+$0x4450] =	vst v0;
	v2 =	vshll.u32 v4, $0x10  }
0x16d: {  	v0 =	vld [tilespmem:s31+$0x4440];
	[tilespmem:s29+$0x4460] =	vst v2;
	v4 =	vshll.u32 v5, $0x10  }
0x16e: {  	v5 =	vshll.u32 v6, $0x10;
	v2 =	vld [tilespmem:s31+$0x4450];
	[tilespmem:s29+$0x4470] =	vst v4;
	s29 =	smov.u32 s31  }
0x16f: {  	s30 =	sadd.s32 $0x200, s30;
	[tilespmem:s29+$0x4400] =	vst v5;
	v5 =	vshll.u32 v7, $0x10;
	v4 =	vld [tilespmem:s29+$0x4460]  }
0x170: {  	[tilespmem:s29+$0x4410] =	vst v5;
	v3 =	vshll.u32 v3, $0x10;
	v5 =	vld [tilespmem:s29+$0x4470]  }
0x171: {  	[tilespmem:s29+$0x4420] =	vst v3;
	v1 =	vshll.u32 v1, $0x10  }
0x172: {  	[tilespmem:s29+$0x4430] =	vst v1;
	v0 =	vshll.u32 v0, $0x10  }
0x173: {  	[tilespmem:s29+$0x4440] =	vst v0;
	v0 =	vshll.u32 v2, $0x10  }
0x174: {  	[tilespmem:s29+$0x4450] =	vst v0;
	v0 =	vshll.u32 v4, $0x10  }
0x175: {  	[tilespmem:s29+$0x4460] =	vst v0;
	v0 =	vshll.u32 v5, $0x10  }
0x176: {  	s30 =	rddreg [dreg:$0x15];
	[tilespmem:s29+$0x4470] =	vst v0;
	s29 =	simm.s32 $0x0  }
0x177: {  	[hbm4b:s30+s29] =	stream.linear.scatter [tilespmem:s19], [sflag:$0x5], $0x4400, $0x38;
	[tilespmem:$0xCC00] =	vst v63  }
0x178: {  	_ =	swait.ge [sflag:s24], $0x4400  }
0x179: {  	[sflag:s24] =	ssyncset.done $0x0  }
0x17a: {  	s30 =	rddreg [dreg:$0x1a];
	[sflag:s24] =	ssyncadd.s32 $0xFFFFBC00  }
0x17b: {  	[tilespmem:s19], [sflag:$0x2] =	stream.linear.gather [hbm4b:s30+s29], $0x4400, $0x38;
	[tilespmem:$0xCC00] =	vst v63  }
0x17c: {  	_ =	swait.ge [sflag:s25], $0x4400  }
0x17d: {  	[sflag:s25] =	ssyncset.done $0x0  }
0x17e: {  	s29 =	simm.s32 $0x0;
	[sflag:s25] =	ssyncadd.s32 $0xFFFFBC00  }
0x17f: {  	v2 =	vld [tilespmem:s29+$0x8800]  }
0x180: {  	v4 =	vld [tilespmem:s29+$0x8810]  }
0x181: {  	v3 =	vld [tilespmem:s29+$0x8820]  }
0x182: {  	v1 =	vld [tilespmem:s29+$0x8830]  }
0x183: {  	v0 =	vld [tilespmem:s29+$0x8840]  }
0x184: {  	v5 =	vshll.u32 v2, $0x10;
	v2 =	vld [tilespmem:s29+$0x8850]  }
0x185: {  	s30 =	simm.s32 $0x200;
	[tilespmem:s29+$0x8800] =	vst v5;
	v5 =	vshll.u32 v4, $0x10;
	v4 =	vld [tilespmem:s29+$0x8860]  }
.LBB2_24:
0x186: {  	s31 =	sshra.s32 s30, $0x2;
	p0 =	sne.s32 s30, $0x10E00;
	[tilespmem:s29+$0x8810] =	vst v5;
	v3 =	vshll.u32 v3, $0x10;
	v5 =	vld [tilespmem:s29+$0x8870]  }
0x187: {  	v6 =	vld [tilespmem:s31+$0x8800];
	[tilespmem:s29+$0x8820] =	vst v3;
	v1 =	vshll.u32 v1, $0x10  }
0x188: {  	v7 =	vld [tilespmem:s31+$0x8810];
	[tilespmem:s29+$0x8830] =	vst v1;
	v0 =	vshll.u32 v0, $0x10  }
.Ltmp11:
0x189: {  	v3 =	vld [tilespmem:s31+$0x8820];
	[tilespmem:s29+$0x8840] =	vst v0;
	v0 =	vshll.u32 v2, $0x10;
	(pc) =	sbr.rel @p0 .LBB2_24-.Ltmp11, $4  }
0x18a: {  	v1 =	vld [tilespmem:s31+$0x8830];
	[tilespmem:s29+$0x8850] =	vst v0;
	v2 =	vshll.u32 v4, $0x10  }
0x18b: {  	v0 =	vld [tilespmem:s31+$0x8840];
	[tilespmem:s29+$0x8860] =	vst v2;
	v4 =	vshll.u32 v5, $0x10  }
0x18c: {  	v5 =	vshll.u32 v6, $0x10;
	v2 =	vld [tilespmem:s31+$0x8850];
	[tilespmem:s29+$0x8870] =	vst v4;
	s29 =	smov.u32 s31  }
0x18d: {  	s30 =	sadd.s32 $0x200, s30;
	[tilespmem:s29+$0x8800] =	vst v5;
	v5 =	vshll.u32 v7, $0x10;
	v4 =	vld [tilespmem:s29+$0x8860]  }
0x18e: {  	[tilespmem:s29+$0x8810] =	vst v5;
	v3 =	vshll.u32 v3, $0x10;
	v5 =	vld [tilespmem:s29+$0x8870]  }
0x18f: {  	[tilespmem:s29+$0x8820] =	vst v3;
	v1 =	vshll.u32 v1, $0x10  }
0x190: {  	[tilespmem:s29+$0x8830] =	vst v1;
	v0 =	vshll.u32 v0, $0x10  }
0x191: {  	[tilespmem:s29+$0x8840] =	vst v0;
	v0 =	vshll.u32 v2, $0x10  }
0x192: {  	[tilespmem:s29+$0x8850] =	vst v0;
	v0 =	vshll.u32 v4, $0x10  }
0x193: {  	[tilespmem:s29+$0x8860] =	vst v0;
	v0 =	vshll.u32 v5, $0x10  }
0x194: {  	s30 =	rddreg [dreg:$0x17];
	[tilespmem:s29+$0x8870] =	vst v0;
	s29 =	simm.s32 $0x0  }
0x195: {  	[hbm4b:s30+s29] =	stream.linear.scatter [tilespmem:s20], [sflag:$0x6], $0x4400, $0x38;
	[tilespmem:$0xCC00] =	vst v63  }
0x196: {  	_ =	swait.ge [sflag:s26], $0x4400  }
0x197: {  	[sflag:s26] =	ssyncset.done $0x0  }
0x198: {  	s30 =	rddreg [dreg:$0x1c];
	[sflag:s26] =	ssyncadd.s32 $0xFFFFBC00  }
0x199: {  	[tilespmem:s20], [sflag:$0x3] =	stream.linear.gather [hbm4b:s30+s29], $0x4400, $0x38;
	[tilespmem:$0xCC00] =	vst v63  }
0x19a: {  	_ =	swait.ge [sflag:s21], $0x4400  }
0x19b: {  	[sflag:s21] =	ssyncset.done $0x0  }
0x19c: {  	s29 =	simm.s32 $0x0;
	[sflag:s21] =	ssyncadd.s32 $0xFFFFBC00  }
0x19d: {  	v2 =	vld [tilespmem:s29+$0x0]  }
0x19e: {  	v4 =	vld [tilespmem:s29+$0x10]  }
0x19f: {  	v3 =	vld [tilespmem:s29+$0x20]  }
0x1a0: {  	v1 =	vld [tilespmem:s29+$0x30]  }
0x1a1: {  	v0 =	vld [tilespmem:s29+$0x40]  }
0x1a2: {  	v5 =	vshll.u32 v2, $0x10;
	v2 =	vld [tilespmem:s29+$0x50]  }
0x1a3: {  	s30 =	simm.s32 $0x200;
	[tilespmem:s29+$0x0] =	vst v5;
	v5 =	vshll.u32 v4, $0x10;
	v4 =	vld [tilespmem:s29+$0x60]  }
.LBB2_26:
0x1a4: {  	s31 =	sshra.s32 s30, $0x2;
	p0 =	sne.s32 s30, $0x10E00;
	[tilespmem:s29+$0x10] =	vst v5;
	v3 =	vshll.u32 v3, $0x10;
	v5 =	vld [tilespmem:s29+$0x70]  }
0x1a5: {  	v6 =	vld [tilespmem:s31+$0x0];
	[tilespmem:s29+$0x20] =	vst v3;
	v1 =	vshll.u32 v1, $0x10  }
0x1a6: {  	v7 =	vld [tilespmem:s31+$0x10];
	[tilespmem:s29+$0x30] =	vst v1;
	v0 =	vshll.u32 v0, $0x10  }
.Ltmp12:
0x1a7: {  	v3 =	vld [tilespmem:s31+$0x20];
	[tilespmem:s29+$0x40] =	vst v0;
	v0 =	vshll.u32 v2, $0x10;
	(pc) =	sbr.rel @p0 .LBB2_26-.Ltmp12, $4  }
0x1a8: {  	v1 =	vld [tilespmem:s31+$0x30];
	[tilespmem:s29+$0x50] =	vst v0;
	v2 =	vshll.u32 v4, $0x10  }
0x1a9: {  	v0 =	vld [tilespmem:s31+$0x40];
	[tilespmem:s29+$0x60] =	vst v2;
	v4 =	vshll.u32 v5, $0x10  }
0x1aa: {  	v5 =	vshll.u32 v6, $0x10;
	v2 =	vld [tilespmem:s31+$0x50];
	[tilespmem:s29+$0x70] =	vst v4;
	s29 =	smov.u32 s31  }
0x1ab: {  	s30 =	sadd.s32 $0x200, s30;
	[tilespmem:s29+$0x0] =	vst v5;
	v5 =	vshll.u32 v7, $0x10;
	v4 =	vld [tilespmem:s29+$0x60]  }
0x1ac: {  	[tilespmem:s29+$0x10] =	vst v5;
	v3 =	vshll.u32 v3, $0x10;
	v5 =	vld [tilespmem:s29+$0x70]  }
0x1ad: {  	[tilespmem:s29+$0x20] =	vst v3;
	v1 =	vshll.u32 v1, $0x10  }
0x1ae: {  	[tilespmem:s29+$0x30] =	vst v1;
	v0 =	vshll.u32 v0, $0x10  }
0x1af: {  	[tilespmem:s29+$0x40] =	vst v0;
	v0 =	vshll.u32 v2, $0x10  }
0x1b0: {  	[tilespmem:s29+$0x50] =	vst v0;
	v0 =	vshll.u32 v4, $0x10  }
0x1b1: {  	[tilespmem:s29+$0x60] =	vst v0;
	v0 =	vshll.u32 v5, $0x10  }
0x1b2: {  	s30 =	rddreg [dreg:$0x19];
	[tilespmem:s29+$0x70] =	vst v0;
	s29 =	simm.s32 $0x0  }
0x1b3: {  	[hbm4b:s30+s29] =	stream.linear.scatter [tilespmem:s29], [sflag:$0x4], $0x4400, $0x38;
	[tilespmem:$0xCC00] =	vst v63  }
0x1b4: {  	_ =	swait.ge [sflag:s22], $0x4400  }
0x1b5: {  	[sflag:s22] =	ssyncset.done $0x0  }
0x1b6: {  	s30 =	rddreg [dreg:$0x1e];
	[sflag:s22] =	ssyncadd.s32 $0xFFFFBC00  }
0x1b7: {  	[tilespmem:s29], [sflag:$0x1] =	stream.linear.gather [hbm4b:s30+s29], $0x4400, $0x38;
	[tilespmem:$0xCC00] =	vst v63  }
0x1b8: {  	_ =	swait.ge [sflag:s23], $0x4400  }
0x1b9: {  	[sflag:s23] =	ssyncset.done $0x0  }
0x1ba: {  	s29 =	simm.s32 $0x0;
	[sflag:s23] =	ssyncadd.s32 $0xFFFFBC00  }
0x1bb: {  	v2 =	vld [tilespmem:s29+$0x4400]  }
0x1bc: {  	v4 =	vld [tilespmem:s29+$0x4410]  }
0x1bd: {  	v3 =	vld [tilespmem:s29+$0x4420]  }
0x1be: {  	v1 =	vld [tilespmem:s29+$0x4430]  }
0x1bf: {  	v0 =	vld [tilespmem:s29+$0x4440]  }
0x1c0: {  	v5 =	vshll.u32 v2, $0x10;
	v2 =	vld [tilespmem:s29+$0x4450]  }
0x1c1: {  	s30 =	simm.s32 $0x200;
	[tilespmem:s29+$0x4400] =	vst v5;
	v5 =	vshll.u32 v4, $0x10;
	v4 =	vld [tilespmem:s29+$0x4460]  }
.LBB2_28:
0x1c2: {  	s31 =	sshra.s32 s30, $0x2;
	p0 =	sne.s32 s30, $0x10E00;
	[tilespmem:s29+$0x4410] =	vst v5;
	v3 =	vshll.u32 v3, $0x10;
	v5 =	vld [tilespmem:s29+$0x4470]  }
0x1c3: {  	v6 =	vld [tilespmem:s31+$0x4400];
	[tilespmem:s29+$0x4420] =	vst v3;
	v1 =	vshll.u32 v1, $0x10  }
0x1c4: {  	v7 =	vld [tilespmem:s31+$0x4410];
	[tilespmem:s29+$0x4430] =	vst v1;
	v0 =	vshll.u32 v0, $0x10  }
.Ltmp13:
0x1c5: {  	v3 =	vld [tilespmem:s31+$0x4420];
	[tilespmem:s29+$0x4440] =	vst v0;
	v0 =	vshll.u32 v2, $0x10;
	(pc) =	sbr.rel @p0 .LBB2_28-.Ltmp13, $4  }
0x1c6: {  	v1 =	vld [tilespmem:s31+$0x4430];
	[tilespmem:s29+$0x4450] =	vst v0;
	v2 =	vshll.u32 v4, $0x10  }
0x1c7: {  	v0 =	vld [tilespmem:s31+$0x4440];
	[tilespmem:s29+$0x4460] =	vst v2;
	v4 =	vshll.u32 v5, $0x10  }
0x1c8: {  	v5 =	vshll.u32 v6, $0x10;
	v2 =	vld [tilespmem:s31+$0x4450];
	[tilespmem:s29+$0x4470] =	vst v4;
	s29 =	smov.u32 s31  }
0x1c9: {  	s30 =	sadd.s32 $0x200, s30;
	[tilespmem:s29+$0x4400] =	vst v5;
	v5 =	vshll.u32 v7, $0x10;
	v4 =	vld [tilespmem:s29+$0x4460]  }
0x1ca: {  	[tilespmem:s29+$0x4410] =	vst v5;
	v3 =	vshll.u32 v3, $0x10;
	v5 =	vld [tilespmem:s29+$0x4470]  }
0x1cb: {  	[tilespmem:s29+$0x4420] =	vst v3;
	v1 =	vshll.u32 v1, $0x10  }
0x1cc: {  	[tilespmem:s29+$0x4430] =	vst v1;
	v0 =	vshll.u32 v0, $0x10  }
0x1cd: {  	[tilespmem:s29+$0x4440] =	vst v0;
	v0 =	vshll.u32 v2, $0x10  }
0x1ce: {  	[tilespmem:s29+$0x4450] =	vst v0;
	v0 =	vshll.u32 v4, $0x10  }
0x1cf: {  	[tilespmem:s29+$0x4460] =	vst v0;
	v0 =	vshll.u32 v5, $0x10  }
0x1d0: {  	s30 =	rddreg [dreg:$0x1b];
	[tilespmem:s29+$0x4470] =	vst v0;
	s29 =	simm.s32 $0x0  }
0x1d1: {  	[hbm4b:s30+s29] =	stream.linear.scatter [tilespmem:s19], [sflag:$0x5], $0x4400, $0x38;
	[tilespmem:$0xCC00] =	vst v63  }
0x1d2: {  	_ =	swait.ge [sflag:s24], $0x4400  }
0x1d3: {  	[sflag:s24] =	ssyncset.done $0x0  }
0x1d4: {  	[sflag:s24] =	ssyncadd.s32 $0xFFFFBC00  }
0x1d5: {  	[tilespmem:s19], [sflag:$0x2] =	stream.linear.gather [hbm4b:s2+s29], $0x4400, $0x38;
	[tilespmem:$0xCC00] =	vst v63  }
0x1d6: {  	_ =	swait.ge [sflag:s25], $0x4400  }
0x1d7: {  	[sflag:s25] =	ssyncset.done $0x0  }
0x1d8: {  	s29 =	simm.s32 $0x0;
	[sflag:s25] =	ssyncadd.s32 $0xFFFFBC00  }
0x1d9: {  	v2 =	vld [tilespmem:s29+$0x8800]  }
0x1da: {  	v4 =	vld [tilespmem:s29+$0x8810]  }
0x1db: {  	v3 =	vld [tilespmem:s29+$0x8820]  }
0x1dc: {  	v1 =	vld [tilespmem:s29+$0x8830]  }
0x1dd: {  	v0 =	vld [tilespmem:s29+$0x8840]  }
0x1de: {  	v5 =	vshll.u32 v2, $0x10;
	v2 =	vld [tilespmem:s29+$0x8850]  }
0x1df: {  	s30 =	simm.s32 $0x200;
	[tilespmem:s29+$0x8800] =	vst v5;
	v5 =	vshll.u32 v4, $0x10;
	v4 =	vld [tilespmem:s29+$0x8860]  }
.LBB2_30:
0x1e0: {  	s31 =	sshra.s32 s30, $0x2;
	p0 =	sne.s32 s30, $0x10E00;
	[tilespmem:s29+$0x8810] =	vst v5;
	v3 =	vshll.u32 v3, $0x10;
	v5 =	vld [tilespmem:s29+$0x8870]  }
0x1e1: {  	v6 =	vld [tilespmem:s31+$0x8800];
	[tilespmem:s29+$0x8820] =	vst v3;
	v1 =	vshll.u32 v1, $0x10  }
0x1e2: {  	v7 =	vld [tilespmem:s31+$0x8810];
	[tilespmem:s29+$0x8830] =	vst v1;
	v0 =	vshll.u32 v0, $0x10  }
.Ltmp14:
0x1e3: {  	v3 =	vld [tilespmem:s31+$0x8820];
	[tilespmem:s29+$0x8840] =	vst v0;
	v0 =	vshll.u32 v2, $0x10;
	(pc) =	sbr.rel @p0 .LBB2_30-.Ltmp14, $4  }
0x1e4: {  	v1 =	vld [tilespmem:s31+$0x8830];
	[tilespmem:s29+$0x8850] =	vst v0;
	v2 =	vshll.u32 v4, $0x10  }
0x1e5: {  	v0 =	vld [tilespmem:s31+$0x8840];
	[tilespmem:s29+$0x8860] =	vst v2;
	v4 =	vshll.u32 v5, $0x10  }
0x1e6: {  	v5 =	vshll.u32 v6, $0x10;
	v2 =	vld [tilespmem:s31+$0x8850];
	[tilespmem:s29+$0x8870] =	vst v4;
	s29 =	smov.u32 s31  }
0x1e7: {  	s30 =	sadd.s32 $0x200, s30;
	[tilespmem:s29+$0x8800] =	vst v5;
	v5 =	vshll.u32 v7, $0x10;
	v4 =	vld [tilespmem:s29+$0x8860]  }
0x1e8: {  	[tilespmem:s29+$0x8810] =	vst v5;
	v3 =	vshll.u32 v3, $0x10;
	v5 =	vld [tilespmem:s29+$0x8870]  }
0x1e9: {  	[tilespmem:s29+$0x8820] =	vst v3;
	v1 =	vshll.u32 v1, $0x10  }
0x1ea: {  	[tilespmem:s29+$0x8830] =	vst v1;
	v0 =	vshll.u32 v0, $0x10  }
0x1eb: {  	[tilespmem:s29+$0x8840] =	vst v0;
	v0 =	vshll.u32 v2, $0x10  }
0x1ec: {  	[tilespmem:s29+$0x8850] =	vst v0;
	v0 =	vshll.u32 v4, $0x10  }
0x1ed: {  	[tilespmem:s29+$0x8860] =	vst v0;
	v0 =	vshll.u32 v5, $0x10  }
0x1ee: {  	s30 =	rddreg [dreg:$0x1d];
	[tilespmem:s29+$0x8870] =	vst v0;
	s29 =	simm.s32 $0x0  }
0x1ef: {  	[hbm4b:s30+s29] =	stream.linear.scatter [tilespmem:s20], [sflag:$0x6], $0x4400, $0x38;
	[tilespmem:$0xCC00] =	vst v63  }
0x1f0: {  	_ =	swait.ge [sflag:s26], $0x4400  }
0x1f1: {  	[sflag:s26] =	ssyncset.done $0x0  }
0x1f2: {  	[sflag:s26] =	ssyncadd.s32 $0xFFFFBC00  }
0x1f3: {  	[tilespmem:s20], [sflag:$0x3] =	stream.linear.gather [hbm4b:s4+s29], $0x4400, $0x38;
	[tilespmem:$0xCC00] =	vst v63  }
0x1f4: {  	_ =	swait.ge [sflag:s21], $0x4400  }
0x1f5: {  	[sflag:s21] =	ssyncset.done $0x0  }
0x1f6: {  	s29 =	simm.s32 $0x0;
	[sflag:s21] =	ssyncadd.s32 $0xFFFFBC00  }
0x1f7: {  	v2 =	vld [tilespmem:s29+$0x0]  }
0x1f8: {  	v4 =	vld [tilespmem:s29+$0x10]  }
0x1f9: {  	v3 =	vld [tilespmem:s29+$0x20]  }
0x1fa: {  	v1 =	vld [tilespmem:s29+$0x30]  }
0x1fb: {  	v0 =	vld [tilespmem:s29+$0x40]  }
0x1fc: {  	v5 =	vshll.u32 v2, $0x10;
	v2 =	vld [tilespmem:s29+$0x50]  }
0x1fd: {  	s30 =	simm.s32 $0x200;
	[tilespmem:s29+$0x0] =	vst v5;
	v5 =	vshll.u32 v4, $0x10;
	v4 =	vld [tilespmem:s29+$0x60]  }
.LBB2_32:
0x1fe: {  	s31 =	sshra.s32 s30, $0x2;
	p0 =	sne.s32 s30, $0x10E00;
	[tilespmem:s29+$0x10] =	vst v5;
	v3 =	vshll.u32 v3, $0x10;
	v5 =	vld [tilespmem:s29+$0x70]  }
0x1ff: {  	v6 =	vld [tilespmem:s31+$0x0];
	[tilespmem:s29+$0x20] =	vst v3;
	v1 =	vshll.u32 v1, $0x10  }
0x200: {  	v7 =	vld [tilespmem:s31+$0x10];
	[tilespmem:s29+$0x30] =	vst v1;
	v0 =	vshll.u32 v0, $0x10  }
.Ltmp15:
0x201: {  	v3 =	vld [tilespmem:s31+$0x20];
	[tilespmem:s29+$0x40] =	vst v0;
	v0 =	vshll.u32 v2, $0x10;
	(pc) =	sbr.rel @p0 .LBB2_32-.Ltmp15, $4  }
0x202: {  	v1 =	vld [tilespmem:s31+$0x30];
	[tilespmem:s29+$0x50] =	vst v0;
	v2 =	vshll.u32 v4, $0x10  }
0x203: {  	v0 =	vld [tilespmem:s31+$0x40];
	[tilespmem:s29+$0x60] =	vst v2;
	v4 =	vshll.u32 v5, $0x10  }
0x204: {  	v5 =	vshll.u32 v6, $0x10;
	v2 =	vld [tilespmem:s31+$0x50];
	[tilespmem:s29+$0x70] =	vst v4;
	s29 =	smov.u32 s31  }
0x205: {  	s30 =	sadd.s32 $0x200, s30;
	[tilespmem:s29+$0x0] =	vst v5;
	v5 =	vshll.u32 v7, $0x10;
	v4 =	vld [tilespmem:s29+$0x60]  }
0x206: {  	[tilespmem:s29+$0x10] =	vst v5;
	v3 =	vshll.u32 v3, $0x10;
	v5 =	vld [tilespmem:s29+$0x70]  }
0x207: {  	[tilespmem:s29+$0x20] =	vst v3;
	v1 =	vshll.u32 v1, $0x10  }
0x208: {  	[tilespmem:s29+$0x30] =	vst v1;
	v0 =	vshll.u32 v0, $0x10  }
0x209: {  	[tilespmem:s29+$0x40] =	vst v0;
	v0 =	vshll.u32 v2, $0x10  }
0x20a: {  	[tilespmem:s29+$0x50] =	vst v0;
	v0 =	vshll.u32 v4, $0x10  }
0x20b: {  	[tilespmem:s29+$0x60] =	vst v0;
	v0 =	vshll.u32 v5, $0x10  }
0x20c: {  	[tilespmem:s29+$0x70] =	vst v0;
	s29 =	simm.s32 $0x0  }
0x20d: {  	[hbm4b:s0+s29] =	stream.linear.scatter [tilespmem:s29], [sflag:$0x4], $0x4400, $0x38;
	[tilespmem:$0xCC00] =	vst v63  }
0x20e: {  	_ =	swait.ge [sflag:s22], $0x4400  }
0x20f: {  	[sflag:s22] =	ssyncset.done $0x0  }
0x210: {  	[sflag:s22] =	ssyncadd.s32 $0xFFFFBC00  }
0x211: {  	[tilespmem:s29], [sflag:$0x1] =	stream.linear.gather [hbm4b:s6+s29], $0x4400, $0x38;
	[tilespmem:$0xCC00] =	vst v63  }
0x212: {  	_ =	swait.ge [sflag:s23], $0x4400  }
0x213: {  	[sflag:s23] =	ssyncset.done $0x0  }
0x214: {  	s29 =	simm.s32 $0x0;
	[sflag:s23] =	ssyncadd.s32 $0xFFFFBC00  }
0x215: {  	v2 =	vld [tilespmem:s29+$0x4400]  }
0x216: {  	v4 =	vld [tilespmem:s29+$0x4410]  }
0x217: {  	v3 =	vld [tilespmem:s29+$0x4420]  }
0x218: {  	v1 =	vld [tilespmem:s29+$0x4430]  }
0x219: {  	v0 =	vld [tilespmem:s29+$0x4440]  }
0x21a: {  	v5 =	vshll.u32 v2, $0x10;
	v2 =	vld [tilespmem:s29+$0x4450]  }
0x21b: {  	s30 =	simm.s32 $0x200;
	[tilespmem:s29+$0x4400] =	vst v5;
	v5 =	vshll.u32 v4, $0x10;
	v4 =	vld [tilespmem:s29+$0x4460]  }
.LBB2_34:
0x21c: {  	s31 =	sshra.s32 s30, $0x2;
	p0 =	sne.s32 s30, $0x10E00;
	[tilespmem:s29+$0x4410] =	vst v5;
	v3 =	vshll.u32 v3, $0x10;
	v5 =	vld [tilespmem:s29+$0x4470]  }
0x21d: {  	v6 =	vld [tilespmem:s31+$0x4400];
	[tilespmem:s29+$0x4420] =	vst v3;
	v1 =	vshll.u32 v1, $0x10  }
0x21e: {  	v7 =	vld [tilespmem:s31+$0x4410];
	[tilespmem:s29+$0x4430] =	vst v1;
	v0 =	vshll.u32 v0, $0x10  }
.Ltmp16:
0x21f: {  	v3 =	vld [tilespmem:s31+$0x4420];
	[tilespmem:s29+$0x4440] =	vst v0;
	v0 =	vshll.u32 v2, $0x10;
	(pc) =	sbr.rel @p0 .LBB2_34-.Ltmp16, $4  }
0x220: {  	v1 =	vld [tilespmem:s31+$0x4430];
	[tilespmem:s29+$0x4450] =	vst v0;
	v2 =	vshll.u32 v4, $0x10  }
0x221: {  	v0 =	vld [tilespmem:s31+$0x4440];
	[tilespmem:s29+$0x4460] =	vst v2;
	v4 =	vshll.u32 v5, $0x10  }
0x222: {  	v5 =	vshll.u32 v6, $0x10;
	v2 =	vld [tilespmem:s31+$0x4450];
	[tilespmem:s29+$0x4470] =	vst v4;
	s29 =	smov.u32 s31  }
0x223: {  	s30 =	sadd.s32 $0x200, s30;
	[tilespmem:s29+$0x4400] =	vst v5;
	v5 =	vshll.u32 v7, $0x10;
	v4 =	vld [tilespmem:s29+$0x4460]  }
0x224: {  	[tilespmem:s29+$0x4410] =	vst v5;
	v3 =	vshll.u32 v3, $0x10;
	v5 =	vld [tilespmem:s29+$0x4470]  }
0x225: {  	[tilespmem:s29+$0x4420] =	vst v3;
	v1 =	vshll.u32 v1, $0x10  }
0x226: {  	[tilespmem:s29+$0x4430] =	vst v1;
	v0 =	vshll.u32 v0, $0x10  }
0x227: {  	[tilespmem:s29+$0x4440] =	vst v0;
	v0 =	vshll.u32 v2, $0x10  }
0x228: {  	[tilespmem:s29+$0x4450] =	vst v0;
	v0 =	vshll.u32 v4, $0x10  }
0x229: {  	[tilespmem:s29+$0x4460] =	vst v0;
	v0 =	vshll.u32 v5, $0x10  }
0x22a: {  	[tilespmem:s29+$0x4470] =	vst v0;
	s29 =	simm.s32 $0x0  }
0x22b: {  	[hbm4b:s3+s29] =	stream.linear.scatter [tilespmem:s19], [sflag:$0x5], $0x4400, $0x38;
	[tilespmem:$0xCC00] =	vst v63  }
0x22c: {  	_ =	swait.ge [sflag:s24], $0x4400  }
0x22d: {  	[sflag:s24] =	ssyncset.done $0x0  }
0x22e: {  	[sflag:s24] =	ssyncadd.s32 $0xFFFFBC00  }
0x22f: {  	[tilespmem:s19], [sflag:$0x2] =	stream.linear.gather [hbm4b:s8+s29], $0x4400, $0x38;
	[tilespmem:$0xCC00] =	vst v63  }
0x230: {  	_ =	swait.ge [sflag:s25], $0x4400  }
0x231: {  	[sflag:s25] =	ssyncset.done $0x0  }
0x232: {  	s29 =	simm.s32 $0x0;
	[sflag:s25] =	ssyncadd.s32 $0xFFFFBC00  }
0x233: {  	v2 =	vld [tilespmem:s29+$0x8800]  }
0x234: {  	v4 =	vld [tilespmem:s29+$0x8810]  }
0x235: {  	v3 =	vld [tilespmem:s29+$0x8820]  }
0x236: {  	v1 =	vld [tilespmem:s29+$0x8830]  }
0x237: {  	v0 =	vld [tilespmem:s29+$0x8840]  }
0x238: {  	v5 =	vshll.u32 v2, $0x10;
	v2 =	vld [tilespmem:s29+$0x8850]  }
0x239: {  	s30 =	simm.s32 $0x200;
	[tilespmem:s29+$0x8800] =	vst v5;
	v5 =	vshll.u32 v4, $0x10;
	v4 =	vld [tilespmem:s29+$0x8860]  }
.LBB2_36:
0x23a: {  	s31 =	sshra.s32 s30, $0x2;
	p0 =	sne.s32 s30, $0x10E00;
	[tilespmem:s29+$0x8810] =	vst v5;
	v3 =	vshll.u32 v3, $0x10;
	v5 =	vld [tilespmem:s29+$0x8870]  }
0x23b: {  	v6 =	vld [tilespmem:s31+$0x8800];
	[tilespmem:s29+$0x8820] =	vst v3;
	v1 =	vshll.u32 v1, $0x10  }
0x23c: {  	v7 =	vld [tilespmem:s31+$0x8810];
	[tilespmem:s29+$0x8830] =	vst v1;
	v0 =	vshll.u32 v0, $0x10  }
.Ltmp17:
0x23d: {  	v3 =	vld [tilespmem:s31+$0x8820];
	[tilespmem:s29+$0x8840] =	vst v0;
	v0 =	vshll.u32 v2, $0x10;
	(pc) =	sbr.rel @p0 .LBB2_36-.Ltmp17, $4  }
0x23e: {  	v1 =	vld [tilespmem:s31+$0x8830];
	[tilespmem:s29+$0x8850] =	vst v0;
	v2 =	vshll.u32 v4, $0x10  }
0x23f: {  	v0 =	vld [tilespmem:s31+$0x8840];
	[tilespmem:s29+$0x8860] =	vst v2;
	v4 =	vshll.u32 v5, $0x10  }
0x240: {  	v5 =	vshll.u32 v6, $0x10;
	v2 =	vld [tilespmem:s31+$0x8850];
	[tilespmem:s29+$0x8870] =	vst v4;
	s29 =	smov.u32 s31  }
0x241: {  	s30 =	sadd.s32 $0x200, s30;
	[tilespmem:s29+$0x8800] =	vst v5;
	v5 =	vshll.u32 v7, $0x10;
	v4 =	vld [tilespmem:s29+$0x8860]  }
0x242: {  	[tilespmem:s29+$0x8810] =	vst v5;
	v3 =	vshll.u32 v3, $0x10;
	v5 =	vld [tilespmem:s29+$0x8870]  }
0x243: {  	[tilespmem:s29+$0x8820] =	vst v3;
	v1 =	vshll.u32 v1, $0x10  }
0x244: {  	[tilespmem:s29+$0x8830] =	vst v1;
	v0 =	vshll.u32 v0, $0x10  }
0x245: {  	[tilespmem:s29+$0x8840] =	vst v0;
	v0 =	vshll.u32 v2, $0x10  }
0x246: {  	[tilespmem:s29+$0x8850] =	vst v0;
	v0 =	vshll.u32 v4, $0x10  }
0x247: {  	[tilespmem:s29+$0x8860] =	vst v0;
	v0 =	vshll.u32 v5, $0x10  }
0x248: {  	[tilespmem:s29+$0x8870] =	vst v0;
	s29 =	simm.s32 $0x0  }
0x249: {  	[hbm4b:s5+s29] =	stream.linear.scatter [tilespmem:s20], [sflag:$0x6], $0x4400, $0x38;
	[tilespmem:$0xCC00] =	vst v63  }
0x24a: {  	_ =	swait.ge [sflag:s26], $0x4400  }
0x24b: {  	[sflag:s26] =	ssyncset.done $0x0  }
0x24c: {  	[sflag:s26] =	ssyncadd.s32 $0xFFFFBC00  }
0x24d: {  	[tilespmem:s20], [sflag:$0x3] =	stream.linear.gather [hbm4b:s12+s29], $0x4400, $0x38;
	[tilespmem:$0xCC00] =	vst v63  }
0x24e: {  	_ =	swait.ge [sflag:s21], $0x4400  }
0x24f: {  	[sflag:s21] =	ssyncset.done $0x0  }
0x250: {  	s29 =	simm.s32 $0x0;
	[sflag:s21] =	ssyncadd.s32 $0xFFFFBC00  }
0x251: {  	v2 =	vld [tilespmem:s29+$0x0]  }
0x252: {  	v4 =	vld [tilespmem:s29+$0x10]  }
0x253: {  	v3 =	vld [tilespmem:s29+$0x20]  }
0x254: {  	v1 =	vld [tilespmem:s29+$0x30]  }
0x255: {  	v0 =	vld [tilespmem:s29+$0x40]  }
0x256: {  	v5 =	vshll.u32 v2, $0x10;
	v2 =	vld [tilespmem:s29+$0x50]  }
0x257: {  	s30 =	simm.s32 $0x200;
	[tilespmem:s29+$0x0] =	vst v5;
	v5 =	vshll.u32 v4, $0x10;
	v4 =	vld [tilespmem:s29+$0x60]  }
.LBB2_38:
0x258: {  	s31 =	sshra.s32 s30, $0x2;
	p0 =	sne.s32 s30, $0x10E00;
	[tilespmem:s29+$0x10] =	vst v5;
	v3 =	vshll.u32 v3, $0x10;
	v5 =	vld [tilespmem:s29+$0x70]  }
0x259: {  	v6 =	vld [tilespmem:s31+$0x0];
	[tilespmem:s29+$0x20] =	vst v3;
	v1 =	vshll.u32 v1, $0x10  }
0x25a: {  	v7 =	vld [tilespmem:s31+$0x10];
	[tilespmem:s29+$0x30] =	vst v1;
	v0 =	vshll.u32 v0, $0x10  }
.Ltmp18:
0x25b: {  	v3 =	vld [tilespmem:s31+$0x20];
	[tilespmem:s29+$0x40] =	vst v0;
	v0 =	vshll.u32 v2, $0x10;
	(pc) =	sbr.rel @p0 .LBB2_38-.Ltmp18, $4  }
0x25c: {  	v1 =	vld [tilespmem:s31+$0x30];
	[tilespmem:s29+$0x50] =	vst v0;
	v2 =	vshll.u32 v4, $0x10  }
0x25d: {  	v0 =	vld [tilespmem:s31+$0x40];
	[tilespmem:s29+$0x60] =	vst v2;
	v4 =	vshll.u32 v5, $0x10  }
0x25e: {  	v5 =	vshll.u32 v6, $0x10;
	v2 =	vld [tilespmem:s31+$0x50];
	[tilespmem:s29+$0x70] =	vst v4;
	s29 =	smov.u32 s31  }
0x25f: {  	s30 =	sadd.s32 $0x200, s30;
	[tilespmem:s29+$0x0] =	vst v5;
	v5 =	vshll.u32 v7, $0x10;
	v4 =	vld [tilespmem:s29+$0x60]  }
0x260: {  	[tilespmem:s29+$0x10] =	vst v5;
	v3 =	vshll.u32 v3, $0x10;
	v5 =	vld [tilespmem:s29+$0x70]  }
0x261: {  	[tilespmem:s29+$0x20] =	vst v3;
	v1 =	vshll.u32 v1, $0x10  }
0x262: {  	[tilespmem:s29+$0x30] =	vst v1;
	v0 =	vshll.u32 v0, $0x10  }
0x263: {  	[tilespmem:s29+$0x40] =	vst v0;
	v0 =	vshll.u32 v2, $0x10  }
0x264: {  	[tilespmem:s29+$0x50] =	vst v0;
	v0 =	vshll.u32 v4, $0x10  }
0x265: {  	[tilespmem:s29+$0x60] =	vst v0;
	v0 =	vshll.u32 v5, $0x10  }
0x266: {  	[tilespmem:s29+$0x70] =	vst v0;
	s29 =	simm.s32 $0x0  }
0x267: {  	[hbm4b:s7+s29] =	stream.linear.scatter [tilespmem:s29], [sflag:$0x4], $0x4400, $0x38;
	[tilespmem:$0xCC00] =	vst v63  }
0x268: {  	_ =	swait.ge [sflag:s22], $0x4400  }
0x269: {  	[sflag:s22] =	ssyncset.done $0x0  }
0x26a: {  	[sflag:s22] =	ssyncadd.s32 $0xFFFFBC00  }
0x26b: {  	[tilespmem:s29], [sflag:$0x1] =	stream.linear.gather [hbm4b:s13+s29], $0x4400, $0x38;
	[tilespmem:$0xCC00] =	vst v63  }
0x26c: {  	_ =	swait.ge [sflag:s23], $0x4400  }
0x26d: {  	[sflag:s23] =	ssyncset.done $0x0  }
0x26e: {  	s29 =	simm.s32 $0x0;
	[sflag:s23] =	ssyncadd.s32 $0xFFFFBC00  }
0x26f: {  	v2 =	vld [tilespmem:s29+$0x4400]  }
0x270: {  	v4 =	vld [tilespmem:s29+$0x4410]  }
0x271: {  	v3 =	vld [tilespmem:s29+$0x4420]  }
0x272: {  	v1 =	vld [tilespmem:s29+$0x4430]  }
0x273: {  	v0 =	vld [tilespmem:s29+$0x4440]  }
0x274: {  	v5 =	vshll.u32 v2, $0x10;
	v2 =	vld [tilespmem:s29+$0x4450]  }
0x275: {  	s30 =	simm.s32 $0x200;
	[tilespmem:s29+$0x4400] =	vst v5;
	v5 =	vshll.u32 v4, $0x10;
	v4 =	vld [tilespmem:s29+$0x4460]  }
.LBB2_40:
0x276: {  	s31 =	sshra.s32 s30, $0x2;
	p0 =	sne.s32 s30, $0x10E00;
	[tilespmem:s29+$0x4410] =	vst v5;
	v3 =	vshll.u32 v3, $0x10;
	v5 =	vld [tilespmem:s29+$0x4470]  }
0x277: {  	v6 =	vld [tilespmem:s31+$0x4400];
	[tilespmem:s29+$0x4420] =	vst v3;
	v1 =	vshll.u32 v1, $0x10  }
0x278: {  	v7 =	vld [tilespmem:s31+$0x4410];
	[tilespmem:s29+$0x4430] =	vst v1;
	v0 =	vshll.u32 v0, $0x10  }
.Ltmp19:
0x279: {  	v3 =	vld [tilespmem:s31+$0x4420];
	[tilespmem:s29+$0x4440] =	vst v0;
	v0 =	vshll.u32 v2, $0x10;
	(pc) =	sbr.rel @p0 .LBB2_40-.Ltmp19, $4  }
0x27a: {  	v1 =	vld [tilespmem:s31+$0x4430];
	[tilespmem:s29+$0x4450] =	vst v0;
	v2 =	vshll.u32 v4, $0x10  }
0x27b: {  	v0 =	vld [tilespmem:s31+$0x4440];
	[tilespmem:s29+$0x4460] =	vst v2;
	v4 =	vshll.u32 v5, $0x10  }
0x27c: {  	v5 =	vshll.u32 v6, $0x10;
	v2 =	vld [tilespmem:s31+$0x4450];
	[tilespmem:s29+$0x4470] =	vst v4;
	s29 =	smov.u32 s31  }
0x27d: {  	s30 =	sadd.s32 $0x200, s30;
	[tilespmem:s29+$0x4400] =	vst v5;
	v5 =	vshll.u32 v7, $0x10;
	v4 =	vld [tilespmem:s29+$0x4460]  }
0x27e: {  	[tilespmem:s29+$0x4410] =	vst v5;
	v3 =	vshll.u32 v3, $0x10;
	v5 =	vld [tilespmem:s29+$0x4470]  }
0x27f: {  	[tilespmem:s29+$0x4420] =	vst v3;
	v1 =	vshll.u32 v1, $0x10  }
0x280: {  	[tilespmem:s29+$0x4430] =	vst v1;
	v0 =	vshll.u32 v0, $0x10  }
0x281: {  	[tilespmem:s29+$0x4440] =	vst v0;
	v0 =	vshll.u32 v2, $0x10  }
0x282: {  	[tilespmem:s29+$0x4450] =	vst v0;
	v0 =	vshll.u32 v4, $0x10  }
0x283: {  	[tilespmem:s29+$0x4460] =	vst v0;
	v0 =	vshll.u32 v5, $0x10  }
0x284: {  	[tilespmem:s29+$0x4470] =	vst v0;
	s29 =	simm.s32 $0x0  }
0x285: {  	[hbm4b:s9+s29] =	stream.linear.scatter [tilespmem:s19], [sflag:$0x5], $0x4400, $0x38;
	[tilespmem:$0xCC00] =	vst v63  }
0x286: {  	_ =	swait.ge [sflag:s24], $0x4400  }
0x287: {  	[sflag:s24] =	ssyncset.done $0x0  }
0x288: {  	[sflag:s24] =	ssyncadd.s32 $0xFFFFBC00  }
0x289: {  	[tilespmem:s19], [sflag:$0x2] =	stream.linear.gather [hbm4b:s14+s29], $0x4400, $0x38;
	[tilespmem:$0xCC00] =	vst v63  }
0x28a: {  	_ =	swait.ge [sflag:s25], $0x4400  }
0x28b: {  	[sflag:s25] =	ssyncset.done $0x0  }
0x28c: {  	s29 =	simm.s32 $0x0;
	[sflag:s25] =	ssyncadd.s32 $0xFFFFBC00  }
0x28d: {  	v2 =	vld [tilespmem:s29+$0x8800]  }
0x28e: {  	v4 =	vld [tilespmem:s29+$0x8810]  }
0x28f: {  	v3 =	vld [tilespmem:s29+$0x8820]  }
0x290: {  	v1 =	vld [tilespmem:s29+$0x8830]  }
0x291: {  	v0 =	vld [tilespmem:s29+$0x8840]  }
0x292: {  	v5 =	vshll.u32 v2, $0x10;
	v2 =	vld [tilespmem:s29+$0x8850]  }
0x293: {  	s30 =	simm.s32 $0x200;
	[tilespmem:s29+$0x8800] =	vst v5;
	v5 =	vshll.u32 v4, $0x10;
	v4 =	vld [tilespmem:s29+$0x8860]  }
.LBB2_42:
0x294: {  	s31 =	sshra.s32 s30, $0x2;
	p0 =	sne.s32 s30, $0x10E00;
	[tilespmem:s29+$0x8810] =	vst v5;
	v3 =	vshll.u32 v3, $0x10;
	v5 =	vld [tilespmem:s29+$0x8870]  }
0x295: {  	v6 =	vld [tilespmem:s31+$0x8800];
	[tilespmem:s29+$0x8820] =	vst v3;
	v1 =	vshll.u32 v1, $0x10  }
0x296: {  	v7 =	vld [tilespmem:s31+$0x8810];
	[tilespmem:s29+$0x8830] =	vst v1;
	v0 =	vshll.u32 v0, $0x10  }
.Ltmp20:
0x297: {  	v3 =	vld [tilespmem:s31+$0x8820];
	[tilespmem:s29+$0x8840] =	vst v0;
	v0 =	vshll.u32 v2, $0x10;
	(pc) =	sbr.rel @p0 .LBB2_42-.Ltmp20, $4  }
0x298: {  	v1 =	vld [tilespmem:s31+$0x8830];
	[tilespmem:s29+$0x8850] =	vst v0;
	v2 =	vshll.u32 v4, $0x10  }
0x299: {  	v0 =	vld [tilespmem:s31+$0x8840];
	[tilespmem:s29+$0x8860] =	vst v2;
	v4 =	vshll.u32 v5, $0x10  }
0x29a: {  	v5 =	vshll.u32 v6, $0x10;
	v2 =	vld [tilespmem:s31+$0x8850];
	[tilespmem:s29+$0x8870] =	vst v4;
	s29 =	smov.u32 s31  }
0x29b: {  	s30 =	sadd.s32 $0x200, s30;
	[tilespmem:s29+$0x8800] =	vst v5;
	v5 =	vshll.u32 v7, $0x10;
	v4 =	vld [tilespmem:s29+$0x8860]  }
0x29c: {  	[tilespmem:s29+$0x8810] =	vst v5;
	v3 =	vshll.u32 v3, $0x10;
	v5 =	vld [tilespmem:s29+$0x8870]  }
0x29d: {  	[tilespmem:s29+$0x8820] =	vst v3;
	v1 =	vshll.u32 v1, $0x10  }
0x29e: {  	[tilespmem:s29+$0x8830] =	vst v1;
	v0 =	vshll.u32 v0, $0x10  }
0x29f: {  	[tilespmem:s29+$0x8840] =	vst v0;
	v0 =	vshll.u32 v2, $0x10  }
0x2a0: {  	[tilespmem:s29+$0x8850] =	vst v0;
	v0 =	vshll.u32 v4, $0x10  }
0x2a1: {  	[tilespmem:s29+$0x8860] =	vst v0;
	v0 =	vshll.u32 v5, $0x10  }
0x2a2: {  	[tilespmem:s29+$0x8870] =	vst v0;
	s29 =	simm.s32 $0x0  }
0x2a3: {  	[hbm4b:s15+s29] =	stream.linear.scatter [tilespmem:s20], [sflag:$0x6], $0x4400, $0x38;
	[tilespmem:$0xCC00] =	vst v63  }
0x2a4: {  	_ =	swait.ge [sflag:s21], $0x4400  }
0x2a5: {  	[sflag:s21] =	ssyncset.done $0x0  }
0x2a6: {  	s29 =	simm.s32 $0x0;
	[sflag:s21] =	ssyncadd.s32 $0xFFFFBC00  }
0x2a7: {  	v2 =	vld [tilespmem:s29+$0x0]  }
0x2a8: {  	v4 =	vld [tilespmem:s29+$0x10]  }
0x2a9: {  	v3 =	vld [tilespmem:s29+$0x20]  }
0x2aa: {  	v1 =	vld [tilespmem:s29+$0x30]  }
0x2ab: {  	v0 =	vld [tilespmem:s29+$0x40]  }
0x2ac: {  	v5 =	vshll.u32 v2, $0x10;
	v2 =	vld [tilespmem:s29+$0x50]  }
0x2ad: {  	s30 =	simm.s32 $0x200;
	[tilespmem:s29+$0x0] =	vst v5;
	v5 =	vshll.u32 v4, $0x10;
	v4 =	vld [tilespmem:s29+$0x60]  }
.LBB2_44:
0x2ae: {  	s31 =	sshra.s32 s30, $0x2;
	p0 =	sne.s32 s30, $0x10E00;
	[tilespmem:s29+$0x10] =	vst v5;
	v3 =	vshll.u32 v3, $0x10;
	v5 =	vld [tilespmem:s29+$0x70]  }
0x2af: {  	v6 =	vld [tilespmem:s31+$0x0];
	[tilespmem:s29+$0x20] =	vst v3;
	v1 =	vshll.u32 v1, $0x10  }
0x2b0: {  	v7 =	vld [tilespmem:s31+$0x10];
	[tilespmem:s29+$0x30] =	vst v1;
	v0 =	vshll.u32 v0, $0x10  }
.Ltmp21:
0x2b1: {  	v3 =	vld [tilespmem:s31+$0x20];
	[tilespmem:s29+$0x40] =	vst v0;
	v0 =	vshll.u32 v2, $0x10;
	(pc) =	sbr.rel @p0 .LBB2_44-.Ltmp21, $4  }
0x2b2: {  	v1 =	vld [tilespmem:s31+$0x30];
	[tilespmem:s29+$0x50] =	vst v0;
	v2 =	vshll.u32 v4, $0x10  }
0x2b3: {  	v0 =	vld [tilespmem:s31+$0x40];
	[tilespmem:s29+$0x60] =	vst v2;
	v4 =	vshll.u32 v5, $0x10  }
0x2b4: {  	v5 =	vshll.u32 v6, $0x10;
	v2 =	vld [tilespmem:s31+$0x50];
	[tilespmem:s29+$0x70] =	vst v4;
	s29 =	smov.u32 s31  }
0x2b5: {  	s30 =	sadd.s32 $0x200, s30;
	[tilespmem:s29+$0x0] =	vst v5;
	v5 =	vshll.u32 v7, $0x10;
	v4 =	vld [tilespmem:s29+$0x60]  }
0x2b6: {  	[tilespmem:s29+$0x10] =	vst v5;
	v3 =	vshll.u32 v3, $0x10;
	v5 =	vld [tilespmem:s29+$0x70]  }
0x2b7: {  	[tilespmem:s29+$0x20] =	vst v3;
	v1 =	vshll.u32 v1, $0x10  }
0x2b8: {  	[tilespmem:s29+$0x30] =	vst v1;
	v0 =	vshll.u32 v0, $0x10  }
0x2b9: {  	[tilespmem:s29+$0x40] =	vst v0;
	v0 =	vshll.u32 v2, $0x10  }
0x2ba: {  	[tilespmem:s29+$0x50] =	vst v0;
	v0 =	vshll.u32 v4, $0x10  }
0x2bb: {  	[tilespmem:s29+$0x60] =	vst v0;
	v0 =	vshll.u32 v5, $0x10  }
0x2bc: {  	[tilespmem:s29+$0x70] =	vst v0;
	s29 =	simm.s32 $0x0  }
0x2bd: {  	[hbm4b:s16+s29] =	stream.linear.scatter [tilespmem:s29], [sflag:$0x4], $0x4400, $0x38;
	[tilespmem:$0xCC00] =	vst v63  }
0x2be: {  	_ =	swait.ge [sflag:s23], $0x4400  }
0x2bf: {  	[sflag:s23] =	ssyncset.done $0x0  }
0x2c0: {  	s29 =	simm.s32 $0x0;
	[sflag:s23] =	ssyncadd.s32 $0xFFFFBC00  }
0x2c1: {  	v2 =	vld [tilespmem:s29+$0x4400]  }
0x2c2: {  	v4 =	vld [tilespmem:s29+$0x4410]  }
0x2c3: {  	v3 =	vld [tilespmem:s29+$0x4420]  }
0x2c4: {  	v1 =	vld [tilespmem:s29+$0x4430]  }
0x2c5: {  	v0 =	vld [tilespmem:s29+$0x4440]  }
0x2c6: {  	v5 =	vshll.u32 v2, $0x10;
	v2 =	vld [tilespmem:s29+$0x4450]  }
0x2c7: {  	s30 =	simm.s32 $0x200;
	[tilespmem:s29+$0x4400] =	vst v5;
	v5 =	vshll.u32 v4, $0x10;
	v4 =	vld [tilespmem:s29+$0x4460]  }
.LBB2_46:
0x2c8: {  	s31 =	sshra.s32 s30, $0x2;
	p0 =	sne.s32 s30, $0x10E00;
	[tilespmem:s29+$0x4410] =	vst v5;
	v3 =	vshll.u32 v3, $0x10;
	v5 =	vld [tilespmem:s29+$0x4470]  }
0x2c9: {  	v6 =	vld [tilespmem:s31+$0x4400];
	[tilespmem:s29+$0x4420] =	vst v3;
	v1 =	vshll.u32 v1, $0x10  }
0x2ca: {  	v7 =	vld [tilespmem:s31+$0x4410];
	[tilespmem:s29+$0x4430] =	vst v1;
	v0 =	vshll.u32 v0, $0x10  }
.Ltmp22:
0x2cb: {  	v3 =	vld [tilespmem:s31+$0x4420];
	[tilespmem:s29+$0x4440] =	vst v0;
	v0 =	vshll.u32 v2, $0x10;
	(pc) =	sbr.rel @p0 .LBB2_46-.Ltmp22, $4  }
0x2cc: {  	v1 =	vld [tilespmem:s31+$0x4430];
	[tilespmem:s29+$0x4450] =	vst v0;
	v2 =	vshll.u32 v4, $0x10  }
0x2cd: {  	v0 =	vld [tilespmem:s31+$0x4440];
	[tilespmem:s29+$0x4460] =	vst v2;
	v4 =	vshll.u32 v5, $0x10  }
0x2ce: {  	v5 =	vshll.u32 v6, $0x10;
	v2 =	vld [tilespmem:s31+$0x4450];
	[tilespmem:s29+$0x4470] =	vst v4;
	s29 =	smov.u32 s31  }
0x2cf: {  	s30 =	sadd.s32 $0x200, s30;
	[tilespmem:s29+$0x4400] =	vst v5;
	v5 =	vshll.u32 v7, $0x10;
	v4 =	vld [tilespmem:s29+$0x4460]  }
0x2d0: {  	[tilespmem:s29+$0x4410] =	vst v5;
	v3 =	vshll.u32 v3, $0x10;
	v60 =	vld [tilespmem:s29+$0x4470]  }
0x2d1: {  	[tilespmem:s29+$0x4420] =	vst v3;
	v1 =	vshll.u32 v1, $0x10  }
0x2d2: {  	[tilespmem:s29+$0x4430] =	vst v1;
	v0 =	vshll.u32 v0, $0x10  }
0x2d3: {  	[tilespmem:s29+$0x4440] =	vst v0;
	v61 =	vshll.u32 v2, $0x10  }
0x2d4: {  	[tilespmem:s29+$0x4450] =	vst v61;
	v62 =	vshll.u32 v4, $0x10  }
0x2d5: {  	[tilespmem:s29+$0x4460] =	vst v62;
	v63 =	vshll.u32 v60, $0x10  }
0x2d6: {  	[tilespmem:s29+$0x4470] =	vst v63  }
0x2d7: {  	[hbm4b:s17+s1] =	stream.linear.scatter [tilespmem:s19], [sflag:$0x5], $0x4400, $0x38;
	[tilespmem:$0xCC00] =	vst v63  }
0x2d8: {  	_ =	swait.ge [sflag:s26], $0x4400  }
0x2d9: {  	[sflag:s26] =	ssyncset.done $0x0  }
0x2da: {  	s28 =	sadd.s32 $0x1, s28;
	[sflag:s26] =	ssyncadd.s32 $0xFFFFBC00  }
0x2db: {  	p0 =	sne.s32 s28, s18;
	_ =	swait.ge [sflag:s22], $0x4400  }
.Ltmp23:
0x2dc: {  	[sflag:s22] =	ssyncset.done $0x0;
	(pc) =	sbr.rel @p0 .LBB2_1-.Ltmp23, $4  }
0x2dd: {  	[sflag:s22] =	ssyncadd.s32 $0xFFFFBC00  }
0x2de: {  	_ =	swait.ge [sflag:s24], $0x4400  }
0x2df: {  	[sflag:s24] =	ssyncset.done $0x0  }
0x2e0: {  	[sflag:s24] =	ssyncadd.s32 $0xFFFFBC00  }
0x2e1: {  	_ =	sfence.sel $0x180000  }
0x2e2: {  	[bflag:$0x0] =	sbarrier.arrive $0xFFFF  }
0x2e3: {  	_ =	strace $0x90000047  }
0x2e4: {  	s0 =	stileid.u32;
	[bflag:$0x2] =	sbarrier.arrive $0xFFFF  }
0x2e5: {  	p0 =	sne.s32 s0, $0x0;
	s0 =	rddreg [dreg:$0x1]  }
0x2e6: {  	s0 =	sadd.s32 @!p0 $0x100000, s0  }
0x2e7: {  	[sflag:s0] =	ssyncadd.tile.s32 @!p0 $0x1;
	_ =	shalt  }
.Lfunc_end2:
_tile_overlayer_lowered:
.L_overlay_start_2:
0x2e8: {  	(tag) =	ssettag $0x2  }
0x2e9: {  	s0 =	rddreg [dreg:$0x0];
	s2 =	stileid.u32  }
0x2ea: {  	s1 =	rddreg [dreg:$0x1];
	p0 =	sne.s32 s2, $0x0  }
0x2eb: {  	s3 =	rddreg [dreg:$0x2];
	[bflag:$0x3] =	sbarrier.arrive $0xFFFF;
	s2 =	simm.s32 @!p0 $0x1C07  }
0x2ec: {  	[timem:s3], [sflag:s2] =	dma.local @!p0 [hbm:s0], s1  }
0x2ed: {  	s0 =	simm.s32 @!p0 $0x7  }
0x2ee: {  	_ =	swait.ge @!p0 [sflag:s0], s1  }
0x2ef: {  	s1 =	ssub.s32 @!p0 $0x0, s1;
	[sflag:s0] =	ssyncset.done @!p0 $0x0  }
0x2f0: {  	[sflag:s0] =	ssyncadd.s32 @!p0 s1  }
0x2f1: {  	[bflag:$0x3] =	sbarrier.arrive $0xFFFF  }
0x2f2: {  	_ =	shalt  }

// kernel: kernel.7.cloned.1.call-start
scs
__scs_entry_jumppad:
0x0: {  	(pc) =	sbr.rel $0x88, $3  }
0x1: {  	(tag) =	ssettag $0x0;
	lr =	simm.s32 $0x1  }
0x2: {  	[smem:$0x3F9F] =	sst lr;
	_ =	strace $0xD0000000  }
0x3: {  	_ = 	snop  }
0x4: {  	_ = 	snop  }
0x5: {  	_ = 	snop  }
0x6: {  	_ = 	snop  }
0x7: {  	_ = 	snop  }
__scs_overlays_trampoline_lowered:
0x8: {  	[smem:$0x3FAE] =	sst s0  }
0x9: {  	[smem:$0x3FAF] =	sst s1  }
0xa: {  	[smem:$0x3FB0] =	sst s2  }
0xb: {  	[smem:$0x3FB1] =	sst s3  }
0xc: {  	[smem:$0x3FB2] =	sst s4  }
0xd: {  	[smem:$0x3FB3] =	sst s5  }
0xe: {  	[smem:$0x3FB4] =	sst s6  }
0xf: {  	[smem:$0x3FB5] =	sst s7  }
0x10: {  	[smem:$0x3FB6] =	sst s8  }
0x11: {  	[smem:$0x3FB7] =	sst s9;
	s0 =	simm.s32 @!p0 $0x0  }
0x12: {  	s1 =	sld [smem:$0x3F9D];
	s0 =	simm.s32 @p0 $0x1  }
0x13: {  	[smem:$0x3FB8] =	sst s0;
	s0 =	simm.s32 @!p1 $0x0  }
0x14: {  	s2 =	sld [smem:$0x3F9C];
	s0 =	simm.s32 @p1 $0x1  }
0x15: {  	[smem:$0x3FB9] =	sst s0;
	s0 =	simm.s32 @!p2 $0x0  }
0x16: {  	s3 =	sld [smem:$0x3FDB];
	s0 =	simm.s32 @p2 $0x1  }
0x17: {  	s4 =	simm.s32 $0x1BF5;
	[smem:$0x3FBB] =	sst s0  }
0x18: {  	s0 =	sld [smem:$0x3F9E];
	_ =	swait.ge [sflag:s4], $0x0  }
0x19: {  	s7 =	sld [smem:$0x3F9F]  }
0x1a: {  	s8 =	sadd.s32 $0xFFFFE003, lr  }
0x1b: {  	s9 =	sadd.s32 $0xFFFFFEF7, lr;
	s5 =	simm.s32 $0xFFFFFFFF;
	p2 =	slt.u32 s8, $0xFFFFF086  }
0x1c: {  	p1 =	slt.u32 s9, $0xF7A;
	s5 =	simm.s32 @!p2 $0x0  }
0x1d: {  	s5 =	simm.s32 @p1 $0x1;
	p0 =	seq.s32 s7, s2  }
0x1e: {  	s7 =	smul.u32 @!p0 $0xF7A, s2;
	p2 =	seq.s32 @!p0 s5, $0x0  }
0x1f: {  	s9 =	smul.u32 $0xF7A, s1;
	s8 =	simm.s32 @!p0 $0x1BF5;
	p2 =	por !p2, p0  }
0x20: {  	[sflag:s8] =	ssyncset.s32 @!p0 $0xFFFFF086;
	s6 =	sadd.s32 @!p0 s3, s7;
	s7 =	simm.s32 @!p0 $0x108  }
0x21: {  	s3 =	sadd.s32 s3, s9;
	s6 =	sadd.s32 @!p0 $0x88, s6;
	s7 =	simm.s32 @p2 $0x1082  }
0x22: {  	[simem:s7], [sflag:s8] =	dma.local @!p0 [hbm:s6], $0xF7A  }
0x23: {  	s9 =	sor.u32 $0xD0000000, s2;
	s6 =	simm.s32 $0x108;
	_ =	swait.ge @!p0 [sflag:s8], $0x0  }
0x24: {  	s3 =	sadd.s32 $0x88, s3;
	s6 =	simm.s32 @!p1 $0x1082;
	[sflag:s4] =	ssyncset.s32 $0xFFFFF086  }
0x25: {  	[simem:s6], [sflag:s4] =	dma.local [hbm:s3], $0xF7A  }
0x26: {  	[smem:$0x3F9F] =	sst s1;
	(tag) =	ssettag s2;
	_ =	strace s9  }
0x27: {  	s1 =	sld [smem:$0x3FAF]  }
0x28: {  	s2 =	sld [smem:$0x3FB0]  }
0x29: {  	s4 =	sld [smem:$0x3FB2]  }
0x2a: {  	p0 =	seq.s32 s5, $0x0;
	s5 =	sld [smem:$0x3FB3]  }
0x2b: {  	s6 =	sld [smem:$0x3FB4]  }
0x2c: {  	s7 =	sld [smem:$0x3FB5]  }
0x2d: {  	s3 =	simm.s32 $0x108;
	s8 =	sld [smem:$0x3FB6]  }
0x2e: {  	s3 =	simm.s32 @!p0 $0x1082;
	s9 =	sld [smem:$0x3FB7]  }
0x2f: {  	lr =	sadd.s32 s0, s3;
	s0 =	sld [smem:$0x3FAE]  }
0x30: {  	s3 =	sld [smem:$0x3FB1]  }
0x31: {  	[smem:$0x3FBA] =	sst s10  }
0x32: {  	s10 =	sld [smem:$0x3FB8];
	_ =	sdelay $0x3  }
0x33: {  	p0 =	seq.s32 s10, $0x1;
	s10 =	sld [smem:$0x3FBA];
	_ =	sdelay $0x3  }
0x34: {  	[smem:$0x3FBA] =	sst s10  }
0x35: {  	s10 =	sld [smem:$0x3FB9];
	_ =	sdelay $0x3  }
0x36: {  	p1 =	seq.s32 s10, $0x1;
	s10 =	sld [smem:$0x3FBA];
	_ =	sdelay $0x3  }
0x37: {  	[smem:$0x3FBA] =	sst s10  }
0x38: {  	s10 =	sld [smem:$0x3FBB]  }
0x39: {  	_ = 	snop;
	(pc) =	sbr.ind lr, $3  }
0x3a: {  	_ = 	snop  }
0x3b: {  	_ = 	snop  }
0x3c: {  	p2 =	seq.s32 s10, $0x1;
	s10 =	sld [smem:$0x3FBA]  }
0x3d: {  	_ =	shalt  }
0x3e: {  	_ =	shalt  }
0x3f: {  	_ =	shalt  }
0x40: {  	_ =	shalt  }
0x41: {  	_ =	shalt  }
0x42: {  	_ =	shalt  }
0x43: {  	_ =	shalt  }
0x44: {  	_ =	shalt  }
0x45: {  	_ =	shalt  }
0x46: {  	_ =	shalt  }
0x47: {  	_ =	shalt  }
0x48: {  	_ =	shalt  }
0x49: {  	_ =	shalt  }
0x4a: {  	_ =	shalt  }
0x4b: {  	_ =	shalt  }
0x4c: {  	_ =	shalt  }
0x4d: {  	_ =	shalt  }
0x4e: {  	_ =	shalt  }
0x4f: {  	_ =	shalt  }
0x50: {  	_ =	shalt  }
0x51: {  	_ =	shalt  }
0x52: {  	_ =	shalt  }
0x53: {  	_ =	shalt  }
0x54: {  	_ =	shalt  }
0x55: {  	_ =	shalt  }
0x56: {  	_ =	shalt  }
0x57: {  	_ =	shalt  }
0x58: {  	_ =	shalt  }
0x59: {  	_ =	shalt  }
0x5a: {  	_ =	shalt  }
0x5b: {  	_ =	shalt  }
0x5c: {  	_ =	shalt  }
0x5d: {  	_ =	shalt  }
0x5e: {  	_ =	shalt  }
0x5f: {  	_ =	shalt  }
0x60: {  	_ =	shalt  }
0x61: {  	_ =	shalt  }
0x62: {  	_ =	shalt  }
0x63: {  	_ =	shalt  }
0x64: {  	_ =	shalt  }
0x65: {  	_ =	shalt  }
0x66: {  	_ =	shalt  }
0x67: {  	_ =	shalt  }
0x68: {  	_ =	shalt  }
0x69: {  	_ =	shalt  }
0x6a: {  	_ =	shalt  }
0x6b: {  	_ =	shalt  }
0x6c: {  	_ =	shalt  }
0x6d: {  	_ =	shalt  }
0x6e: {  	_ =	shalt  }
0x6f: {  	_ =	shalt  }
0x70: {  	_ =	shalt  }
0x71: {  	_ =	shalt  }
0x72: {  	_ =	shalt  }
0x73: {  	_ =	shalt  }
0x74: {  	_ =	shalt  }
0x75: {  	_ =	shalt  }
0x76: {  	_ =	shalt  }
0x77: {  	_ =	shalt  }
0x78: {  	_ =	shalt  }
0x79: {  	_ =	shalt  }
0x7a: {  	_ =	shalt  }
0x7b: {  	_ =	shalt  }
0x7c: {  	_ =	shalt  }
0x7d: {  	_ =	shalt  }
0x7e: {  	_ =	shalt  }
0x7f: {  	_ =	shalt  }
0x80: {  	_ =	shalt  }
0x81: {  	_ =	shalt  }
0x82: {  	_ =	shalt  }
0x83: {  	_ =	shalt  }
0x84: {  	_ =	shalt  }
0x85: {  	_ =	shalt  }
0x86: {  	_ =	shalt  }
0x87: {  	_ =	shalt  }
.Lfunc_end0:
.L_simem_size_0:
called_computation.1_lowered:
.L_overlay_start_0:
0x88: {  	s2 =	sld [smem:$0x3FD9]  }
0x89: {  	s3 =	sld [smem:$0x3FFE];
	_ =	sdelay $0x1  }
0x8a: {  	s1 =	srdreg.scid  }
0x8b: {  	s0 =	sand.u32 $0x1, s1  }
0x8c: {  	s17 =	sshll.u32 s0, $0xA;
	s2 =	sadd.s32 s3, s2  }
0x8d: {  	s2 =	sadd.s32 s2, s17  }
0x8e: {  	[smem:$0x3FC6] =	sst s2  }
0x8f: {  	_ = 	snop  }
0x90: {  	s2 =	sld [smem:$0x3FD0];
	(tm) =	ssettm $0x1  }
0x91: {  	s18 =	sld [smem:$0x3FFB];
	_ =	sdelay $0x3  }
0x92: {  	_ =	strace s18  }
0x93: {  	s3 =	sld [smem:$0x3FFC];
	_ =	sdelay $0x3  }
0x94: {  	_ =	strace s3  }
0x95: {  	s3 =	sld [smem:$0x3FFD];
	_ =	sdelay $0x3  }
0x96: {  	_ =	strace s3  }
0x97: {  	_ =	strace $0x8FFFFFFF  }
0x98: {  	s19 =	sld [smem:$0x3FDB];
	_ =	sdelay $0x1  }
0x99: {  	s4 =	simm.s32 $_scs_section_size  }
0x9a: {  	s5 =	simm.s32 $_size__tile_overlayer_lowered;
	s6 =	simm.s32 $_tile_overlayer_lowered  }
0x9b: {  	s22 =	simm.s32 $0x1BFF;
	s21 =	sshll.u32 s6, $0x1;
	s3 =	sadd.s32 s4, s19  }
0x9c: {  	s7 =	simm.s32 $0x0;
	s20 =	sshll.u32 s5, $0x1;
	s5 =	sadd.s32 s21, s3  }
0x9d: {  	[timem:s7], [sflag:s22] =	dma.local [hbm:s5], s20  }
0x9e: {  	_ =	swait.ge [sflag:s22], s20  }
0x9f: {  	s4 =	ssub.s32 $0x0, s20;
	[sflag:s22] =	ssyncset.done $0x0  }
0xa0: {  	[sflag:s22] =	ssyncadd.s32 s4;
	_ =	sdelay $0x1  }
0xa1: {  	s23 =	simm.s32 $0x1B8B  }
0xa2: {  	_ =	swait.ge [sflag:s23], $0x1  }
0xa3: {  	[sflag:s23] =	ssyncset.done $0x0  }
0xa4: {  	s25 =	simm.s32 $0x1B8E;
	s24 =	sld [smem:$0x3FFE];
	[sflag:s23] =	ssyncadd.s32 $0xFFFFFFFF  }
0xa5: {  	s26 =	simm.s32 $execute0_lowered;
	[smem:$0x3FD2] =	sst s25  }
0xa6: {  	s5 =	sshll.u32 s26, $0x1;
	_ =	strace $0x80000049;
	[dreg:$0x1] =	wrdreg $0xFFFFFFFF  }
0xa7: {  	s28 =	simm.s32 $_size_execute0_lowered;
	s3 =	sadd.s32 s3, s5;
	[dreg:$0x0] =	wrdreg $0x0  }
0xa8: {  	s5 =	sshll.u32 s28, $0x1;
	[dreg:$0x2] =	wrdreg s3  }
0xa9: {  	[dreg:$0x3] =	wrdreg s5  }
0xaa: {  	[dreg:$0x4] =	wrdreg $0xC0  }
0xab: {  	_ =	task [dreg:s7], $0x5FFFF  }
0xac: {  	[dreg:$0x1] =	wrdreg $0xFFFFFFFF  }
0xad: {  	[dreg:$0x0] =	wrdreg $0x60  }
0xae: {  	[dreg:$0x2] =	wrdreg s24  }
0xaf: {  	[dreg:$0x3] =	wrdreg s2  }
0xb0: {  	[dreg:$0x4] =	wrdreg $0x9  }
0xb1: {  	_ =	task.clear_ibuf [dreg:s7], $0x5FFFF;
	_ =	strace $0x90000049  }
0xb2: {  	s29 =	simm.s32 $0x9;
	_ =	strace $0x8000004B  }
0xb3: {  	_ =	swait.ge [sflag:s29], $0x1  }
0xb4: {  	[sflag:s29] =	ssyncadd.s32 $0xFFFFFFFF  }
0xb5: {  	_ =	strace $0x9000004B  }
0xb6: {  	_ =	sfence  }
0xb7: {  	s30 =	sld [smem:$0x0];
	_ =	sdelay $0x2  }
0xb8: {  	s31 =	sshll.u32 s1, $0xD;
	s1 =	sshrl.u32 s1, $0x2  }
0xb9: {  	s3 =	sand.u32 $0x4000, s31;
	s1 =	sadd.s32 s1, s30  }
0xba: {  	s0 =	sor.u32 s3, s0;
	s1 =	sshll.u32 s1, $0x11  }
0xbb: {  	s0 =	sor.u32 s1, s0  }
0xbc: {  	s0 =	sadd.s32 $0x8F2B, s0  }
0xbd: {  	[sflag:s0] =	ssyncadd.remote.s32 $0x1  }
0xbe: {  	_ =	sfence.sel $0xFFFF  }
0xbf: {  	[dreg:$0x0] =	wrdreg $0xFFFFFFFF;
	(pc) =	sbr.abs _section_cstart, $3  }
0xc0: {  	[dreg:$0x1] =	wrdreg $0xFFFFFFFF  }
0xc1: {  	_ =	task.clear_ibuf [dreg:s7], $0x2FFFF;
	_ =	strace $0x9FFFFFFF  }
0xc2: {  	(tm) =	ssettm $0x7FFFFFFF  }
0xc3: {  	_ =	shalt  }
tec
execute0_lowered:
.L_overlay_start_1:
0x0: {  	(tag) =	ssettag $0x1  }
0x1: {  	s0 =	rddreg [dreg:$0x0]  }
0x2: {  	s1 =	srdreg.scid;
	s11 =	stileid.u32  }
0x3: {  	s2 =	rddreg [dreg:$0x1];
	s3 =	simm.s32 $0x0;
	s14 =	simm.s32 $0x80  }
0x4: {  	s15 =	simm.s32 $0x6800;
	s16 =	simm.s32 $0xA800;
	s17 =	simm.s32 $0x1  }
0x5: {  	s18 =	simm.s32 $0x2;
	s19 =	simm.s32 $0xE800;
	s28 =	simm.s32 $0xB  }
0x6: {  	s1 =	sand.u32 $0x1, s1;
	s4 =	sshll.u32 s11, $0x1;
	s11 =	smul.u32 $0x64000, s11  }
0x7: {  	s6 =	sor.u32 s1, s4;
	s8 =	ssub.s32 $0x2, s1;
	s1 =	smul.u32 $0x32000, s1  }
0x8: {  	s29 =	simm.s32 $0x5;
	s30 =	simm.s32 $0x9;
	s7 =	smul.u32 $0x680, s6  }
0x9: {  	s31 =	simm.s32 $0xC;
	[smem:$0x7FF] =	sst s3;
	s4 =	smul.u32 $0x3200, s6  }
0xa: {  	s5 =	sadd.s32 $0xA00, s0;
	_ =	strace $0x8000004A;
	s9 =	smul.u32 $0x190000, s6  }
0xb: {  	s6 =	sadd.s32 $0x187400, s0;
	s10 =	sshrl.u32 s8, $0x1;
	s23 =	sadd.s32 s11, s2  }
0xc: {  	s20 =	ssub.s32 s8, s10;
	s1 =	sadd.s32 s1, s23;
	s23 =	simm.s32 $0x7  }
0xd: {  	s8 =	simm.s32 $0x0;
	s0 =	sadd.s32 s7, s0;
	s22 =	sshrl.u32 s9, $0x3  }
0xe: {  	s25 =	smax.u32 s20, $0x1;
	s26 =	sadd.s32 $0xFFFFF800, s1;
	s20 =	simm.s32 $0x6  }
.Ltmp0:
0xf: {  	s21 =	sadd.s32 $0x30DE00, s0;
	[dreg:$0x6] =	wrdreg s25;
	(pc) =	sbr.rel .LBB2_1-.Ltmp0, $4  }
0x10: {  	s0 =	sadd.s32 $0x31AE00, s0;
	s24 =	sadd.s32 s2, s22;
	[dreg:$0x7] =	wrdreg s26  }
0x11: {  	s22 =	simm.s32 $0x3;
	s25 =	simm.s32 $0x4;
	[dreg:$0x3] =	wrdreg s21  }
0x12: {  	s26 =	simm.s32 $0x8;
	[dreg:$0x4] =	wrdreg s0;
	s0 =	sadd.s32 $0x31800, s24  }
0x13: {  	s21 =	simm.s32 $0x12800;
	s24 =	simm.s32 $0x16800;
	[dreg:$0x5] =	wrdreg s0  }
.LBB2_4:
0x14: {  	s0 =	simm.s32 $0xA  }
0x15: {  	_ =	swait.ge [sflag:s0], $0x4000  }
0x16: {  	[sflag:s0] =	ssyncset.done $0x0  }
0x17: {  	s11 =	simm.s32 $0xD;
	s10 =	rddreg [dreg:$0x5];
	[sflag:s0] =	ssyncadd.s32 $0xFFFFC000  }
0x18: {  	[hbm4b:s10+s3] =	stream.linear.scatter [tilespmem:s24], [sflag:$0xF], $0x4000, $0x38;
	[tilespmem:$0x1A800] =	vst v63  }
0x19: {  	_ =	swait.ge [sflag:s11], $0x4000  }
0x1a: {  	[sflag:s11] =	ssyncset.done $0x0  }
0x1b: {  	s12 =	simm.s32 $0xE;
	[sflag:s11] =	ssyncadd.s32 $0xFFFFC000  }
0x1c: {  	_ =	swait.ge [sflag:s12], $0x4000  }
0x1d: {  	[sflag:s12] =	ssyncset.done $0x0  }
0x1e: {  	s1 =	simm.s32 $0xF;
	[sflag:s12] =	ssyncadd.s32 $0xFFFFC000  }
0x1f: {  	_ =	swait.ge [sflag:s1], $0x4000  }
0x20: {  	s8 =	sadd.s32 $0x1, s8;
	s13 =	rddreg [dreg:$0x6]  }
0x21: {  	p0 =	sne.s32 s8, s13  }
.Ltmp1:
0x22: {  	_ = 	snop;
	(pc) =	sbr.rel @!p0 .LBB2_5-.Ltmp1, $3  }
0x23: {  	_ =	sdelay $0x1  }
0x24: {  	[sflag:s1] =	ssyncset.done $0x0  }
0x25: {  	[sflag:s1] =	ssyncadd.s32 $0xFFFFC000  }
.LBB2_1:
0x26: {  	s0 =	rddreg [dreg:$0x3];
	s1 =	simm.s32 $0x10  }
0x27: {  	[tilespmem:s3], [sflag:$0x10] =	stream.linear.gather [hbm4b:s0+s3], $0x3400, $0x38;
	[tilespmem:$0x1A800] =	vst v63  }
0x28: {  	_ =	swait.ge [sflag:s1], $0x3400  }
0x29: {  	[sflag:s1] =	ssyncset.done $0x0  }
0x2a: {  	s7 =	simm.s32 $0x3400;
	s13 =	rddreg [dreg:$0x4];
	[sflag:s1] =	ssyncadd.s32 $0xFFFFCC00  }
0x2b: {  	[tilespmem:s7], [sflag:$0x10] =	stream.linear.gather [hbm4b:s13+s3], $0x3400, $0x38;
	[tilespmem:$0x1A800] =	vst v63  }
0x2c: {  	_ =	swait.ge [sflag:s1], $0x3400  }
0x2d: {  	[sflag:s1] =	ssyncset.done $0x0  }
0x2e: {  	s9 =	simm.s32 $0x2;
	[sflag:s1] =	ssyncadd.s32 $0xFFFFCC00  }
0x2f: {  	[tilespmem:s15], [sflag:$0x1] =	stream.indirect.gather [hbm4b:s5+s14], $0x80, s3, s14, $0xb8;
	[tilespmem:$0x1A800] =	vst v63  }
0x30: {  	s10 =	simm.s32 $0x0;
	s11 =	rddreg [dreg:$0x7];
	s1 =	simm.s32 $0x0  }
0x31: {  	[tilespmem:s16], [sflag:$0x2] =	stream.indirect.gather [hbm4b:s5+s14], $0x80, s14, s14, $0xb8;
	[tilespmem:$0x1A800] =	vst v63  }
.LBB2_2:
0x32: {  	_ =	swait.ge [sflag:s17], $0x4000  }
0x33: {  	s0 =	sshra.s32 s10, $0x2;
	[sflag:s17] =	ssyncset.done $0x0  }
0x34: {  	p0 =	seq.s32 s10, $0x0;
	s13 =	sadd.s32 $0x3400, s0;
	[sflag:s17] =	ssyncadd.s32 $0xFFFFC000  }
0x35: {  	[tilespmem:s15], [sflag:$0x6] =	stream.indirect.gather.add.s32 [hbm:s6], $0x80, s13, s14, $0xb8;
	[tilespmem:$0x1A800] =	vst v63  }
0x36: {  	s13 =	simm.s32 @!p0 $0xA  }
0x37: {  	_ =	swait.ge @!p0 [sflag:s13], $0x4000  }
0x38: {  	[sflag:s13] =	ssyncset.done @!p0 $0x0  }
0x39: {  	s7 =	simm.s32 @!p0 $0x16800;
	[sflag:s13] =	ssyncadd.s32 @!p0 $0xFFFFC000;
	s13 =	simm.s32 @!p0 $0x0  }
0x3a: {  	[hbm4b:s11+s13] =	stream.linear.scatter @!p0 [tilespmem:s7], [sflag:$0xF], $0x4000, $0x38;
	[tilespmem:$0x1A800] =	vst v63  }
0x3b: {  	s7 =	simm.s32 @!p0 $0xD;
	s13 =	smov.u32 s9  }
0x3c: {  	_ =	swait.ge @!p0 [sflag:s7], $0x4000;
	s13 =	simm.s32 @p0 $0x2  }
0x3d: {  	[sflag:s7] =	ssyncset.done @!p0 $0x0;
	s13 =	sshll.u32 s13, $0x7  }
0x3e: {  	[sflag:s7] =	ssyncadd.s32 @!p0 $0xFFFFC000;
	s12 =	sand.u32 $0x3FFFFF80, s13  }
0x3f: {  	[tilespmem:s19], [sflag:$0x3] =	stream.indirect.gather [hbm4b:s5+s14], $0x80, s12, s14, $0xb8;
	[tilespmem:$0x1A800] =	vst v63  }
0x40: {  	s7 =	smov.u32 s1;
	_ =	swait.ge [sflag:s18], $0x4000  }
0x41: {  	s7 =	simm.s32 @p0 $0x0;
	[sflag:s18] =	ssyncset.done $0x0  }
0x42: {  	s12 =	sadd.s32 $0x3480, s7;
	[sflag:s18] =	ssyncadd.s32 $0xFFFFC000  }
0x43: {  	[tilespmem:s16], [sflag:$0x7] =	stream.indirect.gather.add.s32 [hbm:s6], $0x80, s12, s14, $0xb8;
	[tilespmem:$0x1A800] =	vst v63  }
0x44: {  	s12 =	sadd.s32 s4, s7;
	_ =	swait.ge [sflag:s20], $0x4000  }
0x45: {  	s12 =	sshll.u32 s12, $0x4;
	[sflag:s20] =	ssyncset.done $0x0  }
0x46: {  	s12 =	sadd.s32 s2, s12;
	[sflag:s20] =	ssyncadd.s32 $0xFFFFC000  }
0x47: {  	[hbm4b:s12+s3] =	stream.linear.scatter [tilespmem:s15], [sflag:$0xB], $0x4000, $0x38;
	[tilespmem:$0x1A800] =	vst v63  }
0x48: {  	s12 =	simm.s32 @!p0 $0xE  }
0x49: {  	_ =	swait.ge @!p0 [sflag:s12], $0x4000  }
0x4a: {  	[sflag:s12] =	ssyncset.done @!p0 $0x0  }
0x4b: {  	[sflag:s12] =	ssyncadd.s32 @!p0 $0xFFFFC000;
	s12 =	sadd.s32 $0x180, s0  }
0x4c: {  	[tilespmem:s21], [sflag:$0x4] =	stream.indirect.gather [hbm4b:s5+s14], $0x80, s12, s14, $0xb8;
	[tilespmem:$0x1A800] =	vst v63  }
0x4d: {  	_ =	swait.ge [sflag:s22], $0x4000  }
0x4e: {  	[sflag:s22] =	ssyncset.done $0x0  }
0x4f: {  	s7 =	sadd.s32 $0x80, s7;
	s12 =	sadd.s32 $0x3400, s13;
	[sflag:s22] =	ssyncadd.s32 $0xFFFFC000  }
0x50: {  	[tilespmem:s19], [sflag:$0x8] =	stream.indirect.gather.add.s32 [hbm:s6], $0x80, s12, s14, $0xb8;
	[tilespmem:$0x1A800] =	vst v63  }
0x51: {  	s7 =	sadd.s32 s4, s7;
	_ =	swait.ge [sflag:s23], $0x4000  }
0x52: {  	s7 =	sshll.u32 s7, $0x4;
	[sflag:s23] =	ssyncset.done $0x0  }
0x53: {  	s7 =	sadd.s32 s2, s7;
	[sflag:s23] =	ssyncadd.s32 $0xFFFFC000  }
0x54: {  	[hbm4b:s7+s3] =	stream.linear.scatter [tilespmem:s16], [sflag:$0xC], $0x4000, $0x38;
	[tilespmem:$0x1A800] =	vst v63  }
0x55: {  	s7 =	simm.s32 @!p0 $0xF  }
0x56: {  	_ =	swait.ge @!p0 [sflag:s7], $0x4000  }
0x57: {  	[sflag:s7] =	ssyncset.done @!p0 $0x0  }
0x58: {  	s12 =	sadd.s32 $0x200, s0;
	[sflag:s7] =	ssyncadd.s32 @!p0 $0xFFFFC000  }
0x59: {  	[tilespmem:s24], [sflag:$0x5] =	stream.indirect.gather [hbm4b:s5+s14], $0x80, s12, s14, $0xb8;
	[tilespmem:$0x1A800] =	vst v63  }
0x5a: {  	_ =	swait.ge [sflag:s25], $0x4000  }
0x5b: {  	[sflag:s25] =	ssyncset.done $0x0  }
0x5c: {  	s12 =	sadd.s32 $0x3580, s0;
	[sflag:s25] =	ssyncadd.s32 $0xFFFFC000  }
0x5d: {  	[tilespmem:s21], [sflag:$0x9] =	stream.indirect.gather.add.s32 [hbm:s6], $0x80, s12, s14, $0xb8;
	[tilespmem:$0x1A800] =	vst v63  }
0x5e: {  	s13 =	sadd.s32 s4, s13;
	_ =	swait.ge [sflag:s26], $0x4000  }
0x5f: {  	s7 =	sshll.u32 s13, $0x4;
	[sflag:s26] =	ssyncset.done $0x0  }
0x60: {  	s7 =	sadd.s32 s2, s7;
	[sflag:s26] =	ssyncadd.s32 $0xFFFFC000  }
0x61: {  	[hbm4b:s7+s3] =	stream.linear.scatter [tilespmem:s19], [sflag:$0xD], $0x4000, $0x38;
	[tilespmem:$0x1A800] =	vst v63  }
0x62: {  	p0 =	seq.s32 s10, $0xBE00;
	_ =	swait.ge [sflag:s28], $0x4000  }
0x63: {  	s13 =	simm.s32 @!p0 $0x6800;
	s7 =	sshra.s32 @!p0 s10, $0x2;
	[sflag:s28] =	ssyncset.done $0x0  }
0x64: {  	s12 =	simm.s32 @!p0 $0x80;
	s7 =	sadd.s32 @!p0 $0x280, s7;
	[sflag:s28] =	ssyncadd.s32 $0xFFFFC000  }
0x65: {  	[tilespmem:s13], [sflag:$0x1] =	stream.indirect.gather @!p0 [hbm4b:s5+s12], $0x80, s7, s12, $0xb8;
	[tilespmem:$0x1A800] =	vst v63  }
0x66: {  	_ =	swait.ge [sflag:s29], $0x4000  }
0x67: {  	[sflag:s29] =	ssyncset.done $0x0  }
0x68: {  	s12 =	sadd.s32 $0x3600, s0;
	[sflag:s29] =	ssyncadd.s32 $0xFFFFC000  }
0x69: {  	[tilespmem:s24], [sflag:$0xA] =	stream.indirect.gather.add.s32 [hbm:s6], $0x80, s12, s14, $0xb8;
	[tilespmem:$0x1A800] =	vst v63  }
0x6a: {  	_ =	swait.ge [sflag:s30], $0x4000  }
0x6b: {  	[sflag:s30] =	ssyncset.done $0x0  }
.Ltmp2:
0x6c: {  	s13 =	sadd.s32 $0x2000, s11;
	[sflag:s30] =	ssyncadd.s32 $0xFFFFC000;
	(pc) =	sbr.rel @p0 .LBB2_4-.Ltmp2, $4  }
0x6d: {  	[hbm4b:s13+s3] =	stream.linear.scatter [tilespmem:s21], [sflag:$0xE], $0x4000, $0x38;
	[tilespmem:$0x1A800] =	vst v63  }
0x6e: {  	_ =	swait.ge [sflag:s31], $0x4000  }
0x6f: {  	[sflag:s31] =	ssyncset.done $0x0  }
0x70: {  	[sflag:s31] =	ssyncadd.s32 $0xFFFFC000  }
.Ltmp3:
0x71: {  	(pc) =	sbr.rel .LBB2_2-.Ltmp3, $4  }
0x72: {  	_ = 	snop  }
0x73: {  	s0 =	sadd.s32 $0x300, s0;
	s1 =	sadd.s32 $0x280, s1  }
0x74: {  	s11 =	sadd.s32 $0x2800, s11;
	s10 =	sadd.s32 $0xA00, s10;
	s9 =	sadd.s32 $0x5, s9  }
0x75: {  	[tilespmem:s16], [sflag:$0x2] =	stream.indirect.gather [hbm4b:s5+s14], $0x80, s0, s14, $0xb8;
	[tilespmem:$0x1A800] =	vst v63  }
.LBB2_5:
0x76: {  	_ =	sfence.sel $0x180000  }
0x77: {  	[bflag:$0x0] =	sbarrier.arrive $0xFFFF  }
0x78: {  	_ =	strace $0x9000004A  }
0x79: {  	s0 =	stileid.u32;
	[bflag:$0x2] =	sbarrier.arrive $0xFFFF  }
0x7a: {  	p0 =	sne.s32 s0, $0x0;
	s0 =	rddreg [dreg:$0x2]  }
0x7b: {  	s0 =	sadd.s32 @!p0 $0x100000, s0  }
0x7c: {  	[sflag:s0] =	ssyncadd.tile.s32 @!p0 $0x1;
	_ =	shalt  }
.Lfunc_end2:
_tile_overlayer_lowered:
.L_overlay_start_2:
0x7d: {  	(tag) =	ssettag $0x2  }
0x7e: {  	s0 =	rddreg [dreg:$0x0];
	s2 =	stileid.u32  }
0x7f: {  	s1 =	rddreg [dreg:$0x1];
	p0 =	sne.s32 s2, $0x0  }
0x80: {  	s3 =	rddreg [dreg:$0x2];
	[bflag:$0x3] =	sbarrier.arrive $0xFFFF;
	s2 =	simm.s32 @!p0 $0x1C10  }
0x81: {  	[timem:s3], [sflag:s2] =	dma.local @!p0 [hbm:s0], s1  }
0x82: {  	s0 =	simm.s32 @!p0 $0x10  }
0x83: {  	_ =	swait.ge @!p0 [sflag:s0], s1  }
0x84: {  	s1 =	ssub.s32 @!p0 $0x0, s1;
	[sflag:s0] =	ssyncset.done @!p0 $0x0  }
0x85: {  	[sflag:s0] =	ssyncadd.s32 @!p0 s1  }
0x86: {  	[bflag:$0x3] =	sbarrier.arrive $0xFFFF  }
0x87: {  	_ =	shalt  }

</sc_bundles>
